<compile_context>
chip_gen: v7x
topology: tpu7x:2x2x1
jax: 0.10.2.dev20260603
libtpu: 0.0.44.dev20260713+nightly
codegen_flags: <defaults>
</compile_context>

<pallas_src>
import functools

import jax
import jax.numpy as jnp
import numpy as np
from jax import lax
from jax.experimental import pallas as pl
from jax.experimental.pallas import tpu as pltpu
from jax.experimental.pallas import tpu_sc as plsc

_NUM_FIELDS = 26
_EMBED_DIM = 16
_BATCH = 4096
_FIELD_DIM = 100000
_OFFSETS = (np.arange(_NUM_FIELDS, dtype=np.int32) * _FIELD_DIM)

_N_LOOKUPS = _BATCH * _NUM_FIELDS
_IDX_MINOR = 128
_IDX_MAJOR = _N_LOOKUPS // _IDX_MINOR

_NW = 32
_CHUNKS_PER_W = _IDX_MAJOR // _NW
_ROWS_PER_W = _N_LOOKUPS // _NW

_PAIR_INDEX = {}
_p = 0
for _i in range(_NUM_FIELDS - 1):
    for _j in range(_i + 1, _NUM_FIELDS):
        _PAIR_INDEX[(_i, _j)] = _p
        _p += 1
_N_PAIRS = _p
_IN_DIM = _NUM_FIELDS * _EMBED_DIM + _N_PAIRS
_HID = 400

_S_ROWS = 25 * 32
_w0b_src = np.zeros((_S_ROWS,), dtype=np.int32)
_w0b_valid = np.zeros((_S_ROWS, 1), dtype=np.float32)
for _j in range(1, _NUM_FIELDS):
    for _i in range(32):
        _r = (_j - 1) * 32 + _i
        if _i < _j:
            _w0b_src[_r] = _NUM_FIELDS * _EMBED_DIM + _PAIR_INDEX[(_i, _j)]
            _w0b_valid[_r, 0] = 1.0



_GRP = 4
_LK_PER_IT = _GRP * 16
_N_IT = _ROWS_PER_W // _LK_PER_IT


def _sc_gather_body(table_hbm, idx_hbm, out_hbm, ivm, rows_v, sem):
    wid = lax.axis_index("s") * 2 + lax.axis_index("c")
    pltpu.sync_copy(idx_hbm.at[wid], ivm)

    def step(i, carry):
        r0 = i >> 1
        c0 = (i & 1) * _LK_PER_IT

        def fire(q):
            vec = ivm[pl.ds(r0, 1), pl.ds(c0 + q * 16, 16)][0]
            va = vec >> 3
            vc = vec & 7
            rbase = (i * _LK_PER_IT + q * 16) // 8
            cps = []
            for l in range(16):
                cps.append(pltpu.async_copy(
                    table_hbm.at[va[l], vc[l]],
                    rows_v.at[rbase + l // 8,
                              pl.ds((l % 8) * _EMBED_DIM, _EMBED_DIM)],
                    sem))
            return cps

        pend = {0: fire(0), 1: fire(1)}
        for q in range(_GRP):
            if q + 2 < _GRP:
                pend[q + 2] = fire(q + 2)
            for cp in pend.pop(q):
                cp.wait()
        return carry

    lax.fori_loop(0, _N_IT, step, 0)
    pltpu.sync_copy(rows_v, out_hbm.at[wid])


@functools.cache
def _get_sc_gather():
    return functools.partial(
        pl.kernel,
        out_type=jax.ShapeDtypeStruct(
            (_NW, _ROWS_PER_W // 8, 8 * _EMBED_DIM), jnp.float32),
        mesh=plsc.VectorSubcoreMesh(core_axis_name="c", subcore_axis_name="s"),
        scratch_types=[
            pltpu.VMEM((_CHUNKS_PER_W, _IDX_MINOR), jnp.int32),
            pltpu.VMEM((_ROWS_PER_W // 8, 8 * _EMBED_DIM), jnp.float32),
            pltpu.SemaphoreType.DMA,
        ],
    )(_sc_gather_body)



_BT = 256


def _tc_body(emb_ref, w0a_ref, w0b_ref, s0_ref, c0_ref, w1_ref, s1_ref,
             c1_ref, w2_ref, s2_ref, c2_ref, wo_ref, bo_ref, out_ref):
    a = emb_ref[...]
    et = jnp.swapaxes(a, 0, 1)

    ki = lax.broadcasted_iota(jnp.int32, (32, _NUM_FIELDS * _EMBED_DIM), 1)
    ri = lax.broadcasted_iota(jnp.int32, (32, _NUM_FIELDS * _EMBED_DIM), 0)
    r_mat = (ki // _EMBED_DIM == ri).astype(jnp.float32)

    blocks = []
    for j in range(1, _NUM_FIELDS):
        t = et[j * _EMBED_DIM:(j + 1) * _EMBED_DIM, :]
        tiled = jnp.concatenate([t] * _NUM_FIELDS, axis=0)
        prod = et * tiled
        blocks.append(jnp.dot(r_mat, prod,
                              preferred_element_type=jnp.float32))
    s_t = jnp.concatenate(blocks, axis=0)

    dn = (((0,), (0,)), ((), ()))
    z = (lax.dot_general(et, w0a_ref[...], dn,
                         preferred_element_type=jnp.float32)
         + lax.dot_general(s_t, w0b_ref[...], dn,
                           preferred_element_type=jnp.float32))
    z = jnp.maximum(z * s0_ref[...] + c0_ref[...], 0.0)
    z = jnp.dot(z, w1_ref[...], preferred_element_type=jnp.float32)
    z = jnp.maximum(z * s1_ref[...] + c1_ref[...], 0.0)
    z = jnp.dot(z, w2_ref[...], preferred_element_type=jnp.float32)
    z = jnp.maximum(z * s2_ref[...] + c2_ref[...], 0.0)
    out_ref[...] = (jnp.dot(z, wo_ref[...],
                            preferred_element_type=jnp.float32)
                    + bo_ref[...])


def _tc_mlp(emb, w0a, w0b, s0, c0, w1, s1, c1, w2, s2, c2, wo, bo):
    full = lambda shp: pl.BlockSpec(shp, lambda i: (0, 0))
    grid = _BATCH // _BT
    return pl.pallas_call(
        _tc_body,
        grid=(grid,),
        in_specs=[
            pl.BlockSpec((_BT, _NUM_FIELDS * _EMBED_DIM), lambda i: (i, 0)),
            full(w0a.shape), full(w0b.shape), full(s0.shape), full(c0.shape),
            full(w1.shape), full(s1.shape), full(c1.shape),
            full(w2.shape), full(s2.shape), full(c2.shape),
            full(wo.shape), full(bo.shape),
        ],
        out_specs=pl.BlockSpec((_BT, 1), lambda i: (i, 0)),
        out_shape=jax.ShapeDtypeStruct((_BATCH, 1), jnp.float32),
        compiler_params=pltpu.CompilerParams(
            dimension_semantics=("arbitrary",)),
    )(emb, w0a, w0b, s0, c0, w1, s1, c1, w2, s2, c2, wo, bo)


def kernel(x, params):
    idx = (x + jnp.asarray(_OFFSETS)[None, :]).reshape(
        _NW, _CHUNKS_PER_W, _IDX_MINOR)
    table3 = params['table'].reshape(-1, 8, _EMBED_DIM)
    rows = _get_sc_gather()(table3, idx)
    emb = rows.reshape(_BATCH, _NUM_FIELDS * _EMBED_DIM)

    inv = 1.0 / np.sqrt(1.0 + 1e-5).astype(np.float32)
    w0 = params['W0']
    w0a = w0[:_NUM_FIELDS * _EMBED_DIM]
    w0b = jnp.take(w0, jnp.asarray(_w0b_src), axis=0) * jnp.asarray(_w0b_valid)
    scs = []
    for i in range(3):
        s = (params[f'g{i}'] * inv)[None, :]
        c = (params[f'b{i}'] * s[0] + params[f'beta{i}'])[None, :]
        scs += [s, c]
    return _tc_mlp(emb, w0a, w0b, scs[0], scs[1], params['W1'], scs[2],
                   scs[3], params['W2'], scs[4], scs[5], params['Wo'],
                   params['bo'].reshape(1, 1))

# --- scband reference (transcript-rebuilt; emitter-appended) ---
"""Pipeline reference for scband-ipnn-29145648070663 (READ-ONLY COPY).

The authoritative reference and input builder live on the scoring server;
editing this copy changes nothing except your own understanding.
"""

import jax, jax.numpy as jnp
import numpy as np

FIELD_DIMS = [100000] * 26
EMBED_DIM = 16
NUM_FIELDS = 26
BATCH = 4096

_row, _col = [], []
for _i in range(NUM_FIELDS - 1):
    for _j in range(_i + 1, NUM_FIELDS):
        _row.append(_i)
        _col.append(_j)
ROW = np.array(_row, dtype=np.int32)
COL = np.array(_col, dtype=np.int32)
OFFSETS = np.concatenate([[0], np.cumsum(FIELD_DIMS)[:-1]]).astype(np.int32)
IN_DIM = NUM_FIELDS * EMBED_DIM + len(ROW)  # 416 + 325 = 741
MLP_DIMS = [IN_DIM, 400, 400, 400]


def setup_inputs(seed: int = 0) -> dict:
    key = jax.random.key(seed)
    ks = jax.random.split(key, 12)
    x = jax.random.randint(ks[0], (BATCH, NUM_FIELDS), 0, FIELD_DIMS[0], dtype=jnp.int32)
    params = {}
    params['table'] = jax.random.normal(ks[1], (sum(FIELD_DIMS), EMBED_DIM), dtype=jnp.float32) * 0.01
    for i in range(3):
        params[f'W{i}'] = jax.random.normal(ks[2 + i], (MLP_DIMS[i], MLP_DIMS[i + 1]), dtype=jnp.float32) * 0.05
        params[f'b{i}'] = jnp.zeros((MLP_DIMS[i + 1],), dtype=jnp.float32)
        params[f'g{i}'] = jnp.ones((MLP_DIMS[i + 1],), dtype=jnp.float32)
        params[f'beta{i}'] = jnp.zeros((MLP_DIMS[i + 1],), dtype=jnp.float32)
    params['Wo'] = jax.random.normal(ks[5], (MLP_DIMS[-1], 1), dtype=jnp.float32) * 0.05
    params['bo'] = jnp.zeros((1,), dtype=jnp.float32)
    return {'x': x, 'params': params}


def reference(x, params):
    # FeaturesEmbedding: add per-field offsets, gather from shared table
    idx = x + OFFSETS[None, :]
    emb = jnp.take(params['table'], idx, axis=0)  # (B, F, D)
    # InnerProductNetwork: pairwise field inner products
    inner = jnp.sum(emb[:, ROW, :] * emb[:, COL, :], axis=2)  # (B, 325)
    h = jnp.concatenate([emb.reshape(emb.shape[0], -1), inner], axis=1)  # (B, 741)
    # MultiLayerPerceptron (eval mode: BatchNorm1d with running_mean=0, running_var=1; dropout identity)
    for i in range(3):
        h = h @ params[f'W{i}'] + params[f'b{i}']
        h = (h / jnp.sqrt(1.0 + 1e-5)) * params[f'g{i}'] + params[f'beta{i}']
        h = jax.nn.relu(h)
    return h @ params['Wo'] + params['bo']

if __name__ == "__main__":
    import jax
    _d = setup_inputs()
    print(jax.jit(kernel)(*tuple(_d.values())))

</pallas_src>

<mosaic_0001>
#map = affine_map<(d0, d1) -> (0, 0, 0)>
module attributes {stable_mosaic.version = 14 : i64} {
  func.func @_sc_gather_body(%arg0: i32, %arg1: i32, %arg2: memref<325000x8x16xf32, #tpu.memory_space<hbm>>, %arg3: memref<32x26x128xi32, #tpu.memory_space<hbm>>, %arg4: memref<32x416x128xf32, #tpu.memory_space<hbm>>, %arg5: memref<26x128xi32, #tpu.memory_space<vmem>>, %arg6: memref<416x128xf32, #tpu.memory_space<vmem>>, %arg7: memref<!tpu.dma_semaphore, #tpu.memory_space<semaphore_mem>>) attributes {dimension_semantics = [#tpu.dimension_semantics<core_parallel>, #tpu.dimension_semantics<subcore_parallel>], iteration_bounds = array<i64: 2, 16>, scalar_prefetch = 0 : i64, scratch_operands = 3 : i64, tpu.core_type = #tpu.core_type<sc_vector_subcore>, window_params = [{transform_indices = #map}, {transform_indices = #map}, {transform_indices = #map}]} {
    %mul3A = arith.constant 2 : i32
    %mul3A_0 = arith.muli %arg1, %mul3A : i32
    %add3A = arith.addi %mul3A_0, %arg0 : i32
    "tpu.region"() ({
      %run_scoped3A = tpu.sem_alloc : memref<!tpu.dma_semaphore, #tpu.memory_space<semaphore_mem>>
      %dma_start3A = arith.constant 0 : i32
      %dma_start3A_6 = arith.constant 0 : i32
      %dma_start3A_7 = tpu.memref_slice %arg3[%add3A, %dma_start3A, %dma_start3A_6] : memref<32x26x128xi32, #tpu.memory_space<hbm>> -> memref<1x26x128xi32, #tpu.memory_space<hbm>>
      %dma_start3A_8 = tpu.memref_squeeze %dma_start3A_7 : memref<1x26x128xi32, #tpu.memory_space<hbm>> -> memref<26x128xi32, #tpu.memory_space<hbm>>
      %dma_start3A_9 = arith.constant 0 : i32
      %dma_start3A_10 = arith.constant 0 : i32
      %dma_start3A_11 = tpu.memref_slice %arg3[%add3A, %dma_start3A_9, %dma_start3A_10] : memref<32x26x128xi32, #tpu.memory_space<hbm>> -> memref<1x26x128xi32, #tpu.memory_space<hbm>>
      %dma_start3A_12 = tpu.memref_squeeze %dma_start3A_11 : memref<1x26x128xi32, #tpu.memory_space<hbm>> -> memref<26x128xi32, #tpu.memory_space<hbm>>
      tpu.enqueue_dma source(%dma_start3A_12 : memref<26x128xi32, #tpu.memory_space<hbm>>) target(%arg5 : memref<26x128xi32, #tpu.memory_space<vmem>>) target_semaphore(%run_scoped3A : memref<!tpu.dma_semaphore, #tpu.memory_space<semaphore_mem>>)
      %dma_wait3A = arith.constant 0 : i32
      %dma_wait3A_13 = arith.constant 0 : i32
      %dma_wait3A_14 = tpu.memref_slice %arg3[%add3A, %dma_wait3A, %dma_wait3A_13] : memref<32x26x128xi32, #tpu.memory_space<hbm>> -> memref<1x26x128xi32, #tpu.memory_space<hbm>>
      %dma_wait3A_15 = tpu.memref_squeeze %dma_wait3A_14 : memref<1x26x128xi32, #tpu.memory_space<hbm>> -> memref<26x128xi32, #tpu.memory_space<hbm>>
      %dma_wait3A_16 = arith.constant 0 : i32
      %dma_wait3A_17 = arith.constant 0 : i32
      %dma_wait3A_18 = tpu.memref_slice %arg3[%add3A, %dma_wait3A_16, %dma_wait3A_17] : memref<32x26x128xi32, #tpu.memory_space<hbm>> -> memref<1x26x128xi32, #tpu.memory_space<hbm>>
      %dma_wait3A_19 = tpu.memref_squeeze %dma_wait3A_18 : memref<1x26x128xi32, #tpu.memory_space<hbm>> -> memref<26x128xi32, #tpu.memory_space<hbm>>
      tpu.wait_dma2 semaphore(%run_scoped3A : memref<!tpu.dma_semaphore, #tpu.memory_space<semaphore_mem>>) src(%dma_wait3A_19 : memref<26x128xi32, #tpu.memory_space<hbm>>) dst(%arg5 : memref<26x128xi32, #tpu.memory_space<vmem>>)
      tpu.yield
    }) : () -> ()
    %scan3A = arith.constant 0 : i32
    %scan3A_1 = arith.constant 0 : i32
    %scan3A_2 = arith.constant 52 : i32
    %scan3A_3 = arith.addi %scan3A_1, %scan3A_2 : i32
    %scan3A_4 = arith.constant 1 : i32
    scf.for %scan3A_6 = %scan3A_1 to %scan3A_3 step %scan3A_4  : i32 {
      %shift_right_arithmetic3A = arith.constant 1 : i32
      %shift_right_arithmetic3A_7 = arith.shrsi %scan3A_6, %shift_right_arithmetic3A : i32
      %and3A = arith.constant 1 : i32
      %and3A_8 = arith.andi %scan3A_6, %and3A : i32
      %mul3A_9 = arith.constant 64 : i32
      %mul3A_10 = arith.muli %and3A_8, %mul3A_9 : i32
      %add3A_11 = arith.constant 0 : i32
      %add3A_12 = arith.addi %mul3A_10, %add3A_11 : i32
      %get3A = arith.index_cast %shift_right_arithmetic3A_7 : i32 to index
      %get3A_13 = arith.index_cast %add3A_12 : i32 to index
      %get3A_14 = tpu.vector_load %arg5[%get3A, %get3A_13] {strides = array<i32>} : memref<26x128xi32, #tpu.memory_space<vmem>>, vector<1x16xi32>,
      %get3A_15 = vector.shape_cast %get3A_14 : vector<1x16xi32> to vector<1x16xi32>
      %squeeze3A = vector.shape_cast %get3A_15 : vector<1x16xi32> to vector<16xi32>
      %shift_right_arithmetic3A_16 = arith.constant 3 : i32
      %shift_right_arithmetic3A_17 = vector.broadcast %shift_right_arithmetic3A_16 : i32 to vector<16xi32>
      %shift_right_arithmetic3A_18 = arith.shrsi %squeeze3A, %shift_right_arithmetic3A_17 : vector<16xi32>
      %and3A_19 = arith.constant 7 : i32
      %and3A_20 = vector.broadcast %and3A_19 : i32 to vector<16xi32>
      %and3A_21 = arith.andi %squeeze3A, %and3A_20 : vector<16xi32>
      %mul3A_22 = arith.constant 64 : i32
      %mul3A_23 = arith.muli %scan3A_6, %mul3A_22 : i32
      %add3A_24 = arith.constant 0 : i32
      %add3A_25 = arith.addi %mul3A_23, %add3A_24 : i32
      %jit3A = arith.constant 8 : i32
      %div3A = arith.divsi %add3A_25, %jit3A : i32
      %sign3A = arith.constant 0 : i32
      %sign3A_26 = arith.cmpi sgt, %add3A_25, %sign3A : i32
      %sign3A_27 = arith.extui %sign3A_26 : i1 to i32
      %sign3A_28 = arith.constant 0 : i32
      %sign3A_29 = arith.cmpi slt, %add3A_25, %sign3A_28 : i32
      %sign3A_30 = arith.extui %sign3A_29 : i1 to i32
      %sign3A_31 = arith.subi %sign3A_27, %sign3A_30 : i32
      %sign3A_32 = arith.constant 0 : i32
      %sign3A_33 = arith.cmpi sgt, %jit3A, %sign3A_32 : i32
      %sign3A_34 = arith.extui %sign3A_33 : i1 to i32
      %sign3A_35 = arith.constant 0 : i32
      %sign3A_36 = arith.cmpi slt, %jit3A, %sign3A_35 : i32
      %sign3A_37 = arith.extui %sign3A_36 : i1 to i32
      %sign3A_38 = arith.subi %sign3A_34, %sign3A_37 : i32
      %ne3A = arith.cmpi ne, %sign3A_31, %sign3A_38 : i32
      %rem3A = arith.remsi %add3A_25, %jit3A : i32
      %ne3A_39 = arith.constant 0 : i32
      %ne3A_40 = arith.cmpi ne, %rem3A, %ne3A_39 : i32
      %and3A_41 = arith.andi %ne3A, %ne3A_40 : i1
      %sub3A = arith.constant 1 : i32
      %sub3A_42 = arith.subi %div3A, %sub3A : i32
      %select_n3A = arith.select %and3A_41, %sub3A_42, %div3A : i32
      %slice3A = vector.extract_strided_slice %shift_right_arithmetic3A_18 {offsets = [0], sizes = [1], strides = [1]} : vector<16xi32> to vector<1xi32>
      %squeeze3A_43 = vector.extract %slice3A[0] : i32 from vector<1xi32>
      %slice3A_44 = vector.extract_strided_slice %and3A_21 {offsets = [0], sizes = [1], strides = [1]} : vector<16xi32> to vector<1xi32>
      %squeeze3A_45 = vector.extract %slice3A_44[0] : i32 from vector<1xi32>
      %add3A_46 = arith.constant 0 : i32
      %add3A_47 = arith.addi %select_n3A, %add3A_46 : i32
      %dma_start3A = arith.constant 0 : i32
      %dma_start3A_48 = tpu.memref_slice %arg6[%add3A_47, %dma_start3A] : memref<416x128xf32, #tpu.memory_space<vmem>> -> memref<1x16xf32, #tpu.memory_space<vmem>>
      %dma_start3A_49 = tpu.memref_squeeze %dma_start3A_48 : memref<1x16xf32, #tpu.memory_space<vmem>> -> memref<16xf32, #tpu.memory_space<vmem>>
      %dma_start3A_50 = arith.constant 0 : i32
      %dma_start3A_51 = tpu.memref_slice %arg2[%squeeze3A_43, %squeeze3A_45, %dma_start3A_50] : memref<325000x8x16xf32, #tpu.memory_space<hbm>> -> memref<1x1x16xf32, #tpu.memory_space<hbm>>
      %dma_start3A_52 = tpu.memref_squeeze %dma_start3A_51 : memref<1x1x16xf32, #tpu.memory_space<hbm>> -> memref<16xf32, #tpu.memory_space<hbm>>
      %dma_start3A_53 = arith.constant 0 : i32
      %dma_start3A_54 = tpu.memref_slice %arg6[%add3A_47, %dma_start3A_53] : memref<416x128xf32, #tpu.memory_space<vmem>> -> memref<1x16xf32, #tpu.memory_space<vmem>>
      %dma_start3A_55 = tpu.memref_squeeze %dma_start3A_54 : memref<1x16xf32, #tpu.memory_space<vmem>> -> memref<16xf32, #tpu.memory_space<vmem>>
      %dma_start3A_56 = arith.constant 0 : i32
      %dma_start3A_57 = tpu.memref_slice %arg2[%squeeze3A_43, %squeeze3A_45, %dma_start3A_56] : memref<325000x8x16xf32, #tpu.memory_space<hbm>> -> memref<1x1x16xf32, #tpu.memory_space<hbm>>
      %dma_start3A_58 = tpu.memref_squeeze %dma_start3A_57 : memref<1x1x16xf32, #tpu.memory_space<hbm>> -> memref<16xf32, #tpu.memory_space<hbm>>
      tpu.enqueue_dma source(%dma_start3A_58 : memref<16xf32, #tpu.memory_space<hbm>>) target(%dma_start3A_55 : memref<16xf32, #tpu.memory_space<vmem>>) target_semaphore(%arg7 : memref<!tpu.dma_semaphore, #tpu.memory_space<semaphore_mem>>)
      %slice3A_59 = vector.extract_strided_slice %shift_right_arithmetic3A_18 {offsets = [1], sizes = [1], strides = [1]} : vector<16xi32> to vector<1xi32>
      %squeeze3A_60 = vector.extract %slice3A_59[0] : i32 from vector<1xi32>
      %slice3A_61 = vector.extract_strided_slice %and3A_21 {offsets = [1], sizes = [1], strides = [1]} : vector<16xi32> to vector<1xi32>
      %squeeze3A_62 = vector.extract %slice3A_61[0] : i32 from vector<1xi32>
      %add3A_63 = arith.constant 0 : i32
      %add3A_64 = arith.addi %select_n3A, %add3A_63 : i32
      %dma_start3A_65 = arith.constant 16 : i32
      %dma_start3A_66 = tpu.memref_slice %arg6[%add3A_64, %dma_start3A_65] : memref<416x128xf32, #tpu.memory_space<vmem>> -> memref<1x16xf32, #tpu.memory_space<vmem>>
      %dma_start3A_67 = tpu.memref_squeeze %dma_start3A_66 : memref<1x16xf32, #tpu.memory_space<vmem>> -> memref<16xf32, #tpu.memory_space<vmem>>
      %dma_start3A_68 = arith.constant 0 : i32
      %dma_start3A_69 = tpu.memref_slice %arg2[%squeeze3A_60, %squeeze3A_62, %dma_start3A_68] : memref<325000x8x16xf32, #tpu.memory_space<hbm>> -> memref<1x1x16xf32, #tpu.memory_space<hbm>>
      %dma_start3A_70 = tpu.memref_squeeze %dma_start3A_69 : memref<1x1x16xf32, #tpu.memory_space<hbm>> -> memref<16xf32, #tpu.memory_space<hbm>>
      %dma_start3A_71 = arith.constant 16 : i32
      %dma_start3A_72 = tpu.memref_slice %arg6[%add3A_64, %dma_start3A_71] : memref<416x128xf32, #tpu.memory_space<vmem>> -> memref<1x16xf32, #tpu.memory_space<vmem>>
      %dma_start3A_73 = tpu.memref_squeeze %dma_start3A_72 : memref<1x16xf32, #tpu.memory_space<vmem>> -> memref<16xf32, #tpu.memory_space<vmem>>
      %dma_start3A_74 = arith.constant 0 : i32
      %dma_start3A_75 = tpu.memref_slice %arg2[%squeeze3A_60, %squeeze3A_62, %dma_start3A_74] : memref<325000x8x16xf32, #tpu.memory_space<hbm>> -> memref<1x1x16xf32, #tpu.memory_space<hbm>>
      %dma_start3A_76 = tpu.memref_squeeze %dma_start3A_75 : memref<1x1x16xf32, #tpu.memory_space<hbm>> -> memref<16xf32, #tpu.memory_space<hbm>>
      tpu.enqueue_dma source(%dma_start3A_76 : memref<16xf32, #tpu.memory_space<hbm>>) target(%dma_start3A_73 : memref<16xf32, #tpu.memory_space<vmem>>) target_semaphore(%arg7 : memref<!tpu.dma_semaphore, #tpu.memory_space<semaphore_mem>>)
      %slice3A_77 = vector.extract_strided_slice %shift_right_arithmetic3A_18 {offsets = [2], sizes = [1], strides = [1]} : vector<16xi32> to vector<1xi32>
      %squeeze3A_78 = vector.extract %slice3A_77[0] : i32 from vector<1xi32>
      %slice3A_79 = vector.extract_strided_slice %and3A_21 {offsets = [2], sizes = [1], strides = [1]} : vector<16xi32> to vector<1xi32>
      %squeeze3A_80 = vector.extract %slice3A_79[0] : i32 from vector<1xi32>
      %add3A_81 = arith.constant 0 : i32
      %add3A_82 = arith.addi %select_n3A, %add3A_81 : i32
      %dma_start3A_83 = arith.constant 32 : i32
      %dma_start3A_84 = tpu.memref_slice %arg6[%add3A_82, %dma_start3A_83] : memref<416x128xf32, #tpu.memory_space<vmem>> -> memref<1x16xf32, #tpu.memory_space<vmem>>
      %dma_start3A_85 = tpu.memref_squeeze %dma_start3A_84 : memref<1x16xf32, #tpu.memory_space<vmem>> -> memref<16xf32, #tpu.memory_space<vmem>>
      %dma_start3A_86 = arith.constant 0 : i32
      %dma_start3A_87 = tpu.memref_slice %arg2[%squeeze3A_78, %squeeze3A_80, %dma_start3A_86] : memref<325000x8x16xf32, #tpu.memory_space<hbm>> -> memref<1x1x16xf32, #tpu.memory_space<hbm>>
      %dma_start3A_88 = tpu.memref_squeeze %dma_start3A_87 : memref<1x1x16xf32, #tpu.memory_space<hbm>> -> memref<16xf32, #tpu.memory_space<hbm>>
      %dma_start3A_89 = arith.constant 32 : i32
      %dma_start3A_90 = tpu.memref_slice %arg6[%add3A_82, %dma_start3A_89] : memref<416x128xf32, #tpu.memory_space<vmem>> -> memref<1x16xf32, #tpu.memory_space<vmem>>
      %dma_start3A_91 = tpu.memref_squeeze %dma_start3A_90 : memref<1x16xf32, #tpu.memory_space<vmem>> -> memref<16xf32, #tpu.memory_space<vmem>>
      %dma_start3A_92 = arith.constant 0 : i32
      %dma_start3A_93 = tpu.memref_slice %arg2[%squeeze3A_78, %squeeze3A_80, %dma_start3A_92] : memref<325000x8x16xf32, #tpu.memory_space<hbm>> -> memref<1x1x16xf32, #tpu.memory_space<hbm>>
      %dma_start3A_94 = tpu.memref_squeeze %dma_start3A_93 : memref<1x1x16xf32, #tpu.memory_space<hbm>> -> memref<16xf32, #tpu.memory_space<hbm>>
      tpu.enqueue_dma source(%dma_start3A_94 : memref<16xf32, #tpu.memory_space<hbm>>) target(%dma_start3A_91 : memref<16xf32, #tpu.memory_space<vmem>>) target_semaphore(%arg7 : memref<!tpu.dma_semaphore, #tpu.memory_space<semaphore_mem>>)
      %slice3A_95 = vector.extract_strided_slice %shift_right_arithmetic3A_18 {offsets = [3], sizes = [1], strides = [1]} : vector<16xi32> to vector<1xi32>
      %squeeze3A_96 = vector.extract %slice3A_95[0] : i32 from vector<1xi32>
      %slice3A_97 = vector.extract_strided_slice %and3A_21 {offsets = [3], sizes = [1], strides = [1]} : vector<16xi32> to vector<1xi32>
      %squeeze3A_98 = vector.extract %slice3A_97[0] : i32 from vector<1xi32>
      %add3A_99 = arith.constant 0 : i32
      %add3A_100 = arith.addi %select_n3A, %add3A_99 : i32
      %dma_start3A_101 = arith.constant 48 : i32
      %dma_start3A_102 = tpu.memref_slice %arg6[%add3A_100, %dma_start3A_101] : memref<416x128xf32, #tpu.memory_space<vmem>> -> memref<1x16xf32, #tpu.memory_space<vmem>>
      %dma_start3A_103 = tpu.memref_squeeze %dma_start3A_102 : memref<1x16xf32, #tpu.memory_space<vmem>> -> memref<16xf32, #tpu.memory_space<vmem>>
      %dma_start3A_104 = arith.constant 0 : i32
      %dma_start3A_105 = tpu.memref_slice %arg2[%squeeze3A_96, %squeeze3A_98, %dma_start3A_104] : memref<325000x8x16xf32, #tpu.memory_space<hbm>> -> memref<1x1x16xf32, #tpu.memory_space<hbm>>
      %dma_start3A_106 = tpu.memref_squeeze %dma_start3A_105 : memref<1x1x16xf32, #tpu.memory_space<hbm>> -> memref<16xf32, #tpu.memory_space<hbm>>
      %dma_start3A_107 = arith.constant 48 : i32
      %dma_start3A_108 = tpu.memref_slice %arg6[%add3A_100, %dma_start3A_107] : memref<416x128xf32, #tpu.memory_space<vmem>> -> memref<1x16xf32, #tpu.memory_space<vmem>>
      %dma_start3A_109 = tpu.memref_squeeze %dma_start3A_108 : memref<1x16xf32, #tpu.memory_space<vmem>> -> memref<16xf32, #tpu.memory_space<vmem>>
      %dma_start3A_110 = arith.constant 0 : i32
      %dma_start3A_111 = tpu.memref_slice %arg2[%squeeze3A_96, %squeeze3A_98, %dma_start3A_110] : memref<325000x8x16xf32, #tpu.memory_space<hbm>> -> memref<1x1x16xf32, #tpu.memory_space<hbm>>
      %dma_start3A_112 = tpu.memref_squeeze %dma_start3A_111 : memref<1x1x16xf32, #tpu.memory_space<hbm>> -> memref<16xf32, #tpu.memory_space<hbm>>
      tpu.enqueue_dma source(%dma_start3A_112 : memref<16xf32, #tpu.memory_space<hbm>>) target(%dma_start3A_109 : memref<16xf32, #tpu.memory_space<vmem>>) target_semaphore(%arg7 : memref<!tpu.dma_semaphore, #tpu.memory_space<semaphore_mem>>)
      %slice3A_113 = vector.extract_strided_slice %shift_right_arithmetic3A_18 {offsets = [4], sizes = [1], strides = [1]} : vector<16xi32> to vector<1xi32>
      %squeeze3A_114 = vector.extract %slice3A_113[0] : i32 from vector<1xi32>
      %slice3A_115 = vector.extract_strided_slice %and3A_21 {offsets = [4], sizes = [1], strides = [1]} : vector<16xi32> to vector<1xi32>
      %squeeze3A_116 = vector.extract %slice3A_115[0] : i32 from vector<1xi32>
      %add3A_117 = arith.constant 0 : i32
      %add3A_118 = arith.addi %select_n3A, %add3A_117 : i32
      %dma_start3A_119 = arith.constant 64 : i32
      %dma_start3A_120 = tpu.memref_slice %arg6[%add3A_118, %dma_start3A_119] : memref<416x128xf32, #tpu.memory_space<vmem>> -> memref<1x16xf32, #tpu.memory_space<vmem>>
      %dma_start3A_121 = tpu.memref_squeeze %dma_start3A_120 : memref<1x16xf32, #tpu.memory_space<vmem>> -> memref<16xf32, #tpu.memory_space<vmem>>
      %dma_start3A_122 = arith.constant 0 : i32
      %dma_start3A_123 = tpu.memref_slice %arg2[%squeeze3A_114, %squeeze3A_116, %dma_start3A_122] : memref<325000x8x16xf32, #tpu.memory_space<hbm>> -> memref<1x1x16xf32, #tpu.memory_space<hbm>>
      %dma_start3A_124 = tpu.memref_squeeze %dma_start3A_123 : memref<1x1x16xf32, #tpu.memory_space<hbm>> -> memref<16xf32, #tpu.memory_space<hbm>>
      %dma_start3A_125 = arith.constant 64 : i32
      %dma_start3A_126 = tpu.memref_slice %arg6[%add3A_118, %dma_start3A_125] : memref<416x128xf32, #tpu.memory_space<vmem>> -> memref<1x16xf32, #tpu.memory_space<vmem>>
      %dma_start3A_127 = tpu.memref_squeeze %dma_start3A_126 : memref<1x16xf32, #tpu.memory_space<vmem>> -> memref<16xf32, #tpu.memory_space<vmem>>
      %dma_start3A_128 = arith.constant 0 : i32
      %dma_start3A_129 = tpu.memref_slice %arg2[%squeeze3A_114, %squeeze3A_116, %dma_start3A_128] : memref<325000x8x16xf32, #tpu.memory_space<hbm>> -> memref<1x1x16xf32, #tpu.memory_space<hbm>>
      %dma_start3A_130 = tpu.memref_squeeze %dma_start3A_129 : memref<1x1x16xf32, #tpu.memory_space<hbm>> -> memref<16xf32, #tpu.memory_space<hbm>>
      tpu.enqueue_dma source(%dma_start3A_130 : memref<16xf32, #tpu.memory_space<hbm>>) target(%dma_start3A_127 : memref<16xf32, #tpu.memory_space<vmem>>) target_semaphore(%arg7 : memref<!tpu.dma_semaphore, #tpu.memory_space<semaphore_mem>>)
      %slice3A_131 = vector.extract_strided_slice %shift_right_arithmetic3A_18 {offsets = [5], sizes = [1], strides = [1]} : vector<16xi32> to vector<1xi32>
      %squeeze3A_132 = vector.extract %slice3A_131[0] : i32 from vector<1xi32>
      %slice3A_133 = vector.extract_strided_slice %and3A_21 {offsets = [5], sizes = [1], strides = [1]} : vector<16xi32> to vector<1xi32>
      %squeeze3A_134 = vector.extract %slice3A_133[0] : i32 from vector<1xi32>
      %add3A_135 = arith.constant 0 : i32
      %add3A_136 = arith.addi %select_n3A, %add3A_135 : i32
      %dma_start3A_137 = arith.constant 80 : i32
      %dma_start3A_138 = tpu.memref_slice %arg6[%add3A_136, %dma_start3A_137] : memref<416x128xf32, #tpu.memory_space<vmem>> -> memref<1x16xf32, #tpu.memory_space<vmem>>
      %dma_start3A_139 = tpu.memref_squeeze %dma_start3A_138 : memref<1x16xf32, #tpu.memory_space<vmem>> -> memref<16xf32, #tpu.memory_space<vmem>>
      %dma_start3A_140 = arith.constant 0 : i32
      %dma_start3A_141 = tpu.memref_slice %arg2[%squeeze3A_132, %squeeze3A_134, %dma_start3A_140] : memref<325000x8x16xf32, #tpu.memory_space<hbm>> -> memref<1x1x16xf32, #tpu.memory_space<hbm>>
      %dma_start3A_142 = tpu.memref_squeeze %dma_start3A_141 : memref<1x1x16xf32, #tpu.memory_space<hbm>> -> memref<16xf32, #tpu.memory_space<hbm>>
      %dma_start3A_143 = arith.constant 80 : i32
      %dma_start3A_144 = tpu.memref_slice %arg6[%add3A_136, %dma_start3A_143] : memref<416x128xf32, #tpu.memory_space<vmem>> -> memref<1x16xf32, #tpu.memory_space<vmem>>
      %dma_start3A_145 = tpu.memref_squeeze %dma_start3A_144 : memref<1x16xf32, #tpu.memory_space<vmem>> -> memref<16xf32, #tpu.memory_space<vmem>>
      %dma_start3A_146 = arith.constant 0 : i32
      %dma_start3A_147 = tpu.memref_slice %arg2[%squeeze3A_132, %squeeze3A_134, %dma_start3A_146] : memref<325000x8x16xf32, #tpu.memory_space<hbm>> -> memref<1x1x16xf32, #tpu.memory_space<hbm>>
      %dma_start3A_148 = tpu.memref_squeeze %dma_start3A_147 : memref<1x1x16xf32, #tpu.memory_space<hbm>> -> memref<16xf32, #tpu.memory_space<hbm>>
      tpu.enqueue_dma source(%dma_start3A_148 : memref<16xf32, #tpu.memory_space<hbm>>) target(%dma_start3A_145 : memref<16xf32, #tpu.memory_space<vmem>>) target_semaphore(%arg7 : memref<!tpu.dma_semaphore, #tpu.memory_space<semaphore_mem>>)
      %slice3A_149 = vector.extract_strided_slice %shift_right_arithmetic3A_18 {offsets = [6], sizes = [1], strides = [1]} : vector<16xi32> to vector<1xi32>
      %squeeze3A_150 = vector.extract %slice3A_149[0] : i32 from vector<1xi32>
      %slice3A_151 = vector.extract_strided_slice %and3A_21 {offsets = [6], sizes = [1], strides = [1]} : vector<16xi32> to vector<1xi32>
      %squeeze3A_152 = vector.extract %slice3A_151[0] : i32 from vector<1xi32>
      %add3A_153 = arith.constant 0 : i32
      %add3A_154 = arith.addi %select_n3A, %add3A_153 : i32
      %dma_start3A_155 = arith.constant 96 : i32
      %dma_start3A_156 = tpu.memref_slice %arg6[%add3A_154, %dma_start3A_155] : memref<416x128xf32, #tpu.memory_space<vmem>> -> memref<1x16xf32, #tpu.memory_space<vmem>>
      %dma_start3A_157 = tpu.memref_squeeze %dma_start3A_156 : memref<1x16xf32, #tpu.memory_space<vmem>> -> memref<16xf32, #tpu.memory_space<vmem>>
      %dma_start3A_158 = arith.constant 0 : i32
      %dma_start3A_159 = tpu.memref_slice %arg2[%squeeze3A_150, %squeeze3A_152, %dma_start3A_158] : memref<325000x8x16xf32, #tpu.memory_space<hbm>> -> memref<1x1x16xf32, #tpu.memory_space<hbm>>
      %dma_start3A_160 = tpu.memref_squeeze %dma_start3A_159 : memref<1x1x16xf32, #tpu.memory_space<hbm>> -> memref<16xf32, #tpu.memory_space<hbm>>
      %dma_start3A_161 = arith.constant 96 : i32
      %dma_start3A_162 = tpu.memref_slice %arg6[%add3A_154, %dma_start3A_161] : memref<416x128xf32, #tpu.memory_space<vmem>> -> memref<1x16xf32, #tpu.memory_space<vmem>>
      %dma_start3A_163 = tpu.memref_squeeze %dma_start3A_162 : memref<1x16xf32, #tpu.memory_space<vmem>> -> memref<16xf32, #tpu.memory_space<vmem>>
      %dma_start3A_164 = arith.constant 0 : i32
      %dma_start3A_165 = tpu.memref_slice %arg2[%squeeze3A_150, %squeeze3A_152, %dma_start3A_164] : memref<325000x8x16xf32, #tpu.memory_space<hbm>> -> memref<1x1x16xf32, #tpu.memory_space<hbm>>
      %dma_start3A_166 = tpu.memref_squeeze %dma_start3A_165 : memref<1x1x16xf32, #tpu.memory_space<hbm>> -> memref<16xf32, #tpu.memory_space<hbm>>
      tpu.enqueue_dma source(%dma_start3A_166 : memref<16xf32, #tpu.memory_space<hbm>>) target(%dma_start3A_163 : memref<16xf32, #tpu.memory_space<vmem>>) target_semaphore(%arg7 : memref<!tpu.dma_semaphore, #tpu.memory_space<semaphore_mem>>)
      %slice3A_167 = vector.extract_strided_slice %shift_right_arithmetic3A_18 {offsets = [7], sizes = [1], strides = [1]} : vector<16xi32> to vector<1xi32>
      %squeeze3A_168 = vector.extract %slice3A_167[0] : i32 from vector<1xi32>
      %slice3A_169 = vector.extract_strided_slice %and3A_21 {offsets = [7], sizes = [1], strides = [1]} : vector<16xi32> to vector<1xi32>
      %squeeze3A_170 = vector.extract %slice3A_169[0] : i32 from vector<1xi32>
      %add3A_171 = arith.constant 0 : i32
      %add3A_172 = arith.addi %select_n3A, %add3A_171 : i32
      %dma_start3A_173 = arith.constant 112 : i32
      %dma_start3A_174 = tpu.memref_slice %arg6[%add3A_172, %dma_start3A_173] : memref<416x128xf32, #tpu.memory_space<vmem>> -> memref<1x16xf32, #tpu.memory_space<vmem>>
      %dma_start3A_175 = tpu.memref_squeeze %dma_start3A_174 : memref<1x16xf32, #tpu.memory_space<vmem>> -> memref<16xf32, #tpu.memory_space<vmem>>
      %dma_start3A_176 = arith.constant 0 : i32
      %dma_start3A_177 = tpu.memref_slice %arg2[%squeeze3A_168, %squeeze3A_170, %dma_start3A_176] : memref<325000x8x16xf32, #tpu.memory_space<hbm>> -> memref<1x1x16xf32, #tpu.memory_space<hbm>>
      %dma_start3A_178 = tpu.memref_squeeze %dma_start3A_177 : memref<1x1x16xf32, #tpu.memory_space<hbm>> -> memref<16xf32, #tpu.memory_space<hbm>>
      %dma_start3A_179 = arith.constant 112 : i32
      %dma_start3A_180 = tpu.memref_slice %arg6[%add3A_172, %dma_start3A_179] : memref<416x128xf32, #tpu.memory_space<vmem>> -> memref<1x16xf32, #tpu.memory_space<vmem>>
      %dma_start3A_181 = tpu.memref_squeeze %dma_start3A_180 : memref<1x16xf32, #tpu.memory_space<vmem>> -> memref<16xf32, #tpu.memory_space<vmem>>
      %dma_start3A_182 = arith.constant 0 : i32
      %dma_start3A_183 = tpu.memref_slice %arg2[%squeeze3A_168, %squeeze3A_170, %dma_start3A_182] : memref<325000x8x16xf32, #tpu.memory_space<hbm>> -> memref<1x1x16xf32, #tpu.memory_space<hbm>>
      %dma_start3A_184 = tpu.memref_squeeze %dma_start3A_183 : memref<1x1x16xf32, #tpu.memory_space<hbm>> -> memref<16xf32, #tpu.memory_space<hbm>>
      tpu.enqueue_dma source(%dma_start3A_184 : memref<16xf32, #tpu.memory_space<hbm>>) target(%dma_start3A_181 : memref<16xf32, #tpu.memory_space<vmem>>) target_semaphore(%arg7 : memref<!tpu.dma_semaphore, #tpu.memory_space<semaphore_mem>>)
      %slice3A_185 = vector.extract_strided_slice %shift_right_arithmetic3A_18 {offsets = [8], sizes = [1], strides = [1]} : vector<16xi32> to vector<1xi32>
      %squeeze3A_186 = vector.extract %slice3A_185[0] : i32 from vector<1xi32>
      %slice3A_187 = vector.extract_strided_slice %and3A_21 {offsets = [8], sizes = [1], strides = [1]} : vector<16xi32> to vector<1xi32>
      %squeeze3A_188 = vector.extract %slice3A_187[0] : i32 from vector<1xi32>
      %add3A_189 = arith.constant 1 : i32
      %add3A_190 = arith.addi %select_n3A, %add3A_189 : i32
      %dma_start3A_191 = arith.constant 0 : i32
      %dma_start3A_192 = tpu.memref_slice %arg6[%add3A_190, %dma_start3A_191] : memref<416x128xf32, #tpu.memory_space<vmem>> -> memref<1x16xf32, #tpu.memory_space<vmem>>
      %dma_start3A_193 = tpu.memref_squeeze %dma_start3A_192 : memref<1x16xf32, #tpu.memory_space<vmem>> -> memref<16xf32, #tpu.memory_space<vmem>>
      %dma_start3A_194 = arith.constant 0 : i32
      %dma_start3A_195 = tpu.memref_slice %arg2[%squeeze3A_186, %squeeze3A_188, %dma_start3A_194] : memref<325000x8x16xf32, #tpu.memory_space<hbm>> -> memref<1x1x16xf32, #tpu.memory_space<hbm>>
      %dma_start3A_196 = tpu.memref_squeeze %dma_start3A_195 : memref<1x1x16xf32, #tpu.memory_space<hbm>> -> memref<16xf32, #tpu.memory_space<hbm>>
      %dma_start3A_197 = arith.constant 0 : i32
      %dma_start3A_198 = tpu.memref_slice %arg6[%add3A_190, %dma_start3A_197] : memref<416x128xf32, #tpu.memory_space<vmem>> -> memref<1x16xf32, #tpu.memory_space<vmem>>
      %dma_start3A_199 = tpu.memref_squeeze %dma_start3A_198 : memref<1x16xf32, #tpu.memory_space<vmem>> -> memref<16xf32, #tpu.memory_space<vmem>>
      %dma_start3A_200 = arith.constant 0 : i32
      %dma_start3A_201 = tpu.memref_slice %arg2[%squeeze3A_186, %squeeze3A_188, %dma_start3A_200] : memref<325000x8x16xf32, #tpu.memory_space<hbm>> -> memref<1x1x16xf32, #tpu.memory_space<hbm>>
      %dma_start3A_202 = tpu.memref_squeeze %dma_start3A_201 : memref<1x1x16xf32, #tpu.memory_space<hbm>> -> memref<16xf32, #tpu.memory_space<hbm>>
      tpu.enqueue_dma source(%dma_start3A_202 : memref<16xf32, #tpu.memory_space<hbm>>) target(%dma_start3A_199 : memref<16xf32, #tpu.memory_space<vmem>>) target_semaphore(%arg7 : memref<!tpu.dma_semaphore, #tpu.memory_space<semaphore_mem>>)
      %slice3A_203 = vector.extract_strided_slice %shift_right_arithmetic3A_18 {offsets = [9], sizes = [1], strides = [1]} : vector<16xi32> to vector<1xi32>
      %squeeze3A_204 = vector.extract %slice3A_203[0] : i32 from vector<1xi32>
      %slice3A_205 = vector.extract_strided_slice %and3A_21 {offsets = [9], sizes = [1], strides = [1]} : vector<16xi32> to vector<1xi32>
      %squeeze3A_206 = vector.extract %slice3A_205[0] : i32 from vector<1xi32>
      %add3A_207 = arith.constant 1 : i32
      %add3A_208 = arith.addi %select_n3A, %add3A_207 : i32
      %dma_start3A_209 = arith.constant 16 : i32
      %dma_start3A_210 = tpu.memref_slice %arg6[%add3A_208, %dma_start3A_209] : memref<416x128xf32, #tpu.memory_space<vmem>> -> memref<1x16xf32, #tpu.memory_space<vmem>>
      %dma_start3A_211 = tpu.memref_squeeze %dma_start3A_210 : memref<1x16xf32, #tpu.memory_space<vmem>> -> memref<16xf32, #tpu.memory_space<vmem>>
      %dma_start3A_212 = arith.constant 0 : i32
      %dma_start3A_213 = tpu.memref_slice %arg2[%squeeze3A_204, %squeeze3A_206, %dma_start3A_212] : memref<325000x8x16xf32, #tpu.memory_space<hbm>> -> memref<1x1x16xf32, #tpu.memory_space<hbm>>
      %dma_start3A_214 = tpu.memref_squeeze %dma_start3A_213 : memref<1x1x16xf32, #tpu.memory_space<hbm>> -> memref<16xf32, #tpu.memory_space<hbm>>
      %dma_start3A_215 = arith.constant 16 : i32
      %dma_start3A_216 = tpu.memref_slice %arg6[%add3A_208, %dma_start3A_215] : memref<416x128xf32, #tpu.memory_space<vmem>> -> memref<1x16xf32, #tpu.memory_space<vmem>>
      %dma_start3A_217 = tpu.memref_squeeze %dma_start3A_216 : memref<1x16xf32, #tpu.memory_space<vmem>> -> memref<16xf32, #tpu.memory_space<vmem>>
      %dma_start3A_218 = arith.constant 0 : i32
      %dma_start3A_219 = tpu.memref_slice %arg2[%squeeze3A_204, %squeeze3A_206, %dma_start3A_218] : memref<325000x8x16xf32, #tpu.memory_space<hbm>> -> memref<1x1x16xf32, #tpu.memory_space<hbm>>
      %dma_start3A_220 = tpu.memref_squeeze %dma_start3A_219 : memref<1x1x16xf32, #tpu.memory_space<hbm>> -> memref<16xf32, #tpu.memory_space<hbm>>
      tpu.enqueue_dma source(%dma_start3A_220 : memref<16xf32, #tpu.memory_space<hbm>>) target(%dma_start3A_217 : memref<16xf32, #tpu.memory_space<vmem>>) target_semaphore(%arg7 : memref<!tpu.dma_semaphore, #tpu.memory_space<semaphore_mem>>)
      %slice3A_221 = vector.extract_strided_slice %shift_right_arithmetic3A_18 {offsets = [10], sizes = [1], strides = [1]} : vector<16xi32> to vector<1xi32>
      %squeeze3A_222 = vector.extract %slice3A_221[0] : i32 from vector<1xi32>
      %slice3A_223 = vector.extract_strided_slice %and3A_21 {offsets = [10], sizes = [1], strides = [1]} : vector<16xi32> to vector<1xi32>
      %squeeze3A_224 = vector.extract %slice3A_223[0] : i32 from vector<1xi32>
      %add3A_225 = arith.constant 1 : i32
      %add3A_226 = arith.addi %select_n3A, %add3A_225 : i32
      %dma_start3A_227 = arith.constant 32 : i32
      %dma_start3A_228 = tpu.memref_slice %arg6[%add3A_226, %dma_start3A_227] : memref<416x128xf32, #tpu.memory_space<vmem>> -> memref<1x16xf32, #tpu.memory_space<vmem>>
      %dma_start3A_229 = tpu.memref_squeeze %dma_start3A_228 : memref<1x16xf32, #tpu.memory_space<vmem>> -> memref<16xf32, #tpu.memory_space<vmem>>
      %dma_start3A_230 = arith.constant 0 : i32
      %dma_start3A_231 = tpu.memref_slice %arg2[%squeeze3A_222, %squeeze3A_224, %dma_start3A_230] : memref<325000x8x16xf32, #tpu.memory_space<hbm>> -> memref<1x1x16xf32, #tpu.memory_space<hbm>>
      %dma_start3A_232 = tpu.memref_squeeze %dma_start3A_231 : memref<1x1x16xf32, #tpu.memory_space<hbm>> -> memref<16xf32, #tpu.memory_space<hbm>>
      %dma_start3A_233 = arith.constant 32 : i32
      %dma_start3A_234 = tpu.memref_slice %arg6[%add3A_226, %dma_start3A_233] : memref<416x128xf32, #tpu.memory_space<vmem>> -> memref<1x16xf32, #tpu.memory_space<vmem>>
      %dma_start3A_235 = tpu.memref_squeeze %dma_start3A_234 : memref<1x16xf32, #tpu.memory_space<vmem>> -> memref<16xf32, #tpu.memory_space<vmem>>
      %dma_start3A_236 = arith.constant 0 : i32
      %dma_start3A_237 = tpu.memref_slice %arg2[%squeeze3A_222, %squeeze3A_224, %dma_start3A_236] : memref<325000x8x16xf32, #tpu.memory_space<hbm>> -> memref<1x1x16xf32, #tpu.memory_space<hbm>>
      %dma_start3A_238 = tpu.memref_squeeze %dma_start3A_237 : memref<1x1x16xf32, #tpu.memory_space<hbm>> -> memref<16xf32, #tpu.memory_space<hbm>>
      tpu.enqueue_dma source(%dma_start3A_238 : memref<16xf32, #tpu.memory_space<hbm>>) target(%dma_start3A_235 : memref<16xf32, #tpu.memory_space<vmem>>) target_semaphore(%arg7 : memref<!tpu.dma_semaphore, #tpu.memory_space<semaphore_mem>>)
      %slice3A_239 = vector.extract_strided_slice %shift_right_arithmetic3A_18 {offsets = [11], sizes = [1], strides = [1]} : vector<16xi32> to vector<1xi32>
      %squeeze3A_240 = vector.extract %slice3A_239[0] : i32 from vector<1xi32>
      %slice3A_241 = vector.extract_strided_slice %and3A_21 {offsets = [11], sizes = [1], strides = [1]} : vector<16xi32> to vector<1xi32>
      %squeeze3A_242 = vector.extract %slice3A_241[0] : i32 from vector<1xi32>
      %add3A_243 = arith.constant 1 : i32
      %add3A_244 = arith.addi %select_n3A, %add3A_243 : i32
      %dma_start3A_245 = arith.constant 48 : i32
      %dma_start3A_246 = tpu.memref_slice %arg6[%add3A_244, %dma_start3A_245] : memref<416x128xf32, #tpu.memory_space<vmem>> -> memref<1x16xf32, #tpu.memory_space<vmem>>
      %dma_start3A_247 = tpu.memref_squeeze %dma_start3A_246 : memref<1x16xf32, #tpu.memory_space<vmem>> -> memref<16xf32, #tpu.memory_space<vmem>>
      %dma_start3A_248 = arith.constant 0 : i32
      %dma_start3A_249 = tpu.memref_slice %arg2[%squeeze3A_240, %squeeze3A_242, %dma_start3A_248] : memref<325000x8x16xf32, #tpu.memory_space<hbm>> -> memref<1x1x16xf32, #tpu.memory_space<hbm>>
      %dma_start3A_250 = tpu.memref_squeeze %dma_start3A_249 : memref<1x1x16xf32, #tpu.memory_space<hbm>> -> memref<16xf32, #tpu.memory_space<hbm>>
      %dma_start3A_251 = arith.constant 48 : i32
      %dma_start3A_252 = tpu.memref_slice %arg6[%add3A_244, %dma_start3A_251] : memref<416x128xf32, #tpu.memory_space<vmem>> -> memref<1x16xf32, #tpu.memory_space<vmem>>
      %dma_start3A_253 = tpu.memref_squeeze %dma_start3A_252 : memref<1x16xf32, #tpu.memory_space<vmem>> -> memref<16xf32, #tpu.memory_space<vmem>>
      %dma_start3A_254 = arith.constant 0 : i32
      %dma_start3A_255 = tpu.memref_slice %arg2[%squeeze3A_240, %squeeze3A_242, %dma_start3A_254] : memref<325000x8x16xf32, #tpu.memory_space<hbm>> -> memref<1x1x16xf32, #tpu.memory_space<hbm>>
      %dma_start3A_256 = tpu.memref_squeeze %dma_start3A_255 : memref<1x1x16xf32, #tpu.memory_space<hbm>> -> memref<16xf32, #tpu.memory_space<hbm>>
      tpu.enqueue_dma source(%dma_start3A_256 : memref<16xf32, #tpu.memory_space<hbm>>) target(%dma_start3A_253 : memref<16xf32, #tpu.memory_space<vmem>>) target_semaphore(%arg7 : memref<!tpu.dma_semaphore, #tpu.memory_space<semaphore_mem>>)
      %slice3A_257 = vector.extract_strided_slice %shift_right_arithmetic3A_18 {offsets = [12], sizes = [1], strides = [1]} : vector<16xi32> to vector<1xi32>
      %squeeze3A_258 = vector.extract %slice3A_257[0] : i32 from vector<1xi32>
      %slice3A_259 = vector.extract_strided_slice %and3A_21 {offsets = [12], sizes = [1], strides = [1]} : vector<16xi32> to vector<1xi32>
      %squeeze3A_260 = vector.extract %slice3A_259[0] : i32 from vector<1xi32>
      %add3A_261 = arith.constant 1 : i32
      %add3A_262 = arith.addi %select_n3A, %add3A_261 : i32
      %dma_start3A_263 = arith.constant 64 : i32
      %dma_start3A_264 = tpu.memref_slice %arg6[%add3A_262, %dma_start3A_263] : memref<416x128xf32, #tpu.memory_space<vmem>> -> memref<1x16xf32, #tpu.memory_space<vmem>>
      %dma_start3A_265 = tpu.memref_squeeze %dma_start3A_264 : memref<1x16xf32, #tpu.memory_space<vmem>> -> memref<16xf32, #tpu.memory_space<vmem>>
      %dma_start3A_266 = arith.constant 0 : i32
      %dma_start3A_267 = tpu.memref_slice %arg2[%squeeze3A_258, %squeeze3A_260, %dma_start3A_266] : memref<325000x8x16xf32, #tpu.memory_space<hbm>> -> memref<1x1x16xf32, #tpu.memory_space<hbm>>
      %dma_start3A_268 = tpu.memref_squeeze %dma_start3A_267 : memref<1x1x16xf32, #tpu.memory_space<hbm>> -> memref<16xf32, #tpu.memory_space<hbm>>
      %dma_start3A_269 = arith.constant 64 : i32
      %dma_start3A_270 = tpu.memref_slice %arg6[%add3A_262, %dma_start3A_269] : memref<416x128xf32, #tpu.memory_space<vmem>> -> memref<1x16xf32, #tpu.memory_space<vmem>>
      %dma_start3A_271 = tpu.memref_squeeze %dma_start3A_270 : memref<1x16xf32, #tpu.memory_space<vmem>> -> memref<16xf32, #tpu.memory_space<vmem>>
      %dma_start3A_272 = arith.constant 0 : i32
      %dma_start3A_273 = tpu.memref_slice %arg2[%squeeze3A_258, %squeeze3A_260, %dma_start3A_272] : memref<325000x8x16xf32, #tpu.memory_space<hbm>> -> memref<1x1x16xf32, #tpu.memory_space<hbm>>
      %dma_start3A_274 = tpu.memref_squeeze %dma_start3A_273 : memref<1x1x16xf32, #tpu.memory_space<hbm>> -> memref<16xf32, #tpu.memory_space<hbm>>
      tpu.enqueue_dma source(%dma_start3A_274 : memref<16xf32, #tpu.memory_space<hbm>>) target(%dma_start3A_271 : memref<16xf32, #tpu.memory_space<vmem>>) target_semaphore(%arg7 : memref<!tpu.dma_semaphore, #tpu.memory_space<semaphore_mem>>)
      %slice3A_275 = vector.extract_strided_slice %shift_right_arithmetic3A_18 {offsets = [13], sizes = [1], strides = [1]} : vector<16xi32> to vector<1xi32>
      %squeeze3A_276 = vector.extract %slice3A_275[0] : i32 from vector<1xi32>
      %slice3A_277 = vector.extract_strided_slice %and3A_21 {offsets = [13], sizes = [1], strides = [1]} : vector<16xi32> to vector<1xi32>
      %squeeze3A_278 = vector.extract %slice3A_277[0] : i32 from vector<1xi32>
      %add3A_279 = arith.constant 1 : i32
      %add3A_280 = arith.addi %select_n3A, %add3A_279 : i32
      %dma_start3A_281 = arith.constant 80 : i32
      %dma_start3A_282 = tpu.memref_slice %arg6[%add3A_280, %dma_start3A_281] : memref<416x128xf32, #tpu.memory_space<vmem>> -> memref<1x16xf32, #tpu.memory_space<vmem>>
      %dma_start3A_283 = tpu.memref_squeeze %dma_start3A_282 : memref<1x16xf32, #tpu.memory_space<vmem>> -> memref<16xf32, #tpu.memory_space<vmem>>
      %dma_start3A_284 = arith.constant 0 : i32
      %dma_start3A_285 = tpu.memref_slice %arg2[%squeeze3A_276, %squeeze3A_278, %dma_start3A_284] : memref<325000x8x16xf32, #tpu.memory_space<hbm>> -> memref<1x1x16xf32, #tpu.memory_space<hbm>>
      %dma_start3A_286 = tpu.memref_squeeze %dma_start3A_285 : memref<1x1x16xf32, #tpu.memory_space<hbm>> -> memref<16xf32, #tpu.memory_space<hbm>>
      %dma_start3A_287 = arith.constant 80 : i32
      %dma_start3A_288 = tpu.memref_slice %arg6[%add3A_280, %dma_start3A_287] : memref<416x128xf32, #tpu.memory_space<vmem>> -> memref<1x16xf32, #tpu.memory_space<vmem>>
      %dma_start3A_289 = tpu.memref_squeeze %dma_start3A_288 : memref<1x16xf32, #tpu.memory_space<vmem>> -> memref<16xf32, #tpu.memory_space<vmem>>
      %dma_start3A_290 = arith.constant 0 : i32
      %dma_start3A_291 = tpu.memref_slice %arg2[%squeeze3A_276, %squeeze3A_278, %dma_start3A_290] : memref<325000x8x16xf32, #tpu.memory_space<hbm>> -> memref<1x1x16xf32, #tpu.memory_space<hbm>>
      %dma_start3A_292 = tpu.memref_squeeze %dma_start3A_291 : memref<1x1x16xf32, #tpu.memory_space<hbm>> -> memref<16xf32, #tpu.memory_space<hbm>>
      tpu.enqueue_dma source(%dma_start3A_292 : memref<16xf32, #tpu.memory_space<hbm>>) target(%dma_start3A_289 : memref<16xf32, #tpu.memory_space<vmem>>) target_semaphore(%arg7 : memref<!tpu.dma_semaphore, #tpu.memory_space<semaphore_mem>>)
      %slice3A_293 = vector.extract_strided_slice %shift_right_arithmetic3A_18 {offsets = [14], sizes = [1], strides = [1]} : vector<16xi32> to vector<1xi32>
      %squeeze3A_294 = vector.extract %slice3A_293[0] : i32 from vector<1xi32>
      %slice3A_295 = vector.extract_strided_slice %and3A_21 {offsets = [14], sizes = [1], strides = [1]} : vector<16xi32> to vector<1xi32>
      %squeeze3A_296 = vector.extract %slice3A_295[0] : i32 from vector<1xi32>
      %add3A_297 = arith.constant 1 : i32
      %add3A_298 = arith.addi %select_n3A, %add3A_297 : i32
      %dma_start3A_299 = arith.constant 96 : i32
      %dma_start3A_300 = tpu.memref_slice %arg6[%add3A_298, %dma_start3A_299] : memref<416x128xf32, #tpu.memory_space<vmem>> -> memref<1x16xf32, #tpu.memory_space<vmem>>
      %dma_start3A_301 = tpu.memref_squeeze %dma_start3A_300 : memref<1x16xf32, #tpu.memory_space<vmem>> -> memref<16xf32, #tpu.memory_space<vmem>>
      %dma_start3A_302 = arith.constant 0 : i32
      %dma_start3A_303 = tpu.memref_slice %arg2[%squeeze3A_294, %squeeze3A_296, %dma_start3A_302] : memref<325000x8x16xf32, #tpu.memory_space<hbm>> -> memref<1x1x16xf32, #tpu.memory_space<hbm>>
      %dma_start3A_304 = tpu.memref_squeeze %dma_start3A_303 : memref<1x1x16xf32, #tpu.memory_space<hbm>> -> memref<16xf32, #tpu.memory_space<hbm>>
      %dma_start3A_305 = arith.constant 96 : i32
      %dma_start3A_306 = tpu.memref_slice %arg6[%add3A_298, %dma_start3A_305] : memref<416x128xf32, #tpu.memory_space<vmem>> -> memref<1x16xf32, #tpu.memory_space<vmem>>
      %dma_start3A_307 = tpu.memref_squeeze %dma_start3A_306 : memref<1x16xf32, #tpu.memory_space<vmem>> -> memref<16xf32, #tpu.memory_space<vmem>>
      %dma_start3A_308 = arith.constant 0 : i32
      %dma_start3A_309 = tpu.memref_slice %arg2[%squeeze3A_294, %squeeze3A_296, %dma_start3A_308] : memref<325000x8x16xf32, #tpu.memory_space<hbm>> -> memref<1x1x16xf32, #tpu.memory_space<hbm>>
      %dma_start3A_310 = tpu.memref_squeeze %dma_start3A_309 : memref<1x1x16xf32, #tpu.memory_space<hbm>> -> memref<16xf32, #tpu.memory_space<hbm>>
      tpu.enqueue_dma source(%dma_start3A_310 : memref<16xf32, #tpu.memory_space<hbm>>) target(%dma_start3A_307 : memref<16xf32, #tpu.memory_space<vmem>>) target_semaphore(%arg7 : memref<!tpu.dma_semaphore, #tpu.memory_space<semaphore_mem>>)
      %slice3A_311 = vector.extract_strided_slice %shift_right_arithmetic3A_18 {offsets = [15], sizes = [1], strides = [1]} : vector<16xi32> to vector<1xi32>
      %squeeze3A_312 = vector.extract %slice3A_311[0] : i32 from vector<1xi32>
      %slice3A_313 = vector.extract_strided_slice %and3A_21 {offsets = [15], sizes = [1], strides = [1]} : vector<16xi32> to vector<1xi32>
      %squeeze3A_314 = vector.extract %slice3A_313[0] : i32 from vector<1xi32>
      %add3A_315 = arith.constant 1 : i32
      %add3A_316 = arith.addi %select_n3A, %add3A_315 : i32
      %dma_start3A_317 = arith.constant 112 : i32
      %dma_start3A_318 = tpu.memref_slice %arg6[%add3A_316, %dma_start3A_317] : memref<416x128xf32, #tpu.memory_space<vmem>> -> memref<1x16xf32, #tpu.memory_space<vmem>>
      %dma_start3A_319 = tpu.memref_squeeze %dma_start3A_318 : memref<1x16xf32, #tpu.memory_space<vmem>> -> memref<16xf32, #tpu.memory_space<vmem>>
      %dma_start3A_320 = arith.constant 0 : i32
      %dma_start3A_321 = tpu.memref_slice %arg2[%squeeze3A_312, %squeeze3A_314, %dma_start3A_320] : memref<325000x8x16xf32, #tpu.memory_space<hbm>> -> memref<1x1x16xf32, #tpu.memory_space<hbm>>
      %dma_start3A_322 = tpu.memref_squeeze %dma_start3A_321 : memref<1x1x16xf32, #tpu.memory_space<hbm>> -> memref<16xf32, #tpu.memory_space<hbm>>
      %dma_start3A_323 = arith.constant 112 : i32
      %dma_start3A_324 = tpu.memref_slice %arg6[%add3A_316, %dma_start3A_323] : memref<416x128xf32, #tpu.memory_space<vmem>> -> memref<1x16xf32, #tpu.memory_space<vmem>>
      %dma_start3A_325 = tpu.memref_squeeze %dma_start3A_324 : memref<1x16xf32, #tpu.memory_space<vmem>> -> memref<16xf32, #tpu.memory_space<vmem>>
      %dma_start3A_326 = arith.constant 0 : i32
      %dma_start3A_327 = tpu.memref_slice %arg2[%squeeze3A_312, %squeeze3A_314, %dma_start3A_326] : memref<325000x8x16xf32, #tpu.memory_space<hbm>> -> memref<1x1x16xf32, #tpu.memory_space<hbm>>
      %dma_start3A_328 = tpu.memref_squeeze %dma_start3A_327 : memref<1x1x16xf32, #tpu.memory_space<hbm>> -> memref<16xf32, #tpu.memory_space<hbm>>
      tpu.enqueue_dma source(%dma_start3A_328 : memref<16xf32, #tpu.memory_space<hbm>>) target(%dma_start3A_325 : memref<16xf32, #tpu.memory_space<vmem>>) target_semaphore(%arg7 : memref<!tpu.dma_semaphore, #tpu.memory_space<semaphore_mem>>)
      %add3A_329 = arith.constant 16 : i32
      %add3A_330 = arith.addi %mul3A_10, %add3A_329 : i32
      %get3A_331 = arith.index_cast %shift_right_arithmetic3A_7 : i32 to index
      %get3A_332 = arith.index_cast %add3A_330 : i32 to index
      %get3A_333 = tpu.vector_load %arg5[%get3A_331, %get3A_332] {strides = array<i32>} : memref<26x128xi32, #tpu.memory_space<vmem>>, vector<1x16xi32>,
      %get3A_334 = vector.shape_cast %get3A_333 : vector<1x16xi32> to vector<1x16xi32>
      %squeeze3A_335 = vector.shape_cast %get3A_334 : vector<1x16xi32> to vector<16xi32>
      %shift_right_arithmetic3A_336 = arith.constant 3 : i32
      %shift_right_arithmetic3A_337 = vector.broadcast %shift_right_arithmetic3A_336 : i32 to vector<16xi32>
      %shift_right_arithmetic3A_338 = arith.shrsi %squeeze3A_335, %shift_right_arithmetic3A_337 : vector<16xi32>
      %and3A_339 = arith.constant 7 : i32
      %and3A_340 = vector.broadcast %and3A_339 : i32 to vector<16xi32>
      %and3A_341 = arith.andi %squeeze3A_335, %and3A_340 : vector<16xi32>
      %mul3A_342 = arith.constant 64 : i32
      %mul3A_343 = arith.muli %scan3A_6, %mul3A_342 : i32
      %add3A_344 = arith.constant 16 : i32
      %add3A_345 = arith.addi %mul3A_343, %add3A_344 : i32
      %jit3A_346 = arith.constant 8 : i32
      %div3A_347 = arith.divsi %add3A_345, %jit3A_346 : i32
      %sign3A_348 = arith.constant 0 : i32
      %sign3A_349 = arith.cmpi sgt, %add3A_345, %sign3A_348 : i32
      %sign3A_350 = arith.extui %sign3A_349 : i1 to i32
      %sign3A_351 = arith.constant 0 : i32
      %sign3A_352 = arith.cmpi slt, %add3A_345, %sign3A_351 : i32
      %sign3A_353 = arith.extui %sign3A_352 : i1 to i32
      %sign3A_354 = arith.subi %sign3A_350, %sign3A_353 : i32
      %sign3A_355 = arith.constant 0 : i32
      %sign3A_356 = arith.cmpi sgt, %jit3A_346, %sign3A_355 : i32
      %sign3A_357 = arith.extui %sign3A_356 : i1 to i32
      %sign3A_358 = arith.constant 0 : i32
      %sign3A_359 = arith.cmpi slt, %jit3A_346, %sign3A_358 : i32
      %sign3A_360 = arith.extui %sign3A_359 : i1 to i32
      %sign3A_361 = arith.subi %sign3A_357, %sign3A_360 : i32
      %ne3A_362 = arith.cmpi ne, %sign3A_354, %sign3A_361 : i32
      %rem3A_363 = arith.remsi %add3A_345, %jit3A_346 : i32
      %ne3A_364 = arith.constant 0 : i32
      %ne3A_365 = arith.cmpi ne, %rem3A_363, %ne3A_364 : i32
      %and3A_366 = arith.andi %ne3A_362, %ne3A_365 : i1
      %sub3A_367 = arith.constant 1 : i32
      %sub3A_368 = arith.subi %div3A_347, %sub3A_367 : i32
      %select_n3A_369 = arith.select %and3A_366, %sub3A_368, %div3A_347 : i32
      %slice3A_370 = vector.extract_strided_slice %shift_right_arithmetic3A_338 {offsets = [0], sizes = [1], strides = [1]} : vector<16xi32> to vector<1xi32>
      %squeeze3A_371 = vector.extract %slice3A_370[0] : i32 from vector<1xi32>
      %slice3A_372 = vector.extract_strided_slice %and3A_341 {offsets = [0], sizes = [1], strides = [1]} : vector<16xi32> to vector<1xi32>
      %squeeze3A_373 = vector.extract %slice3A_372[0] : i32 from vector<1xi32>
      %add3A_374 = arith.constant 0 : i32
      %add3A_375 = arith.addi %select_n3A_369, %add3A_374 : i32
      %dma_start3A_376 = arith.constant 0 : i32
      %dma_start3A_377 = tpu.memref_slice %arg6[%add3A_375, %dma_start3A_376] : memref<416x128xf32, #tpu.memory_space<vmem>> -> memref<1x16xf32, #tpu.memory_space<vmem>>
      %dma_start3A_378 = tpu.memref_squeeze %dma_start3A_377 : memref<1x16xf32, #tpu.memory_space<vmem>> -> memref<16xf32, #tpu.memory_space<vmem>>
      %dma_start3A_379 = arith.constant 0 : i32
      %dma_start3A_380 = tpu.memref_slice %arg2[%squeeze3A_371, %squeeze3A_373, %dma_start3A_379] : memref<325000x8x16xf32, #tpu.memory_space<hbm>> -> memref<1x1x16xf32, #tpu.memory_space<hbm>>
      %dma_start3A_381 = tpu.memref_squeeze %dma_start3A_380 : memref<1x1x16xf32, #tpu.memory_space<hbm>> -> memref<16xf32, #tpu.memory_space<hbm>>
      %dma_start3A_382 = arith.constant 0 : i32
      %dma_start3A_383 = tpu.memref_slice %arg6[%add3A_375, %dma_start3A_382] : memref<416x128xf32, #tpu.memory_space<vmem>> -> memref<1x16xf32, #tpu.memory_space<vmem>>
      %dma_start3A_384 = tpu.memref_squeeze %dma_start3A_383 : memref<1x16xf32, #tpu.memory_space<vmem>> -> memref<16xf32, #tpu.memory_space<vmem>>
      %dma_start3A_385 = arith.constant 0 : i32
      %dma_start3A_386 = tpu.memref_slice %arg2[%squeeze3A_371, %squeeze3A_373, %dma_start3A_385] : memref<325000x8x16xf32, #tpu.memory_space<hbm>> -> memref<1x1x16xf32, #tpu.memory_space<hbm>>
      %dma_start3A_387 = tpu.memref_squeeze %dma_start3A_386 : memref<1x1x16xf32, #tpu.memory_space<hbm>> -> memref<16xf32, #tpu.memory_space<hbm>>
      tpu.enqueue_dma source(%dma_start3A_387 : memref<16xf32, #tpu.memory_space<hbm>>) target(%dma_start3A_384 : memref<16xf32, #tpu.memory_space<vmem>>) target_semaphore(%arg7 : memref<!tpu.dma_semaphore, #tpu.memory_space<semaphore_mem>>)
      %slice3A_388 = vector.extract_strided_slice %shift_right_arithmetic3A_338 {offsets = [1], sizes = [1], strides = [1]} : vector<16xi32> to vector<1xi32>
      %squeeze3A_389 = vector.extract %slice3A_388[0] : i32 from vector<1xi32>
      %slice3A_390 = vector.extract_strided_slice %and3A_341 {offsets = [1], sizes = [1], strides = [1]} : vector<16xi32> to vector<1xi32>
      %squeeze3A_391 = vector.extract %slice3A_390[0] : i32 from vector<1xi32>
      %add3A_392 = arith.constant 0 : i32
      %add3A_393 = arith.addi %select_n3A_369, %add3A_392 : i32
      %dma_start3A_394 = arith.constant 16 : i32
      %dma_start3A_395 = tpu.memref_slice %arg6[%add3A_393, %dma_start3A_394] : memref<416x128xf32, #tpu.memory_space<vmem>> -> memref<1x16xf32, #tpu.memory_space<vmem>>
      %dma_start3A_396 = tpu.memref_squeeze %dma_start3A_395 : memref<1x16xf32, #tpu.memory_space<vmem>> -> memref<16xf32, #tpu.memory_space<vmem>>
      %dma_start3A_397 = arith.constant 0 : i32
      %dma_start3A_398 = tpu.memref_slice %arg2[%squeeze3A_389, %squeeze3A_391, %dma_start3A_397] : memref<325000x8x16xf32, #tpu.memory_space<hbm>> -> memref<1x1x16xf32, #tpu.memory_space<hbm>>
      %dma_start3A_399 = tpu.memref_squeeze %dma_start3A_398 : memref<1x1x16xf32, #tpu.memory_space<hbm>> -> memref<16xf32, #tpu.memory_space<hbm>>
      %dma_start3A_400 = arith.constant 16 : i32
      %dma_start3A_401 = tpu.memref_slice %arg6[%add3A_393, %dma_start3A_400] : memref<416x128xf32, #tpu.memory_space<vmem>> -> memref<1x16xf32, #tpu.memory_space<vmem>>
      %dma_start3A_402 = tpu.memref_squeeze %dma_start3A_401 : memref<1x16xf32, #tpu.memory_space<vmem>> -> memref<16xf32, #tpu.memory_space<vmem>>
      %dma_start3A_403 = arith.constant 0 : i32
      %dma_start3A_404 = tpu.memref_slice %arg2[%squeeze3A_389, %squeeze3A_391, %dma_start3A_403] : memref<325000x8x16xf32, #tpu.memory_space<hbm>> -> memref<1x1x16xf32, #tpu.memory_space<hbm>>
      %dma_start3A_405 = tpu.memref_squeeze %dma_start3A_404 : memref<1x1x16xf32, #tpu.memory_space<hbm>> -> memref<16xf32, #tpu.memory_space<hbm>>
      tpu.enqueue_dma source(%dma_start3A_405 : memref<16xf32, #tpu.memory_space<hbm>>) target(%dma_start3A_402 : memref<16xf32, #tpu.memory_space<vmem>>) target_semaphore(%arg7 : memref<!tpu.dma_semaphore, #tpu.memory_space<semaphore_mem>>)
      %slice3A_406 = vector.extract_strided_slice %shift_right_arithmetic3A_338 {offsets = [2], sizes = [1], strides = [1]} : vector<16xi32> to vector<1xi32>
      %squeeze3A_407 = vector.extract %slice3A_406[0] : i32 from vector<1xi32>
      %slice3A_408 = vector.extract_strided_slice %and3A_341 {offsets = [2], sizes = [1], strides = [1]} : vector<16xi32> to vector<1xi32>
      %squeeze3A_409 = vector.extract %slice3A_408[0] : i32 from vector<1xi32>
      %add3A_410 = arith.constant 0 : i32
      %add3A_411 = arith.addi %select_n3A_369, %add3A_410 : i32
      %dma_start3A_412 = arith.constant 32 : i32
      %dma_start3A_413 = tpu.memref_slice %arg6[%add3A_411, %dma_start3A_412] : memref<416x128xf32, #tpu.memory_space<vmem>> -> memref<1x16xf32, #tpu.memory_space<vmem>>
      %dma_start3A_414 = tpu.memref_squeeze %dma_start3A_413 : memref<1x16xf32, #tpu.memory_space<vmem>> -> memref<16xf32, #tpu.memory_space<vmem>>
      %dma_start3A_415 = arith.constant 0 : i32
      %dma_start3A_416 = tpu.memref_slice %arg2[%squeeze3A_407, %squeeze3A_409, %dma_start3A_415] : memref<325000x8x16xf32, #tpu.memory_space<hbm>> -> memref<1x1x16xf32, #tpu.memory_space<hbm>>
      %dma_start3A_417 = tpu.memref_squeeze %dma_start3A_416 : memref<1x1x16xf32, #tpu.memory_space<hbm>> -> memref<16xf32, #tpu.memory_space<hbm>>
      %dma_start3A_418 = arith.constant 32 : i32
      %dma_start3A_419 = tpu.memref_slice %arg6[%add3A_411, %dma_start3A_418] : memref<416x128xf32, #tpu.memory_space<vmem>> -> memref<1x16xf32, #tpu.memory_space<vmem>>
      %dma_start3A_420 = tpu.memref_squeeze %dma_start3A_419 : memref<1x16xf32, #tpu.memory_space<vmem>> -> memref<16xf32, #tpu.memory_space<vmem>>
      %dma_start3A_421 = arith.constant 0 : i32
      %dma_start3A_422 = tpu.memref_slice %arg2[%squeeze3A_407, %squeeze3A_409, %dma_start3A_421] : memref<325000x8x16xf32, #tpu.memory_space<hbm>> -> memref<1x1x16xf32, #tpu.memory_space<hbm>>
      %dma_start3A_423 = tpu.memref_squeeze %dma_start3A_422 : memref<1x1x16xf32, #tpu.memory_space<hbm>> -> memref<16xf32, #tpu.memory_space<hbm>>
      tpu.enqueue_dma source(%dma_start3A_423 : memref<16xf32, #tpu.memory_space<hbm>>) target(%dma_start3A_420 : memref<16xf32, #tpu.memory_space<vmem>>) target_semaphore(%arg7 : memref<!tpu.dma_semaphore, #tpu.memory_space<semaphore_mem>>)
      %slice3A_424 = vector.extract_strided_slice %shift_right_arithmetic3A_338 {offsets = [3], sizes = [1], strides = [1]} : vector<16xi32> to vector<1xi32>
      %squeeze3A_425 = vector.extract %slice3A_424[0] : i32 from vector<1xi32>
      %slice3A_426 = vector.extract_strided_slice %and3A_341 {offsets = [3], sizes = [1], strides = [1]} : vector<16xi32> to vector<1xi32>
      %squeeze3A_427 = vector.extract %slice3A_426[0] : i32 from vector<1xi32>
      %add3A_428 = arith.constant 0 : i32
      %add3A_429 = arith.addi %select_n3A_369, %add3A_428 : i32
      %dma_start3A_430 = arith.constant 48 : i32
      %dma_start3A_431 = tpu.memref_slice %arg6[%add3A_429, %dma_start3A_430] : memref<416x128xf32, #tpu.memory_space<vmem>> -> memref<1x16xf32, #tpu.memory_space<vmem>>
      %dma_start3A_432 = tpu.memref_squeeze %dma_start3A_431 : memref<1x16xf32, #tpu.memory_space<vmem>> -> memref<16xf32, #tpu.memory_space<vmem>>
      %dma_start3A_433 = arith.constant 0 : i32
      %dma_start3A_434 = tpu.memref_slice %arg2[%squeeze3A_425, %squeeze3A_427, %dma_start3A_433] : memref<325000x8x16xf32, #tpu.memory_space<hbm>> -> memref<1x1x16xf32, #tpu.memory_space<hbm>>
      %dma_start3A_435 = tpu.memref_squeeze %dma_start3A_434 : memref<1x1x16xf32, #tpu.memory_space<hbm>> -> memref<16xf32, #tpu.memory_space<hbm>>
      %dma_start3A_436 = arith.constant 48 : i32
      %dma_start3A_437 = tpu.memref_slice %arg6[%add3A_429, %dma_start3A_436] : memref<416x128xf32, #tpu.memory_space<vmem>> -> memref<1x16xf32, #tpu.memory_space<vmem>>
      %dma_start3A_438 = tpu.memref_squeeze %dma_start3A_437 : memref<1x16xf32, #tpu.memory_space<vmem>> -> memref<16xf32, #tpu.memory_space<vmem>>
      %dma_start3A_439 = arith.constant 0 : i32
      %dma_start3A_440 = tpu.memref_slice %arg2[%squeeze3A_425, %squeeze3A_427, %dma_start3A_439] : memref<325000x8x16xf32, #tpu.memory_space<hbm>> -> memref<1x1x16xf32, #tpu.memory_space<hbm>>
      %dma_start3A_441 = tpu.memref_squeeze %dma_start3A_440 : memref<1x1x16xf32, #tpu.memory_space<hbm>> -> memref<16xf32, #tpu.memory_space<hbm>>
      tpu.enqueue_dma source(%dma_start3A_441 : memref<16xf32, #tpu.memory_space<hbm>>) target(%dma_start3A_438 : memref<16xf32, #tpu.memory_space<vmem>>) target_semaphore(%arg7 : memref<!tpu.dma_semaphore, #tpu.memory_space<semaphore_mem>>)
      %slice3A_442 = vector.extract_strided_slice %shift_right_arithmetic3A_338 {offsets = [4], sizes = [1], strides = [1]} : vector<16xi32> to vector<1xi32>
      %squeeze3A_443 = vector.extract %slice3A_442[0] : i32 from vector<1xi32>
      %slice3A_444 = vector.extract_strided_slice %and3A_341 {offsets = [4], sizes = [1], strides = [1]} : vector<16xi32> to vector<1xi32>
      %squeeze3A_445 = vector.extract %slice3A_444[0] : i32 from vector<1xi32>
      %add3A_446 = arith.constant 0 : i32
      %add3A_447 = arith.addi %select_n3A_369, %add3A_446 : i32
      %dma_start3A_448 = arith.constant 64 : i32
      %dma_start3A_449 = tpu.memref_slice %arg6[%add3A_447, %dma_start3A_448] : memref<416x128xf32, #tpu.memory_space<vmem>> -> memref<1x16xf32, #tpu.memory_space<vmem>>
      %dma_start3A_450 = tpu.memref_squeeze %dma_start3A_449 : memref<1x16xf32, #tpu.memory_space<vmem>> -> memref<16xf32, #tpu.memory_space<vmem>>
      %dma_start3A_451 = arith.constant 0 : i32
      %dma_start3A_452 = tpu.memref_slice %arg2[%squeeze3A_443, %squeeze3A_445, %dma_start3A_451] : memref<325000x8x16xf32, #tpu.memory_space<hbm>> -> memref<1x1x16xf32, #tpu.memory_space<hbm>>
      %dma_start3A_453 = tpu.memref_squeeze %dma_start3A_452 : memref<1x1x16xf32, #tpu.memory_space<hbm>> -> memref<16xf32, #tpu.memory_space<hbm>>
      %dma_start3A_454 = arith.constant 64 : i32
      %dma_start3A_455 = tpu.memref_slice %arg6[%add3A_447, %dma_start3A_454] : memref<416x128xf32, #tpu.memory_space<vmem>> -> memref<1x16xf32, #tpu.memory_space<vmem>>
      %dma_start3A_456 = tpu.memref_squeeze %dma_start3A_455 : memref<1x16xf32, #tpu.memory_space<vmem>> -> memref<16xf32, #tpu.memory_space<vmem>>
      %dma_start3A_457 = arith.constant 0 : i32
      %dma_start3A_458 = tpu.memref_slice %arg2[%squeeze3A_443, %squeeze3A_445, %dma_start3A_457] : memref<325000x8x16xf32, #tpu.memory_space<hbm>> -> memref<1x1x16xf32, #tpu.memory_space<hbm>>
      %dma_start3A_459 = tpu.memref_squeeze %dma_start3A_458 : memref<1x1x16xf32, #tpu.memory_space<hbm>> -> memref<16xf32, #tpu.memory_space<hbm>>
      tpu.enqueue_dma source(%dma_start3A_459 : memref<16xf32, #tpu.memory_space<hbm>>) target(%dma_start3A_456 : memref<16xf32, #tpu.memory_space<vmem>>) target_semaphore(%arg7 : memref<!tpu.dma_semaphore, #tpu.memory_space<semaphore_mem>>)
      %slice3A_460 = vector.extract_strided_slice %shift_right_arithmetic3A_338 {offsets = [5], sizes = [1], strides = [1]} : vector<16xi32> to vector<1xi32>
      %squeeze3A_461 = vector.extract %slice3A_460[0] : i32 from vector<1xi32>
      %slice3A_462 = vector.extract_strided_slice %and3A_341 {offsets = [5], sizes = [1], strides = [1]} : vector<16xi32> to vector<1xi32>
      %squeeze3A_463 = vector.extract %slice3A_462[0] : i32 from vector<1xi32>
      %add3A_464 = arith.constant 0 : i32
      %add3A_465 = arith.addi %select_n3A_369, %add3A_464 : i32
      %dma_start3A_466 = arith.constant 80 : i32
      %dma_start3A_467 = tpu.memref_slice %arg6[%add3A_465, %dma_start3A_466] : memref<416x128xf32, #tpu.memory_space<vmem>> -> memref<1x16xf32, #tpu.memory_space<vmem>>
      %dma_start3A_468 = tpu.memref_squeeze %dma_start3A_467 : memref<1x16xf32, #tpu.memory_space<vmem>> -> memref<16xf32, #tpu.memory_space<vmem>>
      %dma_start3A_469 = arith.constant 0 : i32
      %dma_start3A_470 = tpu.memref_slice %arg2[%squeeze3A_461, %squeeze3A_463, %dma_start3A_469] : memref<325000x8x16xf32, #tpu.memory_space<hbm>> -> memref<1x1x16xf32, #tpu.memory_space<hbm>>
      %dma_start3A_471 = tpu.memref_squeeze %dma_start3A_470 : memref<1x1x16xf32, #tpu.memory_space<hbm>> -> memref<16xf32, #tpu.memory_space<hbm>>
      %dma_start3A_472 = arith.constant 80 : i32
      %dma_start3A_473 = tpu.memref_slice %arg6[%add3A_465, %dma_start3A_472] : memref<416x128xf32, #tpu.memory_space<vmem>> -> memref<1x16xf32, #tpu.memory_space<vmem>>
      %dma_start3A_474 = tpu.memref_squeeze %dma_start3A_473 : memref<1x16xf32, #tpu.memory_space<vmem>> -> memref<16xf32, #tpu.memory_space<vmem>>
      %dma_start3A_475 = arith.constant 0 : i32
      %dma_start3A_476 = tpu.memref_slice %arg2[%squeeze3A_461, %squeeze3A_463, %dma_start3A_475] : memref<325000x8x16xf32, #tpu.memory_space<hbm>> -> memref<1x1x16xf32, #tpu.memory_space<hbm>>
      %dma_start3A_477 = tpu.memref_squeeze %dma_start3A_476 : memref<1x1x16xf32, #tpu.memory_space<hbm>> -> memref<16xf32, #tpu.memory_space<hbm>>
      tpu.enqueue_dma source(%dma_start3A_477 : memref<16xf32, #tpu.memory_space<hbm>>) target(%dma_start3A_474 : memref<16xf32, #tpu.memory_space<vmem>>) target_semaphore(%arg7 : memref<!tpu.dma_semaphore, #tpu.memory_space<semaphore_mem>>)
      %slice3A_478 = vector.extract_strided_slice %shift_right_arithmetic3A_338 {offsets = [6], sizes = [1], strides = [1]} : vector<16xi32> to vector<1xi32>
      %squeeze3A_479 = vector.extract %slice3A_478[0] : i32 from vector<1xi32>
      %slice3A_480 = vector.extract_strided_slice %and3A_341 {offsets = [6], sizes = [1], strides = [1]} : vector<16xi32> to vector<1xi32>
      %squeeze3A_481 = vector.extract %slice3A_480[0] : i32 from vector<1xi32>
      %add3A_482 = arith.constant 0 : i32
      %add3A_483 = arith.addi %select_n3A_369, %add3A_482 : i32
      %dma_start3A_484 = arith.constant 96 : i32
      %dma_start3A_485 = tpu.memref_slice %arg6[%add3A_483, %dma_start3A_484] : memref<416x128xf32, #tpu.memory_space<vmem>> -> memref<1x16xf32, #tpu.memory_space<vmem>>
      %dma_start3A_486 = tpu.memref_squeeze %dma_start3A_485 : memref<1x16xf32, #tpu.memory_space<vmem>> -> memref<16xf32, #tpu.memory_space<vmem>>
      %dma_start3A_487 = arith.constant 0 : i32
      %dma_start3A_488 = tpu.memref_slice %arg2[%squeeze3A_479, %squeeze3A_481, %dma_start3A_487] : memref<325000x8x16xf32, #tpu.memory_space<hbm>> -> memref<1x1x16xf32, #tpu.memory_space<hbm>>
      %dma_start3A_489 = tpu.memref_squeeze %dma_start3A_488 : memref<1x1x16xf32, #tpu.memory_space<hbm>> -> memref<16xf32, #tpu.memory_space<hbm>>
      %dma_start3A_490 = arith.constant 96 : i32
      %dma_start3A_491 = tpu.memref_slice %arg6[%add3A_483, %dma_start3A_490] : memref<416x128xf32, #tpu.memory_space<vmem>> -> memref<1x16xf32, #tpu.memory_space<vmem>>
      %dma_start3A_492 = tpu.memref_squeeze %dma_start3A_491 : memref<1x16xf32, #tpu.memory_space<vmem>> -> memref<16xf32, #tpu.memory_space<vmem>>
      %dma_start3A_493 = arith.constant 0 : i32
      %dma_start3A_494 = tpu.memref_slice %arg2[%squeeze3A_479, %squeeze3A_481, %dma_start3A_493] : memref<325000x8x16xf32, #tpu.memory_space<hbm>> -> memref<1x1x16xf32, #tpu.memory_space<hbm>>
      %dma_start3A_495 = tpu.memref_squeeze %dma_start3A_494 : memref<1x1x16xf32, #tpu.memory_space<hbm>> -> memref<16xf32, #tpu.memory_space<hbm>>
      tpu.enqueue_dma source(%dma_start3A_495 : memref<16xf32, #tpu.memory_space<hbm>>) target(%dma_start3A_492 : memref<16xf32, #tpu.memory_space<vmem>>) target_semaphore(%arg7 : memref<!tpu.dma_semaphore, #tpu.memory_space<semaphore_mem>>)
      %slice3A_496 = vector.extract_strided_slice %shift_right_arithmetic3A_338 {offsets = [7], sizes = [1], strides = [1]} : vector<16xi32> to vector<1xi32>
      %squeeze3A_497 = vector.extract %slice3A_496[0] : i32 from vector<1xi32>
      %slice3A_498 = vector.extract_strided_slice %and3A_341 {offsets = [7], sizes = [1], strides = [1]} : vector<16xi32> to vector<1xi32>
      %squeeze3A_499 = vector.extract %slice3A_498[0] : i32 from vector<1xi32>
      %add3A_500 = arith.constant 0 : i32
      %add3A_501 = arith.addi %select_n3A_369, %add3A_500 : i32
      %dma_start3A_502 = arith.constant 112 : i32
      %dma_start3A_503 = tpu.memref_slice %arg6[%add3A_501, %dma_start3A_502] : memref<416x128xf32, #tpu.memory_space<vmem>> -> memref<1x16xf32, #tpu.memory_space<vmem>>
      %dma_start3A_504 = tpu.memref_squeeze %dma_start3A_503 : memref<1x16xf32, #tpu.memory_space<vmem>> -> memref<16xf32, #tpu.memory_space<vmem>>
      %dma_start3A_505 = arith.constant 0 : i32
      %dma_start3A_506 = tpu.memref_slice %arg2[%squeeze3A_497, %squeeze3A_499, %dma_start3A_505] : memref<325000x8x16xf32, #tpu.memory_space<hbm>> -> memref<1x1x16xf32, #tpu.memory_space<hbm>>
      %dma_start3A_507 = tpu.memref_squeeze %dma_start3A_506 : memref<1x1x16xf32, #tpu.memory_space<hbm>> -> memref<16xf32, #tpu.memory_space<hbm>>
      %dma_start3A_508 = arith.constant 112 : i32
      %dma_start3A_509 = tpu.memref_slice %arg6[%add3A_501, %dma_start3A_508] : memref<416x128xf32, #tpu.memory_space<vmem>> -> memref<1x16xf32, #tpu.memory_space<vmem>>
      %dma_start3A_510 = tpu.memref_squeeze %dma_start3A_509 : memref<1x16xf32, #tpu.memory_space<vmem>> -> memref<16xf32, #tpu.memory_space<vmem>>
      %dma_start3A_511 = arith.constant 0 : i32
      %dma_start3A_512 = tpu.memref_slice %arg2[%squeeze3A_497, %squeeze3A_499, %dma_start3A_511] : memref<325000x8x16xf32, #tpu.memory_space<hbm>> -> memref<1x1x16xf32, #tpu.memory_space<hbm>>
      %dma_start3A_513 = tpu.memref_squeeze %dma_start3A_512 : memref<1x1x16xf32, #tpu.memory_space<hbm>> -> memref<16xf32, #tpu.memory_space<hbm>>
      tpu.enqueue_dma source(%dma_start3A_513 : memref<16xf32, #tpu.memory_space<hbm>>) target(%dma_start3A_510 : memref<16xf32, #tpu.memory_space<vmem>>) target_semaphore(%arg7 : memref<!tpu.dma_semaphore, #tpu.memory_space<semaphore_mem>>)
      %slice3A_514 = vector.extract_strided_slice %shift_right_arithmetic3A_338 {offsets = [8], sizes = [1], strides = [1]} : vector<16xi32> to vector<1xi32>
      %squeeze3A_515 = vector.extract %slice3A_514[0] : i32 from vector<1xi32>
      %slice3A_516 = vector.extract_strided_slice %and3A_341 {offsets = [8], sizes = [1], strides = [1]} : vector<16xi32> to vector<1xi32>
      %squeeze3A_517 = vector.extract %slice3A_516[0] : i32 from vector<1xi32>
      %add3A_518 = arith.constant 1 : i32
      %add3A_519 = arith.addi %select_n3A_369, %add3A_518 : i32
      %dma_start3A_520 = arith.constant 0 : i32
      %dma_start3A_521 = tpu.memref_slice %arg6[%add3A_519, %dma_start3A_520] : memref<416x128xf32, #tpu.memory_space<vmem>> -> memref<1x16xf32, #tpu.memory_space<vmem>>
      %dma_start3A_522 = tpu.memref_squeeze %dma_start3A_521 : memref<1x16xf32, #tpu.memory_space<vmem>> -> memref<16xf32, #tpu.memory_space<vmem>>
      %dma_start3A_523 = arith.constant 0 : i32
      %dma_start3A_524 = tpu.memref_slice %arg2[%squeeze3A_515, %squeeze3A_517, %dma_start3A_523] : memref<325000x8x16xf32, #tpu.memory_space<hbm>> -> memref<1x1x16xf32, #tpu.memory_space<hbm>>
      %dma_start3A_525 = tpu.memref_squeeze %dma_start3A_524 : memref<1x1x16xf32, #tpu.memory_space<hbm>> -> memref<16xf32, #tpu.memory_space<hbm>>
      %dma_start3A_526 = arith.constant 0 : i32
      %dma_start3A_527 = tpu.memref_slice %arg6[%add3A_519, %dma_start3A_526] : memref<416x128xf32, #tpu.memory_space<vmem>> -> memref<1x16xf32, #tpu.memory_space<vmem>>
      %dma_start3A_528 = tpu.memref_squeeze %dma_start3A_527 : memref<1x16xf32, #tpu.memory_space<vmem>> -> memref<16xf32, #tpu.memory_space<vmem>>
      %dma_start3A_529 = arith.constant 0 : i32
      %dma_start3A_530 = tpu.memref_slice %arg2[%squeeze3A_515, %squeeze3A_517, %dma_start3A_529] : memref<325000x8x16xf32, #tpu.memory_space<hbm>> -> memref<1x1x16xf32, #tpu.memory_space<hbm>>
      %dma_start3A_531 = tpu.memref_squeeze %dma_start3A_530 : memref<1x1x16xf32, #tpu.memory_space<hbm>> -> memref<16xf32, #tpu.memory_space<hbm>>
      tpu.enqueue_dma source(%dma_start3A_531 : memref<16xf32, #tpu.memory_space<hbm>>) target(%dma_start3A_528 : memref<16xf32, #tpu.memory_space<vmem>>) target_semaphore(%arg7 : memref<!tpu.dma_semaphore, #tpu.memory_space<semaphore_mem>>)
      %slice3A_532 = vector.extract_strided_slice %shift_right_arithmetic3A_338 {offsets = [9], sizes = [1], strides = [1]} : vector<16xi32> to vector<1xi32>
      %squeeze3A_533 = vector.extract %slice3A_532[0] : i32 from vector<1xi32>
      %slice3A_534 = vector.extract_strided_slice %and3A_341 {offsets = [9], sizes = [1], strides = [1]} : vector<16xi32> to vector<1xi32>
      %squeeze3A_535 = vector.extract %slice3A_534[0] : i32 from vector<1xi32>
      %add3A_536 = arith.constant 1 : i32
      %add3A_537 = arith.addi %select_n3A_369, %add3A_536 : i32
      %dma_start3A_538 = arith.constant 16 : i32
      %dma_start3A_539 = tpu.memref_slice %arg6[%add3A_537, %dma_start3A_538] : memref<416x128xf32, #tpu.memory_space<vmem>> -> memref<1x16xf32, #tpu.memory_space<vmem>>
      %dma_start3A_540 = tpu.memref_squeeze %dma_start3A_539 : memref<1x16xf32, #tpu.memory_space<vmem>> -> memref<16xf32, #tpu.memory_space<vmem>>
      %dma_start3A_541 = arith.constant 0 : i32
      %dma_start3A_542 = tpu.memref_slice %arg2[%squeeze3A_533, %squeeze3A_535, %dma_start3A_541] : memref<325000x8x16xf32, #tpu.memory_space<hbm>> -> memref<1x1x16xf32, #tpu.memory_space<hbm>>
      %dma_start3A_543 = tpu.memref_squeeze %dma_start3A_542 : memref<1x1x16xf32, #tpu.memory_space<hbm>> -> memref<16xf32, #tpu.memory_space<hbm>>
      %dma_start3A_544 = arith.constant 16 : i32
      %dma_start3A_545 = tpu.memref_slice %arg6[%add3A_537, %dma_start3A_544] : memref<416x128xf32, #tpu.memory_space<vmem>> -> memref<1x16xf32, #tpu.memory_space<vmem>>
      %dma_start3A_546 = tpu.memref_squeeze %dma_start3A_545 : memref<1x16xf32, #tpu.memory_space<vmem>> -> memref<16xf32, #tpu.memory_space<vmem>>
      %dma_start3A_547 = arith.constant 0 : i32
      %dma_start3A_548 = tpu.memref_slice %arg2[%squeeze3A_533, %squeeze3A_535, %dma_start3A_547] : memref<325000x8x16xf32, #tpu.memory_space<hbm>> -> memref<1x1x16xf32, #tpu.memory_space<hbm>>
      %dma_start3A_549 = tpu.memref_squeeze %dma_start3A_548 : memref<1x1x16xf32, #tpu.memory_space<hbm>> -> memref<16xf32, #tpu.memory_space<hbm>>
      tpu.enqueue_dma source(%dma_start3A_549 : memref<16xf32, #tpu.memory_space<hbm>>) target(%dma_start3A_546 : memref<16xf32, #tpu.memory_space<vmem>>) target_semaphore(%arg7 : memref<!tpu.dma_semaphore, #tpu.memory_space<semaphore_mem>>)
      %slice3A_550 = vector.extract_strided_slice %shift_right_arithmetic3A_338 {offsets = [10], sizes = [1], strides = [1]} : vector<16xi32> to vector<1xi32>
      %squeeze3A_551 = vector.extract %slice3A_550[0] : i32 from vector<1xi32>
      %slice3A_552 = vector.extract_strided_slice %and3A_341 {offsets = [10], sizes = [1], strides = [1]} : vector<16xi32> to vector<1xi32>
      %squeeze3A_553 = vector.extract %slice3A_552[0] : i32 from vector<1xi32>
      %add3A_554 = arith.constant 1 : i32
      %add3A_555 = arith.addi %select_n3A_369, %add3A_554 : i32
      %dma_start3A_556 = arith.constant 32 : i32
      %dma_start3A_557 = tpu.memref_slice %arg6[%add3A_555, %dma_start3A_556] : memref<416x128xf32, #tpu.memory_space<vmem>> -> memref<1x16xf32, #tpu.memory_space<vmem>>
      %dma_start3A_558 = tpu.memref_squeeze %dma_start3A_557 : memref<1x16xf32, #tpu.memory_space<vmem>> -> memref<16xf32, #tpu.memory_space<vmem>>
      %dma_start3A_559 = arith.constant 0 : i32
      %dma_start3A_560 = tpu.memref_slice %arg2[%squeeze3A_551, %squeeze3A_553, %dma_start3A_559] : memref<325000x8x16xf32, #tpu.memory_space<hbm>> -> memref<1x1x16xf32, #tpu.memory_space<hbm>>
      %dma_start3A_561 = tpu.memref_squeeze %dma_start3A_560 : memref<1x1x16xf32, #tpu.memory_space<hbm>> -> memref<16xf32, #tpu.memory_space<hbm>>
      %dma_start3A_562 = arith.constant 32 : i32
      %dma_start3A_563 = tpu.memref_slice %arg6[%add3A_555, %dma_start3A_562] : memref<416x128xf32, #tpu.memory_space<vmem>> -> memref<1x16xf32, #tpu.memory_space<vmem>>
      %dma_start3A_564 = tpu.memref_squeeze %dma_start3A_563 : memref<1x16xf32, #tpu.memory_space<vmem>> -> memref<16xf32, #tpu.memory_space<vmem>>
      %dma_start3A_565 = arith.constant 0 : i32
      %dma_start3A_566 = tpu.memref_slice %arg2[%squeeze3A_551, %squeeze3A_553, %dma_start3A_565] : memref<325000x8x16xf32, #tpu.memory_space<hbm>> -> memref<1x1x16xf32, #tpu.memory_space<hbm>>
      %dma_start3A_567 = tpu.memref_squeeze %dma_start3A_566 : memref<1x1x16xf32, #tpu.memory_space<hbm>> -> memref<16xf32, #tpu.memory_space<hbm>>
      tpu.enqueue_dma source(%dma_start3A_567 : memref<16xf32, #tpu.memory_space<hbm>>) target(%dma_start3A_564 : memref<16xf32, #tpu.memory_space<vmem>>) target_semaphore(%arg7 : memref<!tpu.dma_semaphore, #tpu.memory_space<semaphore_mem>>)
      %slice3A_568 = vector.extract_strided_slice %shift_right_arithmetic3A_338 {offsets = [11], sizes = [1], strides = [1]} : vector<16xi32> to vector<1xi32>
      %squeeze3A_569 = vector.extract %slice3A_568[0] : i32 from vector<1xi32>
      %slice3A_570 = vector.extract_strided_slice %and3A_341 {offsets = [11], sizes = [1], strides = [1]} : vector<16xi32> to vector<1xi32>
      %squeeze3A_571 = vector.extract %slice3A_570[0] : i32 from vector<1xi32>
      %add3A_572 = arith.constant 1 : i32
      %add3A_573 = arith.addi %select_n3A_369, %add3A_572 : i32
      %dma_start3A_574 = arith.constant 48 : i32
      %dma_start3A_575 = tpu.memref_slice %arg6[%add3A_573, %dma_start3A_574] : memref<416x128xf32, #tpu.memory_space<vmem>> -> memref<1x16xf32, #tpu.memory_space<vmem>>
      %dma_start3A_576 = tpu.memref_squeeze %dma_start3A_575 : memref<1x16xf32, #tpu.memory_space<vmem>> -> memref<16xf32, #tpu.memory_space<vmem>>
      %dma_start3A_577 = arith.constant 0 : i32
      %dma_start3A_578 = tpu.memref_slice %arg2[%squeeze3A_569, %squeeze3A_571, %dma_start3A_577] : memref<325000x8x16xf32, #tpu.memory_space<hbm>> -> memref<1x1x16xf32, #tpu.memory_space<hbm>>
      %dma_start3A_579 = tpu.memref_squeeze %dma_start3A_578 : memref<1x1x16xf32, #tpu.memory_space<hbm>> -> memref<16xf32, #tpu.memory_space<hbm>>
      %dma_start3A_580 = arith.constant 48 : i32
      %dma_start3A_581 = tpu.memref_slice %arg6[%add3A_573, %dma_start3A_580] : memref<416x128xf32, #tpu.memory_space<vmem>> -> memref<1x16xf32, #tpu.memory_space<vmem>>
      %dma_start3A_582 = tpu.memref_squeeze %dma_start3A_581 : memref<1x16xf32, #tpu.memory_space<vmem>> -> memref<16xf32, #tpu.memory_space<vmem>>
      %dma_start3A_583 = arith.constant 0 : i32
      %dma_start3A_584 = tpu.memref_slice %arg2[%squeeze3A_569, %squeeze3A_571, %dma_start3A_583] : memref<325000x8x16xf32, #tpu.memory_space<hbm>> -> memref<1x1x16xf32, #tpu.memory_space<hbm>>
      %dma_start3A_585 = tpu.memref_squeeze %dma_start3A_584 : memref<1x1x16xf32, #tpu.memory_space<hbm>> -> memref<16xf32, #tpu.memory_space<hbm>>
      tpu.enqueue_dma source(%dma_start3A_585 : memref<16xf32, #tpu.memory_space<hbm>>) target(%dma_start3A_582 : memref<16xf32, #tpu.memory_space<vmem>>) target_semaphore(%arg7 : memref<!tpu.dma_semaphore, #tpu.memory_space<semaphore_mem>>)
      %slice3A_586 = vector.extract_strided_slice %shift_right_arithmetic3A_338 {offsets = [12], sizes = [1], strides = [1]} : vector<16xi32> to vector<1xi32>
      %squeeze3A_587 = vector.extract %slice3A_586[0] : i32 from vector<1xi32>
      %slice3A_588 = vector.extract_strided_slice %and3A_341 {offsets = [12], sizes = [1], strides = [1]} : vector<16xi32> to vector<1xi32>
      %squeeze3A_589 = vector.extract %slice3A_588[0] : i32 from vector<1xi32>
      %add3A_590 = arith.constant 1 : i32
      %add3A_591 = arith.addi %select_n3A_369, %add3A_590 : i32
      %dma_start3A_592 = arith.constant 64 : i32
      %dma_start3A_593 = tpu.memref_slice %arg6[%add3A_591, %dma_start3A_592] : memref<416x128xf32, #tpu.memory_space<vmem>> -> memref<1x16xf32, #tpu.memory_space<vmem>>
      %dma_start3A_594 = tpu.memref_squeeze %dma_start3A_593 : memref<1x16xf32, #tpu.memory_space<vmem>> -> memref<16xf32, #tpu.memory_space<vmem>>
      %dma_start3A_595 = arith.constant 0 : i32
      %dma_start3A_596 = tpu.memref_slice %arg2[%squeeze3A_587, %squeeze3A_589, %dma_start3A_595] : memref<325000x8x16xf32, #tpu.memory_space<hbm>> -> memref<1x1x16xf32, #tpu.memory_space<hbm>>
      %dma_start3A_597 = tpu.memref_squeeze %dma_start3A_596 : memref<1x1x16xf32, #tpu.memory_space<hbm>> -> memref<16xf32, #tpu.memory_space<hbm>>
      %dma_start3A_598 = arith.constant 64 : i32
      %dma_start3A_599 = tpu.memref_slice %arg6[%add3A_591, %dma_start3A_598] : memref<416x128xf32, #tpu.memory_space<vmem>> -> memref<1x16xf32, #tpu.memory_space<vmem>>
      %dma_start3A_600 = tpu.memref_squeeze %dma_start3A_599 : memref<1x16xf32, #tpu.memory_space<vmem>> -> memref<16xf32, #tpu.memory_space<vmem>>
      %dma_start3A_601 = arith.constant 0 : i32
      %dma_start3A_602 = tpu.memref_slice %arg2[%squeeze3A_587, %squeeze3A_589, %dma_start3A_601] : memref<325000x8x16xf32, #tpu.memory_space<hbm>> -> memref<1x1x16xf32, #tpu.memory_space<hbm>>
      %dma_start3A_603 = tpu.memref_squeeze %dma_start3A_602 : memref<1x1x16xf32, #tpu.memory_space<hbm>> -> memref<16xf32, #tpu.memory_space<hbm>>
      tpu.enqueue_dma source(%dma_start3A_603 : memref<16xf32, #tpu.memory_space<hbm>>) target(%dma_start3A_600 : memref<16xf32, #tpu.memory_space<vmem>>) target_semaphore(%arg7 : memref<!tpu.dma_semaphore, #tpu.memory_space<semaphore_mem>>)
      %slice3A_604 = vector.extract_strided_slice %shift_right_arithmetic3A_338 {offsets = [13], sizes = [1], strides = [1]} : vector<16xi32> to vector<1xi32>
      %squeeze3A_605 = vector.extract %slice3A_604[0] : i32 from vector<1xi32>
      %slice3A_606 = vector.extract_strided_slice %and3A_341 {offsets = [13], sizes = [1], strides = [1]} : vector<16xi32> to vector<1xi32>
      %squeeze3A_607 = vector.extract %slice3A_606[0] : i32 from vector<1xi32>
      %add3A_608 = arith.constant 1 : i32
      %add3A_609 = arith.addi %select_n3A_369, %add3A_608 : i32
      %dma_start3A_610 = arith.constant 80 : i32
      %dma_start3A_611 = tpu.memref_slice %arg6[%add3A_609, %dma_start3A_610] : memref<416x128xf32, #tpu.memory_space<vmem>> -> memref<1x16xf32, #tpu.memory_space<vmem>>
      %dma_start3A_612 = tpu.memref_squeeze %dma_start3A_611 : memref<1x16xf32, #tpu.memory_space<vmem>> -> memref<16xf32, #tpu.memory_space<vmem>>
      %dma_start3A_613 = arith.constant 0 : i32
      %dma_start3A_614 = tpu.memref_slice %arg2[%squeeze3A_605, %squeeze3A_607, %dma_start3A_613] : memref<325000x8x16xf32, #tpu.memory_space<hbm>> -> memref<1x1x16xf32, #tpu.memory_space<hbm>>
      %dma_start3A_615 = tpu.memref_squeeze %dma_start3A_614 : memref<1x1x16xf32, #tpu.memory_space<hbm>> -> memref<16xf32, #tpu.memory_space<hbm>>
      %dma_start3A_616 = arith.constant 80 : i32
      %dma_start3A_617 = tpu.memref_slice %arg6[%add3A_609, %dma_start3A_616] : memref<416x128xf32, #tpu.memory_space<vmem>> -> memref<1x16xf32, #tpu.memory_space<vmem>>
      %dma_start3A_618 = tpu.memref_squeeze %dma_start3A_617 : memref<1x16xf32, #tpu.memory_space<vmem>> -> memref<16xf32, #tpu.memory_space<vmem>>
      %dma_start3A_619 = arith.constant 0 : i32
      %dma_start3A_620 = tpu.memref_slice %arg2[%squeeze3A_605, %squeeze3A_607, %dma_start3A_619] : memref<325000x8x16xf32, #tpu.memory_space<hbm>> -> memref<1x1x16xf32, #tpu.memory_space<hbm>>
      %dma_start3A_621 = tpu.memref_squeeze %dma_start3A_620 : memref<1x1x16xf32, #tpu.memory_space<hbm>> -> memref<16xf32, #tpu.memory_space<hbm>>
      tpu.enqueue_dma source(%dma_start3A_621 : memref<16xf32, #tpu.memory_space<hbm>>) target(%dma_start3A_618 : memref<16xf32, #tpu.memory_space<vmem>>) target_semaphore(%arg7 : memref<!tpu.dma_semaphore, #tpu.memory_space<semaphore_mem>>)
      %slice3A_622 = vector.extract_strided_slice %shift_right_arithmetic3A_338 {offsets = [14], sizes = [1], strides = [1]} : vector<16xi32> to vector<1xi32>
      %squeeze3A_623 = vector.extract %slice3A_622[0] : i32 from vector<1xi32>
      %slice3A_624 = vector.extract_strided_slice %and3A_341 {offsets = [14], sizes = [1], strides = [1]} : vector<16xi32> to vector<1xi32>
      %squeeze3A_625 = vector.extract %slice3A_624[0] : i32 from vector<1xi32>
      %add3A_626 = arith.constant 1 : i32
      %add3A_627 = arith.addi %select_n3A_369, %add3A_626 : i32
      %dma_start3A_628 = arith.constant 96 : i32
      %dma_start3A_629 = tpu.memref_slice %arg6[%add3A_627, %dma_start3A_628] : memref<416x128xf32, #tpu.memory_space<vmem>> -> memref<1x16xf32, #tpu.memory_space<vmem>>
      %dma_start3A_630 = tpu.memref_squeeze %dma_start3A_629 : memref<1x16xf32, #tpu.memory_space<vmem>> -> memref<16xf32, #tpu.memory_space<vmem>>
      %dma_start3A_631 = arith.constant 0 : i32
      %dma_start3A_632 = tpu.memref_slice %arg2[%squeeze3A_623, %squeeze3A_625, %dma_start3A_631] : memref<325000x8x16xf32, #tpu.memory_space<hbm>> -> memref<1x1x16xf32, #tpu.memory_space<hbm>>
      %dma_start3A_633 = tpu.memref_squeeze %dma_start3A_632 : memref<1x1x16xf32, #tpu.memory_space<hbm>> -> memref<16xf32, #tpu.memory_space<hbm>>
      %dma_start3A_634 = arith.constant 96 : i32
      %dma_start3A_635 = tpu.memref_slice %arg6[%add3A_627, %dma_start3A_634] : memref<416x128xf32, #tpu.memory_space<vmem>> -> memref<1x16xf32, #tpu.memory_space<vmem>>
      %dma_start3A_636 = tpu.memref_squeeze %dma_start3A_635 : memref<1x16xf32, #tpu.memory_space<vmem>> -> memref<16xf32, #tpu.memory_space<vmem>>
      %dma_start3A_637 = arith.constant 0 : i32
      %dma_start3A_638 = tpu.memref_slice %arg2[%squeeze3A_623, %squeeze3A_625, %dma_start3A_637] : memref<325000x8x16xf32, #tpu.memory_space<hbm>> -> memref<1x1x16xf32, #tpu.memory_space<hbm>>
      %dma_start3A_639 = tpu.memref_squeeze %dma_start3A_638 : memref<1x1x16xf32, #tpu.memory_space<hbm>> -> memref<16xf32, #tpu.memory_space<hbm>>
      tpu.enqueue_dma source(%dma_start3A_639 : memref<16xf32, #tpu.memory_space<hbm>>) target(%dma_start3A_636 : memref<16xf32, #tpu.memory_space<vmem>>) target_semaphore(%arg7 : memref<!tpu.dma_semaphore, #tpu.memory_space<semaphore_mem>>)
      %slice3A_640 = vector.extract_strided_slice %shift_right_arithmetic3A_338 {offsets = [15], sizes = [1], strides = [1]} : vector<16xi32> to vector<1xi32>
      %squeeze3A_641 = vector.extract %slice3A_640[0] : i32 from vector<1xi32>
      %slice3A_642 = vector.extract_strided_slice %and3A_341 {offsets = [15], sizes = [1], strides = [1]} : vector<16xi32> to vector<1xi32>
      %squeeze3A_643 = vector.extract %slice3A_642[0] : i32 from vector<1xi32>
      %add3A_644 = arith.constant 1 : i32
      %add3A_645 = arith.addi %select_n3A_369, %add3A_644 : i32
      %dma_start3A_646 = arith.constant 112 : i32
      %dma_start3A_647 = tpu.memref_slice %arg6[%add3A_645, %dma_start3A_646] : memref<416x128xf32, #tpu.memory_space<vmem>> -> memref<1x16xf32, #tpu.memory_space<vmem>>
      %dma_start3A_648 = tpu.memref_squeeze %dma_start3A_647 : memref<1x16xf32, #tpu.memory_space<vmem>> -> memref<16xf32, #tpu.memory_space<vmem>>
      %dma_start3A_649 = arith.constant 0 : i32
      %dma_start3A_650 = tpu.memref_slice %arg2[%squeeze3A_641, %squeeze3A_643, %dma_start3A_649] : memref<325000x8x16xf32, #tpu.memory_space<hbm>> -> memref<1x1x16xf32, #tpu.memory_space<hbm>>
      %dma_start3A_651 = tpu.memref_squeeze %dma_start3A_650 : memref<1x1x16xf32, #tpu.memory_space<hbm>> -> memref<16xf32, #tpu.memory_space<hbm>>
      %dma_start3A_652 = arith.constant 112 : i32
      %dma_start3A_653 = tpu.memref_slice %arg6[%add3A_645, %dma_start3A_652] : memref<416x128xf32, #tpu.memory_space<vmem>> -> memref<1x16xf32, #tpu.memory_space<vmem>>
      %dma_start3A_654 = tpu.memref_squeeze %dma_start3A_653 : memref<1x16xf32, #tpu.memory_space<vmem>> -> memref<16xf32, #tpu.memory_space<vmem>>
      %dma_start3A_655 = arith.constant 0 : i32
      %dma_start3A_656 = tpu.memref_slice %arg2[%squeeze3A_641, %squeeze3A_643, %dma_start3A_655] : memref<325000x8x16xf32, #tpu.memory_space<hbm>> -> memref<1x1x16xf32, #tpu.memory_space<hbm>>
      %dma_start3A_657 = tpu.memref_squeeze %dma_start3A_656 : memref<1x1x16xf32, #tpu.memory_space<hbm>> -> memref<16xf32, #tpu.memory_space<hbm>>
      tpu.enqueue_dma source(%dma_start3A_657 : memref<16xf32, #tpu.memory_space<hbm>>) target(%dma_start3A_654 : memref<16xf32, #tpu.memory_space<vmem>>) target_semaphore(%arg7 : memref<!tpu.dma_semaphore, #tpu.memory_space<semaphore_mem>>)
      %add3A_658 = arith.constant 32 : i32
      %add3A_659 = arith.addi %mul3A_10, %add3A_658 : i32
      %get3A_660 = arith.index_cast %shift_right_arithmetic3A_7 : i32 to index
      %get3A_661 = arith.index_cast %add3A_659 : i32 to index
      %get3A_662 = tpu.vector_load %arg5[%get3A_660, %get3A_661] {strides = array<i32>} : memref<26x128xi32, #tpu.memory_space<vmem>>, vector<1x16xi32>,
      %get3A_663 = vector.shape_cast %get3A_662 : vector<1x16xi32> to vector<1x16xi32>
      %squeeze3A_664 = vector.shape_cast %get3A_663 : vector<1x16xi32> to vector<16xi32>
      %shift_right_arithmetic3A_665 = arith.constant 3 : i32
      %shift_right_arithmetic3A_666 = vector.broadcast %shift_right_arithmetic3A_665 : i32 to vector<16xi32>
      %shift_right_arithmetic3A_667 = arith.shrsi %squeeze3A_664, %shift_right_arithmetic3A_666 : vector<16xi32>
      %and3A_668 = arith.constant 7 : i32
      %and3A_669 = vector.broadcast %and3A_668 : i32 to vector<16xi32>
      %and3A_670 = arith.andi %squeeze3A_664, %and3A_669 : vector<16xi32>
      %mul3A_671 = arith.constant 64 : i32
      %mul3A_672 = arith.muli %scan3A_6, %mul3A_671 : i32
      %add3A_673 = arith.constant 32 : i32
      %add3A_674 = arith.addi %mul3A_672, %add3A_673 : i32
      %jit3A_675 = arith.constant 8 : i32
      %div3A_676 = arith.divsi %add3A_674, %jit3A_675 : i32
      %sign3A_677 = arith.constant 0 : i32
      %sign3A_678 = arith.cmpi sgt, %add3A_674, %sign3A_677 : i32
      %sign3A_679 = arith.extui %sign3A_678 : i1 to i32
      %sign3A_680 = arith.constant 0 : i32
      %sign3A_681 = arith.cmpi slt, %add3A_674, %sign3A_680 : i32
      %sign3A_682 = arith.extui %sign3A_681 : i1 to i32
      %sign3A_683 = arith.subi %sign3A_679, %sign3A_682 : i32
      %sign3A_684 = arith.constant 0 : i32
      %sign3A_685 = arith.cmpi sgt, %jit3A_675, %sign3A_684 : i32
      %sign3A_686 = arith.extui %sign3A_685 : i1 to i32
      %sign3A_687 = arith.constant 0 : i32
      %sign3A_688 = arith.cmpi slt, %jit3A_675, %sign3A_687 : i32
      %sign3A_689 = arith.extui %sign3A_688 : i1 to i32
      %sign3A_690 = arith.subi %sign3A_686, %sign3A_689 : i32
      %ne3A_691 = arith.cmpi ne, %sign3A_683, %sign3A_690 : i32
      %rem3A_692 = arith.remsi %add3A_674, %jit3A_675 : i32
      %ne3A_693 = arith.constant 0 : i32
      %ne3A_694 = arith.cmpi ne, %rem3A_692, %ne3A_693 : i32
      %and3A_695 = arith.andi %ne3A_691, %ne3A_694 : i1
      %sub3A_696 = arith.constant 1 : i32
      %sub3A_697 = arith.subi %div3A_676, %sub3A_696 : i32
      %select_n3A_698 = arith.select %and3A_695, %sub3A_697, %div3A_676 : i32
      %slice3A_699 = vector.extract_strided_slice %shift_right_arithmetic3A_667 {offsets = [0], sizes = [1], strides = [1]} : vector<16xi32> to vector<1xi32>
      %squeeze3A_700 = vector.extract %slice3A_699[0] : i32 from vector<1xi32>
      %slice3A_701 = vector.extract_strided_slice %and3A_670 {offsets = [0], sizes = [1], strides = [1]} : vector<16xi32> to vector<1xi32>
      %squeeze3A_702 = vector.extract %slice3A_701[0] : i32 from vector<1xi32>
      %add3A_703 = arith.constant 0 : i32
      %add3A_704 = arith.addi %select_n3A_698, %add3A_703 : i32
      %dma_start3A_705 = arith.constant 0 : i32
      %dma_start3A_706 = tpu.memref_slice %arg6[%add3A_704, %dma_start3A_705] : memref<416x128xf32, #tpu.memory_space<vmem>> -> memref<1x16xf32, #tpu.memory_space<vmem>>
      %dma_start3A_707 = tpu.memref_squeeze %dma_start3A_706 : memref<1x16xf32, #tpu.memory_space<vmem>> -> memref<16xf32, #tpu.memory_space<vmem>>
      %dma_start3A_708 = arith.constant 0 : i32
      %dma_start3A_709 = tpu.memref_slice %arg2[%squeeze3A_700, %squeeze3A_702, %dma_start3A_708] : memref<325000x8x16xf32, #tpu.memory_space<hbm>> -> memref<1x1x16xf32, #tpu.memory_space<hbm>>
      %dma_start3A_710 = tpu.memref_squeeze %dma_start3A_709 : memref<1x1x16xf32, #tpu.memory_space<hbm>> -> memref<16xf32, #tpu.memory_space<hbm>>
      %dma_start3A_711 = arith.constant 0 : i32
      %dma_start3A_712 = tpu.memref_slice %arg6[%add3A_704, %dma_start3A_711] : memref<416x128xf32, #tpu.memory_space<vmem>> -> memref<1x16xf32, #tpu.memory_space<vmem>>
      %dma_start3A_713 = tpu.memref_squeeze %dma_start3A_712 : memref<1x16xf32, #tpu.memory_space<vmem>> -> memref<16xf32, #tpu.memory_space<vmem>>
      %dma_start3A_714 = arith.constant 0 : i32
      %dma_start3A_715 = tpu.memref_slice %arg2[%squeeze3A_700, %squeeze3A_702, %dma_start3A_714] : memref<325000x8x16xf32, #tpu.memory_space<hbm>> -> memref<1x1x16xf32, #tpu.memory_space<hbm>>
      %dma_start3A_716 = tpu.memref_squeeze %dma_start3A_715 : memref<1x1x16xf32, #tpu.memory_space<hbm>> -> memref<16xf32, #tpu.memory_space<hbm>>
      tpu.enqueue_dma source(%dma_start3A_716 : memref<16xf32, #tpu.memory_space<hbm>>) target(%dma_start3A_713 : memref<16xf32, #tpu.memory_space<vmem>>) target_semaphore(%arg7 : memref<!tpu.dma_semaphore, #tpu.memory_space<semaphore_mem>>)
      %slice3A_717 = vector.extract_strided_slice %shift_right_arithmetic3A_667 {offsets = [1], sizes = [1], strides = [1]} : vector<16xi32> to vector<1xi32>
      %squeeze3A_718 = vector.extract %slice3A_717[0] : i32 from vector<1xi32>
      %slice3A_719 = vector.extract_strided_slice %and3A_670 {offsets = [1], sizes = [1], strides = [1]} : vector<16xi32> to vector<1xi32>
      %squeeze3A_720 = vector.extract %slice3A_719[0] : i32 from vector<1xi32>
      %add3A_721 = arith.constant 0 : i32
      %add3A_722 = arith.addi %select_n3A_698, %add3A_721 : i32
      %dma_start3A_723 = arith.constant 16 : i32
      %dma_start3A_724 = tpu.memref_slice %arg6[%add3A_722, %dma_start3A_723] : memref<416x128xf32, #tpu.memory_space<vmem>> -> memref<1x16xf32, #tpu.memory_space<vmem>>
      %dma_start3A_725 = tpu.memref_squeeze %dma_start3A_724 : memref<1x16xf32, #tpu.memory_space<vmem>> -> memref<16xf32, #tpu.memory_space<vmem>>
      %dma_start3A_726 = arith.constant 0 : i32
      %dma_start3A_727 = tpu.memref_slice %arg2[%squeeze3A_718, %squeeze3A_720, %dma_start3A_726] : memref<325000x8x16xf32, #tpu.memory_space<hbm>> -> memref<1x1x16xf32, #tpu.memory_space<hbm>>
      %dma_start3A_728 = tpu.memref_squeeze %dma_start3A_727 : memref<1x1x16xf32, #tpu.memory_space<hbm>> -> memref<16xf32, #tpu.memory_space<hbm>>
      %dma_start3A_729 = arith.constant 16 : i32
      %dma_start3A_730 = tpu.memref_slice %arg6[%add3A_722, %dma_start3A_729] : memref<416x128xf32, #tpu.memory_space<vmem>> -> memref<1x16xf32, #tpu.memory_space<vmem>>
      %dma_start3A_731 = tpu.memref_squeeze %dma_start3A_730 : memref<1x16xf32, #tpu.memory_space<vmem>> -> memref<16xf32, #tpu.memory_space<vmem>>
      %dma_start3A_732 = arith.constant 0 : i32
      %dma_start3A_733 = tpu.memref_slice %arg2[%squeeze3A_718, %squeeze3A_720, %dma_start3A_732] : memref<325000x8x16xf32, #tpu.memory_space<hbm>> -> memref<1x1x16xf32, #tpu.memory_space<hbm>>
      %dma_start3A_734 = tpu.memref_squeeze %dma_start3A_733 : memref<1x1x16xf32, #tpu.memory_space<hbm>> -> memref<16xf32, #tpu.memory_space<hbm>>
      tpu.enqueue_dma source(%dma_start3A_734 : memref<16xf32, #tpu.memory_space<hbm>>) target(%dma_start3A_731 : memref<16xf32, #tpu.memory_space<vmem>>) target_semaphore(%arg7 : memref<!tpu.dma_semaphore, #tpu.memory_space<semaphore_mem>>)
      %slice3A_735 = vector.extract_strided_slice %shift_right_arithmetic3A_667 {offsets = [2], sizes = [1], strides = [1]} : vector<16xi32> to vector<1xi32>
      %squeeze3A_736 = vector.extract %slice3A_735[0] : i32 from vector<1xi32>
      %slice3A_737 = vector.extract_strided_slice %and3A_670 {offsets = [2], sizes = [1], strides = [1]} : vector<16xi32> to vector<1xi32>
      %squeeze3A_738 = vector.extract %slice3A_737[0] : i32 from vector<1xi32>
      %add3A_739 = arith.constant 0 : i32
      %add3A_740 = arith.addi %select_n3A_698, %add3A_739 : i32
      %dma_start3A_741 = arith.constant 32 : i32
      %dma_start3A_742 = tpu.memref_slice %arg6[%add3A_740, %dma_start3A_741] : memref<416x128xf32, #tpu.memory_space<vmem>> -> memref<1x16xf32, #tpu.memory_space<vmem>>
      %dma_start3A_743 = tpu.memref_squeeze %dma_start3A_742 : memref<1x16xf32, #tpu.memory_space<vmem>> -> memref<16xf32, #tpu.memory_space<vmem>>
      %dma_start3A_744 = arith.constant 0 : i32
      %dma_start3A_745 = tpu.memref_slice %arg2[%squeeze3A_736, %squeeze3A_738, %dma_start3A_744] : memref<325000x8x16xf32, #tpu.memory_space<hbm>> -> memref<1x1x16xf32, #tpu.memory_space<hbm>>
      %dma_start3A_746 = tpu.memref_squeeze %dma_start3A_745 : memref<1x1x16xf32, #tpu.memory_space<hbm>> -> memref<16xf32, #tpu.memory_space<hbm>>
      %dma_start3A_747 = arith.constant 32 : i32
      %dma_start3A_748 = tpu.memref_slice %arg6[%add3A_740, %dma_start3A_747] : memref<416x128xf32, #tpu.memory_space<vmem>> -> memref<1x16xf32, #tpu.memory_space<vmem>>
      %dma_start3A_749 = tpu.memref_squeeze %dma_start3A_748 : memref<1x16xf32, #tpu.memory_space<vmem>> -> memref<16xf32, #tpu.memory_space<vmem>>
      %dma_start3A_750 = arith.constant 0 : i32
      %dma_start3A_751 = tpu.memref_slice %arg2[%squeeze3A_736, %squeeze3A_738, %dma_start3A_750] : memref<325000x8x16xf32, #tpu.memory_space<hbm>> -> memref<1x1x16xf32, #tpu.memory_space<hbm>>
      %dma_start3A_752 = tpu.memref_squeeze %dma_start3A_751 : memref<1x1x16xf32, #tpu.memory_space<hbm>> -> memref<16xf32, #tpu.memory_space<hbm>>
      tpu.enqueue_dma source(%dma_start3A_752 : memref<16xf32, #tpu.memory_space<hbm>>) target(%dma_start3A_749 : memref<16xf32, #tpu.memory_space<vmem>>) target_semaphore(%arg7 : memref<!tpu.dma_semaphore, #tpu.memory_space<semaphore_mem>>)
      %slice3A_753 = vector.extract_strided_slice %shift_right_arithmetic3A_667 {offsets = [3], sizes = [1], strides = [1]} : vector<16xi32> to vector<1xi32>
      %squeeze3A_754 = vector.extract %slice3A_753[0] : i32 from vector<1xi32>
      %slice3A_755 = vector.extract_strided_slice %and3A_670 {offsets = [3], sizes = [1], strides = [1]} : vector<16xi32> to vector<1xi32>
      %squeeze3A_756 = vector.extract %slice3A_755[0] : i32 from vector<1xi32>
      %add3A_757 = arith.constant 0 : i32
      %add3A_758 = arith.addi %select_n3A_698, %add3A_757 : i32
      %dma_start3A_759 = arith.constant 48 : i32
      %dma_start3A_760 = tpu.memref_slice %arg6[%add3A_758, %dma_start3A_759] : memref<416x128xf32, #tpu.memory_space<vmem>> -> memref<1x16xf32, #tpu.memory_space<vmem>>
      %dma_start3A_761 = tpu.memref_squeeze %dma_start3A_760 : memref<1x16xf32, #tpu.memory_space<vmem>> -> memref<16xf32, #tpu.memory_space<vmem>>
      %dma_start3A_762 = arith.constant 0 : i32
      %dma_start3A_763 = tpu.memref_slice %arg2[%squeeze3A_754, %squeeze3A_756, %dma_start3A_762] : memref<325000x8x16xf32, #tpu.memory_space<hbm>> -> memref<1x1x16xf32, #tpu.memory_space<hbm>>
      %dma_start3A_764 = tpu.memref_squeeze %dma_start3A_763 : memref<1x1x16xf32, #tpu.memory_space<hbm>> -> memref<16xf32, #tpu.memory_space<hbm>>
      %dma_start3A_765 = arith.constant 48 : i32
      %dma_start3A_766 = tpu.memref_slice %arg6[%add3A_758, %dma_start3A_765] : memref<416x128xf32, #tpu.memory_space<vmem>> -> memref<1x16xf32, #tpu.memory_space<vmem>>
      %dma_start3A_767 = tpu.memref_squeeze %dma_start3A_766 : memref<1x16xf32, #tpu.memory_space<vmem>> -> memref<16xf32, #tpu.memory_space<vmem>>
      %dma_start3A_768 = arith.constant 0 : i32
      %dma_start3A_769 = tpu.memref_slice %arg2[%squeeze3A_754, %squeeze3A_756, %dma_start3A_768] : memref<325000x8x16xf32, #tpu.memory_space<hbm>> -> memref<1x1x16xf32, #tpu.memory_space<hbm>>
      %dma_start3A_770 = tpu.memref_squeeze %dma_start3A_769 : memref<1x1x16xf32, #tpu.memory_space<hbm>> -> memref<16xf32, #tpu.memory_space<hbm>>
      tpu.enqueue_dma source(%dma_start3A_770 : memref<16xf32, #tpu.memory_space<hbm>>) target(%dma_start3A_767 : memref<16xf32, #tpu.memory_space<vmem>>) target_semaphore(%arg7 : memref<!tpu.dma_semaphore, #tpu.memory_space<semaphore_mem>>)
      %slice3A_771 = vector.extract_strided_slice %shift_right_arithmetic3A_667 {offsets = [4], sizes = [1], strides = [1]} : vector<16xi32> to vector<1xi32>
      %squeeze3A_772 = vector.extract %slice3A_771[0] : i32 from vector<1xi32>
      %slice3A_773 = vector.extract_strided_slice %and3A_670 {offsets = [4], sizes = [1], strides = [1]} : vector<16xi32> to vector<1xi32>
      %squeeze3A_774 = vector.extract %slice3A_773[0] : i32 from vector<1xi32>
      %add3A_775 = arith.constant 0 : i32
      %add3A_776 = arith.addi %select_n3A_698, %add3A_775 : i32
      %dma_start3A_777 = arith.constant 64 : i32
      %dma_start3A_778 = tpu.memref_slice %arg6[%add3A_776, %dma_start3A_777] : memref<416x128xf32, #tpu.memory_space<vmem>> -> memref<1x16xf32, #tpu.memory_space<vmem>>
      %dma_start3A_779 = tpu.memref_squeeze %dma_start3A_778 : memref<1x16xf32, #tpu.memory_space<vmem>> -> memref<16xf32, #tpu.memory_space<vmem>>
      %dma_start3A_780 = arith.constant 0 : i32
      %dma_start3A_781 = tpu.memref_slice %arg2[%squeeze3A_772, %squeeze3A_774, %dma_start3A_780] : memref<325000x8x16xf32, #tpu.memory_space<hbm>> -> memref<1x1x16xf32, #tpu.memory_space<hbm>>
      %dma_start3A_782 = tpu.memref_squeeze %dma_start3A_781 : memref<1x1x16xf32, #tpu.memory_space<hbm>> -> memref<16xf32, #tpu.memory_space<hbm>>
      %dma_start3A_783 = arith.constant 64 : i32
      %dma_start3A_784 = tpu.memref_slice %arg6[%add3A_776, %dma_start3A_783] : memref<416x128xf32, #tpu.memory_space<vmem>> -> memref<1x16xf32, #tpu.memory_space<vmem>>
      %dma_start3A_785 = tpu.memref_squeeze %dma_start3A_784 : memref<1x16xf32, #tpu.memory_space<vmem>> -> memref<16xf32, #tpu.memory_space<vmem>>
      %dma_start3A_786 = arith.constant 0 : i32
      %dma_start3A_787 = tpu.memref_slice %arg2[%squeeze3A_772, %squeeze3A_774, %dma_start3A_786] : memref<325000x8x16xf32, #tpu.memory_space<hbm>> -> memref<1x1x16xf32, #tpu.memory_space<hbm>>
      %dma_start3A_788 = tpu.memref_squeeze %dma_start3A_787 : memref<1x1x16xf32, #tpu.memory_space<hbm>> -> memref<16xf32, #tpu.memory_space<hbm>>
      tpu.enqueue_dma source(%dma_start3A_788 : memref<16xf32, #tpu.memory_space<hbm>>) target(%dma_start3A_785 : memref<16xf32, #tpu.memory_space<vmem>>) target_semaphore(%arg7 : memref<!tpu.dma_semaphore, #tpu.memory_space<semaphore_mem>>)
      %slice3A_789 = vector.extract_strided_slice %shift_right_arithmetic3A_667 {offsets = [5], sizes = [1], strides = [1]} : vector<16xi32> to vector<1xi32>
      %squeeze3A_790 = vector.extract %slice3A_789[0] : i32 from vector<1xi32>
      %slice3A_791 = vector.extract_strided_slice %and3A_670 {offsets = [5], sizes = [1], strides = [1]} : vector<16xi32> to vector<1xi32>
      %squeeze3A_792 = vector.extract %slice3A_791[0] : i32 from vector<1xi32>
      %add3A_793 = arith.constant 0 : i32
      %add3A_794 = arith.addi %select_n3A_698, %add3A_793 : i32
      %dma_start3A_795 = arith.constant 80 : i32
      %dma_start3A_796 = tpu.memref_slice %arg6[%add3A_794, %dma_start3A_795] : memref<416x128xf32, #tpu.memory_space<vmem>> -> memref<1x16xf32, #tpu.memory_space<vmem>>
      %dma_start3A_797 = tpu.memref_squeeze %dma_start3A_796 : memref<1x16xf32, #tpu.memory_space<vmem>> -> memref<16xf32, #tpu.memory_space<vmem>>
      %dma_start3A_798 = arith.constant 0 : i32
      %dma_start3A_799 = tpu.memref_slice %arg2[%squeeze3A_790, %squeeze3A_792, %dma_start3A_798] : memref<325000x8x16xf32, #tpu.memory_space<hbm>> -> memref<1x1x16xf32, #tpu.memory_space<hbm>>
      %dma_start3A_800 = tpu.memref_squeeze %dma_start3A_799 : memref<1x1x16xf32, #tpu.memory_space<hbm>> -> memref<16xf32, #tpu.memory_space<hbm>>
      %dma_start3A_801 = arith.constant 80 : i32
      %dma_start3A_802 = tpu.memref_slice %arg6[%add3A_794, %dma_start3A_801] : memref<416x128xf32, #tpu.memory_space<vmem>> -> memref<1x16xf32, #tpu.memory_space<vmem>>
      %dma_start3A_803 = tpu.memref_squeeze %dma_start3A_802 : memref<1x16xf32, #tpu.memory_space<vmem>> -> memref<16xf32, #tpu.memory_space<vmem>>
      %dma_start3A_804 = arith.constant 0 : i32
      %dma_start3A_805 = tpu.memref_slice %arg2[%squeeze3A_790, %squeeze3A_792, %dma_start3A_804] : memref<325000x8x16xf32, #tpu.memory_space<hbm>> -> memref<1x1x16xf32, #tpu.memory_space<hbm>>
      %dma_start3A_806 = tpu.memref_squeeze %dma_start3A_805 : memref<1x1x16xf32, #tpu.memory_space<hbm>> -> memref<16xf32, #tpu.memory_space<hbm>>
      tpu.enqueue_dma source(%dma_start3A_806 : memref<16xf32, #tpu.memory_space<hbm>>) target(%dma_start3A_803 : memref<16xf32, #tpu.memory_space<vmem>>) target_semaphore(%arg7 : memref<!tpu.dma_semaphore, #tpu.memory_space<semaphore_mem>>)
      %slice3A_807 = vector.extract_strided_slice %shift_right_arithmetic3A_667 {offsets = [6], sizes = [1], strides = [1]} : vector<16xi32> to vector<1xi32>
      %squeeze3A_808 = vector.extract %slice3A_807[0] : i32 from vector<1xi32>
      %slice3A_809 = vector.extract_strided_slice %and3A_670 {offsets = [6], sizes = [1], strides = [1]} : vector<16xi32> to vector<1xi32>
      %squeeze3A_810 = vector.extract %slice3A_809[0] : i32 from vector<1xi32>
      %add3A_811 = arith.constant 0 : i32
      %add3A_812 = arith.addi %select_n3A_698, %add3A_811 : i32
      %dma_start3A_813 = arith.constant 96 : i32
      %dma_start3A_814 = tpu.memref_slice %arg6[%add3A_812, %dma_start3A_813] : memref<416x128xf32, #tpu.memory_space<vmem>> -> memref<1x16xf32, #tpu.memory_space<vmem>>
      %dma_start3A_815 = tpu.memref_squeeze %dma_start3A_814 : memref<1x16xf32, #tpu.memory_space<vmem>> -> memref<16xf32, #tpu.memory_space<vmem>>
      %dma_start3A_816 = arith.constant 0 : i32
      %dma_start3A_817 = tpu.memref_slice %arg2[%squeeze3A_808, %squeeze3A_810, %dma_start3A_816] : memref<325000x8x16xf32, #tpu.memory_space<hbm>> -> memref<1x1x16xf32, #tpu.memory_space<hbm>>
      %dma_start3A_818 = tpu.memref_squeeze %dma_start3A_817 : memref<1x1x16xf32, #tpu.memory_space<hbm>> -> memref<16xf32, #tpu.memory_space<hbm>>
      %dma_start3A_819 = arith.constant 96 : i32
      %dma_start3A_820 = tpu.memref_slice %arg6[%add3A_812, %dma_start3A_819] : memref<416x128xf32, #tpu.memory_space<vmem>> -> memref<1x16xf32, #tpu.memory_space<vmem>>
      %dma_start3A_821 = tpu.memref_squeeze %dma_start3A_820 : memref<1x16xf32, #tpu.memory_space<vmem>> -> memref<16xf32, #tpu.memory_space<vmem>>
      %dma_start3A_822 = arith.constant 0 : i32
      %dma_start3A_823 = tpu.memref_slice %arg2[%squeeze3A_808, %squeeze3A_810, %dma_start3A_822] : memref<325000x8x16xf32, #tpu.memory_space<hbm>> -> memref<1x1x16xf32, #tpu.memory_space<hbm>>
      %dma_start3A_824 = tpu.memref_squeeze %dma_start3A_823 : memref<1x1x16xf32, #tpu.memory_space<hbm>> -> memref<16xf32, #tpu.memory_space<hbm>>
      tpu.enqueue_dma source(%dma_start3A_824 : memref<16xf32, #tpu.memory_space<hbm>>) target(%dma_start3A_821 : memref<16xf32, #tpu.memory_space<vmem>>) target_semaphore(%arg7 : memref<!tpu.dma_semaphore, #tpu.memory_space<semaphore_mem>>)
      %slice3A_825 = vector.extract_strided_slice %shift_right_arithmetic3A_667 {offsets = [7], sizes = [1], strides = [1]} : vector<16xi32> to vector<1xi32>
      %squeeze3A_826 = vector.extract %slice3A_825[0] : i32 from vector<1xi32>
      %slice3A_827 = vector.extract_strided_slice %and3A_670 {offsets = [7], sizes = [1], strides = [1]} : vector<16xi32> to vector<1xi32>
      %squeeze3A_828 = vector.extract %slice3A_827[0] : i32 from vector<1xi32>
      %add3A_829 = arith.constant 0 : i32
      %add3A_830 = arith.addi %select_n3A_698, %add3A_829 : i32
      %dma_start3A_831 = arith.constant 112 : i32
      %dma_start3A_832 = tpu.memref_slice %arg6[%add3A_830, %dma_start3A_831] : memref<416x128xf32, #tpu.memory_space<vmem>> -> memref<1x16xf32, #tpu.memory_space<vmem>>
      %dma_start3A_833 = tpu.memref_squeeze %dma_start3A_832 : memref<1x16xf32, #tpu.memory_space<vmem>> -> memref<16xf32, #tpu.memory_space<vmem>>
      %dma_start3A_834 = arith.constant 0 : i32
      %dma_start3A_835 = tpu.memref_slice %arg2[%squeeze3A_826, %squeeze3A_828, %dma_start3A_834] : memref<325000x8x16xf32, #tpu.memory_space<hbm>> -> memref<1x1x16xf32, #tpu.memory_space<hbm>>
      %dma_start3A_836 = tpu.memref_squeeze %dma_start3A_835 : memref<1x1x16xf32, #tpu.memory_space<hbm>> -> memref<16xf32, #tpu.memory_space<hbm>>
      %dma_start3A_837 = arith.constant 112 : i32
      %dma_start3A_838 = tpu.memref_slice %arg6[%add3A_830, %dma_start3A_837] : memref<416x128xf32, #tpu.memory_space<vmem>> -> memref<1x16xf32, #tpu.memory_space<vmem>>
      %dma_start3A_839 = tpu.memref_squeeze %dma_start3A_838 : memref<1x16xf32, #tpu.memory_space<vmem>> -> memref<16xf32, #tpu.memory_space<vmem>>
      %dma_start3A_840 = arith.constant 0 : i32
      %dma_start3A_841 = tpu.memref_slice %arg2[%squeeze3A_826, %squeeze3A_828, %dma_start3A_840] : memref<325000x8x16xf32, #tpu.memory_space<hbm>> -> memref<1x1x16xf32, #tpu.memory_space<hbm>>
      %dma_start3A_842 = tpu.memref_squeeze %dma_start3A_841 : memref<1x1x16xf32, #tpu.memory_space<hbm>> -> memref<16xf32, #tpu.memory_space<hbm>>
      tpu.enqueue_dma source(%dma_start3A_842 : memref<16xf32, #tpu.memory_space<hbm>>) target(%dma_start3A_839 : memref<16xf32, #tpu.memory_space<vmem>>) target_semaphore(%arg7 : memref<!tpu.dma_semaphore, #tpu.memory_space<semaphore_mem>>)
      %slice3A_843 = vector.extract_strided_slice %shift_right_arithmetic3A_667 {offsets = [8], sizes = [1], strides = [1]} : vector<16xi32> to vector<1xi32>
      %squeeze3A_844 = vector.extract %slice3A_843[0] : i32 from vector<1xi32>
      %slice3A_845 = vector.extract_strided_slice %and3A_670 {offsets = [8], sizes = [1], strides = [1]} : vector<16xi32> to vector<1xi32>
      %squeeze3A_846 = vector.extract %slice3A_845[0] : i32 from vector<1xi32>
      %add3A_847 = arith.constant 1 : i32
      %add3A_848 = arith.addi %select_n3A_698, %add3A_847 : i32
      %dma_start3A_849 = arith.constant 0 : i32
      %dma_start3A_850 = tpu.memref_slice %arg6[%add3A_848, %dma_start3A_849] : memref<416x128xf32, #tpu.memory_space<vmem>> -> memref<1x16xf32, #tpu.memory_space<vmem>>
      %dma_start3A_851 = tpu.memref_squeeze %dma_start3A_850 : memref<1x16xf32, #tpu.memory_space<vmem>> -> memref<16xf32, #tpu.memory_space<vmem>>
      %dma_start3A_852 = arith.constant 0 : i32
      %dma_start3A_853 = tpu.memref_slice %arg2[%squeeze3A_844, %squeeze3A_846, %dma_start3A_852] : memref<325000x8x16xf32, #tpu.memory_space<hbm>> -> memref<1x1x16xf32, #tpu.memory_space<hbm>>
      %dma_start3A_854 = tpu.memref_squeeze %dma_start3A_853 : memref<1x1x16xf32, #tpu.memory_space<hbm>> -> memref<16xf32, #tpu.memory_space<hbm>>
      %dma_start3A_855 = arith.constant 0 : i32
      %dma_start3A_856 = tpu.memref_slice %arg6[%add3A_848, %dma_start3A_855] : memref<416x128xf32, #tpu.memory_space<vmem>> -> memref<1x16xf32, #tpu.memory_space<vmem>>
      %dma_start3A_857 = tpu.memref_squeeze %dma_start3A_856 : memref<1x16xf32, #tpu.memory_space<vmem>> -> memref<16xf32, #tpu.memory_space<vmem>>
      %dma_start3A_858 = arith.constant 0 : i32
      %dma_start3A_859 = tpu.memref_slice %arg2[%squeeze3A_844, %squeeze3A_846, %dma_start3A_858] : memref<325000x8x16xf32, #tpu.memory_space<hbm>> -> memref<1x1x16xf32, #tpu.memory_space<hbm>>
      %dma_start3A_860 = tpu.memref_squeeze %dma_start3A_859 : memref<1x1x16xf32, #tpu.memory_space<hbm>> -> memref<16xf32, #tpu.memory_space<hbm>>
      tpu.enqueue_dma source(%dma_start3A_860 : memref<16xf32, #tpu.memory_space<hbm>>) target(%dma_start3A_857 : memref<16xf32, #tpu.memory_space<vmem>>) target_semaphore(%arg7 : memref<!tpu.dma_semaphore, #tpu.memory_space<semaphore_mem>>)
      %slice3A_861 = vector.extract_strided_slice %shift_right_arithmetic3A_667 {offsets = [9], sizes = [1], strides = [1]} : vector<16xi32> to vector<1xi32>
      %squeeze3A_862 = vector.extract %slice3A_861[0] : i32 from vector<1xi32>
      %slice3A_863 = vector.extract_strided_slice %and3A_670 {offsets = [9], sizes = [1], strides = [1]} : vector<16xi32> to vector<1xi32>
      %squeeze3A_864 = vector.extract %slice3A_863[0] : i32 from vector<1xi32>
      %add3A_865 = arith.constant 1 : i32
      %add3A_866 = arith.addi %select_n3A_698, %add3A_865 : i32
      %dma_start3A_867 = arith.constant 16 : i32
      %dma_start3A_868 = tpu.memref_slice %arg6[%add3A_866, %dma_start3A_867] : memref<416x128xf32, #tpu.memory_space<vmem>> -> memref<1x16xf32, #tpu.memory_space<vmem>>
      %dma_start3A_869 = tpu.memref_squeeze %dma_start3A_868 : memref<1x16xf32, #tpu.memory_space<vmem>> -> memref<16xf32, #tpu.memory_space<vmem>>
      %dma_start3A_870 = arith.constant 0 : i32
      %dma_start3A_871 = tpu.memref_slice %arg2[%squeeze3A_862, %squeeze3A_864, %dma_start3A_870] : memref<325000x8x16xf32, #tpu.memory_space<hbm>> -> memref<1x1x16xf32, #tpu.memory_space<hbm>>
      %dma_start3A_872 = tpu.memref_squeeze %dma_start3A_871 : memref<1x1x16xf32, #tpu.memory_space<hbm>> -> memref<16xf32, #tpu.memory_space<hbm>>
      %dma_start3A_873 = arith.constant 16 : i32
      %dma_start3A_874 = tpu.memref_slice %arg6[%add3A_866, %dma_start3A_873] : memref<416x128xf32, #tpu.memory_space<vmem>> -> memref<1x16xf32, #tpu.memory_space<vmem>>
      %dma_start3A_875 = tpu.memref_squeeze %dma_start3A_874 : memref<1x16xf32, #tpu.memory_space<vmem>> -> memref<16xf32, #tpu.memory_space<vmem>>
      %dma_start3A_876 = arith.constant 0 : i32
      %dma_start3A_877 = tpu.memref_slice %arg2[%squeeze3A_862, %squeeze3A_864, %dma_start3A_876] : memref<325000x8x16xf32, #tpu.memory_space<hbm>> -> memref<1x1x16xf32, #tpu.memory_space<hbm>>
      %dma_start3A_878 = tpu.memref_squeeze %dma_start3A_877 : memref<1x1x16xf32, #tpu.memory_space<hbm>> -> memref<16xf32, #tpu.memory_space<hbm>>
      tpu.enqueue_dma source(%dma_start3A_878 : memref<16xf32, #tpu.memory_space<hbm>>) target(%dma_start3A_875 : memref<16xf32, #tpu.memory_space<vmem>>) target_semaphore(%arg7 : memref<!tpu.dma_semaphore, #tpu.memory_space<semaphore_mem>>)
      %slice3A_879 = vector.extract_strided_slice %shift_right_arithmetic3A_667 {offsets = [10], sizes = [1], strides = [1]} : vector<16xi32> to vector<1xi32>
      %squeeze3A_880 = vector.extract %slice3A_879[0] : i32 from vector<1xi32>
      %slice3A_881 = vector.extract_strided_slice %and3A_670 {offsets = [10], sizes = [1], strides = [1]} : vector<16xi32> to vector<1xi32>
      %squeeze3A_882 = vector.extract %slice3A_881[0] : i32 from vector<1xi32>
      %add3A_883 = arith.constant 1 : i32
      %add3A_884 = arith.addi %select_n3A_698, %add3A_883 : i32
      %dma_start3A_885 = arith.constant 32 : i32
      %dma_start3A_886 = tpu.memref_slice %arg6[%add3A_884, %dma_start3A_885] : memref<416x128xf32, #tpu.memory_space<vmem>> -> memref<1x16xf32, #tpu.memory_space<vmem>>
      %dma_start3A_887 = tpu.memref_squeeze %dma_start3A_886 : memref<1x16xf32, #tpu.memory_space<vmem>> -> memref<16xf32, #tpu.memory_space<vmem>>
      %dma_start3A_888 = arith.constant 0 : i32
      %dma_start3A_889 = tpu.memref_slice %arg2[%squeeze3A_880, %squeeze3A_882, %dma_start3A_888] : memref<325000x8x16xf32, #tpu.memory_space<hbm>> -> memref<1x1x16xf32, #tpu.memory_space<hbm>>
      %dma_start3A_890 = tpu.memref_squeeze %dma_start3A_889 : memref<1x1x16xf32, #tpu.memory_space<hbm>> -> memref<16xf32, #tpu.memory_space<hbm>>
      %dma_start3A_891 = arith.constant 32 : i32
      %dma_start3A_892 = tpu.memref_slice %arg6[%add3A_884, %dma_start3A_891] : memref<416x128xf32, #tpu.memory_space<vmem>> -> memref<1x16xf32, #tpu.memory_space<vmem>>
      %dma_start3A_893 = tpu.memref_squeeze %dma_start3A_892 : memref<1x16xf32, #tpu.memory_space<vmem>> -> memref<16xf32, #tpu.memory_space<vmem>>
      %dma_start3A_894 = arith.constant 0 : i32
      %dma_start3A_895 = tpu.memref_slice %arg2[%squeeze3A_880, %squeeze3A_882, %dma_start3A_894] : memref<325000x8x16xf32, #tpu.memory_space<hbm>> -> memref<1x1x16xf32, #tpu.memory_space<hbm>>
      %dma_start3A_896 = tpu.memref_squeeze %dma_start3A_895 : memref<1x1x16xf32, #tpu.memory_space<hbm>> -> memref<16xf32, #tpu.memory_space<hbm>>
      tpu.enqueue_dma source(%dma_start3A_896 : memref<16xf32, #tpu.memory_space<hbm>>) target(%dma_start3A_893 : memref<16xf32, #tpu.memory_space<vmem>>) target_semaphore(%arg7 : memref<!tpu.dma_semaphore, #tpu.memory_space<semaphore_mem>>)
      %slice3A_897 = vector.extract_strided_slice %shift_right_arithmetic3A_667 {offsets = [11], sizes = [1], strides = [1]} : vector<16xi32> to vector<1xi32>
      %squeeze3A_898 = vector.extract %slice3A_897[0] : i32 from vector<1xi32>
      %slice3A_899 = vector.extract_strided_slice %and3A_670 {offsets = [11], sizes = [1], strides = [1]} : vector<16xi32> to vector<1xi32>
      %squeeze3A_900 = vector.extract %slice3A_899[0] : i32 from vector<1xi32>
      %add3A_901 = arith.constant 1 : i32
      %add3A_902 = arith.addi %select_n3A_698, %add3A_901 : i32
      %dma_start3A_903 = arith.constant 48 : i32
      %dma_start3A_904 = tpu.memref_slice %arg6[%add3A_902, %dma_start3A_903] : memref<416x128xf32, #tpu.memory_space<vmem>> -> memref<1x16xf32, #tpu.memory_space<vmem>>
      %dma_start3A_905 = tpu.memref_squeeze %dma_start3A_904 : memref<1x16xf32, #tpu.memory_space<vmem>> -> memref<16xf32, #tpu.memory_space<vmem>>
      %dma_start3A_906 = arith.constant 0 : i32
      %dma_start3A_907 = tpu.memref_slice %arg2[%squeeze3A_898, %squeeze3A_900, %dma_start3A_906] : memref<325000x8x16xf32, #tpu.memory_space<hbm>> -> memref<1x1x16xf32, #tpu.memory_space<hbm>>
      %dma_start3A_908 = tpu.memref_squeeze %dma_start3A_907 : memref<1x1x16xf32, #tpu.memory_space<hbm>> -> memref<16xf32, #tpu.memory_space<hbm>>
      %dma_start3A_909 = arith.constant 48 : i32
      %dma_start3A_910 = tpu.memref_slice %arg6[%add3A_902, %dma_start3A_909] : memref<416x128xf32, #tpu.memory_space<vmem>> -> memref<1x16xf32, #tpu.memory_space<vmem>>
      %dma_start3A_911 = tpu.memref_squeeze %dma_start3A_910 : memref<1x16xf32, #tpu.memory_space<vmem>> -> memref<16xf32, #tpu.memory_space<vmem>>
      %dma_start3A_912 = arith.constant 0 : i32
      %dma_start3A_913 = tpu.memref_slice %arg2[%squeeze3A_898, %squeeze3A_900, %dma_start3A_912] : memref<325000x8x16xf32, #tpu.memory_space<hbm>> -> memref<1x1x16xf32, #tpu.memory_space<hbm>>
      %dma_start3A_914 = tpu.memref_squeeze %dma_start3A_913 : memref<1x1x16xf32, #tpu.memory_space<hbm>> -> memref<16xf32, #tpu.memory_space<hbm>>
      tpu.enqueue_dma source(%dma_start3A_914 : memref<16xf32, #tpu.memory_space<hbm>>) target(%dma_start3A_911 : memref<16xf32, #tpu.memory_space<vmem>>) target_semaphore(%arg7 : memref<!tpu.dma_semaphore, #tpu.memory_space<semaphore_mem>>)
      %slice3A_915 = vector.extract_strided_slice %shift_right_arithmetic3A_667 {offsets = [12], sizes = [1], strides = [1]} : vector<16xi32> to vector<1xi32>
      %squeeze3A_916 = vector.extract %slice3A_915[0] : i32 from vector<1xi32>
      %slice3A_917 = vector.extract_strided_slice %and3A_670 {offsets = [12], sizes = [1], strides = [1]} : vector<16xi32> to vector<1xi32>
      %squeeze3A_918 = vector.extract %slice3A_917[0] : i32 from vector<1xi32>
      %add3A_919 = arith.constant 1 : i32
      %add3A_920 = arith.addi %select_n3A_698, %add3A_919 : i32
      %dma_start3A_921 = arith.constant 64 : i32
      %dma_start3A_922 = tpu.memref_slice %arg6[%add3A_920, %dma_start3A_921] : memref<416x128xf32, #tpu.memory_space<vmem>> -> memref<1x16xf32, #tpu.memory_space<vmem>>
      %dma_start3A_923 = tpu.memref_squeeze %dma_start3A_922 : memref<1x16xf32, #tpu.memory_space<vmem>> -> memref<16xf32, #tpu.memory_space<vmem>>
      %dma_start3A_924 = arith.constant 0 : i32
      %dma_start3A_925 = tpu.memref_slice %arg2[%squeeze3A_916, %squeeze3A_918, %dma_start3A_924] : memref<325000x8x16xf32, #tpu.memory_space<hbm>> -> memref<1x1x16xf32, #tpu.memory_space<hbm>>
      %dma_start3A_926 = tpu.memref_squeeze %dma_start3A_925 : memref<1x1x16xf32, #tpu.memory_space<hbm>> -> memref<16xf32, #tpu.memory_space<hbm>>
      %dma_start3A_927 = arith.constant 64 : i32
      %dma_start3A_928 = tpu.memref_slice %arg6[%add3A_920, %dma_start3A_927] : memref<416x128xf32, #tpu.memory_space<vmem>> -> memref<1x16xf32, #tpu.memory_space<vmem>>
      %dma_start3A_929 = tpu.memref_squeeze %dma_start3A_928 : memref<1x16xf32, #tpu.memory_space<vmem>> -> memref<16xf32, #tpu.memory_space<vmem>>
      %dma_start3A_930 = arith.constant 0 : i32
      %dma_start3A_931 = tpu.memref_slice %arg2[%squeeze3A_916, %squeeze3A_918, %dma_start3A_930] : memref<325000x8x16xf32, #tpu.memory_space<hbm>> -> memref<1x1x16xf32, #tpu.memory_space<hbm>>
      %dma_start3A_932 = tpu.memref_squeeze %dma_start3A_931 : memref<1x1x16xf32, #tpu.memory_space<hbm>> -> memref<16xf32, #tpu.memory_space<hbm>>
      tpu.enqueue_dma source(%dma_start3A_932 : memref<16xf32, #tpu.memory_space<hbm>>) target(%dma_start3A_929 : memref<16xf32, #tpu.memory_space<vmem>>) target_semaphore(%arg7 : memref<!tpu.dma_semaphore, #tpu.memory_space<semaphore_mem>>)
      %slice3A_933 = vector.extract_strided_slice %shift_right_arithmetic3A_667 {offsets = [13], sizes = [1], strides = [1]} : vector<16xi32> to vector<1xi32>
      %squeeze3A_934 = vector.extract %slice3A_933[0] : i32 from vector<1xi32>
      %slice3A_935 = vector.extract_strided_slice %and3A_670 {offsets = [13], sizes = [1], strides = [1]} : vector<16xi32> to vector<1xi32>
      %squeeze3A_936 = vector.extract %slice3A_935[0] : i32 from vector<1xi32>
      %add3A_937 = arith.constant 1 : i32
      %add3A_938 = arith.addi %select_n3A_698, %add3A_937 : i32
      %dma_start3A_939 = arith.constant 80 : i32
      %dma_start3A_940 = tpu.memref_slice %arg6[%add3A_938, %dma_start3A_939] : memref<416x128xf32, #tpu.memory_space<vmem>> -> memref<1x16xf32, #tpu.memory_space<vmem>>
      %dma_start3A_941 = tpu.memref_squeeze %dma_start3A_940 : memref<1x16xf32, #tpu.memory_space<vmem>> -> memref<16xf32, #tpu.memory_space<vmem>>
      %dma_start3A_942 = arith.constant 0 : i32
      %dma_start3A_943 = tpu.memref_slice %arg2[%squeeze3A_934, %squeeze3A_936, %dma_start3A_942] : memref<325000x8x16xf32, #tpu.memory_space<hbm>> -> memref<1x1x16xf32, #tpu.memory_space<hbm>>
      %dma_start3A_944 = tpu.memref_squeeze %dma_start3A_943 : memref<1x1x16xf32, #tpu.memory_space<hbm>> -> memref<16xf32, #tpu.memory_space<hbm>>
      %dma_start3A_945 = arith.constant 80 : i32
      %dma_start3A_946 = tpu.memref_slice %arg6[%add3A_938, %dma_start3A_945] : memref<416x128xf32, #tpu.memory_space<vmem>> -> memref<1x16xf32, #tpu.memory_space<vmem>>
      %dma_start3A_947 = tpu.memref_squeeze %dma_start3A_946 : memref<1x16xf32, #tpu.memory_space<vmem>> -> memref<16xf32, #tpu.memory_space<vmem>>
      %dma_start3A_948 = arith.constant 0 : i32
      %dma_start3A_949 = tpu.memref_slice %arg2[%squeeze3A_934, %squeeze3A_936, %dma_start3A_948] : memref<325000x8x16xf32, #tpu.memory_space<hbm>> -> memref<1x1x16xf32, #tpu.memory_space<hbm>>
      %dma_start3A_950 = tpu.memref_squeeze %dma_start3A_949 : memref<1x1x16xf32, #tpu.memory_space<hbm>> -> memref<16xf32, #tpu.memory_space<hbm>>
      tpu.enqueue_dma source(%dma_start3A_950 : memref<16xf32, #tpu.memory_space<hbm>>) target(%dma_start3A_947 : memref<16xf32, #tpu.memory_space<vmem>>) target_semaphore(%arg7 : memref<!tpu.dma_semaphore, #tpu.memory_space<semaphore_mem>>)
      %slice3A_951 = vector.extract_strided_slice %shift_right_arithmetic3A_667 {offsets = [14], sizes = [1], strides = [1]} : vector<16xi32> to vector<1xi32>
      %squeeze3A_952 = vector.extract %slice3A_951[0] : i32 from vector<1xi32>
      %slice3A_953 = vector.extract_strided_slice %and3A_670 {offsets = [14], sizes = [1], strides = [1]} : vector<16xi32> to vector<1xi32>
      %squeeze3A_954 = vector.extract %slice3A_953[0] : i32 from vector<1xi32>
      %add3A_955 = arith.constant 1 : i32
      %add3A_956 = arith.addi %select_n3A_698, %add3A_955 : i32
      %dma_start3A_957 = arith.constant 96 : i32
      %dma_start3A_958 = tpu.memref_slice %arg6[%add3A_956, %dma_start3A_957] : memref<416x128xf32, #tpu.memory_space<vmem>> -> memref<1x16xf32, #tpu.memory_space<vmem>>
      %dma_start3A_959 = tpu.memref_squeeze %dma_start3A_958 : memref<1x16xf32, #tpu.memory_space<vmem>> -> memref<16xf32, #tpu.memory_space<vmem>>
      %dma_start3A_960 = arith.constant 0 : i32
      %dma_start3A_961 = tpu.memref_slice %arg2[%squeeze3A_952, %squeeze3A_954, %dma_start3A_960] : memref<325000x8x16xf32, #tpu.memory_space<hbm>> -> memref<1x1x16xf32, #tpu.memory_space<hbm>>
      %dma_start3A_962 = tpu.memref_squeeze %dma_start3A_961 : memref<1x1x16xf32, #tpu.memory_space<hbm>> -> memref<16xf32, #tpu.memory_space<hbm>>
      %dma_start3A_963 = arith.constant 96 : i32
      %dma_start3A_964 = tpu.memref_slice %arg6[%add3A_956, %dma_start3A_963] : memref<416x128xf32, #tpu.memory_space<vmem>> -> memref<1x16xf32, #tpu.memory_space<vmem>>
      %dma_start3A_965 = tpu.memref_squeeze %dma_start3A_964 : memref<1x16xf32, #tpu.memory_space<vmem>> -> memref<16xf32, #tpu.memory_space<vmem>>
      %dma_start3A_966 = arith.constant 0 : i32
      %dma_start3A_967 = tpu.memref_slice %arg2[%squeeze3A_952, %squeeze3A_954, %dma_start3A_966] : memref<325000x8x16xf32, #tpu.memory_space<hbm>> -> memref<1x1x16xf32, #tpu.memory_space<hbm>>
      %dma_start3A_968 = tpu.memref_squeeze %dma_start3A_967 : memref<1x1x16xf32, #tpu.memory_space<hbm>> -> memref<16xf32, #tpu.memory_space<hbm>>
      tpu.enqueue_dma source(%dma_start3A_968 : memref<16xf32, #tpu.memory_space<hbm>>) target(%dma_start3A_965 : memref<16xf32, #tpu.memory_space<vmem>>) target_semaphore(%arg7 : memref<!tpu.dma_semaphore, #tpu.memory_space<semaphore_mem>>)
      %slice3A_969 = vector.extract_strided_slice %shift_right_arithmetic3A_667 {offsets = [15], sizes = [1], strides = [1]} : vector<16xi32> to vector<1xi32>
      %squeeze3A_970 = vector.extract %slice3A_969[0] : i32 from vector<1xi32>
      %slice3A_971 = vector.extract_strided_slice %and3A_670 {offsets = [15], sizes = [1], strides = [1]} : vector<16xi32> to vector<1xi32>
      %squeeze3A_972 = vector.extract %slice3A_971[0] : i32 from vector<1xi32>
      %add3A_973 = arith.constant 1 : i32
      %add3A_974 = arith.addi %select_n3A_698, %add3A_973 : i32
      %dma_start3A_975 = arith.constant 112 : i32
      %dma_start3A_976 = tpu.memref_slice %arg6[%add3A_974, %dma_start3A_975] : memref<416x128xf32, #tpu.memory_space<vmem>> -> memref<1x16xf32, #tpu.memory_space<vmem>>
      %dma_start3A_977 = tpu.memref_squeeze %dma_start3A_976 : memref<1x16xf32, #tpu.memory_space<vmem>> -> memref<16xf32, #tpu.memory_space<vmem>>
      %dma_start3A_978 = arith.constant 0 : i32
      %dma_start3A_979 = tpu.memref_slice %arg2[%squeeze3A_970, %squeeze3A_972, %dma_start3A_978] : memref<325000x8x16xf32, #tpu.memory_space<hbm>> -> memref<1x1x16xf32, #tpu.memory_space<hbm>>
      %dma_start3A_980 = tpu.memref_squeeze %dma_start3A_979 : memref<1x1x16xf32, #tpu.memory_space<hbm>> -> memref<16xf32, #tpu.memory_space<hbm>>
      %dma_start3A_981 = arith.constant 112 : i32
      %dma_start3A_982 = tpu.memref_slice %arg6[%add3A_974, %dma_start3A_981] : memref<416x128xf32, #tpu.memory_space<vmem>> -> memref<1x16xf32, #tpu.memory_space<vmem>>
      %dma_start3A_983 = tpu.memref_squeeze %dma_start3A_982 : memref<1x16xf32, #tpu.memory_space<vmem>> -> memref<16xf32, #tpu.memory_space<vmem>>
      %dma_start3A_984 = arith.constant 0 : i32
      %dma_start3A_985 = tpu.memref_slice %arg2[%squeeze3A_970, %squeeze3A_972, %dma_start3A_984] : memref<325000x8x16xf32, #tpu.memory_space<hbm>> -> memref<1x1x16xf32, #tpu.memory_space<hbm>>
      %dma_start3A_986 = tpu.memref_squeeze %dma_start3A_985 : memref<1x1x16xf32, #tpu.memory_space<hbm>> -> memref<16xf32, #tpu.memory_space<hbm>>
      tpu.enqueue_dma source(%dma_start3A_986 : memref<16xf32, #tpu.memory_space<hbm>>) target(%dma_start3A_983 : memref<16xf32, #tpu.memory_space<vmem>>) target_semaphore(%arg7 : memref<!tpu.dma_semaphore, #tpu.memory_space<semaphore_mem>>)
      %dma_wait3A = arith.constant 0 : i32
      %dma_wait3A_987 = tpu.memref_slice %arg6[%add3A_47, %dma_wait3A] : memref<416x128xf32, #tpu.memory_space<vmem>> -> memref<1x16xf32, #tpu.memory_space<vmem>>
      %dma_wait3A_988 = tpu.memref_squeeze %dma_wait3A_987 : memref<1x16xf32, #tpu.memory_space<vmem>> -> memref<16xf32, #tpu.memory_space<vmem>>
      %dma_wait3A_989 = arith.constant 0 : i32
      %dma_wait3A_990 = tpu.memref_slice %arg2[%squeeze3A_43, %squeeze3A_45, %dma_wait3A_989] : memref<325000x8x16xf32, #tpu.memory_space<hbm>> -> memref<1x1x16xf32, #tpu.memory_space<hbm>>
      %dma_wait3A_991 = tpu.memref_squeeze %dma_wait3A_990 : memref<1x1x16xf32, #tpu.memory_space<hbm>> -> memref<16xf32, #tpu.memory_space<hbm>>
      %dma_wait3A_992 = arith.constant 0 : i32
      %dma_wait3A_993 = tpu.memref_slice %arg6[%add3A_47, %dma_wait3A_992] : memref<416x128xf32, #tpu.memory_space<vmem>> -> memref<1x16xf32, #tpu.memory_space<vmem>>
      %dma_wait3A_994 = tpu.memref_squeeze %dma_wait3A_993 : memref<1x16xf32, #tpu.memory_space<vmem>> -> memref<16xf32, #tpu.memory_space<vmem>>
      %dma_wait3A_995 = arith.constant 0 : i32
      %dma_wait3A_996 = tpu.memref_slice %arg2[%squeeze3A_43, %squeeze3A_45, %dma_wait3A_995] : memref<325000x8x16xf32, #tpu.memory_space<hbm>> -> memref<1x1x16xf32, #tpu.memory_space<hbm>>
      %dma_wait3A_997 = tpu.memref_squeeze %dma_wait3A_996 : memref<1x1x16xf32, #tpu.memory_space<hbm>> -> memref<16xf32, #tpu.memory_space<hbm>>
      tpu.wait_dma2 semaphore(%arg7 : memref<!tpu.dma_semaphore, #tpu.memory_space<semaphore_mem>>) src(%dma_wait3A_997 : memref<16xf32, #tpu.memory_space<hbm>>) dst(%dma_wait3A_994 : memref<16xf32, #tpu.memory_space<vmem>>)
      %dma_wait3A_998 = arith.constant 16 : i32
      %dma_wait3A_999 = tpu.memref_slice %arg6[%add3A_64, %dma_wait3A_998] : memref<416x128xf32, #tpu.memory_space<vmem>> -> memref<1x16xf32, #tpu.memory_space<vmem>>
      %dma_wait3A_1000 = tpu.memref_squeeze %dma_wait3A_999 : memref<1x16xf32, #tpu.memory_space<vmem>> -> memref<16xf32, #tpu.memory_space<vmem>>
      %dma_wait3A_1001 = arith.constant 0 : i32
      %dma_wait3A_1002 = tpu.memref_slice %arg2[%squeeze3A_60, %squeeze3A_62, %dma_wait3A_1001] : memref<325000x8x16xf32, #tpu.memory_space<hbm>> -> memref<1x1x16xf32, #tpu.memory_space<hbm>>
      %dma_wait3A_1003 = tpu.memref_squeeze %dma_wait3A_1002 : memref<1x1x16xf32, #tpu.memory_space<hbm>> -> memref<16xf32, #tpu.memory_space<hbm>>
      %dma_wait3A_1004 = arith.constant 16 : i32
      %dma_wait3A_1005 = tpu.memref_slice %arg6[%add3A_64, %dma_wait3A_1004] : memref<416x128xf32, #tpu.memory_space<vmem>> -> memref<1x16xf32, #tpu.memory_space<vmem>>
      %dma_wait3A_1006 = tpu.memref_squeeze %dma_wait3A_1005 : memref<1x16xf32, #tpu.memory_space<vmem>> -> memref<16xf32, #tpu.memory_space<vmem>>
      %dma_wait3A_1007 = arith.constant 0 : i32
      %dma_wait3A_1008 = tpu.memref_slice %arg2[%squeeze3A_60, %squeeze3A_62, %dma_wait3A_1007] : memref<325000x8x16xf32, #tpu.memory_space<hbm>> -> memref<1x1x16xf32, #tpu.memory_space<hbm>>
      %dma_wait3A_1009 = tpu.memref_squeeze %dma_wait3A_1008 : memref<1x1x16xf32, #tpu.memory_space<hbm>> -> memref<16xf32, #tpu.memory_space<hbm>>
      tpu.wait_dma2 semaphore(%arg7 : memref<!tpu.dma_semaphore, #tpu.memory_space<semaphore_mem>>) src(%dma_wait3A_1009 : memref<16xf32, #tpu.memory_space<hbm>>) dst(%dma_wait3A_1006 : memref<16xf32, #tpu.memory_space<vmem>>)
      %dma_wait3A_1010 = arith.constant 32 : i32
      %dma_wait3A_1011 = tpu.memref_slice %arg6[%add3A_82, %dma_wait3A_1010] : memref<416x128xf32, #tpu.memory_space<vmem>> -> memref<1x16xf32, #tpu.memory_space<vmem>>
      %dma_wait3A_1012 = tpu.memref_squeeze %dma_wait3A_1011 : memref<1x16xf32, #tpu.memory_space<vmem>> -> memref<16xf32, #tpu.memory_space<vmem>>
      %dma_wait3A_1013 = arith.constant 0 : i32
      %dma_wait3A_1014 = tpu.memref_slice %arg2[%squeeze3A_78, %squeeze3A_80, %dma_wait3A_1013] : memref<325000x8x16xf32, #tpu.memory_space<hbm>> -> memref<1x1x16xf32, #tpu.memory_space<hbm>>
      %dma_wait3A_1015 = tpu.memref_squeeze %dma_wait3A_1014 : memref<1x1x16xf32, #tpu.memory_space<hbm>> -> memref<16xf32, #tpu.memory_space<hbm>>
      %dma_wait3A_1016 = arith.constant 32 : i32
      %dma_wait3A_1017 = tpu.memref_slice %arg6[%add3A_82, %dma_wait3A_1016] : memref<416x128xf32, #tpu.memory_space<vmem>> -> memref<1x16xf32, #tpu.memory_space<vmem>>
      %dma_wait3A_1018 = tpu.memref_squeeze %dma_wait3A_1017 : memref<1x16xf32, #tpu.memory_space<vmem>> -> memref<16xf32, #tpu.memory_space<vmem>>
      %dma_wait3A_1019 = arith.constant 0 : i32
      %dma_wait3A_1020 = tpu.memref_slice %arg2[%squeeze3A_78, %squeeze3A_80, %dma_wait3A_1019] : memref<325000x8x16xf32, #tpu.memory_space<hbm>> -> memref<1x1x16xf32, #tpu.memory_space<hbm>>
      %dma_wait3A_1021 = tpu.memref_squeeze %dma_wait3A_1020 : memref<1x1x16xf32, #tpu.memory_space<hbm>> -> memref<16xf32, #tpu.memory_space<hbm>>
      tpu.wait_dma2 semaphore(%arg7 : memref<!tpu.dma_semaphore, #tpu.memory_space<semaphore_mem>>) src(%dma_wait3A_1021 : memref<16xf32, #tpu.memory_space<hbm>>) dst(%dma_wait3A_1018 : memref<16xf32, #tpu.memory_space<vmem>>)
      %dma_wait3A_1022 = arith.constant 48 : i32
      %dma_wait3A_1023 = tpu.memref_slice %arg6[%add3A_100, %dma_wait3A_1022] : memref<416x128xf32, #tpu.memory_space<vmem>> -> memref<1x16xf32, #tpu.memory_space<vmem>>
      %dma_wait3A_1024 = tpu.memref_squeeze %dma_wait3A_1023 : memref<1x16xf32, #tpu.memory_space<vmem>> -> memref<16xf32, #tpu.memory_space<vmem>>
      %dma_wait3A_1025 = arith.constant 0 : i32
      %dma_wait3A_1026 = tpu.memref_slice %arg2[%squeeze3A_96, %squeeze3A_98, %dma_wait3A_1025] : memref<325000x8x16xf32, #tpu.memory_space<hbm>> -> memref<1x1x16xf32, #tpu.memory_space<hbm>>
      %dma_wait3A_1027 = tpu.memref_squeeze %dma_wait3A_1026 : memref<1x1x16xf32, #tpu.memory_space<hbm>> -> memref<16xf32, #tpu.memory_space<hbm>>
      %dma_wait3A_1028 = arith.constant 48 : i32
      %dma_wait3A_1029 = tpu.memref_slice %arg6[%add3A_100, %dma_wait3A_1028] : memref<416x128xf32, #tpu.memory_space<vmem>> -> memref<1x16xf32, #tpu.memory_space<vmem>>
      %dma_wait3A_1030 = tpu.memref_squeeze %dma_wait3A_1029 : memref<1x16xf32, #tpu.memory_space<vmem>> -> memref<16xf32, #tpu.memory_space<vmem>>
      %dma_wait3A_1031 = arith.constant 0 : i32
      %dma_wait3A_1032 = tpu.memref_slice %arg2[%squeeze3A_96, %squeeze3A_98, %dma_wait3A_1031] : memref<325000x8x16xf32, #tpu.memory_space<hbm>> -> memref<1x1x16xf32, #tpu.memory_space<hbm>>
      %dma_wait3A_1033 = tpu.memref_squeeze %dma_wait3A_1032 : memref<1x1x16xf32, #tpu.memory_space<hbm>> -> memref<16xf32, #tpu.memory_space<hbm>>
      tpu.wait_dma2 semaphore(%arg7 : memref<!tpu.dma_semaphore, #tpu.memory_space<semaphore_mem>>) src(%dma_wait3A_1033 : memref<16xf32, #tpu.memory_space<hbm>>) dst(%dma_wait3A_1030 : memref<16xf32, #tpu.memory_space<vmem>>)
      %dma_wait3A_1034 = arith.constant 64 : i32
      %dma_wait3A_1035 = tpu.memref_slice %arg6[%add3A_118, %dma_wait3A_1034] : memref<416x128xf32, #tpu.memory_space<vmem>> -> memref<1x16xf32, #tpu.memory_space<vmem>>
      %dma_wait3A_1036 = tpu.memref_squeeze %dma_wait3A_1035 : memref<1x16xf32, #tpu.memory_space<vmem>> -> memref<16xf32, #tpu.memory_space<vmem>>
      %dma_wait3A_1037 = arith.constant 0 : i32
      %dma_wait3A_1038 = tpu.memref_slice %arg2[%squeeze3A_114, %squeeze3A_116, %dma_wait3A_1037] : memref<325000x8x16xf32, #tpu.memory_space<hbm>> -> memref<1x1x16xf32, #tpu.memory_space<hbm>>
      %dma_wait3A_1039 = tpu.memref_squeeze %dma_wait3A_1038 : memref<1x1x16xf32, #tpu.memory_space<hbm>> -> memref<16xf32, #tpu.memory_space<hbm>>
      %dma_wait3A_1040 = arith.constant 64 : i32
      %dma_wait3A_1041 = tpu.memref_slice %arg6[%add3A_118, %dma_wait3A_1040] : memref<416x128xf32, #tpu.memory_space<vmem>> -> memref<1x16xf32, #tpu.memory_space<vmem>>
      %dma_wait3A_1042 = tpu.memref_squeeze %dma_wait3A_1041 : memref<1x16xf32, #tpu.memory_space<vmem>> -> memref<16xf32, #tpu.memory_space<vmem>>
      %dma_wait3A_1043 = arith.constant 0 : i32
      %dma_wait3A_1044 = tpu.memref_slice %arg2[%squeeze3A_114, %squeeze3A_116, %dma_wait3A_1043] : memref<325000x8x16xf32, #tpu.memory_space<hbm>> -> memref<1x1x16xf32, #tpu.memory_space<hbm>>
      %dma_wait3A_1045 = tpu.memref_squeeze %dma_wait3A_1044 : memref<1x1x16xf32, #tpu.memory_space<hbm>> -> memref<16xf32, #tpu.memory_space<hbm>>
      tpu.wait_dma2 semaphore(%arg7 : memref<!tpu.dma_semaphore, #tpu.memory_space<semaphore_mem>>) src(%dma_wait3A_1045 : memref<16xf32, #tpu.memory_space<hbm>>) dst(%dma_wait3A_1042 : memref<16xf32, #tpu.memory_space<vmem>>)
      %dma_wait3A_1046 = arith.constant 80 : i32
      %dma_wait3A_1047 = tpu.memref_slice %arg6[%add3A_136, %dma_wait3A_1046] : memref<416x128xf32, #tpu.memory_space<vmem>> -> memref<1x16xf32, #tpu.memory_space<vmem>>
      %dma_wait3A_1048 = tpu.memref_squeeze %dma_wait3A_1047 : memref<1x16xf32, #tpu.memory_space<vmem>> -> memref<16xf32, #tpu.memory_space<vmem>>
      %dma_wait3A_1049 = arith.constant 0 : i32
      %dma_wait3A_1050 = tpu.memref_slice %arg2[%squeeze3A_132, %squeeze3A_134, %dma_wait3A_1049] : memref<325000x8x16xf32, #tpu.memory_space<hbm>> -> memref<1x1x16xf32, #tpu.memory_space<hbm>>
      %dma_wait3A_1051 = tpu.memref_squeeze %dma_wait3A_1050 : memref<1x1x16xf32, #tpu.memory_space<hbm>> -> memref<16xf32, #tpu.memory_space<hbm>>
      %dma_wait3A_1052 = arith.constant 80 : i32
      %dma_wait3A_1053 = tpu.memref_slice %arg6[%add3A_136, %dma_wait3A_1052] : memref<416x128xf32, #tpu.memory_space<vmem>> -> memref<1x16xf32, #tpu.memory_space<vmem>>
      %dma_wait3A_1054 = tpu.memref_squeeze %dma_wait3A_1053 : memref<1x16xf32, #tpu.memory_space<vmem>> -> memref<16xf32, #tpu.memory_space<vmem>>
      %dma_wait3A_1055 = arith.constant 0 : i32
      %dma_wait3A_1056 = tpu.memref_slice %arg2[%squeeze3A_132, %squeeze3A_134, %dma_wait3A_1055] : memref<325000x8x16xf32, #tpu.memory_space<hbm>> -> memref<1x1x16xf32, #tpu.memory_space<hbm>>
      %dma_wait3A_1057 = tpu.memref_squeeze %dma_wait3A_1056 : memref<1x1x16xf32, #tpu.memory_space<hbm>> -> memref<16xf32, #tpu.memory_space<hbm>>
      tpu.wait_dma2 semaphore(%arg7 : memref<!tpu.dma_semaphore, #tpu.memory_space<semaphore_mem>>) src(%dma_wait3A_1057 : memref<16xf32, #tpu.memory_space<hbm>>) dst(%dma_wait3A_1054 : memref<16xf32, #tpu.memory_space<vmem>>)
      %dma_wait3A_1058 = arith.constant 96 : i32
      %dma_wait3A_1059 = tpu.memref_slice %arg6[%add3A_154, %dma_wait3A_1058] : memref<416x128xf32, #tpu.memory_space<vmem>> -> memref<1x16xf32, #tpu.memory_space<vmem>>
      %dma_wait3A_1060 = tpu.memref_squeeze %dma_wait3A_1059 : memref<1x16xf32, #tpu.memory_space<vmem>> -> memref<16xf32, #tpu.memory_space<vmem>>
      %dma_wait3A_1061 = arith.constant 0 : i32
      %dma_wait3A_1062 = tpu.memref_slice %arg2[%squeeze3A_150, %squeeze3A_152, %dma_wait3A_1061] : memref<325000x8x16xf32, #tpu.memory_space<hbm>> -> memref<1x1x16xf32, #tpu.memory_space<hbm>>
      %dma_wait3A_1063 = tpu.memref_squeeze %dma_wait3A_1062 : memref<1x1x16xf32, #tpu.memory_space<hbm>> -> memref<16xf32, #tpu.memory_space<hbm>>
      %dma_wait3A_1064 = arith.constant 96 : i32
      %dma_wait3A_1065 = tpu.memref_slice %arg6[%add3A_154, %dma_wait3A_1064] : memref<416x128xf32, #tpu.memory_space<vmem>> -> memref<1x16xf32, #tpu.memory_space<vmem>>
      %dma_wait3A_1066 = tpu.memref_squeeze %dma_wait3A_1065 : memref<1x16xf32, #tpu.memory_space<vmem>> -> memref<16xf32, #tpu.memory_space<vmem>>
      %dma_wait3A_1067 = arith.constant 0 : i32
      %dma_wait3A_1068 = tpu.memref_slice %arg2[%squeeze3A_150, %squeeze3A_152, %dma_wait3A_1067] : memref<325000x8x16xf32, #tpu.memory_space<hbm>> -> memref<1x1x16xf32, #tpu.memory_space<hbm>>
      %dma_wait3A_1069 = tpu.memref_squeeze %dma_wait3A_1068 : memref<1x1x16xf32, #tpu.memory_space<hbm>> -> memref<16xf32, #tpu.memory_space<hbm>>
      tpu.wait_dma2 semaphore(%arg7 : memref<!tpu.dma_semaphore, #tpu.memory_space<semaphore_mem>>) src(%dma_wait3A_1069 : memref<16xf32, #tpu.memory_space<hbm>>) dst(%dma_wait3A_1066 : memref<16xf32, #tpu.memory_space<vmem>>)
      %dma_wait3A_1070 = arith.constant 112 : i32
      %dma_wait3A_1071 = tpu.memref_slice %arg6[%add3A_172, %dma_wait3A_1070] : memref<416x128xf32, #tpu.memory_space<vmem>> -> memref<1x16xf32, #tpu.memory_space<vmem>>
      %dma_wait3A_1072 = tpu.memref_squeeze %dma_wait3A_1071 : memref<1x16xf32, #tpu.memory_space<vmem>> -> memref<16xf32, #tpu.memory_space<vmem>>
      %dma_wait3A_1073 = arith.constant 0 : i32
      %dma_wait3A_1074 = tpu.memref_slice %arg2[%squeeze3A_168, %squeeze3A_170, %dma_wait3A_1073] : memref<325000x8x16xf32, #tpu.memory_space<hbm>> -> memref<1x1x16xf32, #tpu.memory_space<hbm>>
      %dma_wait3A_1075 = tpu.memref_squeeze %dma_wait3A_1074 : memref<1x1x16xf32, #tpu.memory_space<hbm>> -> memref<16xf32, #tpu.memory_space<hbm>>
      %dma_wait3A_1076 = arith.constant 112 : i32
      %dma_wait3A_1077 = tpu.memref_slice %arg6[%add3A_172, %dma_wait3A_1076] : memref<416x128xf32, #tpu.memory_space<vmem>> -> memref<1x16xf32, #tpu.memory_space<vmem>>
      %dma_wait3A_1078 = tpu.memref_squeeze %dma_wait3A_1077 : memref<1x16xf32, #tpu.memory_space<vmem>> -> memref<16xf32, #tpu.memory_space<vmem>>
      %dma_wait3A_1079 = arith.constant 0 : i32
      %dma_wait3A_1080 = tpu.memref_slice %arg2[%squeeze3A_168, %squeeze3A_170, %dma_wait3A_1079] : memref<325000x8x16xf32, #tpu.memory_space<hbm>> -> memref<1x1x16xf32, #tpu.memory_space<hbm>>
      %dma_wait3A_1081 = tpu.memref_squeeze %dma_wait3A_1080 : memref<1x1x16xf32, #tpu.memory_space<hbm>> -> memref<16xf32, #tpu.memory_space<hbm>>
      tpu.wait_dma2 semaphore(%arg7 : memref<!tpu.dma_semaphore, #tpu.memory_space<semaphore_mem>>) src(%dma_wait3A_1081 : memref<16xf32, #tpu.memory_space<hbm>>) dst(%dma_wait3A_1078 : memref<16xf32, #tpu.memory_space<vmem>>)
      %dma_wait3A_1082 = arith.constant 0 : i32
      %dma_wait3A_1083 = tpu.memref_slice %arg6[%add3A_190, %dma_wait3A_1082] : memref<416x128xf32, #tpu.memory_space<vmem>> -> memref<1x16xf32, #tpu.memory_space<vmem>>
      %dma_wait3A_1084 = tpu.memref_squeeze %dma_wait3A_1083 : memref<1x16xf32, #tpu.memory_space<vmem>> -> memref<16xf32, #tpu.memory_space<vmem>>
      %dma_wait3A_1085 = arith.constant 0 : i32
      %dma_wait3A_1086 = tpu.memref_slice %arg2[%squeeze3A_186, %squeeze3A_188, %dma_wait3A_1085] : memref<325000x8x16xf32, #tpu.memory_space<hbm>> -> memref<1x1x16xf32, #tpu.memory_space<hbm>>
      %dma_wait3A_1087 = tpu.memref_squeeze %dma_wait3A_1086 : memref<1x1x16xf32, #tpu.memory_space<hbm>> -> memref<16xf32, #tpu.memory_space<hbm>>
      %dma_wait3A_1088 = arith.constant 0 : i32
      %dma_wait3A_1089 = tpu.memref_slice %arg6[%add3A_190, %dma_wait3A_1088] : memref<416x128xf32, #tpu.memory_space<vmem>> -> memref<1x16xf32, #tpu.memory_space<vmem>>
      %dma_wait3A_1090 = tpu.memref_squeeze %dma_wait3A_1089 : memref<1x16xf32, #tpu.memory_space<vmem>> -> memref<16xf32, #tpu.memory_space<vmem>>
      %dma_wait3A_1091 = arith.constant 0 : i32
      %dma_wait3A_1092 = tpu.memref_slice %arg2[%squeeze3A_186, %squeeze3A_188, %dma_wait3A_1091] : memref<325000x8x16xf32, #tpu.memory_space<hbm>> -> memref<1x1x16xf32, #tpu.memory_space<hbm>>
      %dma_wait3A_1093 = tpu.memref_squeeze %dma_wait3A_1092 : memref<1x1x16xf32, #tpu.memory_space<hbm>> -> memref<16xf32, #tpu.memory_space<hbm>>
      tpu.wait_dma2 semaphore(%arg7 : memref<!tpu.dma_semaphore, #tpu.memory_space<semaphore_mem>>) src(%dma_wait3A_1093 : memref<16xf32, #tpu.memory_space<hbm>>) dst(%dma_wait3A_1090 : memref<16xf32, #tpu.memory_space<vmem>>)
      %dma_wait3A_1094 = arith.constant 16 : i32
      %dma_wait3A_1095 = tpu.memref_slice %arg6[%add3A_208, %dma_wait3A_1094] : memref<416x128xf32, #tpu.memory_space<vmem>> -> memref<1x16xf32, #tpu.memory_space<vmem>>
      %dma_wait3A_1096 = tpu.memref_squeeze %dma_wait3A_1095 : memref<1x16xf32, #tpu.memory_space<vmem>> -> memref<16xf32, #tpu.memory_space<vmem>>
      %dma_wait3A_1097 = arith.constant 0 : i32
      %dma_wait3A_1098 = tpu.memref_slice %arg2[%squeeze3A_204, %squeeze3A_206, %dma_wait3A_1097] : memref<325000x8x16xf32, #tpu.memory_space<hbm>> -> memref<1x1x16xf32, #tpu.memory_space<hbm>>
      %dma_wait3A_1099 = tpu.memref_squeeze %dma_wait3A_1098 : memref<1x1x16xf32, #tpu.memory_space<hbm>> -> memref<16xf32, #tpu.memory_space<hbm>>
      %dma_wait3A_1100 = arith.constant 16 : i32
      %dma_wait3A_1101 = tpu.memref_slice %arg6[%add3A_208, %dma_wait3A_1100] : memref<416x128xf32, #tpu.memory_space<vmem>> -> memref<1x16xf32, #tpu.memory_space<vmem>>
      %dma_wait3A_1102 = tpu.memref_squeeze %dma_wait3A_1101 : memref<1x16xf32, #tpu.memory_space<vmem>> -> memref<16xf32, #tpu.memory_space<vmem>>
      %dma_wait3A_1103 = arith.constant 0 : i32
      %dma_wait3A_1104 = tpu.memref_slice %arg2[%squeeze3A_204, %squeeze3A_206, %dma_wait3A_1103] : memref<325000x8x16xf32, #tpu.memory_space<hbm>> -> memref<1x1x16xf32, #tpu.memory_space<hbm>>
      %dma_wait3A_1105 = tpu.memref_squeeze %dma_wait3A_1104 : memref<1x1x16xf32, #tpu.memory_space<hbm>> -> memref<16xf32, #tpu.memory_space<hbm>>
      tpu.wait_dma2 semaphore(%arg7 : memref<!tpu.dma_semaphore, #tpu.memory_space<semaphore_mem>>) src(%dma_wait3A_1105 : memref<16xf32, #tpu.memory_space<hbm>>) dst(%dma_wait3A_1102 : memref<16xf32, #tpu.memory_space<vmem>>)
      %dma_wait3A_1106 = arith.constant 32 : i32
      %dma_wait3A_1107 = tpu.memref_slice %arg6[%add3A_226, %dma_wait3A_1106] : memref<416x128xf32, #tpu.memory_space<vmem>> -> memref<1x16xf32, #tpu.memory_space<vmem>>
      %dma_wait3A_1108 = tpu.memref_squeeze %dma_wait3A_1107 : memref<1x16xf32, #tpu.memory_space<vmem>> -> memref<16xf32, #tpu.memory_space<vmem>>
      %dma_wait3A_1109 = arith.constant 0 : i32
      %dma_wait3A_1110 = tpu.memref_slice %arg2[%squeeze3A_222, %squeeze3A_224, %dma_wait3A_1109] : memref<325000x8x16xf32, #tpu.memory_space<hbm>> -> memref<1x1x16xf32, #tpu.memory_space<hbm>>
      %dma_wait3A_1111 = tpu.memref_squeeze %dma_wait3A_1110 : memref<1x1x16xf32, #tpu.memory_space<hbm>> -> memref<16xf32, #tpu.memory_space<hbm>>
      %dma_wait3A_1112 = arith.constant 32 : i32
      %dma_wait3A_1113 = tpu.memref_slice %arg6[%add3A_226, %dma_wait3A_1112] : memref<416x128xf32, #tpu.memory_space<vmem>> -> memref<1x16xf32, #tpu.memory_space<vmem>>
      %dma_wait3A_1114 = tpu.memref_squeeze %dma_wait3A_1113 : memref<1x16xf32, #tpu.memory_space<vmem>> -> memref<16xf32, #tpu.memory_space<vmem>>
      %dma_wait3A_1115 = arith.constant 0 : i32
      %dma_wait3A_1116 = tpu.memref_slice %arg2[%squeeze3A_222, %squeeze3A_224, %dma_wait3A_1115] : memref<325000x8x16xf32, #tpu.memory_space<hbm>> -> memref<1x1x16xf32, #tpu.memory_space<hbm>>
      %dma_wait3A_1117 = tpu.memref_squeeze %dma_wait3A_1116 : memref<1x1x16xf32, #tpu.memory_space<hbm>> -> memref<16xf32, #tpu.memory_space<hbm>>
      tpu.wait_dma2 semaphore(%arg7 : memref<!tpu.dma_semaphore, #tpu.memory_space<semaphore_mem>>) src(%dma_wait3A_1117 : memref<16xf32, #tpu.memory_space<hbm>>) dst(%dma_wait3A_1114 : memref<16xf32, #tpu.memory_space<vmem>>)
      %dma_wait3A_1118 = arith.constant 48 : i32
      %dma_wait3A_1119 = tpu.memref_slice %arg6[%add3A_244, %dma_wait3A_1118] : memref<416x128xf32, #tpu.memory_space<vmem>> -> memref<1x16xf32, #tpu.memory_space<vmem>>
      %dma_wait3A_1120 = tpu.memref_squeeze %dma_wait3A_1119 : memref<1x16xf32, #tpu.memory_space<vmem>> -> memref<16xf32, #tpu.memory_space<vmem>>
      %dma_wait3A_1121 = arith.constant 0 : i32
      %dma_wait3A_1122 = tpu.memref_slice %arg2[%squeeze3A_240, %squeeze3A_242, %dma_wait3A_1121] : memref<325000x8x16xf32, #tpu.memory_space<hbm>> -> memref<1x1x16xf32, #tpu.memory_space<hbm>>
      %dma_wait3A_1123 = tpu.memref_squeeze %dma_wait3A_1122 : memref<1x1x16xf32, #tpu.memory_space<hbm>> -> memref<16xf32, #tpu.memory_space<hbm>>
      %dma_wait3A_1124 = arith.constant 48 : i32
      %dma_wait3A_1125 = tpu.memref_slice %arg6[%add3A_244, %dma_wait3A_1124] : memref<416x128xf32, #tpu.memory_space<vmem>> -> memref<1x16xf32, #tpu.memory_space<vmem>>
      %dma_wait3A_1126 = tpu.memref_squeeze %dma_wait3A_1125 : memref<1x16xf32, #tpu.memory_space<vmem>> -> memref<16xf32, #tpu.memory_space<vmem>>
      %dma_wait3A_1127 = arith.constant 0 : i32
      %dma_wait3A_1128 = tpu.memref_slice %arg2[%squeeze3A_240, %squeeze3A_242, %dma_wait3A_1127] : memref<325000x8x16xf32, #tpu.memory_space<hbm>> -> memref<1x1x16xf32, #tpu.memory_space<hbm>>
      %dma_wait3A_1129 = tpu.memref_squeeze %dma_wait3A_1128 : memref<1x1x16xf32, #tpu.memory_space<hbm>> -> memref<16xf32, #tpu.memory_space<hbm>>
      tpu.wait_dma2 semaphore(%arg7 : memref<!tpu.dma_semaphore, #tpu.memory_space<semaphore_mem>>) src(%dma_wait3A_1129 : memref<16xf32, #tpu.memory_space<hbm>>) dst(%dma_wait3A_1126 : memref<16xf32, #tpu.memory_space<vmem>>)
      %dma_wait3A_1130 = arith.constant 64 : i32
      %dma_wait3A_1131 = tpu.memref_slice %arg6[%add3A_262, %dma_wait3A_1130] : memref<416x128xf32, #tpu.memory_space<vmem>> -> memref<1x16xf32, #tpu.memory_space<vmem>>
      %dma_wait3A_1132 = tpu.memref_squeeze %dma_wait3A_1131 : memref<1x16xf32, #tpu.memory_space<vmem>> -> memref<16xf32, #tpu.memory_space<vmem>>
      %dma_wait3A_1133 = arith.constant 0 : i32
      %dma_wait3A_1134 = tpu.memref_slice %arg2[%squeeze3A_258, %squeeze3A_260, %dma_wait3A_1133] : memref<325000x8x16xf32, #tpu.memory_space<hbm>> -> memref<1x1x16xf32, #tpu.memory_space<hbm>>
      %dma_wait3A_1135 = tpu.memref_squeeze %dma_wait3A_1134 : memref<1x1x16xf32, #tpu.memory_space<hbm>> -> memref<16xf32, #tpu.memory_space<hbm>>
      %dma_wait3A_1136 = arith.constant 64 : i32
      %dma_wait3A_1137 = tpu.memref_slice %arg6[%add3A_262, %dma_wait3A_1136] : memref<416x128xf32, #tpu.memory_space<vmem>> -> memref<1x16xf32, #tpu.memory_space<vmem>>
      %dma_wait3A_1138 = tpu.memref_squeeze %dma_wait3A_1137 : memref<1x16xf32, #tpu.memory_space<vmem>> -> memref<16xf32, #tpu.memory_space<vmem>>
      %dma_wait3A_1139 = arith.constant 0 : i32
      %dma_wait3A_1140 = tpu.memref_slice %arg2[%squeeze3A_258, %squeeze3A_260, %dma_wait3A_1139] : memref<325000x8x16xf32, #tpu.memory_space<hbm>> -> memref<1x1x16xf32, #tpu.memory_space<hbm>>
      %dma_wait3A_1141 = tpu.memref_squeeze %dma_wait3A_1140 : memref<1x1x16xf32, #tpu.memory_space<hbm>> -> memref<16xf32, #tpu.memory_space<hbm>>
      tpu.wait_dma2 semaphore(%arg7 : memref<!tpu.dma_semaphore, #tpu.memory_space<semaphore_mem>>) src(%dma_wait3A_1141 : memref<16xf32, #tpu.memory_space<hbm>>) dst(%dma_wait3A_1138 : memref<16xf32, #tpu.memory_space<vmem>>)
      %dma_wait3A_1142 = arith.constant 80 : i32
      %dma_wait3A_1143 = tpu.memref_slice %arg6[%add3A_280, %dma_wait3A_1142] : memref<416x128xf32, #tpu.memory_space<vmem>> -> memref<1x16xf32, #tpu.memory_space<vmem>>
      %dma_wait3A_1144 = tpu.memref_squeeze %dma_wait3A_1143 : memref<1x16xf32, #tpu.memory_space<vmem>> -> memref<16xf32, #tpu.memory_space<vmem>>
      %dma_wait3A_1145 = arith.constant 0 : i32
      %dma_wait3A_1146 = tpu.memref_slice %arg2[%squeeze3A_276, %squeeze3A_278, %dma_wait3A_1145] : memref<325000x8x16xf32, #tpu.memory_space<hbm>> -> memref<1x1x16xf32, #tpu.memory_space<hbm>>
      %dma_wait3A_1147 = tpu.memref_squeeze %dma_wait3A_1146 : memref<1x1x16xf32, #tpu.memory_space<hbm>> -> memref<16xf32, #tpu.memory_space<hbm>>
      %dma_wait3A_1148 = arith.constant 80 : i32
      %dma_wait3A_1149 = tpu.memref_slice %arg6[%add3A_280, %dma_wait3A_1148] : memref<416x128xf32, #tpu.memory_space<vmem>> -> memref<1x16xf32, #tpu.memory_space<vmem>>
      %dma_wait3A_1150 = tpu.memref_squeeze %dma_wait3A_1149 : memref<1x16xf32, #tpu.memory_space<vmem>> -> memref<16xf32, #tpu.memory_space<vmem>>
      %dma_wait3A_1151 = arith.constant 0 : i32
      %dma_wait3A_1152 = tpu.memref_slice %arg2[%squeeze3A_276, %squeeze3A_278, %dma_wait3A_1151] : memref<325000x8x16xf32, #tpu.memory_space<hbm>> -> memref<1x1x16xf32, #tpu.memory_space<hbm>>
      %dma_wait3A_1153 = tpu.memref_squeeze %dma_wait3A_1152 : memref<1x1x16xf32, #tpu.memory_space<hbm>> -> memref<16xf32, #tpu.memory_space<hbm>>
      tpu.wait_dma2 semaphore(%arg7 : memref<!tpu.dma_semaphore, #tpu.memory_space<semaphore_mem>>) src(%dma_wait3A_1153 : memref<16xf32, #tpu.memory_space<hbm>>) dst(%dma_wait3A_1150 : memref<16xf32, #tpu.memory_space<vmem>>)
      %dma_wait3A_1154 = arith.constant 96 : i32
      %dma_wait3A_1155 = tpu.memref_slice %arg6[%add3A_298, %dma_wait3A_1154] : memref<416x128xf32, #tpu.memory_space<vmem>> -> memref<1x16xf32, #tpu.memory_space<vmem>>
      %dma_wait3A_1156 = tpu.memref_squeeze %dma_wait3A_1155 : memref<1x16xf32, #tpu.memory_space<vmem>> -> memref<16xf32, #tpu.memory_space<vmem>>
      %dma_wait3A_1157 = arith.constant 0 : i32
      %dma_wait3A_1158 = tpu.memref_slice %arg2[%squeeze3A_294, %squeeze3A_296, %dma_wait3A_1157] : memref<325000x8x16xf32, #tpu.memory_space<hbm>> -> memref<1x1x16xf32, #tpu.memory_space<hbm>>
      %dma_wait3A_1159 = tpu.memref_squeeze %dma_wait3A_1158 : memref<1x1x16xf32, #tpu.memory_space<hbm>> -> memref<16xf32, #tpu.memory_space<hbm>>
      %dma_wait3A_1160 = arith.constant 96 : i32
      %dma_wait3A_1161 = tpu.memref_slice %arg6[%add3A_298, %dma_wait3A_1160] : memref<416x128xf32, #tpu.memory_space<vmem>> -> memref<1x16xf32, #tpu.memory_space<vmem>>
      %dma_wait3A_1162 = tpu.memref_squeeze %dma_wait3A_1161 : memref<1x16xf32, #tpu.memory_space<vmem>> -> memref<16xf32, #tpu.memory_space<vmem>>
      %dma_wait3A_1163 = arith.constant 0 : i32
      %dma_wait3A_1164 = tpu.memref_slice %arg2[%squeeze3A_294, %squeeze3A_296, %dma_wait3A_1163] : memref<325000x8x16xf32, #tpu.memory_space<hbm>> -> memref<1x1x16xf32, #tpu.memory_space<hbm>>
      %dma_wait3A_1165 = tpu.memref_squeeze %dma_wait3A_1164 : memref<1x1x16xf32, #tpu.memory_space<hbm>> -> memref<16xf32, #tpu.memory_space<hbm>>
      tpu.wait_dma2 semaphore(%arg7 : memref<!tpu.dma_semaphore, #tpu.memory_space<semaphore_mem>>) src(%dma_wait3A_1165 : memref<16xf32, #tpu.memory_space<hbm>>) dst(%dma_wait3A_1162 : memref<16xf32, #tpu.memory_space<vmem>>)
      %dma_wait3A_1166 = arith.constant 112 : i32
      %dma_wait3A_1167 = tpu.memref_slice %arg6[%add3A_316, %dma_wait3A_1166] : memref<416x128xf32, #tpu.memory_space<vmem>> -> memref<1x16xf32, #tpu.memory_space<vmem>>
      %dma_wait3A_1168 = tpu.memref_squeeze %dma_wait3A_1167 : memref<1x16xf32, #tpu.memory_space<vmem>> -> memref<16xf32, #tpu.memory_space<vmem>>
      %dma_wait3A_1169 = arith.constant 0 : i32
      %dma_wait3A_1170 = tpu.memref_slice %arg2[%squeeze3A_312, %squeeze3A_314, %dma_wait3A_1169] : memref<325000x8x16xf32, #tpu.memory_space<hbm>> -> memref<1x1x16xf32, #tpu.memory_space<hbm>>
      %dma_wait3A_1171 = tpu.memref_squeeze %dma_wait3A_1170 : memref<1x1x16xf32, #tpu.memory_space<hbm>> -> memref<16xf32, #tpu.memory_space<hbm>>
      %dma_wait3A_1172 = arith.constant 112 : i32
      %dma_wait3A_1173 = tpu.memref_slice %arg6[%add3A_316, %dma_wait3A_1172] : memref<416x128xf32, #tpu.memory_space<vmem>> -> memref<1x16xf32, #tpu.memory_space<vmem>>
      %dma_wait3A_1174 = tpu.memref_squeeze %dma_wait3A_1173 : memref<1x16xf32, #tpu.memory_space<vmem>> -> memref<16xf32, #tpu.memory_space<vmem>>
      %dma_wait3A_1175 = arith.constant 0 : i32
      %dma_wait3A_1176 = tpu.memref_slice %arg2[%squeeze3A_312, %squeeze3A_314, %dma_wait3A_1175] : memref<325000x8x16xf32, #tpu.memory_space<hbm>> -> memref<1x1x16xf32, #tpu.memory_space<hbm>>
      %dma_wait3A_1177 = tpu.memref_squeeze %dma_wait3A_1176 : memref<1x1x16xf32, #tpu.memory_space<hbm>> -> memref<16xf32, #tpu.memory_space<hbm>>
      tpu.wait_dma2 semaphore(%arg7 : memref<!tpu.dma_semaphore, #tpu.memory_space<semaphore_mem>>) src(%dma_wait3A_1177 : memref<16xf32, #tpu.memory_space<hbm>>) dst(%dma_wait3A_1174 : memref<16xf32, #tpu.memory_space<vmem>>)
      %add3A_1178 = arith.constant 48 : i32
      %add3A_1179 = arith.addi %mul3A_10, %add3A_1178 : i32
      %get3A_1180 = arith.index_cast %shift_right_arithmetic3A_7 : i32 to index
      %get3A_1181 = arith.index_cast %add3A_1179 : i32 to index
      %get3A_1182 = tpu.vector_load %arg5[%get3A_1180, %get3A_1181] {strides = array<i32>} : memref<26x128xi32, #tpu.memory_space<vmem>>, vector<1x16xi32>,
      %get3A_1183 = vector.shape_cast %get3A_1182 : vector<1x16xi32> to vector<1x16xi32>
      %squeeze3A_1184 = vector.shape_cast %get3A_1183 : vector<1x16xi32> to vector<16xi32>
      %shift_right_arithmetic3A_1185 = arith.constant 3 : i32
      %shift_right_arithmetic3A_1186 = vector.broadcast %shift_right_arithmetic3A_1185 : i32 to vector<16xi32>
      %shift_right_arithmetic3A_1187 = arith.shrsi %squeeze3A_1184, %shift_right_arithmetic3A_1186 : vector<16xi32>
      %and3A_1188 = arith.constant 7 : i32
      %and3A_1189 = vector.broadcast %and3A_1188 : i32 to vector<16xi32>
      %and3A_1190 = arith.andi %squeeze3A_1184, %and3A_1189 : vector<16xi32>
      %mul3A_1191 = arith.constant 64 : i32
      %mul3A_1192 = arith.muli %scan3A_6, %mul3A_1191 : i32
      %add3A_1193 = arith.constant 48 : i32
      %add3A_1194 = arith.addi %mul3A_1192, %add3A_1193 : i32
      %jit3A_1195 = arith.constant 8 : i32
      %div3A_1196 = arith.divsi %add3A_1194, %jit3A_1195 : i32
      %sign3A_1197 = arith.constant 0 : i32
      %sign3A_1198 = arith.cmpi sgt, %add3A_1194, %sign3A_1197 : i32
      %sign3A_1199 = arith.extui %sign3A_1198 : i1 to i32
      %sign3A_1200 = arith.constant 0 : i32
      %sign3A_1201 = arith.cmpi slt, %add3A_1194, %sign3A_1200 : i32
      %sign3A_1202 = arith.extui %sign3A_1201 : i1 to i32
      %sign3A_1203 = arith.subi %sign3A_1199, %sign3A_1202 : i32
      %sign3A_1204 = arith.constant 0 : i32
      %sign3A_1205 = arith.cmpi sgt, %jit3A_1195, %sign3A_1204 : i32
      %sign3A_1206 = arith.extui %sign3A_1205 : i1 to i32
      %sign3A_1207 = arith.constant 0 : i32
      %sign3A_1208 = arith.cmpi slt, %jit3A_1195, %sign3A_1207 : i32
      %sign3A_1209 = arith.extui %sign3A_1208 : i1 to i32
      %sign3A_1210 = arith.subi %sign3A_1206, %sign3A_1209 : i32
      %ne3A_1211 = arith.cmpi ne, %sign3A_1203, %sign3A_1210 : i32
      %rem3A_1212 = arith.remsi %add3A_1194, %jit3A_1195 : i32
      %ne3A_1213 = arith.constant 0 : i32
      %ne3A_1214 = arith.cmpi ne, %rem3A_1212, %ne3A_1213 : i32
      %and3A_1215 = arith.andi %ne3A_1211, %ne3A_1214 : i1
      %sub3A_1216 = arith.constant 1 : i32
      %sub3A_1217 = arith.subi %div3A_1196, %sub3A_1216 : i32
      %select_n3A_1218 = arith.select %and3A_1215, %sub3A_1217, %div3A_1196 : i32
      %slice3A_1219 = vector.extract_strided_slice %shift_right_arithmetic3A_1187 {offsets = [0], sizes = [1], strides = [1]} : vector<16xi32> to vector<1xi32>
      %squeeze3A_1220 = vector.extract %slice3A_1219[0] : i32 from vector<1xi32>
      %slice3A_1221 = vector.extract_strided_slice %and3A_1190 {offsets = [0], sizes = [1], strides = [1]} : vector<16xi32> to vector<1xi32>
      %squeeze3A_1222 = vector.extract %slice3A_1221[0] : i32 from vector<1xi32>
      %add3A_1223 = arith.constant 0 : i32
      %add3A_1224 = arith.addi %select_n3A_1218, %add3A_1223 : i32
      %dma_start3A_1225 = arith.constant 0 : i32
      %dma_start3A_1226 = tpu.memref_slice %arg6[%add3A_1224, %dma_start3A_1225] : memref<416x128xf32, #tpu.memory_space<vmem>> -> memref<1x16xf32, #tpu.memory_space<vmem>>
      %dma_start3A_1227 = tpu.memref_squeeze %dma_start3A_1226 : memref<1x16xf32, #tpu.memory_space<vmem>> -> memref<16xf32, #tpu.memory_space<vmem>>
      %dma_start3A_1228 = arith.constant 0 : i32
      %dma_start3A_1229 = tpu.memref_slice %arg2[%squeeze3A_1220, %squeeze3A_1222, %dma_start3A_1228] : memref<325000x8x16xf32, #tpu.memory_space<hbm>> -> memref<1x1x16xf32, #tpu.memory_space<hbm>>
      %dma_start3A_1230 = tpu.memref_squeeze %dma_start3A_1229 : memref<1x1x16xf32, #tpu.memory_space<hbm>> -> memref<16xf32, #tpu.memory_space<hbm>>
      %dma_start3A_1231 = arith.constant 0 : i32
      %dma_start3A_1232 = tpu.memref_slice %arg6[%add3A_1224, %dma_start3A_1231] : memref<416x128xf32, #tpu.memory_space<vmem>> -> memref<1x16xf32, #tpu.memory_space<vmem>>
      %dma_start3A_1233 = tpu.memref_squeeze %dma_start3A_1232 : memref<1x16xf32, #tpu.memory_space<vmem>> -> memref<16xf32, #tpu.memory_space<vmem>>
      %dma_start3A_1234 = arith.constant 0 : i32
      %dma_start3A_1235 = tpu.memref_slice %arg2[%squeeze3A_1220, %squeeze3A_1222, %dma_start3A_1234] : memref<325000x8x16xf32, #tpu.memory_space<hbm>> -> memref<1x1x16xf32, #tpu.memory_space<hbm>>
      %dma_start3A_1236 = tpu.memref_squeeze %dma_start3A_1235 : memref<1x1x16xf32, #tpu.memory_space<hbm>> -> memref<16xf32, #tpu.memory_space<hbm>>
      tpu.enqueue_dma source(%dma_start3A_1236 : memref<16xf32, #tpu.memory_space<hbm>>) target(%dma_start3A_1233 : memref<16xf32, #tpu.memory_space<vmem>>) target_semaphore(%arg7 : memref<!tpu.dma_semaphore, #tpu.memory_space<semaphore_mem>>)
      %slice3A_1237 = vector.extract_strided_slice %shift_right_arithmetic3A_1187 {offsets = [1], sizes = [1], strides = [1]} : vector<16xi32> to vector<1xi32>
      %squeeze3A_1238 = vector.extract %slice3A_1237[0] : i32 from vector<1xi32>
      %slice3A_1239 = vector.extract_strided_slice %and3A_1190 {offsets = [1], sizes = [1], strides = [1]} : vector<16xi32> to vector<1xi32>
      %squeeze3A_1240 = vector.extract %slice3A_1239[0] : i32 from vector<1xi32>
      %add3A_1241 = arith.constant 0 : i32
      %add3A_1242 = arith.addi %select_n3A_1218, %add3A_1241 : i32
      %dma_start3A_1243 = arith.constant 16 : i32
      %dma_start3A_1244 = tpu.memref_slice %arg6[%add3A_1242, %dma_start3A_1243] : memref<416x128xf32, #tpu.memory_space<vmem>> -> memref<1x16xf32, #tpu.memory_space<vmem>>
      %dma_start3A_1245 = tpu.memref_squeeze %dma_start3A_1244 : memref<1x16xf32, #tpu.memory_space<vmem>> -> memref<16xf32, #tpu.memory_space<vmem>>
      %dma_start3A_1246 = arith.constant 0 : i32
      %dma_start3A_1247 = tpu.memref_slice %arg2[%squeeze3A_1238, %squeeze3A_1240, %dma_start3A_1246] : memref<325000x8x16xf32, #tpu.memory_space<hbm>> -> memref<1x1x16xf32, #tpu.memory_space<hbm>>
      %dma_start3A_1248 = tpu.memref_squeeze %dma_start3A_1247 : memref<1x1x16xf32, #tpu.memory_space<hbm>> -> memref<16xf32, #tpu.memory_space<hbm>>
      %dma_start3A_1249 = arith.constant 16 : i32
      %dma_start3A_1250 = tpu.memref_slice %arg6[%add3A_1242, %dma_start3A_1249] : memref<416x128xf32, #tpu.memory_space<vmem>> -> memref<1x16xf32, #tpu.memory_space<vmem>>
      %dma_start3A_1251 = tpu.memref_squeeze %dma_start3A_1250 : memref<1x16xf32, #tpu.memory_space<vmem>> -> memref<16xf32, #tpu.memory_space<vmem>>
      %dma_start3A_1252 = arith.constant 0 : i32
      %dma_start3A_1253 = tpu.memref_slice %arg2[%squeeze3A_1238, %squeeze3A_1240, %dma_start3A_1252] : memref<325000x8x16xf32, #tpu.memory_space<hbm>> -> memref<1x1x16xf32, #tpu.memory_space<hbm>>
      %dma_start3A_1254 = tpu.memref_squeeze %dma_start3A_1253 : memref<1x1x16xf32, #tpu.memory_space<hbm>> -> memref<16xf32, #tpu.memory_space<hbm>>
      tpu.enqueue_dma source(%dma_start3A_1254 : memref<16xf32, #tpu.memory_space<hbm>>) target(%dma_start3A_1251 : memref<16xf32, #tpu.memory_space<vmem>>) target_semaphore(%arg7 : memref<!tpu.dma_semaphore, #tpu.memory_space<semaphore_mem>>)
      %slice3A_1255 = vector.extract_strided_slice %shift_right_arithmetic3A_1187 {offsets = [2], sizes = [1], strides = [1]} : vector<16xi32> to vector<1xi32>
      %squeeze3A_1256 = vector.extract %slice3A_1255[0] : i32 from vector<1xi32>
      %slice3A_1257 = vector.extract_strided_slice %and3A_1190 {offsets = [2], sizes = [1], strides = [1]} : vector<16xi32> to vector<1xi32>
      %squeeze3A_1258 = vector.extract %slice3A_1257[0] : i32 from vector<1xi32>
      %add3A_1259 = arith.constant 0 : i32
      %add3A_1260 = arith.addi %select_n3A_1218, %add3A_1259 : i32
      %dma_start3A_1261 = arith.constant 32 : i32
      %dma_start3A_1262 = tpu.memref_slice %arg6[%add3A_1260, %dma_start3A_1261] : memref<416x128xf32, #tpu.memory_space<vmem>> -> memref<1x16xf32, #tpu.memory_space<vmem>>
      %dma_start3A_1263 = tpu.memref_squeeze %dma_start3A_1262 : memref<1x16xf32, #tpu.memory_space<vmem>> -> memref<16xf32, #tpu.memory_space<vmem>>
      %dma_start3A_1264 = arith.constant 0 : i32
      %dma_start3A_1265 = tpu.memref_slice %arg2[%squeeze3A_1256, %squeeze3A_1258, %dma_start3A_1264] : memref<325000x8x16xf32, #tpu.memory_space<hbm>> -> memref<1x1x16xf32, #tpu.memory_space<hbm>>
      %dma_start3A_1266 = tpu.memref_squeeze %dma_start3A_1265 : memref<1x1x16xf32, #tpu.memory_space<hbm>> -> memref<16xf32, #tpu.memory_space<hbm>>
      %dma_start3A_1267 = arith.constant 32 : i32
      %dma_start3A_1268 = tpu.memref_slice %arg6[%add3A_1260, %dma_start3A_1267] : memref<416x128xf32, #tpu.memory_space<vmem>> -> memref<1x16xf32, #tpu.memory_space<vmem>>
      %dma_start3A_1269 = tpu.memref_squeeze %dma_start3A_1268 : memref<1x16xf32, #tpu.memory_space<vmem>> -> memref<16xf32, #tpu.memory_space<vmem>>
      %dma_start3A_1270 = arith.constant 0 : i32
      %dma_start3A_1271 = tpu.memref_slice %arg2[%squeeze3A_1256, %squeeze3A_1258, %dma_start3A_1270] : memref<325000x8x16xf32, #tpu.memory_space<hbm>> -> memref<1x1x16xf32, #tpu.memory_space<hbm>>
      %dma_start3A_1272 = tpu.memref_squeeze %dma_start3A_1271 : memref<1x1x16xf32, #tpu.memory_space<hbm>> -> memref<16xf32, #tpu.memory_space<hbm>>
      tpu.enqueue_dma source(%dma_start3A_1272 : memref<16xf32, #tpu.memory_space<hbm>>) target(%dma_start3A_1269 : memref<16xf32, #tpu.memory_space<vmem>>) target_semaphore(%arg7 : memref<!tpu.dma_semaphore, #tpu.memory_space<semaphore_mem>>)
      %slice3A_1273 = vector.extract_strided_slice %shift_right_arithmetic3A_1187 {offsets = [3], sizes = [1], strides = [1]} : vector<16xi32> to vector<1xi32>
      %squeeze3A_1274 = vector.extract %slice3A_1273[0] : i32 from vector<1xi32>
      %slice3A_1275 = vector.extract_strided_slice %and3A_1190 {offsets = [3], sizes = [1], strides = [1]} : vector<16xi32> to vector<1xi32>
      %squeeze3A_1276 = vector.extract %slice3A_1275[0] : i32 from vector<1xi32>
      %add3A_1277 = arith.constant 0 : i32
      %add3A_1278 = arith.addi %select_n3A_1218, %add3A_1277 : i32
      %dma_start3A_1279 = arith.constant 48 : i32
      %dma_start3A_1280 = tpu.memref_slice %arg6[%add3A_1278, %dma_start3A_1279] : memref<416x128xf32, #tpu.memory_space<vmem>> -> memref<1x16xf32, #tpu.memory_space<vmem>>
      %dma_start3A_1281 = tpu.memref_squeeze %dma_start3A_1280 : memref<1x16xf32, #tpu.memory_space<vmem>> -> memref<16xf32, #tpu.memory_space<vmem>>
      %dma_start3A_1282 = arith.constant 0 : i32
      %dma_start3A_1283 = tpu.memref_slice %arg2[%squeeze3A_1274, %squeeze3A_1276, %dma_start3A_1282] : memref<325000x8x16xf32, #tpu.memory_space<hbm>> -> memref<1x1x16xf32, #tpu.memory_space<hbm>>
      %dma_start3A_1284 = tpu.memref_squeeze %dma_start3A_1283 : memref<1x1x16xf32, #tpu.memory_space<hbm>> -> memref<16xf32, #tpu.memory_space<hbm>>
      %dma_start3A_1285 = arith.constant 48 : i32
      %dma_start3A_1286 = tpu.memref_slice %arg6[%add3A_1278, %dma_start3A_1285] : memref<416x128xf32, #tpu.memory_space<vmem>> -> memref<1x16xf32, #tpu.memory_space<vmem>>
      %dma_start3A_1287 = tpu.memref_squeeze %dma_start3A_1286 : memref<1x16xf32, #tpu.memory_space<vmem>> -> memref<16xf32, #tpu.memory_space<vmem>>
      %dma_start3A_1288 = arith.constant 0 : i32
      %dma_start3A_1289 = tpu.memref_slice %arg2[%squeeze3A_1274, %squeeze3A_1276, %dma_start3A_1288] : memref<325000x8x16xf32, #tpu.memory_space<hbm>> -> memref<1x1x16xf32, #tpu.memory_space<hbm>>
      %dma_start3A_1290 = tpu.memref_squeeze %dma_start3A_1289 : memref<1x1x16xf32, #tpu.memory_space<hbm>> -> memref<16xf32, #tpu.memory_space<hbm>>
      tpu.enqueue_dma source(%dma_start3A_1290 : memref<16xf32, #tpu.memory_space<hbm>>) target(%dma_start3A_1287 : memref<16xf32, #tpu.memory_space<vmem>>) target_semaphore(%arg7 : memref<!tpu.dma_semaphore, #tpu.memory_space<semaphore_mem>>)
      %slice3A_1291 = vector.extract_strided_slice %shift_right_arithmetic3A_1187 {offsets = [4], sizes = [1], strides = [1]} : vector<16xi32> to vector<1xi32>
      %squeeze3A_1292 = vector.extract %slice3A_1291[0] : i32 from vector<1xi32>
      %slice3A_1293 = vector.extract_strided_slice %and3A_1190 {offsets = [4], sizes = [1], strides = [1]} : vector<16xi32> to vector<1xi32>
      %squeeze3A_1294 = vector.extract %slice3A_1293[0] : i32 from vector<1xi32>
      %add3A_1295 = arith.constant 0 : i32
      %add3A_1296 = arith.addi %select_n3A_1218, %add3A_1295 : i32
      %dma_start3A_1297 = arith.constant 64 : i32
      %dma_start3A_1298 = tpu.memref_slice %arg6[%add3A_1296, %dma_start3A_1297] : memref<416x128xf32, #tpu.memory_space<vmem>> -> memref<1x16xf32, #tpu.memory_space<vmem>>
      %dma_start3A_1299 = tpu.memref_squeeze %dma_start3A_1298 : memref<1x16xf32, #tpu.memory_space<vmem>> -> memref<16xf32, #tpu.memory_space<vmem>>
      %dma_start3A_1300 = arith.constant 0 : i32
      %dma_start3A_1301 = tpu.memref_slice %arg2[%squeeze3A_1292, %squeeze3A_1294, %dma_start3A_1300] : memref<325000x8x16xf32, #tpu.memory_space<hbm>> -> memref<1x1x16xf32, #tpu.memory_space<hbm>>
      %dma_start3A_1302 = tpu.memref_squeeze %dma_start3A_1301 : memref<1x1x16xf32, #tpu.memory_space<hbm>> -> memref<16xf32, #tpu.memory_space<hbm>>
      %dma_start3A_1303 = arith.constant 64 : i32
      %dma_start3A_1304 = tpu.memref_slice %arg6[%add3A_1296, %dma_start3A_1303] : memref<416x128xf32, #tpu.memory_space<vmem>> -> memref<1x16xf32, #tpu.memory_space<vmem>>
      %dma_start3A_1305 = tpu.memref_squeeze %dma_start3A_1304 : memref<1x16xf32, #tpu.memory_space<vmem>> -> memref<16xf32, #tpu.memory_space<vmem>>
      %dma_start3A_1306 = arith.constant 0 : i32
      %dma_start3A_1307 = tpu.memref_slice %arg2[%squeeze3A_1292, %squeeze3A_1294, %dma_start3A_1306] : memref<325000x8x16xf32, #tpu.memory_space<hbm>> -> memref<1x1x16xf32, #tpu.memory_space<hbm>>
      %dma_start3A_1308 = tpu.memref_squeeze %dma_start3A_1307 : memref<1x1x16xf32, #tpu.memory_space<hbm>> -> memref<16xf32, #tpu.memory_space<hbm>>
      tpu.enqueue_dma source(%dma_start3A_1308 : memref<16xf32, #tpu.memory_space<hbm>>) target(%dma_start3A_1305 : memref<16xf32, #tpu.memory_space<vmem>>) target_semaphore(%arg7 : memref<!tpu.dma_semaphore, #tpu.memory_space<semaphore_mem>>)
      %slice3A_1309 = vector.extract_strided_slice %shift_right_arithmetic3A_1187 {offsets = [5], sizes = [1], strides = [1]} : vector<16xi32> to vector<1xi32>
      %squeeze3A_1310 = vector.extract %slice3A_1309[0] : i32 from vector<1xi32>
      %slice3A_1311 = vector.extract_strided_slice %and3A_1190 {offsets = [5], sizes = [1], strides = [1]} : vector<16xi32> to vector<1xi32>
      %squeeze3A_1312 = vector.extract %slice3A_1311[0] : i32 from vector<1xi32>
      %add3A_1313 = arith.constant 0 : i32
      %add3A_1314 = arith.addi %select_n3A_1218, %add3A_1313 : i32
      %dma_start3A_1315 = arith.constant 80 : i32
      %dma_start3A_1316 = tpu.memref_slice %arg6[%add3A_1314, %dma_start3A_1315] : memref<416x128xf32, #tpu.memory_space<vmem>> -> memref<1x16xf32, #tpu.memory_space<vmem>>
      %dma_start3A_1317 = tpu.memref_squeeze %dma_start3A_1316 : memref<1x16xf32, #tpu.memory_space<vmem>> -> memref<16xf32, #tpu.memory_space<vmem>>
      %dma_start3A_1318 = arith.constant 0 : i32
      %dma_start3A_1319 = tpu.memref_slice %arg2[%squeeze3A_1310, %squeeze3A_1312, %dma_start3A_1318] : memref<325000x8x16xf32, #tpu.memory_space<hbm>> -> memref<1x1x16xf32, #tpu.memory_space<hbm>>
      %dma_start3A_1320 = tpu.memref_squeeze %dma_start3A_1319 : memref<1x1x16xf32, #tpu.memory_space<hbm>> -> memref<16xf32, #tpu.memory_space<hbm>>
      %dma_start3A_1321 = arith.constant 80 : i32
      %dma_start3A_1322 = tpu.memref_slice %arg6[%add3A_1314, %dma_start3A_1321] : memref<416x128xf32, #tpu.memory_space<vmem>> -> memref<1x16xf32, #tpu.memory_space<vmem>>
      %dma_start3A_1323 = tpu.memref_squeeze %dma_start3A_1322 : memref<1x16xf32, #tpu.memory_space<vmem>> -> memref<16xf32, #tpu.memory_space<vmem>>
      %dma_start3A_1324 = arith.constant 0 : i32
      %dma_start3A_1325 = tpu.memref_slice %arg2[%squeeze3A_1310, %squeeze3A_1312, %dma_start3A_1324] : memref<325000x8x16xf32, #tpu.memory_space<hbm>> -> memref<1x1x16xf32, #tpu.memory_space<hbm>>
      %dma_start3A_1326 = tpu.memref_squeeze %dma_start3A_1325 : memref<1x1x16xf32, #tpu.memory_space<hbm>> -> memref<16xf32, #tpu.memory_space<hbm>>
      tpu.enqueue_dma source(%dma_start3A_1326 : memref<16xf32, #tpu.memory_space<hbm>>) target(%dma_start3A_1323 : memref<16xf32, #tpu.memory_space<vmem>>) target_semaphore(%arg7 : memref<!tpu.dma_semaphore, #tpu.memory_space<semaphore_mem>>)
      %slice3A_1327 = vector.extract_strided_slice %shift_right_arithmetic3A_1187 {offsets = [6], sizes = [1], strides = [1]} : vector<16xi32> to vector<1xi32>
      %squeeze3A_1328 = vector.extract %slice3A_1327[0] : i32 from vector<1xi32>
      %slice3A_1329 = vector.extract_strided_slice %and3A_1190 {offsets = [6], sizes = [1], strides = [1]} : vector<16xi32> to vector<1xi32>
      %squeeze3A_1330 = vector.extract %slice3A_1329[0] : i32 from vector<1xi32>
      %add3A_1331 = arith.constant 0 : i32
      %add3A_1332 = arith.addi %select_n3A_1218, %add3A_1331 : i32
      %dma_start3A_1333 = arith.constant 96 : i32
      %dma_start3A_1334 = tpu.memref_slice %arg6[%add3A_1332, %dma_start3A_1333] : memref<416x128xf32, #tpu.memory_space<vmem>> -> memref<1x16xf32, #tpu.memory_space<vmem>>
      %dma_start3A_1335 = tpu.memref_squeeze %dma_start3A_1334 : memref<1x16xf32, #tpu.memory_space<vmem>> -> memref<16xf32, #tpu.memory_space<vmem>>
      %dma_start3A_1336 = arith.constant 0 : i32
      %dma_start3A_1337 = tpu.memref_slice %arg2[%squeeze3A_1328, %squeeze3A_1330, %dma_start3A_1336] : memref<325000x8x16xf32, #tpu.memory_space<hbm>> -> memref<1x1x16xf32, #tpu.memory_space<hbm>>
      %dma_start3A_1338 = tpu.memref_squeeze %dma_start3A_1337 : memref<1x1x16xf32, #tpu.memory_space<hbm>> -> memref<16xf32, #tpu.memory_space<hbm>>
      %dma_start3A_1339 = arith.constant 96 : i32
      %dma_start3A_1340 = tpu.memref_slice %arg6[%add3A_1332, %dma_start3A_1339] : memref<416x128xf32, #tpu.memory_space<vmem>> -> memref<1x16xf32, #tpu.memory_space<vmem>>
      %dma_start3A_1341 = tpu.memref_squeeze %dma_start3A_1340 : memref<1x16xf32, #tpu.memory_space<vmem>> -> memref<16xf32, #tpu.memory_space<vmem>>
      %dma_start3A_1342 = arith.constant 0 : i32
      %dma_start3A_1343 = tpu.memref_slice %arg2[%squeeze3A_1328, %squeeze3A_1330, %dma_start3A_1342] : memref<325000x8x16xf32, #tpu.memory_space<hbm>> -> memref<1x1x16xf32, #tpu.memory_space<hbm>>
      %dma_start3A_1344 = tpu.memref_squeeze %dma_start3A_1343 : memref<1x1x16xf32, #tpu.memory_space<hbm>> -> memref<16xf32, #tpu.memory_space<hbm>>
      tpu.enqueue_dma source(%dma_start3A_1344 : memref<16xf32, #tpu.memory_space<hbm>>) target(%dma_start3A_1341 : memref<16xf32, #tpu.memory_space<vmem>>) target_semaphore(%arg7 : memref<!tpu.dma_semaphore, #tpu.memory_space<semaphore_mem>>)
      %slice3A_1345 = vector.extract_strided_slice %shift_right_arithmetic3A_1187 {offsets = [7], sizes = [1], strides = [1]} : vector<16xi32> to vector<1xi32>
      %squeeze3A_1346 = vector.extract %slice3A_1345[0] : i32 from vector<1xi32>
      %slice3A_1347 = vector.extract_strided_slice %and3A_1190 {offsets = [7], sizes = [1], strides = [1]} : vector<16xi32> to vector<1xi32>
      %squeeze3A_1348 = vector.extract %slice3A_1347[0] : i32 from vector<1xi32>
      %add3A_1349 = arith.constant 0 : i32
      %add3A_1350 = arith.addi %select_n3A_1218, %add3A_1349 : i32
      %dma_start3A_1351 = arith.constant 112 : i32
      %dma_start3A_1352 = tpu.memref_slice %arg6[%add3A_1350, %dma_start3A_1351] : memref<416x128xf32, #tpu.memory_space<vmem>> -> memref<1x16xf32, #tpu.memory_space<vmem>>
      %dma_start3A_1353 = tpu.memref_squeeze %dma_start3A_1352 : memref<1x16xf32, #tpu.memory_space<vmem>> -> memref<16xf32, #tpu.memory_space<vmem>>
      %dma_start3A_1354 = arith.constant 0 : i32
      %dma_start3A_1355 = tpu.memref_slice %arg2[%squeeze3A_1346, %squeeze3A_1348, %dma_start3A_1354] : memref<325000x8x16xf32, #tpu.memory_space<hbm>> -> memref<1x1x16xf32, #tpu.memory_space<hbm>>
      %dma_start3A_1356 = tpu.memref_squeeze %dma_start3A_1355 : memref<1x1x16xf32, #tpu.memory_space<hbm>> -> memref<16xf32, #tpu.memory_space<hbm>>
      %dma_start3A_1357 = arith.constant 112 : i32
      %dma_start3A_1358 = tpu.memref_slice %arg6[%add3A_1350, %dma_start3A_1357] : memref<416x128xf32, #tpu.memory_space<vmem>> -> memref<1x16xf32, #tpu.memory_space<vmem>>
      %dma_start3A_1359 = tpu.memref_squeeze %dma_start3A_1358 : memref<1x16xf32, #tpu.memory_space<vmem>> -> memref<16xf32, #tpu.memory_space<vmem>>
      %dma_start3A_1360 = arith.constant 0 : i32
      %dma_start3A_1361 = tpu.memref_slice %arg2[%squeeze3A_1346, %squeeze3A_1348, %dma_start3A_1360] : memref<325000x8x16xf32, #tpu.memory_space<hbm>> -> memref<1x1x16xf32, #tpu.memory_space<hbm>>
      %dma_start3A_1362 = tpu.memref_squeeze %dma_start3A_1361 : memref<1x1x16xf32, #tpu.memory_space<hbm>> -> memref<16xf32, #tpu.memory_space<hbm>>
      tpu.enqueue_dma source(%dma_start3A_1362 : memref<16xf32, #tpu.memory_space<hbm>>) target(%dma_start3A_1359 : memref<16xf32, #tpu.memory_space<vmem>>) target_semaphore(%arg7 : memref<!tpu.dma_semaphore, #tpu.memory_space<semaphore_mem>>)
      %slice3A_1363 = vector.extract_strided_slice %shift_right_arithmetic3A_1187 {offsets = [8], sizes = [1], strides = [1]} : vector<16xi32> to vector<1xi32>
      %squeeze3A_1364 = vector.extract %slice3A_1363[0] : i32 from vector<1xi32>
      %slice3A_1365 = vector.extract_strided_slice %and3A_1190 {offsets = [8], sizes = [1], strides = [1]} : vector<16xi32> to vector<1xi32>
      %squeeze3A_1366 = vector.extract %slice3A_1365[0] : i32 from vector<1xi32>
      %add3A_1367 = arith.constant 1 : i32
      %add3A_1368 = arith.addi %select_n3A_1218, %add3A_1367 : i32
      %dma_start3A_1369 = arith.constant 0 : i32
      %dma_start3A_1370 = tpu.memref_slice %arg6[%add3A_1368, %dma_start3A_1369] : memref<416x128xf32, #tpu.memory_space<vmem>> -> memref<1x16xf32, #tpu.memory_space<vmem>>
      %dma_start3A_1371 = tpu.memref_squeeze %dma_start3A_1370 : memref<1x16xf32, #tpu.memory_space<vmem>> -> memref<16xf32, #tpu.memory_space<vmem>>
      %dma_start3A_1372 = arith.constant 0 : i32
      %dma_start3A_1373 = tpu.memref_slice %arg2[%squeeze3A_1364, %squeeze3A_1366, %dma_start3A_1372] : memref<325000x8x16xf32, #tpu.memory_space<hbm>> -> memref<1x1x16xf32, #tpu.memory_space<hbm>>
      %dma_start3A_1374 = tpu.memref_squeeze %dma_start3A_1373 : memref<1x1x16xf32, #tpu.memory_space<hbm>> -> memref<16xf32, #tpu.memory_space<hbm>>
      %dma_start3A_1375 = arith.constant 0 : i32
      %dma_start3A_1376 = tpu.memref_slice %arg6[%add3A_1368, %dma_start3A_1375] : memref<416x128xf32, #tpu.memory_space<vmem>> -> memref<1x16xf32, #tpu.memory_space<vmem>>
      %dma_start3A_1377 = tpu.memref_squeeze %dma_start3A_1376 : memref<1x16xf32, #tpu.memory_space<vmem>> -> memref<16xf32, #tpu.memory_space<vmem>>
      %dma_start3A_1378 = arith.constant 0 : i32
      %dma_start3A_1379 = tpu.memref_slice %arg2[%squeeze3A_1364, %squeeze3A_1366, %dma_start3A_1378] : memref<325000x8x16xf32, #tpu.memory_space<hbm>> -> memref<1x1x16xf32, #tpu.memory_space<hbm>>
      %dma_start3A_1380 = tpu.memref_squeeze %dma_start3A_1379 : memref<1x1x16xf32, #tpu.memory_space<hbm>> -> memref<16xf32, #tpu.memory_space<hbm>>
      tpu.enqueue_dma source(%dma_start3A_1380 : memref<16xf32, #tpu.memory_space<hbm>>) target(%dma_start3A_1377 : memref<16xf32, #tpu.memory_space<vmem>>) target_semaphore(%arg7 : memref<!tpu.dma_semaphore, #tpu.memory_space<semaphore_mem>>)
      %slice3A_1381 = vector.extract_strided_slice %shift_right_arithmetic3A_1187 {offsets = [9], sizes = [1], strides = [1]} : vector<16xi32> to vector<1xi32>
      %squeeze3A_1382 = vector.extract %slice3A_1381[0] : i32 from vector<1xi32>
      %slice3A_1383 = vector.extract_strided_slice %and3A_1190 {offsets = [9], sizes = [1], strides = [1]} : vector<16xi32> to vector<1xi32>
      %squeeze3A_1384 = vector.extract %slice3A_1383[0] : i32 from vector<1xi32>
      %add3A_1385 = arith.constant 1 : i32
      %add3A_1386 = arith.addi %select_n3A_1218, %add3A_1385 : i32
      %dma_start3A_1387 = arith.constant 16 : i32
      %dma_start3A_1388 = tpu.memref_slice %arg6[%add3A_1386, %dma_start3A_1387] : memref<416x128xf32, #tpu.memory_space<vmem>> -> memref<1x16xf32, #tpu.memory_space<vmem>>
      %dma_start3A_1389 = tpu.memref_squeeze %dma_start3A_1388 : memref<1x16xf32, #tpu.memory_space<vmem>> -> memref<16xf32, #tpu.memory_space<vmem>>
      %dma_start3A_1390 = arith.constant 0 : i32
      %dma_start3A_1391 = tpu.memref_slice %arg2[%squeeze3A_1382, %squeeze3A_1384, %dma_start3A_1390] : memref<325000x8x16xf32, #tpu.memory_space<hbm>> -> memref<1x1x16xf32, #tpu.memory_space<hbm>>
      %dma_start3A_1392 = tpu.memref_squeeze %dma_start3A_1391 : memref<1x1x16xf32, #tpu.memory_space<hbm>> -> memref<16xf32, #tpu.memory_space<hbm>>
      %dma_start3A_1393 = arith.constant 16 : i32
      %dma_start3A_1394 = tpu.memref_slice %arg6[%add3A_1386, %dma_start3A_1393] : memref<416x128xf32, #tpu.memory_space<vmem>> -> memref<1x16xf32, #tpu.memory_space<vmem>>
      %dma_start3A_1395 = tpu.memref_squeeze %dma_start3A_1394 : memref<1x16xf32, #tpu.memory_space<vmem>> -> memref<16xf32, #tpu.memory_space<vmem>>
      %dma_start3A_1396 = arith.constant 0 : i32
      %dma_start3A_1397 = tpu.memref_slice %arg2[%squeeze3A_1382, %squeeze3A_1384, %dma_start3A_1396] : memref<325000x8x16xf32, #tpu.memory_space<hbm>> -> memref<1x1x16xf32, #tpu.memory_space<hbm>>
      %dma_start3A_1398 = tpu.memref_squeeze %dma_start3A_1397 : memref<1x1x16xf32, #tpu.memory_space<hbm>> -> memref<16xf32, #tpu.memory_space<hbm>>
      tpu.enqueue_dma source(%dma_start3A_1398 : memref<16xf32, #tpu.memory_space<hbm>>) target(%dma_start3A_1395 : memref<16xf32, #tpu.memory_space<vmem>>) target_semaphore(%arg7 : memref<!tpu.dma_semaphore, #tpu.memory_space<semaphore_mem>>)
      %slice3A_1399 = vector.extract_strided_slice %shift_right_arithmetic3A_1187 {offsets = [10], sizes = [1], strides = [1]} : vector<16xi32> to vector<1xi32>
      %squeeze3A_1400 = vector.extract %slice3A_1399[0] : i32 from vector<1xi32>
      %slice3A_1401 = vector.extract_strided_slice %and3A_1190 {offsets = [10], sizes = [1], strides = [1]} : vector<16xi32> to vector<1xi32>
      %squeeze3A_1402 = vector.extract %slice3A_1401[0] : i32 from vector<1xi32>
      %add3A_1403 = arith.constant 1 : i32
      %add3A_1404 = arith.addi %select_n3A_1218, %add3A_1403 : i32
      %dma_start3A_1405 = arith.constant 32 : i32
      %dma_start3A_1406 = tpu.memref_slice %arg6[%add3A_1404, %dma_start3A_1405] : memref<416x128xf32, #tpu.memory_space<vmem>> -> memref<1x16xf32, #tpu.memory_space<vmem>>
      %dma_start3A_1407 = tpu.memref_squeeze %dma_start3A_1406 : memref<1x16xf32, #tpu.memory_space<vmem>> -> memref<16xf32, #tpu.memory_space<vmem>>
      %dma_start3A_1408 = arith.constant 0 : i32
      %dma_start3A_1409 = tpu.memref_slice %arg2[%squeeze3A_1400, %squeeze3A_1402, %dma_start3A_1408] : memref<325000x8x16xf32, #tpu.memory_space<hbm>> -> memref<1x1x16xf32, #tpu.memory_space<hbm>>
      %dma_start3A_1410 = tpu.memref_squeeze %dma_start3A_1409 : memref<1x1x16xf32, #tpu.memory_space<hbm>> -> memref<16xf32, #tpu.memory_space<hbm>>
      %dma_start3A_1411 = arith.constant 32 : i32
      %dma_start3A_1412 = tpu.memref_slice %arg6[%add3A_1404, %dma_start3A_1411] : memref<416x128xf32, #tpu.memory_space<vmem>> -> memref<1x16xf32, #tpu.memory_space<vmem>>
      %dma_start3A_1413 = tpu.memref_squeeze %dma_start3A_1412 : memref<1x16xf32, #tpu.memory_space<vmem>> -> memref<16xf32, #tpu.memory_space<vmem>>
      %dma_start3A_1414 = arith.constant 0 : i32
      %dma_start3A_1415 = tpu.memref_slice %arg2[%squeeze3A_1400, %squeeze3A_1402, %dma_start3A_1414] : memref<325000x8x16xf32, #tpu.memory_space<hbm>> -> memref<1x1x16xf32, #tpu.memory_space<hbm>>
      %dma_start3A_1416 = tpu.memref_squeeze %dma_start3A_1415 : memref<1x1x16xf32, #tpu.memory_space<hbm>> -> memref<16xf32, #tpu.memory_space<hbm>>
      tpu.enqueue_dma source(%dma_start3A_1416 : memref<16xf32, #tpu.memory_space<hbm>>) target(%dma_start3A_1413 : memref<16xf32, #tpu.memory_space<vmem>>) target_semaphore(%arg7 : memref<!tpu.dma_semaphore, #tpu.memory_space<semaphore_mem>>)
      %slice3A_1417 = vector.extract_strided_slice %shift_right_arithmetic3A_1187 {offsets = [11], sizes = [1], strides = [1]} : vector<16xi32> to vector<1xi32>
      %squeeze3A_1418 = vector.extract %slice3A_1417[0] : i32 from vector<1xi32>
      %slice3A_1419 = vector.extract_strided_slice %and3A_1190 {offsets = [11], sizes = [1], strides = [1]} : vector<16xi32> to vector<1xi32>
      %squeeze3A_1420 = vector.extract %slice3A_1419[0] : i32 from vector<1xi32>
      %add3A_1421 = arith.constant 1 : i32
      %add3A_1422 = arith.addi %select_n3A_1218, %add3A_1421 : i32
      %dma_start3A_1423 = arith.constant 48 : i32
      %dma_start3A_1424 = tpu.memref_slice %arg6[%add3A_1422, %dma_start3A_1423] : memref<416x128xf32, #tpu.memory_space<vmem>> -> memref<1x16xf32, #tpu.memory_space<vmem>>
      %dma_start3A_1425 = tpu.memref_squeeze %dma_start3A_1424 : memref<1x16xf32, #tpu.memory_space<vmem>> -> memref<16xf32, #tpu.memory_space<vmem>>
      %dma_start3A_1426 = arith.constant 0 : i32
      %dma_start3A_1427 = tpu.memref_slice %arg2[%squeeze3A_1418, %squeeze3A_1420, %dma_start3A_1426] : memref<325000x8x16xf32, #tpu.memory_space<hbm>> -> memref<1x1x16xf32, #tpu.memory_space<hbm>>
      %dma_start3A_1428 = tpu.memref_squeeze %dma_start3A_1427 : memref<1x1x16xf32, #tpu.memory_space<hbm>> -> memref<16xf32, #tpu.memory_space<hbm>>
      %dma_start3A_1429 = arith.constant 48 : i32
      %dma_start3A_1430 = tpu.memref_slice %arg6[%add3A_1422, %dma_start3A_1429] : memref<416x128xf32, #tpu.memory_space<vmem>> -> memref<1x16xf32, #tpu.memory_space<vmem>>
      %dma_start3A_1431 = tpu.memref_squeeze %dma_start3A_1430 : memref<1x16xf32, #tpu.memory_space<vmem>> -> memref<16xf32, #tpu.memory_space<vmem>>
      %dma_start3A_1432 = arith.constant 0 : i32
      %dma_start3A_1433 = tpu.memref_slice %arg2[%squeeze3A_1418, %squeeze3A_1420, %dma_start3A_1432] : memref<325000x8x16xf32, #tpu.memory_space<hbm>> -> memref<1x1x16xf32, #tpu.memory_space<hbm>>
      %dma_start3A_1434 = tpu.memref_squeeze %dma_start3A_1433 : memref<1x1x16xf32, #tpu.memory_space<hbm>> -> memref<16xf32, #tpu.memory_space<hbm>>
      tpu.enqueue_dma source(%dma_start3A_1434 : memref<16xf32, #tpu.memory_space<hbm>>) target(%dma_start3A_1431 : memref<16xf32, #tpu.memory_space<vmem>>) target_semaphore(%arg7 : memref<!tpu.dma_semaphore, #tpu.memory_space<semaphore_mem>>)
      %slice3A_1435 = vector.extract_strided_slice %shift_right_arithmetic3A_1187 {offsets = [12], sizes = [1], strides = [1]} : vector<16xi32> to vector<1xi32>
      %squeeze3A_1436 = vector.extract %slice3A_1435[0] : i32 from vector<1xi32>
      %slice3A_1437 = vector.extract_strided_slice %and3A_1190 {offsets = [12], sizes = [1], strides = [1]} : vector<16xi32> to vector<1xi32>
      %squeeze3A_1438 = vector.extract %slice3A_1437[0] : i32 from vector<1xi32>
      %add3A_1439 = arith.constant 1 : i32
      %add3A_1440 = arith.addi %select_n3A_1218, %add3A_1439 : i32
      %dma_start3A_1441 = arith.constant 64 : i32
      %dma_start3A_1442 = tpu.memref_slice %arg6[%add3A_1440, %dma_start3A_1441] : memref<416x128xf32, #tpu.memory_space<vmem>> -> memref<1x16xf32, #tpu.memory_space<vmem>>
      %dma_start3A_1443 = tpu.memref_squeeze %dma_start3A_1442 : memref<1x16xf32, #tpu.memory_space<vmem>> -> memref<16xf32, #tpu.memory_space<vmem>>
      %dma_start3A_1444 = arith.constant 0 : i32
      %dma_start3A_1445 = tpu.memref_slice %arg2[%squeeze3A_1436, %squeeze3A_1438, %dma_start3A_1444] : memref<325000x8x16xf32, #tpu.memory_space<hbm>> -> memref<1x1x16xf32, #tpu.memory_space<hbm>>
      %dma_start3A_1446 = tpu.memref_squeeze %dma_start3A_1445 : memref<1x1x16xf32, #tpu.memory_space<hbm>> -> memref<16xf32, #tpu.memory_space<hbm>>
      %dma_start3A_1447 = arith.constant 64 : i32
      %dma_start3A_1448 = tpu.memref_slice %arg6[%add3A_1440, %dma_start3A_1447] : memref<416x128xf32, #tpu.memory_space<vmem>> -> memref<1x16xf32, #tpu.memory_space<vmem>>
      %dma_start3A_1449 = tpu.memref_squeeze %dma_start3A_1448 : memref<1x16xf32, #tpu.memory_space<vmem>> -> memref<16xf32, #tpu.memory_space<vmem>>
      %dma_start3A_1450 = arith.constant 0 : i32
      %dma_start3A_1451 = tpu.memref_slice %arg2[%squeeze3A_1436, %squeeze3A_1438, %dma_start3A_1450] : memref<325000x8x16xf32, #tpu.memory_space<hbm>> -> memref<1x1x16xf32, #tpu.memory_space<hbm>>
      %dma_start3A_1452 = tpu.memref_squeeze %dma_start3A_1451 : memref<1x1x16xf32, #tpu.memory_space<hbm>> -> memref<16xf32, #tpu.memory_space<hbm>>
      tpu.enqueue_dma source(%dma_start3A_1452 : memref<16xf32, #tpu.memory_space<hbm>>) target(%dma_start3A_1449 : memref<16xf32, #tpu.memory_space<vmem>>) target_semaphore(%arg7 : memref<!tpu.dma_semaphore, #tpu.memory_space<semaphore_mem>>)
      %slice3A_1453 = vector.extract_strided_slice %shift_right_arithmetic3A_1187 {offsets = [13], sizes = [1], strides = [1]} : vector<16xi32> to vector<1xi32>
      %squeeze3A_1454 = vector.extract %slice3A_1453[0] : i32 from vector<1xi32>
      %slice3A_1455 = vector.extract_strided_slice %and3A_1190 {offsets = [13], sizes = [1], strides = [1]} : vector<16xi32> to vector<1xi32>
      %squeeze3A_1456 = vector.extract %slice3A_1455[0] : i32 from vector<1xi32>
      %add3A_1457 = arith.constant 1 : i32
      %add3A_1458 = arith.addi %select_n3A_1218, %add3A_1457 : i32
      %dma_start3A_1459 = arith.constant 80 : i32
      %dma_start3A_1460 = tpu.memref_slice %arg6[%add3A_1458, %dma_start3A_1459] : memref<416x128xf32, #tpu.memory_space<vmem>> -> memref<1x16xf32, #tpu.memory_space<vmem>>
      %dma_start3A_1461 = tpu.memref_squeeze %dma_start3A_1460 : memref<1x16xf32, #tpu.memory_space<vmem>> -> memref<16xf32, #tpu.memory_space<vmem>>
      %dma_start3A_1462 = arith.constant 0 : i32
      %dma_start3A_1463 = tpu.memref_slice %arg2[%squeeze3A_1454, %squeeze3A_1456, %dma_start3A_1462] : memref<325000x8x16xf32, #tpu.memory_space<hbm>> -> memref<1x1x16xf32, #tpu.memory_space<hbm>>
      %dma_start3A_1464 = tpu.memref_squeeze %dma_start3A_1463 : memref<1x1x16xf32, #tpu.memory_space<hbm>> -> memref<16xf32, #tpu.memory_space<hbm>>
      %dma_start3A_1465 = arith.constant 80 : i32
      %dma_start3A_1466 = tpu.memref_slice %arg6[%add3A_1458, %dma_start3A_1465] : memref<416x128xf32, #tpu.memory_space<vmem>> -> memref<1x16xf32, #tpu.memory_space<vmem>>
      %dma_start3A_1467 = tpu.memref_squeeze %dma_start3A_1466 : memref<1x16xf32, #tpu.memory_space<vmem>> -> memref<16xf32, #tpu.memory_space<vmem>>
      %dma_start3A_1468 = arith.constant 0 : i32
      %dma_start3A_1469 = tpu.memref_slice %arg2[%squeeze3A_1454, %squeeze3A_1456, %dma_start3A_1468] : memref<325000x8x16xf32, #tpu.memory_space<hbm>> -> memref<1x1x16xf32, #tpu.memory_space<hbm>>
      %dma_start3A_1470 = tpu.memref_squeeze %dma_start3A_1469 : memref<1x1x16xf32, #tpu.memory_space<hbm>> -> memref<16xf32, #tpu.memory_space<hbm>>
      tpu.enqueue_dma source(%dma_start3A_1470 : memref<16xf32, #tpu.memory_space<hbm>>) target(%dma_start3A_1467 : memref<16xf32, #tpu.memory_space<vmem>>) target_semaphore(%arg7 : memref<!tpu.dma_semaphore, #tpu.memory_space<semaphore_mem>>)
      %slice3A_1471 = vector.extract_strided_slice %shift_right_arithmetic3A_1187 {offsets = [14], sizes = [1], strides = [1]} : vector<16xi32> to vector<1xi32>
      %squeeze3A_1472 = vector.extract %slice3A_1471[0] : i32 from vector<1xi32>
      %slice3A_1473 = vector.extract_strided_slice %and3A_1190 {offsets = [14], sizes = [1], strides = [1]} : vector<16xi32> to vector<1xi32>
      %squeeze3A_1474 = vector.extract %slice3A_1473[0] : i32 from vector<1xi32>
      %add3A_1475 = arith.constant 1 : i32
      %add3A_1476 = arith.addi %select_n3A_1218, %add3A_1475 : i32
      %dma_start3A_1477 = arith.constant 96 : i32
      %dma_start3A_1478 = tpu.memref_slice %arg6[%add3A_1476, %dma_start3A_1477] : memref<416x128xf32, #tpu.memory_space<vmem>> -> memref<1x16xf32, #tpu.memory_space<vmem>>
      %dma_start3A_1479 = tpu.memref_squeeze %dma_start3A_1478 : memref<1x16xf32, #tpu.memory_space<vmem>> -> memref<16xf32, #tpu.memory_space<vmem>>
      %dma_start3A_1480 = arith.constant 0 : i32
      %dma_start3A_1481 = tpu.memref_slice %arg2[%squeeze3A_1472, %squeeze3A_1474, %dma_start3A_1480] : memref<325000x8x16xf32, #tpu.memory_space<hbm>> -> memref<1x1x16xf32, #tpu.memory_space<hbm>>
      %dma_start3A_1482 = tpu.memref_squeeze %dma_start3A_1481 : memref<1x1x16xf32, #tpu.memory_space<hbm>> -> memref<16xf32, #tpu.memory_space<hbm>>
      %dma_start3A_1483 = arith.constant 96 : i32
      %dma_start3A_1484 = tpu.memref_slice %arg6[%add3A_1476, %dma_start3A_1483] : memref<416x128xf32, #tpu.memory_space<vmem>> -> memref<1x16xf32, #tpu.memory_space<vmem>>
      %dma_start3A_1485 = tpu.memref_squeeze %dma_start3A_1484 : memref<1x16xf32, #tpu.memory_space<vmem>> -> memref<16xf32, #tpu.memory_space<vmem>>
      %dma_start3A_1486 = arith.constant 0 : i32
      %dma_start3A_1487 = tpu.memref_slice %arg2[%squeeze3A_1472, %squeeze3A_1474, %dma_start3A_1486] : memref<325000x8x16xf32, #tpu.memory_space<hbm>> -> memref<1x1x16xf32, #tpu.memory_space<hbm>>
      %dma_start3A_1488 = tpu.memref_squeeze %dma_start3A_1487 : memref<1x1x16xf32, #tpu.memory_space<hbm>> -> memref<16xf32, #tpu.memory_space<hbm>>
      tpu.enqueue_dma source(%dma_start3A_1488 : memref<16xf32, #tpu.memory_space<hbm>>) target(%dma_start3A_1485 : memref<16xf32, #tpu.memory_space<vmem>>) target_semaphore(%arg7 : memref<!tpu.dma_semaphore, #tpu.memory_space<semaphore_mem>>)
      %slice3A_1489 = vector.extract_strided_slice %shift_right_arithmetic3A_1187 {offsets = [15], sizes = [1], strides = [1]} : vector<16xi32> to vector<1xi32>
      %squeeze3A_1490 = vector.extract %slice3A_1489[0] : i32 from vector<1xi32>
      %slice3A_1491 = vector.extract_strided_slice %and3A_1190 {offsets = [15], sizes = [1], strides = [1]} : vector<16xi32> to vector<1xi32>
      %squeeze3A_1492 = vector.extract %slice3A_1491[0] : i32 from vector<1xi32>
      %add3A_1493 = arith.constant 1 : i32
      %add3A_1494 = arith.addi %select_n3A_1218, %add3A_1493 : i32
      %dma_start3A_1495 = arith.constant 112 : i32
      %dma_start3A_1496 = tpu.memref_slice %arg6[%add3A_1494, %dma_start3A_1495] : memref<416x128xf32, #tpu.memory_space<vmem>> -> memref<1x16xf32, #tpu.memory_space<vmem>>
      %dma_start3A_1497 = tpu.memref_squeeze %dma_start3A_1496 : memref<1x16xf32, #tpu.memory_space<vmem>> -> memref<16xf32, #tpu.memory_space<vmem>>
      %dma_start3A_1498 = arith.constant 0 : i32
      %dma_start3A_1499 = tpu.memref_slice %arg2[%squeeze3A_1490, %squeeze3A_1492, %dma_start3A_1498] : memref<325000x8x16xf32, #tpu.memory_space<hbm>> -> memref<1x1x16xf32, #tpu.memory_space<hbm>>
      %dma_start3A_1500 = tpu.memref_squeeze %dma_start3A_1499 : memref<1x1x16xf32, #tpu.memory_space<hbm>> -> memref<16xf32, #tpu.memory_space<hbm>>
      %dma_start3A_1501 = arith.constant 112 : i32
      %dma_start3A_1502 = tpu.memref_slice %arg6[%add3A_1494, %dma_start3A_1501] : memref<416x128xf32, #tpu.memory_space<vmem>> -> memref<1x16xf32, #tpu.memory_space<vmem>>
      %dma_start3A_1503 = tpu.memref_squeeze %dma_start3A_1502 : memref<1x16xf32, #tpu.memory_space<vmem>> -> memref<16xf32, #tpu.memory_space<vmem>>
      %dma_start3A_1504 = arith.constant 0 : i32
      %dma_start3A_1505 = tpu.memref_slice %arg2[%squeeze3A_1490, %squeeze3A_1492, %dma_start3A_1504] : memref<325000x8x16xf32, #tpu.memory_space<hbm>> -> memref<1x1x16xf32, #tpu.memory_space<hbm>>
      %dma_start3A_1506 = tpu.memref_squeeze %dma_start3A_1505 : memref<1x1x16xf32, #tpu.memory_space<hbm>> -> memref<16xf32, #tpu.memory_space<hbm>>
      tpu.enqueue_dma source(%dma_start3A_1506 : memref<16xf32, #tpu.memory_space<hbm>>) target(%dma_start3A_1503 : memref<16xf32, #tpu.memory_space<vmem>>) target_semaphore(%arg7 : memref<!tpu.dma_semaphore, #tpu.memory_space<semaphore_mem>>)
      %dma_wait3A_1507 = arith.constant 0 : i32
      %dma_wait3A_1508 = tpu.memref_slice %arg6[%add3A_375, %dma_wait3A_1507] : memref<416x128xf32, #tpu.memory_space<vmem>> -> memref<1x16xf32, #tpu.memory_space<vmem>>
      %dma_wait3A_1509 = tpu.memref_squeeze %dma_wait3A_1508 : memref<1x16xf32, #tpu.memory_space<vmem>> -> memref<16xf32, #tpu.memory_space<vmem>>
      %dma_wait3A_1510 = arith.constant 0 : i32
      %dma_wait3A_1511 = tpu.memref_slice %arg2[%squeeze3A_371, %squeeze3A_373, %dma_wait3A_1510] : memref<325000x8x16xf32, #tpu.memory_space<hbm>> -> memref<1x1x16xf32, #tpu.memory_space<hbm>>
      %dma_wait3A_1512 = tpu.memref_squeeze %dma_wait3A_1511 : memref<1x1x16xf32, #tpu.memory_space<hbm>> -> memref<16xf32, #tpu.memory_space<hbm>>
      %dma_wait3A_1513 = arith.constant 0 : i32
      %dma_wait3A_1514 = tpu.memref_slice %arg6[%add3A_375, %dma_wait3A_1513] : memref<416x128xf32, #tpu.memory_space<vmem>> -> memref<1x16xf32, #tpu.memory_space<vmem>>
      %dma_wait3A_1515 = tpu.memref_squeeze %dma_wait3A_1514 : memref<1x16xf32, #tpu.memory_space<vmem>> -> memref<16xf32, #tpu.memory_space<vmem>>
      %dma_wait3A_1516 = arith.constant 0 : i32
      %dma_wait3A_1517 = tpu.memref_slice %arg2[%squeeze3A_371, %squeeze3A_373, %dma_wait3A_1516] : memref<325000x8x16xf32, #tpu.memory_space<hbm>> -> memref<1x1x16xf32, #tpu.memory_space<hbm>>
      %dma_wait3A_1518 = tpu.memref_squeeze %dma_wait3A_1517 : memref<1x1x16xf32, #tpu.memory_space<hbm>> -> memref<16xf32, #tpu.memory_space<hbm>>
      tpu.wait_dma2 semaphore(%arg7 : memref<!tpu.dma_semaphore, #tpu.memory_space<semaphore_mem>>) src(%dma_wait3A_1518 : memref<16xf32, #tpu.memory_space<hbm>>) dst(%dma_wait3A_1515 : memref<16xf32, #tpu.memory_space<vmem>>)
      %dma_wait3A_1519 = arith.constant 16 : i32
      %dma_wait3A_1520 = tpu.memref_slice %arg6[%add3A_393, %dma_wait3A_1519] : memref<416x128xf32, #tpu.memory_space<vmem>> -> memref<1x16xf32, #tpu.memory_space<vmem>>
      %dma_wait3A_1521 = tpu.memref_squeeze %dma_wait3A_1520 : memref<1x16xf32, #tpu.memory_space<vmem>> -> memref<16xf32, #tpu.memory_space<vmem>>
      %dma_wait3A_1522 = arith.constant 0 : i32
      %dma_wait3A_1523 = tpu.memref_slice %arg2[%squeeze3A_389, %squeeze3A_391, %dma_wait3A_1522] : memref<325000x8x16xf32, #tpu.memory_space<hbm>> -> memref<1x1x16xf32, #tpu.memory_space<hbm>>
      %dma_wait3A_1524 = tpu.memref_squeeze %dma_wait3A_1523 : memref<1x1x16xf32, #tpu.memory_space<hbm>> -> memref<16xf32, #tpu.memory_space<hbm>>
      %dma_wait3A_1525 = arith.constant 16 : i32
      %dma_wait3A_1526 = tpu.memref_slice %arg6[%add3A_393, %dma_wait3A_1525] : memref<416x128xf32, #tpu.memory_space<vmem>> -> memref<1x16xf32, #tpu.memory_space<vmem>>
      %dma_wait3A_1527 = tpu.memref_squeeze %dma_wait3A_1526 : memref<1x16xf32, #tpu.memory_space<vmem>> -> memref<16xf32, #tpu.memory_space<vmem>>
      %dma_wait3A_1528 = arith.constant 0 : i32
      %dma_wait3A_1529 = tpu.memref_slice %arg2[%squeeze3A_389, %squeeze3A_391, %dma_wait3A_1528] : memref<325000x8x16xf32, #tpu.memory_space<hbm>> -> memref<1x1x16xf32, #tpu.memory_space<hbm>>
      %dma_wait3A_1530 = tpu.memref_squeeze %dma_wait3A_1529 : memref<1x1x16xf32, #tpu.memory_space<hbm>> -> memref<16xf32, #tpu.memory_space<hbm>>
      tpu.wait_dma2 semaphore(%arg7 : memref<!tpu.dma_semaphore, #tpu.memory_space<semaphore_mem>>) src(%dma_wait3A_1530 : memref<16xf32, #tpu.memory_space<hbm>>) dst(%dma_wait3A_1527 : memref<16xf32, #tpu.memory_space<vmem>>)
      %dma_wait3A_1531 = arith.constant 32 : i32
      %dma_wait3A_1532 = tpu.memref_slice %arg6[%add3A_411, %dma_wait3A_1531] : memref<416x128xf32, #tpu.memory_space<vmem>> -> memref<1x16xf32, #tpu.memory_space<vmem>>
      %dma_wait3A_1533 = tpu.memref_squeeze %dma_wait3A_1532 : memref<1x16xf32, #tpu.memory_space<vmem>> -> memref<16xf32, #tpu.memory_space<vmem>>
      %dma_wait3A_1534 = arith.constant 0 : i32
      %dma_wait3A_1535 = tpu.memref_slice %arg2[%squeeze3A_407, %squeeze3A_409, %dma_wait3A_1534] : memref<325000x8x16xf32, #tpu.memory_space<hbm>> -> memref<1x1x16xf32, #tpu.memory_space<hbm>>
      %dma_wait3A_1536 = tpu.memref_squeeze %dma_wait3A_1535 : memref<1x1x16xf32, #tpu.memory_space<hbm>> -> memref<16xf32, #tpu.memory_space<hbm>>
      %dma_wait3A_1537 = arith.constant 32 : i32
      %dma_wait3A_1538 = tpu.memref_slice %arg6[%add3A_411, %dma_wait3A_1537] : memref<416x128xf32, #tpu.memory_space<vmem>> -> memref<1x16xf32, #tpu.memory_space<vmem>>
      %dma_wait3A_1539 = tpu.memref_squeeze %dma_wait3A_1538 : memref<1x16xf32, #tpu.memory_space<vmem>> -> memref<16xf32, #tpu.memory_space<vmem>>
      %dma_wait3A_1540 = arith.constant 0 : i32
      %dma_wait3A_1541 = tpu.memref_slice %arg2[%squeeze3A_407, %squeeze3A_409, %dma_wait3A_1540] : memref<325000x8x16xf32, #tpu.memory_space<hbm>> -> memref<1x1x16xf32, #tpu.memory_space<hbm>>
      %dma_wait3A_1542 = tpu.memref_squeeze %dma_wait3A_1541 : memref<1x1x16xf32, #tpu.memory_space<hbm>> -> memref<16xf32, #tpu.memory_space<hbm>>
      tpu.wait_dma2 semaphore(%arg7 : memref<!tpu.dma_semaphore, #tpu.memory_space<semaphore_mem>>) src(%dma_wait3A_1542 : memref<16xf32, #tpu.memory_space<hbm>>) dst(%dma_wait3A_1539 : memref<16xf32, #tpu.memory_space<vmem>>)
      %dma_wait3A_1543 = arith.constant 48 : i32
      %dma_wait3A_1544 = tpu.memref_slice %arg6[%add3A_429, %dma_wait3A_1543] : memref<416x128xf32, #tpu.memory_space<vmem>> -> memref<1x16xf32, #tpu.memory_space<vmem>>
      %dma_wait3A_1545 = tpu.memref_squeeze %dma_wait3A_1544 : memref<1x16xf32, #tpu.memory_space<vmem>> -> memref<16xf32, #tpu.memory_space<vmem>>
      %dma_wait3A_1546 = arith.constant 0 : i32
      %dma_wait3A_1547 = tpu.memref_slice %arg2[%squeeze3A_425, %squeeze3A_427, %dma_wait3A_1546] : memref<325000x8x16xf32, #tpu.memory_space<hbm>> -> memref<1x1x16xf32, #tpu.memory_space<hbm>>
      %dma_wait3A_1548 = tpu.memref_squeeze %dma_wait3A_1547 : memref<1x1x16xf32, #tpu.memory_space<hbm>> -> memref<16xf32, #tpu.memory_space<hbm>>
      %dma_wait3A_1549 = arith.constant 48 : i32
      %dma_wait3A_1550 = tpu.memref_slice %arg6[%add3A_429, %dma_wait3A_1549] : memref<416x128xf32, #tpu.memory_space<vmem>> -> memref<1x16xf32, #tpu.memory_space<vmem>>
      %dma_wait3A_1551 = tpu.memref_squeeze %dma_wait3A_1550 : memref<1x16xf32, #tpu.memory_space<vmem>> -> memref<16xf32, #tpu.memory_space<vmem>>
      %dma_wait3A_1552 = arith.constant 0 : i32
      %dma_wait3A_1553 = tpu.memref_slice %arg2[%squeeze3A_425, %squeeze3A_427, %dma_wait3A_1552] : memref<325000x8x16xf32, #tpu.memory_space<hbm>> -> memref<1x1x16xf32, #tpu.memory_space<hbm>>
      %dma_wait3A_1554 = tpu.memref_squeeze %dma_wait3A_1553 : memref<1x1x16xf32, #tpu.memory_space<hbm>> -> memref<16xf32, #tpu.memory_space<hbm>>
      tpu.wait_dma2 semaphore(%arg7 : memref<!tpu.dma_semaphore, #tpu.memory_space<semaphore_mem>>) src(%dma_wait3A_1554 : memref<16xf32, #tpu.memory_space<hbm>>) dst(%dma_wait3A_1551 : memref<16xf32, #tpu.memory_space<vmem>>)
      %dma_wait3A_1555 = arith.constant 64 : i32
      %dma_wait3A_1556 = tpu.memref_slice %arg6[%add3A_447, %dma_wait3A_1555] : memref<416x128xf32, #tpu.memory_space<vmem>> -> memref<1x16xf32, #tpu.memory_space<vmem>>
      %dma_wait3A_1557 = tpu.memref_squeeze %dma_wait3A_1556 : memref<1x16xf32, #tpu.memory_space<vmem>> -> memref<16xf32, #tpu.memory_space<vmem>>
      %dma_wait3A_1558 = arith.constant 0 : i32
      %dma_wait3A_1559 = tpu.memref_slice %arg2[%squeeze3A_443, %squeeze3A_445, %dma_wait3A_1558] : memref<325000x8x16xf32, #tpu.memory_space<hbm>> -> memref<1x1x16xf32, #tpu.memory_space<hbm>>
      %dma_wait3A_1560 = tpu.memref_squeeze %dma_wait3A_1559 : memref<1x1x16xf32, #tpu.memory_space<hbm>> -> memref<16xf32, #tpu.memory_space<hbm>>
      %dma_wait3A_1561 = arith.constant 64 : i32
      %dma_wait3A_1562 = tpu.memref_slice %arg6[%add3A_447, %dma_wait3A_1561] : memref<416x128xf32, #tpu.memory_space<vmem>> -> memref<1x16xf32, #tpu.memory_space<vmem>>
      %dma_wait3A_1563 = tpu.memref_squeeze %dma_wait3A_1562 : memref<1x16xf32, #tpu.memory_space<vmem>> -> memref<16xf32, #tpu.memory_space<vmem>>
      %dma_wait3A_1564 = arith.constant 0 : i32
      %dma_wait3A_1565 = tpu.memref_slice %arg2[%squeeze3A_443, %squeeze3A_445, %dma_wait3A_1564] : memref<325000x8x16xf32, #tpu.memory_space<hbm>> -> memref<1x1x16xf32, #tpu.memory_space<hbm>>
      %dma_wait3A_1566 = tpu.memref_squeeze %dma_wait3A_1565 : memref<1x1x16xf32, #tpu.memory_space<hbm>> -> memref<16xf32, #tpu.memory_space<hbm>>
      tpu.wait_dma2 semaphore(%arg7 : memref<!tpu.dma_semaphore, #tpu.memory_space<semaphore_mem>>) src(%dma_wait3A_1566 : memref<16xf32, #tpu.memory_space<hbm>>) dst(%dma_wait3A_1563 : memref<16xf32, #tpu.memory_space<vmem>>)
      %dma_wait3A_1567 = arith.constant 80 : i32
      %dma_wait3A_1568 = tpu.memref_slice %arg6[%add3A_465, %dma_wait3A_1567] : memref<416x128xf32, #tpu.memory_space<vmem>> -> memref<1x16xf32, #tpu.memory_space<vmem>>
      %dma_wait3A_1569 = tpu.memref_squeeze %dma_wait3A_1568 : memref<1x16xf32, #tpu.memory_space<vmem>> -> memref<16xf32, #tpu.memory_space<vmem>>
      %dma_wait3A_1570 = arith.constant 0 : i32
      %dma_wait3A_1571 = tpu.memref_slice %arg2[%squeeze3A_461, %squeeze3A_463, %dma_wait3A_1570] : memref<325000x8x16xf32, #tpu.memory_space<hbm>> -> memref<1x1x16xf32, #tpu.memory_space<hbm>>
      %dma_wait3A_1572 = tpu.memref_squeeze %dma_wait3A_1571 : memref<1x1x16xf32, #tpu.memory_space<hbm>> -> memref<16xf32, #tpu.memory_space<hbm>>
      %dma_wait3A_1573 = arith.constant 80 : i32
      %dma_wait3A_1574 = tpu.memref_slice %arg6[%add3A_465, %dma_wait3A_1573] : memref<416x128xf32, #tpu.memory_space<vmem>> -> memref<1x16xf32, #tpu.memory_space<vmem>>
      %dma_wait3A_1575 = tpu.memref_squeeze %dma_wait3A_1574 : memref<1x16xf32, #tpu.memory_space<vmem>> -> memref<16xf32, #tpu.memory_space<vmem>>
      %dma_wait3A_1576 = arith.constant 0 : i32
      %dma_wait3A_1577 = tpu.memref_slice %arg2[%squeeze3A_461, %squeeze3A_463, %dma_wait3A_1576] : memref<325000x8x16xf32, #tpu.memory_space<hbm>> -> memref<1x1x16xf32, #tpu.memory_space<hbm>>
      %dma_wait3A_1578 = tpu.memref_squeeze %dma_wait3A_1577 : memref<1x1x16xf32, #tpu.memory_space<hbm>> -> memref<16xf32, #tpu.memory_space<hbm>>
      tpu.wait_dma2 semaphore(%arg7 : memref<!tpu.dma_semaphore, #tpu.memory_space<semaphore_mem>>) src(%dma_wait3A_1578 : memref<16xf32, #tpu.memory_space<hbm>>) dst(%dma_wait3A_1575 : memref<16xf32, #tpu.memory_space<vmem>>)
      %dma_wait3A_1579 = arith.constant 96 : i32
      %dma_wait3A_1580 = tpu.memref_slice %arg6[%add3A_483, %dma_wait3A_1579] : memref<416x128xf32, #tpu.memory_space<vmem>> -> memref<1x16xf32, #tpu.memory_space<vmem>>
      %dma_wait3A_1581 = tpu.memref_squeeze %dma_wait3A_1580 : memref<1x16xf32, #tpu.memory_space<vmem>> -> memref<16xf32, #tpu.memory_space<vmem>>
      %dma_wait3A_1582 = arith.constant 0 : i32
      %dma_wait3A_1583 = tpu.memref_slice %arg2[%squeeze3A_479, %squeeze3A_481, %dma_wait3A_1582] : memref<325000x8x16xf32, #tpu.memory_space<hbm>> -> memref<1x1x16xf32, #tpu.memory_space<hbm>>
      %dma_wait3A_1584 = tpu.memref_squeeze %dma_wait3A_1583 : memref<1x1x16xf32, #tpu.memory_space<hbm>> -> memref<16xf32, #tpu.memory_space<hbm>>
      %dma_wait3A_1585 = arith.constant 96 : i32
      %dma_wait3A_1586 = tpu.memref_slice %arg6[%add3A_483, %dma_wait3A_1585] : memref<416x128xf32, #tpu.memory_space<vmem>> -> memref<1x16xf32, #tpu.memory_space<vmem>>
      %dma_wait3A_1587 = tpu.memref_squeeze %dma_wait3A_1586 : memref<1x16xf32, #tpu.memory_space<vmem>> -> memref<16xf32, #tpu.memory_space<vmem>>
      %dma_wait3A_1588 = arith.constant 0 : i32
      %dma_wait3A_1589 = tpu.memref_slice %arg2[%squeeze3A_479, %squeeze3A_481, %dma_wait3A_1588] : memref<325000x8x16xf32, #tpu.memory_space<hbm>> -> memref<1x1x16xf32, #tpu.memory_space<hbm>>
      %dma_wait3A_1590 = tpu.memref_squeeze %dma_wait3A_1589 : memref<1x1x16xf32, #tpu.memory_space<hbm>> -> memref<16xf32, #tpu.memory_space<hbm>>
      tpu.wait_dma2 semaphore(%arg7 : memref<!tpu.dma_semaphore, #tpu.memory_space<semaphore_mem>>) src(%dma_wait3A_1590 : memref<16xf32, #tpu.memory_space<hbm>>) dst(%dma_wait3A_1587 : memref<16xf32, #tpu.memory_space<vmem>>)
      %dma_wait3A_1591 = arith.constant 112 : i32
      %dma_wait3A_1592 = tpu.memref_slice %arg6[%add3A_501, %dma_wait3A_1591] : memref<416x128xf32, #tpu.memory_space<vmem>> -> memref<1x16xf32, #tpu.memory_space<vmem>>
      %dma_wait3A_1593 = tpu.memref_squeeze %dma_wait3A_1592 : memref<1x16xf32, #tpu.memory_space<vmem>> -> memref<16xf32, #tpu.memory_space<vmem>>
      %dma_wait3A_1594 = arith.constant 0 : i32
      %dma_wait3A_1595 = tpu.memref_slice %arg2[%squeeze3A_497, %squeeze3A_499, %dma_wait3A_1594] : memref<325000x8x16xf32, #tpu.memory_space<hbm>> -> memref<1x1x16xf32, #tpu.memory_space<hbm>>
      %dma_wait3A_1596 = tpu.memref_squeeze %dma_wait3A_1595 : memref<1x1x16xf32, #tpu.memory_space<hbm>> -> memref<16xf32, #tpu.memory_space<hbm>>
      %dma_wait3A_1597 = arith.constant 112 : i32
      %dma_wait3A_1598 = tpu.memref_slice %arg6[%add3A_501, %dma_wait3A_1597] : memref<416x128xf32, #tpu.memory_space<vmem>> -> memref<1x16xf32, #tpu.memory_space<vmem>>
      %dma_wait3A_1599 = tpu.memref_squeeze %dma_wait3A_1598 : memref<1x16xf32, #tpu.memory_space<vmem>> -> memref<16xf32, #tpu.memory_space<vmem>>
      %dma_wait3A_1600 = arith.constant 0 : i32
      %dma_wait3A_1601 = tpu.memref_slice %arg2[%squeeze3A_497, %squeeze3A_499, %dma_wait3A_1600] : memref<325000x8x16xf32, #tpu.memory_space<hbm>> -> memref<1x1x16xf32, #tpu.memory_space<hbm>>
      %dma_wait3A_1602 = tpu.memref_squeeze %dma_wait3A_1601 : memref<1x1x16xf32, #tpu.memory_space<hbm>> -> memref<16xf32, #tpu.memory_space<hbm>>
      tpu.wait_dma2 semaphore(%arg7 : memref<!tpu.dma_semaphore, #tpu.memory_space<semaphore_mem>>) src(%dma_wait3A_1602 : memref<16xf32, #tpu.memory_space<hbm>>) dst(%dma_wait3A_1599 : memref<16xf32, #tpu.memory_space<vmem>>)
      %dma_wait3A_1603 = arith.constant 0 : i32
      %dma_wait3A_1604 = tpu.memref_slice %arg6[%add3A_519, %dma_wait3A_1603] : memref<416x128xf32, #tpu.memory_space<vmem>> -> memref<1x16xf32, #tpu.memory_space<vmem>>
      %dma_wait3A_1605 = tpu.memref_squeeze %dma_wait3A_1604 : memref<1x16xf32, #tpu.memory_space<vmem>> -> memref<16xf32, #tpu.memory_space<vmem>>
      %dma_wait3A_1606 = arith.constant 0 : i32
      %dma_wait3A_1607 = tpu.memref_slice %arg2[%squeeze3A_515, %squeeze3A_517, %dma_wait3A_1606] : memref<325000x8x16xf32, #tpu.memory_space<hbm>> -> memref<1x1x16xf32, #tpu.memory_space<hbm>>
      %dma_wait3A_1608 = tpu.memref_squeeze %dma_wait3A_1607 : memref<1x1x16xf32, #tpu.memory_space<hbm>> -> memref<16xf32, #tpu.memory_space<hbm>>
      %dma_wait3A_1609 = arith.constant 0 : i32
      %dma_wait3A_1610 = tpu.memref_slice %arg6[%add3A_519, %dma_wait3A_1609] : memref<416x128xf32, #tpu.memory_space<vmem>> -> memref<1x16xf32, #tpu.memory_space<vmem>>
      %dma_wait3A_1611 = tpu.memref_squeeze %dma_wait3A_1610 : memref<1x16xf32, #tpu.memory_space<vmem>> -> memref<16xf32, #tpu.memory_space<vmem>>
      %dma_wait3A_1612 = arith.constant 0 : i32
      %dma_wait3A_1613 = tpu.memref_slice %arg2[%squeeze3A_515, %squeeze3A_517, %dma_wait3A_1612] : memref<325000x8x16xf32, #tpu.memory_space<hbm>> -> memref<1x1x16xf32, #tpu.memory_space<hbm>>
      %dma_wait3A_1614 = tpu.memref_squeeze %dma_wait3A_1613 : memref<1x1x16xf32, #tpu.memory_space<hbm>> -> memref<16xf32, #tpu.memory_space<hbm>>
      tpu.wait_dma2 semaphore(%arg7 : memref<!tpu.dma_semaphore, #tpu.memory_space<semaphore_mem>>) src(%dma_wait3A_1614 : memref<16xf32, #tpu.memory_space<hbm>>) dst(%dma_wait3A_1611 : memref<16xf32, #tpu.memory_space<vmem>>)
      %dma_wait3A_1615 = arith.constant 16 : i32
      %dma_wait3A_1616 = tpu.memref_slice %arg6[%add3A_537, %dma_wait3A_1615] : memref<416x128xf32, #tpu.memory_space<vmem>> -> memref<1x16xf32, #tpu.memory_space<vmem>>
      %dma_wait3A_1617 = tpu.memref_squeeze %dma_wait3A_1616 : memref<1x16xf32, #tpu.memory_space<vmem>> -> memref<16xf32, #tpu.memory_space<vmem>>
      %dma_wait3A_1618 = arith.constant 0 : i32
      %dma_wait3A_1619 = tpu.memref_slice %arg2[%squeeze3A_533, %squeeze3A_535, %dma_wait3A_1618] : memref<325000x8x16xf32, #tpu.memory_space<hbm>> -> memref<1x1x16xf32, #tpu.memory_space<hbm>>
      %dma_wait3A_1620 = tpu.memref_squeeze %dma_wait3A_1619 : memref<1x1x16xf32, #tpu.memory_space<hbm>> -> memref<16xf32, #tpu.memory_space<hbm>>
      %dma_wait3A_1621 = arith.constant 16 : i32
      %dma_wait3A_1622 = tpu.memref_slice %arg6[%add3A_537, %dma_wait3A_1621] : memref<416x128xf32, #tpu.memory_space<vmem>> -> memref<1x16xf32, #tpu.memory_space<vmem>>
      %dma_wait3A_1623 = tpu.memref_squeeze %dma_wait3A_1622 : memref<1x16xf32, #tpu.memory_space<vmem>> -> memref<16xf32, #tpu.memory_space<vmem>>
      %dma_wait3A_1624 = arith.constant 0 : i32
      %dma_wait3A_1625 = tpu.memref_slice %arg2[%squeeze3A_533, %squeeze3A_535, %dma_wait3A_1624] : memref<325000x8x16xf32, #tpu.memory_space<hbm>> -> memref<1x1x16xf32, #tpu.memory_space<hbm>>
      %dma_wait3A_1626 = tpu.memref_squeeze %dma_wait3A_1625 : memref<1x1x16xf32, #tpu.memory_space<hbm>> -> memref<16xf32, #tpu.memory_space<hbm>>
      tpu.wait_dma2 semaphore(%arg7 : memref<!tpu.dma_semaphore, #tpu.memory_space<semaphore_mem>>) src(%dma_wait3A_1626 : memref<16xf32, #tpu.memory_space<hbm>>) dst(%dma_wait3A_1623 : memref<16xf32, #tpu.memory_space<vmem>>)
      %dma_wait3A_1627 = arith.constant 32 : i32
      %dma_wait3A_1628 = tpu.memref_slice %arg6[%add3A_555, %dma_wait3A_1627] : memref<416x128xf32, #tpu.memory_space<vmem>> -> memref<1x16xf32, #tpu.memory_space<vmem>>
      %dma_wait3A_1629 = tpu.memref_squeeze %dma_wait3A_1628 : memref<1x16xf32, #tpu.memory_space<vmem>> -> memref<16xf32, #tpu.memory_space<vmem>>
      %dma_wait3A_1630 = arith.constant 0 : i32
      %dma_wait3A_1631 = tpu.memref_slice %arg2[%squeeze3A_551, %squeeze3A_553, %dma_wait3A_1630] : memref<325000x8x16xf32, #tpu.memory_space<hbm>> -> memref<1x1x16xf32, #tpu.memory_space<hbm>>
      %dma_wait3A_1632 = tpu.memref_squeeze %dma_wait3A_1631 : memref<1x1x16xf32, #tpu.memory_space<hbm>> -> memref<16xf32, #tpu.memory_space<hbm>>
      %dma_wait3A_1633 = arith.constant 32 : i32
      %dma_wait3A_1634 = tpu.memref_slice %arg6[%add3A_555, %dma_wait3A_1633] : memref<416x128xf32, #tpu.memory_space<vmem>> -> memref<1x16xf32, #tpu.memory_space<vmem>>
      %dma_wait3A_1635 = tpu.memref_squeeze %dma_wait3A_1634 : memref<1x16xf32, #tpu.memory_space<vmem>> -> memref<16xf32, #tpu.memory_space<vmem>>
      %dma_wait3A_1636 = arith.constant 0 : i32
      %dma_wait3A_1637 = tpu.memref_slice %arg2[%squeeze3A_551, %squeeze3A_553, %dma_wait3A_1636] : memref<325000x8x16xf32, #tpu.memory_space<hbm>> -> memref<1x1x16xf32, #tpu.memory_space<hbm>>
      %dma_wait3A_1638 = tpu.memref_squeeze %dma_wait3A_1637 : memref<1x1x16xf32, #tpu.memory_space<hbm>> -> memref<16xf32, #tpu.memory_space<hbm>>
      tpu.wait_dma2 semaphore(%arg7 : memref<!tpu.dma_semaphore, #tpu.memory_space<semaphore_mem>>) src(%dma_wait3A_1638 : memref<16xf32, #tpu.memory_space<hbm>>) dst(%dma_wait3A_1635 : memref<16xf32, #tpu.memory_space<vmem>>)
      %dma_wait3A_1639 = arith.constant 48 : i32
      %dma_wait3A_1640 = tpu.memref_slice %arg6[%add3A_573, %dma_wait3A_1639] : memref<416x128xf32, #tpu.memory_space<vmem>> -> memref<1x16xf32, #tpu.memory_space<vmem>>
      %dma_wait3A_1641 = tpu.memref_squeeze %dma_wait3A_1640 : memref<1x16xf32, #tpu.memory_space<vmem>> -> memref<16xf32, #tpu.memory_space<vmem>>
      %dma_wait3A_1642 = arith.constant 0 : i32
      %dma_wait3A_1643 = tpu.memref_slice %arg2[%squeeze3A_569, %squeeze3A_571, %dma_wait3A_1642] : memref<325000x8x16xf32, #tpu.memory_space<hbm>> -> memref<1x1x16xf32, #tpu.memory_space<hbm>>
      %dma_wait3A_1644 = tpu.memref_squeeze %dma_wait3A_1643 : memref<1x1x16xf32, #tpu.memory_space<hbm>> -> memref<16xf32, #tpu.memory_space<hbm>>
      %dma_wait3A_1645 = arith.constant 48 : i32
      %dma_wait3A_1646 = tpu.memref_slice %arg6[%add3A_573, %dma_wait3A_1645] : memref<416x128xf32, #tpu.memory_space<vmem>> -> memref<1x16xf32, #tpu.memory_space<vmem>>
      %dma_wait3A_1647 = tpu.memref_squeeze %dma_wait3A_1646 : memref<1x16xf32, #tpu.memory_space<vmem>> -> memref<16xf32, #tpu.memory_space<vmem>>
      %dma_wait3A_1648 = arith.constant 0 : i32
      %dma_wait3A_1649 = tpu.memref_slice %arg2[%squeeze3A_569, %squeeze3A_571, %dma_wait3A_1648] : memref<325000x8x16xf32, #tpu.memory_space<hbm>> -> memref<1x1x16xf32, #tpu.memory_space<hbm>>
      %dma_wait3A_1650 = tpu.memref_squeeze %dma_wait3A_1649 : memref<1x1x16xf32, #tpu.memory_space<hbm>> -> memref<16xf32, #tpu.memory_space<hbm>>
      tpu.wait_dma2 semaphore(%arg7 : memref<!tpu.dma_semaphore, #tpu.memory_space<semaphore_mem>>) src(%dma_wait3A_1650 : memref<16xf32, #tpu.memory_space<hbm>>) dst(%dma_wait3A_1647 : memref<16xf32, #tpu.memory_space<vmem>>)
      %dma_wait3A_1651 = arith.constant 64 : i32
      %dma_wait3A_1652 = tpu.memref_slice %arg6[%add3A_591, %dma_wait3A_1651] : memref<416x128xf32, #tpu.memory_space<vmem>> -> memref<1x16xf32, #tpu.memory_space<vmem>>
      %dma_wait3A_1653 = tpu.memref_squeeze %dma_wait3A_1652 : memref<1x16xf32, #tpu.memory_space<vmem>> -> memref<16xf32, #tpu.memory_space<vmem>>
      %dma_wait3A_1654 = arith.constant 0 : i32
      %dma_wait3A_1655 = tpu.memref_slice %arg2[%squeeze3A_587, %squeeze3A_589, %dma_wait3A_1654] : memref<325000x8x16xf32, #tpu.memory_space<hbm>> -> memref<1x1x16xf32, #tpu.memory_space<hbm>>
      %dma_wait3A_1656 = tpu.memref_squeeze %dma_wait3A_1655 : memref<1x1x16xf32, #tpu.memory_space<hbm>> -> memref<16xf32, #tpu.memory_space<hbm>>
      %dma_wait3A_1657 = arith.constant 64 : i32
      %dma_wait3A_1658 = tpu.memref_slice %arg6[%add3A_591, %dma_wait3A_1657] : memref<416x128xf32, #tpu.memory_space<vmem>> -> memref<1x16xf32, #tpu.memory_space<vmem>>
      %dma_wait3A_1659 = tpu.memref_squeeze %dma_wait3A_1658 : memref<1x16xf32, #tpu.memory_space<vmem>> -> memref<16xf32, #tpu.memory_space<vmem>>
      %dma_wait3A_1660 = arith.constant 0 : i32
      %dma_wait3A_1661 = tpu.memref_slice %arg2[%squeeze3A_587, %squeeze3A_589, %dma_wait3A_1660] : memref<325000x8x16xf32, #tpu.memory_space<hbm>> -> memref<1x1x16xf32, #tpu.memory_space<hbm>>
      %dma_wait3A_1662 = tpu.memref_squeeze %dma_wait3A_1661 : memref<1x1x16xf32, #tpu.memory_space<hbm>> -> memref<16xf32, #tpu.memory_space<hbm>>
      tpu.wait_dma2 semaphore(%arg7 : memref<!tpu.dma_semaphore, #tpu.memory_space<semaphore_mem>>) src(%dma_wait3A_1662 : memref<16xf32, #tpu.memory_space<hbm>>) dst(%dma_wait3A_1659 : memref<16xf32, #tpu.memory_space<vmem>>)
      %dma_wait3A_1663 = arith.constant 80 : i32
      %dma_wait3A_1664 = tpu.memref_slice %arg6[%add3A_609, %dma_wait3A_1663] : memref<416x128xf32, #tpu.memory_space<vmem>> -> memref<1x16xf32, #tpu.memory_space<vmem>>
      %dma_wait3A_1665 = tpu.memref_squeeze %dma_wait3A_1664 : memref<1x16xf32, #tpu.memory_space<vmem>> -> memref<16xf32, #tpu.memory_space<vmem>>
      %dma_wait3A_1666 = arith.constant 0 : i32
      %dma_wait3A_1667 = tpu.memref_slice %arg2[%squeeze3A_605, %squeeze3A_607, %dma_wait3A_1666] : memref<325000x8x16xf32, #tpu.memory_space<hbm>> -> memref<1x1x16xf32, #tpu.memory_space<hbm>>
      %dma_wait3A_1668 = tpu.memref_squeeze %dma_wait3A_1667 : memref<1x1x16xf32, #tpu.memory_space<hbm>> -> memref<16xf32, #tpu.memory_space<hbm>>
      %dma_wait3A_1669 = arith.constant 80 : i32
      %dma_wait3A_1670 = tpu.memref_slice %arg6[%add3A_609, %dma_wait3A_1669] : memref<416x128xf32, #tpu.memory_space<vmem>> -> memref<1x16xf32, #tpu.memory_space<vmem>>
      %dma_wait3A_1671 = tpu.memref_squeeze %dma_wait3A_1670 : memref<1x16xf32, #tpu.memory_space<vmem>> -> memref<16xf32, #tpu.memory_space<vmem>>
      %dma_wait3A_1672 = arith.constant 0 : i32
      %dma_wait3A_1673 = tpu.memref_slice %arg2[%squeeze3A_605, %squeeze3A_607, %dma_wait3A_1672] : memref<325000x8x16xf32, #tpu.memory_space<hbm>> -> memref<1x1x16xf32, #tpu.memory_space<hbm>>
      %dma_wait3A_1674 = tpu.memref_squeeze %dma_wait3A_1673 : memref<1x1x16xf32, #tpu.memory_space<hbm>> -> memref<16xf32, #tpu.memory_space<hbm>>
      tpu.wait_dma2 semaphore(%arg7 : memref<!tpu.dma_semaphore, #tpu.memory_space<semaphore_mem>>) src(%dma_wait3A_1674 : memref<16xf32, #tpu.memory_space<hbm>>) dst(%dma_wait3A_1671 : memref<16xf32, #tpu.memory_space<vmem>>)
      %dma_wait3A_1675 = arith.constant 96 : i32
      %dma_wait3A_1676 = tpu.memref_slice %arg6[%add3A_627, %dma_wait3A_1675] : memref<416x128xf32, #tpu.memory_space<vmem>> -> memref<1x16xf32, #tpu.memory_space<vmem>>
      %dma_wait3A_1677 = tpu.memref_squeeze %dma_wait3A_1676 : memref<1x16xf32, #tpu.memory_space<vmem>> -> memref<16xf32, #tpu.memory_space<vmem>>
      %dma_wait3A_1678 = arith.constant 0 : i32
      %dma_wait3A_1679 = tpu.memref_slice %arg2[%squeeze3A_623, %squeeze3A_625, %dma_wait3A_1678] : memref<325000x8x16xf32, #tpu.memory_space<hbm>> -> memref<1x1x16xf32, #tpu.memory_space<hbm>>
      %dma_wait3A_1680 = tpu.memref_squeeze %dma_wait3A_1679 : memref<1x1x16xf32, #tpu.memory_space<hbm>> -> memref<16xf32, #tpu.memory_space<hbm>>
      %dma_wait3A_1681 = arith.constant 96 : i32
      %dma_wait3A_1682 = tpu.memref_slice %arg6[%add3A_627, %dma_wait3A_1681] : memref<416x128xf32, #tpu.memory_space<vmem>> -> memref<1x16xf32, #tpu.memory_space<vmem>>
      %dma_wait3A_1683 = tpu.memref_squeeze %dma_wait3A_1682 : memref<1x16xf32, #tpu.memory_space<vmem>> -> memref<16xf32, #tpu.memory_space<vmem>>
      %dma_wait3A_1684 = arith.constant 0 : i32
      %dma_wait3A_1685 = tpu.memref_slice %arg2[%squeeze3A_623, %squeeze3A_625, %dma_wait3A_1684] : memref<325000x8x16xf32, #tpu.memory_space<hbm>> -> memref<1x1x16xf32, #tpu.memory_space<hbm>>
      %dma_wait3A_1686 = tpu.memref_squeeze %dma_wait3A_1685 : memref<1x1x16xf32, #tpu.memory_space<hbm>> -> memref<16xf32, #tpu.memory_space<hbm>>
      tpu.wait_dma2 semaphore(%arg7 : memref<!tpu.dma_semaphore, #tpu.memory_space<semaphore_mem>>) src(%dma_wait3A_1686 : memref<16xf32, #tpu.memory_space<hbm>>) dst(%dma_wait3A_1683 : memref<16xf32, #tpu.memory_space<vmem>>)
      %dma_wait3A_1687 = arith.constant 112 : i32
      %dma_wait3A_1688 = tpu.memref_slice %arg6[%add3A_645, %dma_wait3A_1687] : memref<416x128xf32, #tpu.memory_space<vmem>> -> memref<1x16xf32, #tpu.memory_space<vmem>>
      %dma_wait3A_1689 = tpu.memref_squeeze %dma_wait3A_1688 : memref<1x16xf32, #tpu.memory_space<vmem>> -> memref<16xf32, #tpu.memory_space<vmem>>
      %dma_wait3A_1690 = arith.constant 0 : i32
      %dma_wait3A_1691 = tpu.memref_slice %arg2[%squeeze3A_641, %squeeze3A_643, %dma_wait3A_1690] : memref<325000x8x16xf32, #tpu.memory_space<hbm>> -> memref<1x1x16xf32, #tpu.memory_space<hbm>>
      %dma_wait3A_1692 = tpu.memref_squeeze %dma_wait3A_1691 : memref<1x1x16xf32, #tpu.memory_space<hbm>> -> memref<16xf32, #tpu.memory_space<hbm>>
      %dma_wait3A_1693 = arith.constant 112 : i32
      %dma_wait3A_1694 = tpu.memref_slice %arg6[%add3A_645, %dma_wait3A_1693] : memref<416x128xf32, #tpu.memory_space<vmem>> -> memref<1x16xf32, #tpu.memory_space<vmem>>
      %dma_wait3A_1695 = tpu.memref_squeeze %dma_wait3A_1694 : memref<1x16xf32, #tpu.memory_space<vmem>> -> memref<16xf32, #tpu.memory_space<vmem>>
      %dma_wait3A_1696 = arith.constant 0 : i32
      %dma_wait3A_1697 = tpu.memref_slice %arg2[%squeeze3A_641, %squeeze3A_643, %dma_wait3A_1696] : memref<325000x8x16xf32, #tpu.memory_space<hbm>> -> memref<1x1x16xf32, #tpu.memory_space<hbm>>
      %dma_wait3A_1698 = tpu.memref_squeeze %dma_wait3A_1697 : memref<1x1x16xf32, #tpu.memory_space<hbm>> -> memref<16xf32, #tpu.memory_space<hbm>>
      tpu.wait_dma2 semaphore(%arg7 : memref<!tpu.dma_semaphore, #tpu.memory_space<semaphore_mem>>) src(%dma_wait3A_1698 : memref<16xf32, #tpu.memory_space<hbm>>) dst(%dma_wait3A_1695 : memref<16xf32, #tpu.memory_space<vmem>>)
      %dma_wait3A_1699 = arith.constant 0 : i32
      %dma_wait3A_1700 = tpu.memref_slice %arg6[%add3A_704, %dma_wait3A_1699] : memref<416x128xf32, #tpu.memory_space<vmem>> -> memref<1x16xf32, #tpu.memory_space<vmem>>
      %dma_wait3A_1701 = tpu.memref_squeeze %dma_wait3A_1700 : memref<1x16xf32, #tpu.memory_space<vmem>> -> memref<16xf32, #tpu.memory_space<vmem>>
      %dma_wait3A_1702 = arith.constant 0 : i32
      %dma_wait3A_1703 = tpu.memref_slice %arg2[%squeeze3A_700, %squeeze3A_702, %dma_wait3A_1702] : memref<325000x8x16xf32, #tpu.memory_space<hbm>> -> memref<1x1x16xf32, #tpu.memory_space<hbm>>
      %dma_wait3A_1704 = tpu.memref_squeeze %dma_wait3A_1703 : memref<1x1x16xf32, #tpu.memory_space<hbm>> -> memref<16xf32, #tpu.memory_space<hbm>>
      %dma_wait3A_1705 = arith.constant 0 : i32
      %dma_wait3A_1706 = tpu.memref_slice %arg6[%add3A_704, %dma_wait3A_1705] : memref<416x128xf32, #tpu.memory_space<vmem>> -> memref<1x16xf32, #tpu.memory_space<vmem>>
      %dma_wait3A_1707 = tpu.memref_squeeze %dma_wait3A_1706 : memref<1x16xf32, #tpu.memory_space<vmem>> -> memref<16xf32, #tpu.memory_space<vmem>>
      %dma_wait3A_1708 = arith.constant 0 : i32
      %dma_wait3A_1709 = tpu.memref_slice %arg2[%squeeze3A_700, %squeeze3A_702, %dma_wait3A_1708] : memref<325000x8x16xf32, #tpu.memory_space<hbm>> -> memref<1x1x16xf32, #tpu.memory_space<hbm>>
      %dma_wait3A_1710 = tpu.memref_squeeze %dma_wait3A_1709 : memref<1x1x16xf32, #tpu.memory_space<hbm>> -> memref<16xf32, #tpu.memory_space<hbm>>
      tpu.wait_dma2 semaphore(%arg7 : memref<!tpu.dma_semaphore, #tpu.memory_space<semaphore_mem>>) src(%dma_wait3A_1710 : memref<16xf32, #tpu.memory_space<hbm>>) dst(%dma_wait3A_1707 : memref<16xf32, #tpu.memory_space<vmem>>)
      %dma_wait3A_1711 = arith.constant 16 : i32
      %dma_wait3A_1712 = tpu.memref_slice %arg6[%add3A_722, %dma_wait3A_1711] : memref<416x128xf32, #tpu.memory_space<vmem>> -> memref<1x16xf32, #tpu.memory_space<vmem>>
      %dma_wait3A_1713 = tpu.memref_squeeze %dma_wait3A_1712 : memref<1x16xf32, #tpu.memory_space<vmem>> -> memref<16xf32, #tpu.memory_space<vmem>>
      %dma_wait3A_1714 = arith.constant 0 : i32
      %dma_wait3A_1715 = tpu.memref_slice %arg2[%squeeze3A_718, %squeeze3A_720, %dma_wait3A_1714] : memref<325000x8x16xf32, #tpu.memory_space<hbm>> -> memref<1x1x16xf32, #tpu.memory_space<hbm>>
      %dma_wait3A_1716 = tpu.memref_squeeze %dma_wait3A_1715 : memref<1x1x16xf32, #tpu.memory_space<hbm>> -> memref<16xf32, #tpu.memory_space<hbm>>
      %dma_wait3A_1717 = arith.constant 16 : i32
      %dma_wait3A_1718 = tpu.memref_slice %arg6[%add3A_722, %dma_wait3A_1717] : memref<416x128xf32, #tpu.memory_space<vmem>> -> memref<1x16xf32, #tpu.memory_space<vmem>>
      %dma_wait3A_1719 = tpu.memref_squeeze %dma_wait3A_1718 : memref<1x16xf32, #tpu.memory_space<vmem>> -> memref<16xf32, #tpu.memory_space<vmem>>
      %dma_wait3A_1720 = arith.constant 0 : i32
      %dma_wait3A_1721 = tpu.memref_slice %arg2[%squeeze3A_718, %squeeze3A_720, %dma_wait3A_1720] : memref<325000x8x16xf32, #tpu.memory_space<hbm>> -> memref<1x1x16xf32, #tpu.memory_space<hbm>>
      %dma_wait3A_1722 = tpu.memref_squeeze %dma_wait3A_1721 : memref<1x1x16xf32, #tpu.memory_space<hbm>> -> memref<16xf32, #tpu.memory_space<hbm>>
      tpu.wait_dma2 semaphore(%arg7 : memref<!tpu.dma_semaphore, #tpu.memory_space<semaphore_mem>>) src(%dma_wait3A_1722 : memref<16xf32, #tpu.memory_space<hbm>>) dst(%dma_wait3A_1719 : memref<16xf32, #tpu.memory_space<vmem>>)
      %dma_wait3A_1723 = arith.constant 32 : i32
      %dma_wait3A_1724 = tpu.memref_slice %arg6[%add3A_740, %dma_wait3A_1723] : memref<416x128xf32, #tpu.memory_space<vmem>> -> memref<1x16xf32, #tpu.memory_space<vmem>>
      %dma_wait3A_1725 = tpu.memref_squeeze %dma_wait3A_1724 : memref<1x16xf32, #tpu.memory_space<vmem>> -> memref<16xf32, #tpu.memory_space<vmem>>
      %dma_wait3A_1726 = arith.constant 0 : i32
      %dma_wait3A_1727 = tpu.memref_slice %arg2[%squeeze3A_736, %squeeze3A_738, %dma_wait3A_1726] : memref<325000x8x16xf32, #tpu.memory_space<hbm>> -> memref<1x1x16xf32, #tpu.memory_space<hbm>>
      %dma_wait3A_1728 = tpu.memref_squeeze %dma_wait3A_1727 : memref<1x1x16xf32, #tpu.memory_space<hbm>> -> memref<16xf32, #tpu.memory_space<hbm>>
      %dma_wait3A_1729 = arith.constant 32 : i32
      %dma_wait3A_1730 = tpu.memref_slice %arg6[%add3A_740, %dma_wait3A_1729] : memref<416x128xf32, #tpu.memory_space<vmem>> -> memref<1x16xf32, #tpu.memory_space<vmem>>
      %dma_wait3A_1731 = tpu.memref_squeeze %dma_wait3A_1730 : memref<1x16xf32, #tpu.memory_space<vmem>> -> memref<16xf32, #tpu.memory_space<vmem>>
      %dma_wait3A_1732 = arith.constant 0 : i32
      %dma_wait3A_1733 = tpu.memref_slice %arg2[%squeeze3A_736, %squeeze3A_738, %dma_wait3A_1732] : memref<325000x8x16xf32, #tpu.memory_space<hbm>> -> memref<1x1x16xf32, #tpu.memory_space<hbm>>
      %dma_wait3A_1734 = tpu.memref_squeeze %dma_wait3A_1733 : memref<1x1x16xf32, #tpu.memory_space<hbm>> -> memref<16xf32, #tpu.memory_space<hbm>>
      tpu.wait_dma2 semaphore(%arg7 : memref<!tpu.dma_semaphore, #tpu.memory_space<semaphore_mem>>) src(%dma_wait3A_1734 : memref<16xf32, #tpu.memory_space<hbm>>) dst(%dma_wait3A_1731 : memref<16xf32, #tpu.memory_space<vmem>>)
      %dma_wait3A_1735 = arith.constant 48 : i32
      %dma_wait3A_1736 = tpu.memref_slice %arg6[%add3A_758, %dma_wait3A_1735] : memref<416x128xf32, #tpu.memory_space<vmem>> -> memref<1x16xf32, #tpu.memory_space<vmem>>
      %dma_wait3A_1737 = tpu.memref_squeeze %dma_wait3A_1736 : memref<1x16xf32, #tpu.memory_space<vmem>> -> memref<16xf32, #tpu.memory_space<vmem>>
      %dma_wait3A_1738 = arith.constant 0 : i32
      %dma_wait3A_1739 = tpu.memref_slice %arg2[%squeeze3A_754, %squeeze3A_756, %dma_wait3A_1738] : memref<325000x8x16xf32, #tpu.memory_space<hbm>> -> memref<1x1x16xf32, #tpu.memory_space<hbm>>
      %dma_wait3A_1740 = tpu.memref_squeeze %dma_wait3A_1739 : memref<1x1x16xf32, #tpu.memory_space<hbm>> -> memref<16xf32, #tpu.memory_space<hbm>>
      %dma_wait3A_1741 = arith.constant 48 : i32
      %dma_wait3A_1742 = tpu.memref_slice %arg6[%add3A_758, %dma_wait3A_1741] : memref<416x128xf32, #tpu.memory_space<vmem>> -> memref<1x16xf32, #tpu.memory_space<vmem>>
      %dma_wait3A_1743 = tpu.memref_squeeze %dma_wait3A_1742 : memref<1x16xf32, #tpu.memory_space<vmem>> -> memref<16xf32, #tpu.memory_space<vmem>>
      %dma_wait3A_1744 = arith.constant 0 : i32
      %dma_wait3A_1745 = tpu.memref_slice %arg2[%squeeze3A_754, %squeeze3A_756, %dma_wait3A_1744] : memref<325000x8x16xf32, #tpu.memory_space<hbm>> -> memref<1x1x16xf32, #tpu.memory_space<hbm>>
      %dma_wait3A_1746 = tpu.memref_squeeze %dma_wait3A_1745 : memref<1x1x16xf32, #tpu.memory_space<hbm>> -> memref<16xf32, #tpu.memory_space<hbm>>
      tpu.wait_dma2 semaphore(%arg7 : memref<!tpu.dma_semaphore, #tpu.memory_space<semaphore_mem>>) src(%dma_wait3A_1746 : memref<16xf32, #tpu.memory_space<hbm>>) dst(%dma_wait3A_1743 : memref<16xf32, #tpu.memory_space<vmem>>)
      %dma_wait3A_1747 = arith.constant 64 : i32
      %dma_wait3A_1748 = tpu.memref_slice %arg6[%add3A_776, %dma_wait3A_1747] : memref<416x128xf32, #tpu.memory_space<vmem>> -> memref<1x16xf32, #tpu.memory_space<vmem>>
      %dma_wait3A_1749 = tpu.memref_squeeze %dma_wait3A_1748 : memref<1x16xf32, #tpu.memory_space<vmem>> -> memref<16xf32, #tpu.memory_space<vmem>>
      %dma_wait3A_1750 = arith.constant 0 : i32
      %dma_wait3A_1751 = tpu.memref_slice %arg2[%squeeze3A_772, %squeeze3A_774, %dma_wait3A_1750] : memref<325000x8x16xf32, #tpu.memory_space<hbm>> -> memref<1x1x16xf32, #tpu.memory_space<hbm>>
      %dma_wait3A_1752 = tpu.memref_squeeze %dma_wait3A_1751 : memref<1x1x16xf32, #tpu.memory_space<hbm>> -> memref<16xf32, #tpu.memory_space<hbm>>
      %dma_wait3A_1753 = arith.constant 64 : i32
      %dma_wait3A_1754 = tpu.memref_slice %arg6[%add3A_776, %dma_wait3A_1753] : memref<416x128xf32, #tpu.memory_space<vmem>> -> memref<1x16xf32, #tpu.memory_space<vmem>>
      %dma_wait3A_1755 = tpu.memref_squeeze %dma_wait3A_1754 : memref<1x16xf32, #tpu.memory_space<vmem>> -> memref<16xf32, #tpu.memory_space<vmem>>
      %dma_wait3A_1756 = arith.constant 0 : i32
      %dma_wait3A_1757 = tpu.memref_slice %arg2[%squeeze3A_772, %squeeze3A_774, %dma_wait3A_1756] : memref<325000x8x16xf32, #tpu.memory_space<hbm>> -> memref<1x1x16xf32, #tpu.memory_space<hbm>>
      %dma_wait3A_1758 = tpu.memref_squeeze %dma_wait3A_1757 : memref<1x1x16xf32, #tpu.memory_space<hbm>> -> memref<16xf32, #tpu.memory_space<hbm>>
      tpu.wait_dma2 semaphore(%arg7 : memref<!tpu.dma_semaphore, #tpu.memory_space<semaphore_mem>>) src(%dma_wait3A_1758 : memref<16xf32, #tpu.memory_space<hbm>>) dst(%dma_wait3A_1755 : memref<16xf32, #tpu.memory_space<vmem>>)
      %dma_wait3A_1759 = arith.constant 80 : i32
      %dma_wait3A_1760 = tpu.memref_slice %arg6[%add3A_794, %dma_wait3A_1759] : memref<416x128xf32, #tpu.memory_space<vmem>> -> memref<1x16xf32, #tpu.memory_space<vmem>>
      %dma_wait3A_1761 = tpu.memref_squeeze %dma_wait3A_1760 : memref<1x16xf32, #tpu.memory_space<vmem>> -> memref<16xf32, #tpu.memory_space<vmem>>
      %dma_wait3A_1762 = arith.constant 0 : i32
      %dma_wait3A_1763 = tpu.memref_slice %arg2[%squeeze3A_790, %squeeze3A_792, %dma_wait3A_1762] : memref<325000x8x16xf32, #tpu.memory_space<hbm>> -> memref<1x1x16xf32, #tpu.memory_space<hbm>>
      %dma_wait3A_1764 = tpu.memref_squeeze %dma_wait3A_1763 : memref<1x1x16xf32, #tpu.memory_space<hbm>> -> memref<16xf32, #tpu.memory_space<hbm>>
      %dma_wait3A_1765 = arith.constant 80 : i32
      %dma_wait3A_1766 = tpu.memref_slice %arg6[%add3A_794, %dma_wait3A_1765] : memref<416x128xf32, #tpu.memory_space<vmem>> -> memref<1x16xf32, #tpu.memory_space<vmem>>
      %dma_wait3A_1767 = tpu.memref_squeeze %dma_wait3A_1766 : memref<1x16xf32, #tpu.memory_space<vmem>> -> memref<16xf32, #tpu.memory_space<vmem>>
      %dma_wait3A_1768 = arith.constant 0 : i32
      %dma_wait3A_1769 = tpu.memref_slice %arg2[%squeeze3A_790, %squeeze3A_792, %dma_wait3A_1768] : memref<325000x8x16xf32, #tpu.memory_space<hbm>> -> memref<1x1x16xf32, #tpu.memory_space<hbm>>
      %dma_wait3A_1770 = tpu.memref_squeeze %dma_wait3A_1769 : memref<1x1x16xf32, #tpu.memory_space<hbm>> -> memref<16xf32, #tpu.memory_space<hbm>>
      tpu.wait_dma2 semaphore(%arg7 : memref<!tpu.dma_semaphore, #tpu.memory_space<semaphore_mem>>) src(%dma_wait3A_1770 : memref<16xf32, #tpu.memory_space<hbm>>) dst(%dma_wait3A_1767 : memref<16xf32, #tpu.memory_space<vmem>>)
      %dma_wait3A_1771 = arith.constant 96 : i32
      %dma_wait3A_1772 = tpu.memref_slice %arg6[%add3A_812, %dma_wait3A_1771] : memref<416x128xf32, #tpu.memory_space<vmem>> -> memref<1x16xf32, #tpu.memory_space<vmem>>
      %dma_wait3A_1773 = tpu.memref_squeeze %dma_wait3A_1772 : memref<1x16xf32, #tpu.memory_space<vmem>> -> memref<16xf32, #tpu.memory_space<vmem>>
      %dma_wait3A_1774 = arith.constant 0 : i32
      %dma_wait3A_1775 = tpu.memref_slice %arg2[%squeeze3A_808, %squeeze3A_810, %dma_wait3A_1774] : memref<325000x8x16xf32, #tpu.memory_space<hbm>> -> memref<1x1x16xf32, #tpu.memory_space<hbm>>
      %dma_wait3A_1776 = tpu.memref_squeeze %dma_wait3A_1775 : memref<1x1x16xf32, #tpu.memory_space<hbm>> -> memref<16xf32, #tpu.memory_space<hbm>>
      %dma_wait3A_1777 = arith.constant 96 : i32
      %dma_wait3A_1778 = tpu.memref_slice %arg6[%add3A_812, %dma_wait3A_1777] : memref<416x128xf32, #tpu.memory_space<vmem>> -> memref<1x16xf32, #tpu.memory_space<vmem>>
      %dma_wait3A_1779 = tpu.memref_squeeze %dma_wait3A_1778 : memref<1x16xf32, #tpu.memory_space<vmem>> -> memref<16xf32, #tpu.memory_space<vmem>>
      %dma_wait3A_1780 = arith.constant 0 : i32
      %dma_wait3A_1781 = tpu.memref_slice %arg2[%squeeze3A_808, %squeeze3A_810, %dma_wait3A_1780] : memref<325000x8x16xf32, #tpu.memory_space<hbm>> -> memref<1x1x16xf32, #tpu.memory_space<hbm>>
      %dma_wait3A_1782 = tpu.memref_squeeze %dma_wait3A_1781 : memref<1x1x16xf32, #tpu.memory_space<hbm>> -> memref<16xf32, #tpu.memory_space<hbm>>
      tpu.wait_dma2 semaphore(%arg7 : memref<!tpu.dma_semaphore, #tpu.memory_space<semaphore_mem>>) src(%dma_wait3A_1782 : memref<16xf32, #tpu.memory_space<hbm>>) dst(%dma_wait3A_1779 : memref<16xf32, #tpu.memory_space<vmem>>)
      %dma_wait3A_1783 = arith.constant 112 : i32
      %dma_wait3A_1784 = tpu.memref_slice %arg6[%add3A_830, %dma_wait3A_1783] : memref<416x128xf32, #tpu.memory_space<vmem>> -> memref<1x16xf32, #tpu.memory_space<vmem>>
      %dma_wait3A_1785 = tpu.memref_squeeze %dma_wait3A_1784 : memref<1x16xf32, #tpu.memory_space<vmem>> -> memref<16xf32, #tpu.memory_space<vmem>>
      %dma_wait3A_1786 = arith.constant 0 : i32
      %dma_wait3A_1787 = tpu.memref_slice %arg2[%squeeze3A_826, %squeeze3A_828, %dma_wait3A_1786] : memref<325000x8x16xf32, #tpu.memory_space<hbm>> -> memref<1x1x16xf32, #tpu.memory_space<hbm>>
      %dma_wait3A_1788 = tpu.memref_squeeze %dma_wait3A_1787 : memref<1x1x16xf32, #tpu.memory_space<hbm>> -> memref<16xf32, #tpu.memory_space<hbm>>
      %dma_wait3A_1789 = arith.constant 112 : i32
      %dma_wait3A_1790 = tpu.memref_slice %arg6[%add3A_830, %dma_wait3A_1789] : memref<416x128xf32, #tpu.memory_space<vmem>> -> memref<1x16xf32, #tpu.memory_space<vmem>>
      %dma_wait3A_1791 = tpu.memref_squeeze %dma_wait3A_1790 : memref<1x16xf32, #tpu.memory_space<vmem>> -> memref<16xf32, #tpu.memory_space<vmem>>
      %dma_wait3A_1792 = arith.constant 0 : i32
      %dma_wait3A_1793 = tpu.memref_slice %arg2[%squeeze3A_826, %squeeze3A_828, %dma_wait3A_1792] : memref<325000x8x16xf32, #tpu.memory_space<hbm>> -> memref<1x1x16xf32, #tpu.memory_space<hbm>>
      %dma_wait3A_1794 = tpu.memref_squeeze %dma_wait3A_1793 : memref<1x1x16xf32, #tpu.memory_space<hbm>> -> memref<16xf32, #tpu.memory_space<hbm>>
      tpu.wait_dma2 semaphore(%arg7 : memref<!tpu.dma_semaphore, #tpu.memory_space<semaphore_mem>>) src(%dma_wait3A_1794 : memref<16xf32, #tpu.memory_space<hbm>>) dst(%dma_wait3A_1791 : memref<16xf32, #tpu.memory_space<vmem>>)
      %dma_wait3A_1795 = arith.constant 0 : i32
      %dma_wait3A_1796 = tpu.memref_slice %arg6[%add3A_848, %dma_wait3A_1795] : memref<416x128xf32, #tpu.memory_space<vmem>> -> memref<1x16xf32, #tpu.memory_space<vmem>>
      %dma_wait3A_1797 = tpu.memref_squeeze %dma_wait3A_1796 : memref<1x16xf32, #tpu.memory_space<vmem>> -> memref<16xf32, #tpu.memory_space<vmem>>
      %dma_wait3A_1798 = arith.constant 0 : i32
      %dma_wait3A_1799 = tpu.memref_slice %arg2[%squeeze3A_844, %squeeze3A_846, %dma_wait3A_1798] : memref<325000x8x16xf32, #tpu.memory_space<hbm>> -> memref<1x1x16xf32, #tpu.memory_space<hbm>>
      %dma_wait3A_1800 = tpu.memref_squeeze %dma_wait3A_1799 : memref<1x1x16xf32, #tpu.memory_space<hbm>> -> memref<16xf32, #tpu.memory_space<hbm>>
      %dma_wait3A_1801 = arith.constant 0 : i32
      %dma_wait3A_1802 = tpu.memref_slice %arg6[%add3A_848, %dma_wait3A_1801] : memref<416x128xf32, #tpu.memory_space<vmem>> -> memref<1x16xf32, #tpu.memory_space<vmem>>
      %dma_wait3A_1803 = tpu.memref_squeeze %dma_wait3A_1802 : memref<1x16xf32, #tpu.memory_space<vmem>> -> memref<16xf32, #tpu.memory_space<vmem>>
      %dma_wait3A_1804 = arith.constant 0 : i32
      %dma_wait3A_1805 = tpu.memref_slice %arg2[%squeeze3A_844, %squeeze3A_846, %dma_wait3A_1804] : memref<325000x8x16xf32, #tpu.memory_space<hbm>> -> memref<1x1x16xf32, #tpu.memory_space<hbm>>
      %dma_wait3A_1806 = tpu.memref_squeeze %dma_wait3A_1805 : memref<1x1x16xf32, #tpu.memory_space<hbm>> -> memref<16xf32, #tpu.memory_space<hbm>>
      tpu.wait_dma2 semaphore(%arg7 : memref<!tpu.dma_semaphore, #tpu.memory_space<semaphore_mem>>) src(%dma_wait3A_1806 : memref<16xf32, #tpu.memory_space<hbm>>) dst(%dma_wait3A_1803 : memref<16xf32, #tpu.memory_space<vmem>>)
      %dma_wait3A_1807 = arith.constant 16 : i32
      %dma_wait3A_1808 = tpu.memref_slice %arg6[%add3A_866, %dma_wait3A_1807] : memref<416x128xf32, #tpu.memory_space<vmem>> -> memref<1x16xf32, #tpu.memory_space<vmem>>
      %dma_wait3A_1809 = tpu.memref_squeeze %dma_wait3A_1808 : memref<1x16xf32, #tpu.memory_space<vmem>> -> memref<16xf32, #tpu.memory_space<vmem>>
      %dma_wait3A_1810 = arith.constant 0 : i32
      %dma_wait3A_1811 = tpu.memref_slice %arg2[%squeeze3A_862, %squeeze3A_864, %dma_wait3A_1810] : memref<325000x8x16xf32, #tpu.memory_space<hbm>> -> memref<1x1x16xf32, #tpu.memory_space<hbm>>
      %dma_wait3A_1812 = tpu.memref_squeeze %dma_wait3A_1811 : memref<1x1x16xf32, #tpu.memory_space<hbm>> -> memref<16xf32, #tpu.memory_space<hbm>>
      %dma_wait3A_1813 = arith.constant 16 : i32
      %dma_wait3A_1814 = tpu.memref_slice %arg6[%add3A_866, %dma_wait3A_1813] : memref<416x128xf32, #tpu.memory_space<vmem>> -> memref<1x16xf32, #tpu.memory_space<vmem>>
      %dma_wait3A_1815 = tpu.memref_squeeze %dma_wait3A_1814 : memref<1x16xf32, #tpu.memory_space<vmem>> -> memref<16xf32, #tpu.memory_space<vmem>>
      %dma_wait3A_1816 = arith.constant 0 : i32
      %dma_wait3A_1817 = tpu.memref_slice %arg2[%squeeze3A_862, %squeeze3A_864, %dma_wait3A_1816] : memref<325000x8x16xf32, #tpu.memory_space<hbm>> -> memref<1x1x16xf32, #tpu.memory_space<hbm>>
      %dma_wait3A_1818 = tpu.memref_squeeze %dma_wait3A_1817 : memref<1x1x16xf32, #tpu.memory_space<hbm>> -> memref<16xf32, #tpu.memory_space<hbm>>
      tpu.wait_dma2 semaphore(%arg7 : memref<!tpu.dma_semaphore, #tpu.memory_space<semaphore_mem>>) src(%dma_wait3A_1818 : memref<16xf32, #tpu.memory_space<hbm>>) dst(%dma_wait3A_1815 : memref<16xf32, #tpu.memory_space<vmem>>)
      %dma_wait3A_1819 = arith.constant 32 : i32
      %dma_wait3A_1820 = tpu.memref_slice %arg6[%add3A_884, %dma_wait3A_1819] : memref<416x128xf32, #tpu.memory_space<vmem>> -> memref<1x16xf32, #tpu.memory_space<vmem>>
      %dma_wait3A_1821 = tpu.memref_squeeze %dma_wait3A_1820 : memref<1x16xf32, #tpu.memory_space<vmem>> -> memref<16xf32, #tpu.memory_space<vmem>>
      %dma_wait3A_1822 = arith.constant 0 : i32
      %dma_wait3A_1823 = tpu.memref_slice %arg2[%squeeze3A_880, %squeeze3A_882, %dma_wait3A_1822] : memref<325000x8x16xf32, #tpu.memory_space<hbm>> -> memref<1x1x16xf32, #tpu.memory_space<hbm>>
      %dma_wait3A_1824 = tpu.memref_squeeze %dma_wait3A_1823 : memref<1x1x16xf32, #tpu.memory_space<hbm>> -> memref<16xf32, #tpu.memory_space<hbm>>
      %dma_wait3A_1825 = arith.constant 32 : i32
      %dma_wait3A_1826 = tpu.memref_slice %arg6[%add3A_884, %dma_wait3A_1825] : memref<416x128xf32, #tpu.memory_space<vmem>> -> memref<1x16xf32, #tpu.memory_space<vmem>>
      %dma_wait3A_1827 = tpu.memref_squeeze %dma_wait3A_1826 : memref<1x16xf32, #tpu.memory_space<vmem>> -> memref<16xf32, #tpu.memory_space<vmem>>
      %dma_wait3A_1828 = arith.constant 0 : i32
      %dma_wait3A_1829 = tpu.memref_slice %arg2[%squeeze3A_880, %squeeze3A_882, %dma_wait3A_1828] : memref<325000x8x16xf32, #tpu.memory_space<hbm>> -> memref<1x1x16xf32, #tpu.memory_space<hbm>>
      %dma_wait3A_1830 = tpu.memref_squeeze %dma_wait3A_1829 : memref<1x1x16xf32, #tpu.memory_space<hbm>> -> memref<16xf32, #tpu.memory_space<hbm>>
      tpu.wait_dma2 semaphore(%arg7 : memref<!tpu.dma_semaphore, #tpu.memory_space<semaphore_mem>>) src(%dma_wait3A_1830 : memref<16xf32, #tpu.memory_space<hbm>>) dst(%dma_wait3A_1827 : memref<16xf32, #tpu.memory_space<vmem>>)
      %dma_wait3A_1831 = arith.constant 48 : i32
      %dma_wait3A_1832 = tpu.memref_slice %arg6[%add3A_902, %dma_wait3A_1831] : memref<416x128xf32, #tpu.memory_space<vmem>> -> memref<1x16xf32, #tpu.memory_space<vmem>>
      %dma_wait3A_1833 = tpu.memref_squeeze %dma_wait3A_1832 : memref<1x16xf32, #tpu.memory_space<vmem>> -> memref<16xf32, #tpu.memory_space<vmem>>
      %dma_wait3A_1834 = arith.constant 0 : i32
      %dma_wait3A_1835 = tpu.memref_slice %arg2[%squeeze3A_898, %squeeze3A_900, %dma_wait3A_1834] : memref<325000x8x16xf32, #tpu.memory_space<hbm>> -> memref<1x1x16xf32, #tpu.memory_space<hbm>>
      %dma_wait3A_1836 = tpu.memref_squeeze %dma_wait3A_1835 : memref<1x1x16xf32, #tpu.memory_space<hbm>> -> memref<16xf32, #tpu.memory_space<hbm>>
      %dma_wait3A_1837 = arith.constant 48 : i32
      %dma_wait3A_1838 = tpu.memref_slice %arg6[%add3A_902, %dma_wait3A_1837] : memref<416x128xf32, #tpu.memory_space<vmem>> -> memref<1x16xf32, #tpu.memory_space<vmem>>
      %dma_wait3A_1839 = tpu.memref_squeeze %dma_wait3A_1838 : memref<1x16xf32, #tpu.memory_space<vmem>> -> memref<16xf32, #tpu.memory_space<vmem>>
      %dma_wait3A_1840 = arith.constant 0 : i32
      %dma_wait3A_1841 = tpu.memref_slice %arg2[%squeeze3A_898, %squeeze3A_900, %dma_wait3A_1840] : memref<325000x8x16xf32, #tpu.memory_space<hbm>> -> memref<1x1x16xf32, #tpu.memory_space<hbm>>
      %dma_wait3A_1842 = tpu.memref_squeeze %dma_wait3A_1841 : memref<1x1x16xf32, #tpu.memory_space<hbm>> -> memref<16xf32, #tpu.memory_space<hbm>>
      tpu.wait_dma2 semaphore(%arg7 : memref<!tpu.dma_semaphore, #tpu.memory_space<semaphore_mem>>) src(%dma_wait3A_1842 : memref<16xf32, #tpu.memory_space<hbm>>) dst(%dma_wait3A_1839 : memref<16xf32, #tpu.memory_space<vmem>>)
      %dma_wait3A_1843 = arith.constant 64 : i32
      %dma_wait3A_1844 = tpu.memref_slice %arg6[%add3A_920, %dma_wait3A_1843] : memref<416x128xf32, #tpu.memory_space<vmem>> -> memref<1x16xf32, #tpu.memory_space<vmem>>
      %dma_wait3A_1845 = tpu.memref_squeeze %dma_wait3A_1844 : memref<1x16xf32, #tpu.memory_space<vmem>> -> memref<16xf32, #tpu.memory_space<vmem>>
      %dma_wait3A_1846 = arith.constant 0 : i32
      %dma_wait3A_1847 = tpu.memref_slice %arg2[%squeeze3A_916, %squeeze3A_918, %dma_wait3A_1846] : memref<325000x8x16xf32, #tpu.memory_space<hbm>> -> memref<1x1x16xf32, #tpu.memory_space<hbm>>
      %dma_wait3A_1848 = tpu.memref_squeeze %dma_wait3A_1847 : memref<1x1x16xf32, #tpu.memory_space<hbm>> -> memref<16xf32, #tpu.memory_space<hbm>>
      %dma_wait3A_1849 = arith.constant 64 : i32
      %dma_wait3A_1850 = tpu.memref_slice %arg6[%add3A_920, %dma_wait3A_1849] : memref<416x128xf32, #tpu.memory_space<vmem>> -> memref<1x16xf32, #tpu.memory_space<vmem>>
      %dma_wait3A_1851 = tpu.memref_squeeze %dma_wait3A_1850 : memref<1x16xf32, #tpu.memory_space<vmem>> -> memref<16xf32, #tpu.memory_space<vmem>>
      %dma_wait3A_1852 = arith.constant 0 : i32
      %dma_wait3A_1853 = tpu.memref_slice %arg2[%squeeze3A_916, %squeeze3A_918, %dma_wait3A_1852] : memref<325000x8x16xf32, #tpu.memory_space<hbm>> -> memref<1x1x16xf32, #tpu.memory_space<hbm>>
      %dma_wait3A_1854 = tpu.memref_squeeze %dma_wait3A_1853 : memref<1x1x16xf32, #tpu.memory_space<hbm>> -> memref<16xf32, #tpu.memory_space<hbm>>
      tpu.wait_dma2 semaphore(%arg7 : memref<!tpu.dma_semaphore, #tpu.memory_space<semaphore_mem>>) src(%dma_wait3A_1854 : memref<16xf32, #tpu.memory_space<hbm>>) dst(%dma_wait3A_1851 : memref<16xf32, #tpu.memory_space<vmem>>)
      %dma_wait3A_1855 = arith.constant 80 : i32
      %dma_wait3A_1856 = tpu.memref_slice %arg6[%add3A_938, %dma_wait3A_1855] : memref<416x128xf32, #tpu.memory_space<vmem>> -> memref<1x16xf32, #tpu.memory_space<vmem>>
      %dma_wait3A_1857 = tpu.memref_squeeze %dma_wait3A_1856 : memref<1x16xf32, #tpu.memory_space<vmem>> -> memref<16xf32, #tpu.memory_space<vmem>>
      %dma_wait3A_1858 = arith.constant 0 : i32
      %dma_wait3A_1859 = tpu.memref_slice %arg2[%squeeze3A_934, %squeeze3A_936, %dma_wait3A_1858] : memref<325000x8x16xf32, #tpu.memory_space<hbm>> -> memref<1x1x16xf32, #tpu.memory_space<hbm>>
      %dma_wait3A_1860 = tpu.memref_squeeze %dma_wait3A_1859 : memref<1x1x16xf32, #tpu.memory_space<hbm>> -> memref<16xf32, #tpu.memory_space<hbm>>
      %dma_wait3A_1861 = arith.constant 80 : i32
      %dma_wait3A_1862 = tpu.memref_slice %arg6[%add3A_938, %dma_wait3A_1861] : memref<416x128xf32, #tpu.memory_space<vmem>> -> memref<1x16xf32, #tpu.memory_space<vmem>>
      %dma_wait3A_1863 = tpu.memref_squeeze %dma_wait3A_1862 : memref<1x16xf32, #tpu.memory_space<vmem>> -> memref<16xf32, #tpu.memory_space<vmem>>
      %dma_wait3A_1864 = arith.constant 0 : i32
      %dma_wait3A_1865 = tpu.memref_slice %arg2[%squeeze3A_934, %squeeze3A_936, %dma_wait3A_1864] : memref<325000x8x16xf32, #tpu.memory_space<hbm>> -> memref<1x1x16xf32, #tpu.memory_space<hbm>>
      %dma_wait3A_1866 = tpu.memref_squeeze %dma_wait3A_1865 : memref<1x1x16xf32, #tpu.memory_space<hbm>> -> memref<16xf32, #tpu.memory_space<hbm>>
      tpu.wait_dma2 semaphore(%arg7 : memref<!tpu.dma_semaphore, #tpu.memory_space<semaphore_mem>>) src(%dma_wait3A_1866 : memref<16xf32, #tpu.memory_space<hbm>>) dst(%dma_wait3A_1863 : memref<16xf32, #tpu.memory_space<vmem>>)
      %dma_wait3A_1867 = arith.constant 96 : i32
      %dma_wait3A_1868 = tpu.memref_slice %arg6[%add3A_956, %dma_wait3A_1867] : memref<416x128xf32, #tpu.memory_space<vmem>> -> memref<1x16xf32, #tpu.memory_space<vmem>>
      %dma_wait3A_1869 = tpu.memref_squeeze %dma_wait3A_1868 : memref<1x16xf32, #tpu.memory_space<vmem>> -> memref<16xf32, #tpu.memory_space<vmem>>
      %dma_wait3A_1870 = arith.constant 0 : i32
      %dma_wait3A_1871 = tpu.memref_slice %arg2[%squeeze3A_952, %squeeze3A_954, %dma_wait3A_1870] : memref<325000x8x16xf32, #tpu.memory_space<hbm>> -> memref<1x1x16xf32, #tpu.memory_space<hbm>>
      %dma_wait3A_1872 = tpu.memref_squeeze %dma_wait3A_1871 : memref<1x1x16xf32, #tpu.memory_space<hbm>> -> memref<16xf32, #tpu.memory_space<hbm>>
      %dma_wait3A_1873 = arith.constant 96 : i32
      %dma_wait3A_1874 = tpu.memref_slice %arg6[%add3A_956, %dma_wait3A_1873] : memref<416x128xf32, #tpu.memory_space<vmem>> -> memref<1x16xf32, #tpu.memory_space<vmem>>
      %dma_wait3A_1875 = tpu.memref_squeeze %dma_wait3A_1874 : memref<1x16xf32, #tpu.memory_space<vmem>> -> memref<16xf32, #tpu.memory_space<vmem>>
      %dma_wait3A_1876 = arith.constant 0 : i32
      %dma_wait3A_1877 = tpu.memref_slice %arg2[%squeeze3A_952, %squeeze3A_954, %dma_wait3A_1876] : memref<325000x8x16xf32, #tpu.memory_space<hbm>> -> memref<1x1x16xf32, #tpu.memory_space<hbm>>
      %dma_wait3A_1878 = tpu.memref_squeeze %dma_wait3A_1877 : memref<1x1x16xf32, #tpu.memory_space<hbm>> -> memref<16xf32, #tpu.memory_space<hbm>>
      tpu.wait_dma2 semaphore(%arg7 : memref<!tpu.dma_semaphore, #tpu.memory_space<semaphore_mem>>) src(%dma_wait3A_1878 : memref<16xf32, #tpu.memory_space<hbm>>) dst(%dma_wait3A_1875 : memref<16xf32, #tpu.memory_space<vmem>>)
      %dma_wait3A_1879 = arith.constant 112 : i32
      %dma_wait3A_1880 = tpu.memref_slice %arg6[%add3A_974, %dma_wait3A_1879] : memref<416x128xf32, #tpu.memory_space<vmem>> -> memref<1x16xf32, #tpu.memory_space<vmem>>
      %dma_wait3A_1881 = tpu.memref_squeeze %dma_wait3A_1880 : memref<1x16xf32, #tpu.memory_space<vmem>> -> memref<16xf32, #tpu.memory_space<vmem>>
      %dma_wait3A_1882 = arith.constant 0 : i32
      %dma_wait3A_1883 = tpu.memref_slice %arg2[%squeeze3A_970, %squeeze3A_972, %dma_wait3A_1882] : memref<325000x8x16xf32, #tpu.memory_space<hbm>> -> memref<1x1x16xf32, #tpu.memory_space<hbm>>
      %dma_wait3A_1884 = tpu.memref_squeeze %dma_wait3A_1883 : memref<1x1x16xf32, #tpu.memory_space<hbm>> -> memref<16xf32, #tpu.memory_space<hbm>>
      %dma_wait3A_1885 = arith.constant 112 : i32
      %dma_wait3A_1886 = tpu.memref_slice %arg6[%add3A_974, %dma_wait3A_1885] : memref<416x128xf32, #tpu.memory_space<vmem>> -> memref<1x16xf32, #tpu.memory_space<vmem>>
      %dma_wait3A_1887 = tpu.memref_squeeze %dma_wait3A_1886 : memref<1x16xf32, #tpu.memory_space<vmem>> -> memref<16xf32, #tpu.memory_space<vmem>>
      %dma_wait3A_1888 = arith.constant 0 : i32
      %dma_wait3A_1889 = tpu.memref_slice %arg2[%squeeze3A_970, %squeeze3A_972, %dma_wait3A_1888] : memref<325000x8x16xf32, #tpu.memory_space<hbm>> -> memref<1x1x16xf32, #tpu.memory_space<hbm>>
      %dma_wait3A_1890 = tpu.memref_squeeze %dma_wait3A_1889 : memref<1x1x16xf32, #tpu.memory_space<hbm>> -> memref<16xf32, #tpu.memory_space<hbm>>
      tpu.wait_dma2 semaphore(%arg7 : memref<!tpu.dma_semaphore, #tpu.memory_space<semaphore_mem>>) src(%dma_wait3A_1890 : memref<16xf32, #tpu.memory_space<hbm>>) dst(%dma_wait3A_1887 : memref<16xf32, #tpu.memory_space<vmem>>)
      %dma_wait3A_1891 = arith.constant 0 : i32
      %dma_wait3A_1892 = tpu.memref_slice %arg6[%add3A_1224, %dma_wait3A_1891] : memref<416x128xf32, #tpu.memory_space<vmem>> -> memref<1x16xf32, #tpu.memory_space<vmem>>
      %dma_wait3A_1893 = tpu.memref_squeeze %dma_wait3A_1892 : memref<1x16xf32, #tpu.memory_space<vmem>> -> memref<16xf32, #tpu.memory_space<vmem>>
      %dma_wait3A_1894 = arith.constant 0 : i32
      %dma_wait3A_1895 = tpu.memref_slice %arg2[%squeeze3A_1220, %squeeze3A_1222, %dma_wait3A_1894] : memref<325000x8x16xf32, #tpu.memory_space<hbm>> -> memref<1x1x16xf32, #tpu.memory_space<hbm>>
      %dma_wait3A_1896 = tpu.memref_squeeze %dma_wait3A_1895 : memref<1x1x16xf32, #tpu.memory_space<hbm>> -> memref<16xf32, #tpu.memory_space<hbm>>
      %dma_wait3A_1897 = arith.constant 0 : i32
      %dma_wait3A_1898 = tpu.memref_slice %arg6[%add3A_1224, %dma_wait3A_1897] : memref<416x128xf32, #tpu.memory_space<vmem>> -> memref<1x16xf32, #tpu.memory_space<vmem>>
      %dma_wait3A_1899 = tpu.memref_squeeze %dma_wait3A_1898 : memref<1x16xf32, #tpu.memory_space<vmem>> -> memref<16xf32, #tpu.memory_space<vmem>>
      %dma_wait3A_1900 = arith.constant 0 : i32
      %dma_wait3A_1901 = tpu.memref_slice %arg2[%squeeze3A_1220, %squeeze3A_1222, %dma_wait3A_1900] : memref<325000x8x16xf32, #tpu.memory_space<hbm>> -> memref<1x1x16xf32, #tpu.memory_space<hbm>>
      %dma_wait3A_1902 = tpu.memref_squeeze %dma_wait3A_1901 : memref<1x1x16xf32, #tpu.memory_space<hbm>> -> memref<16xf32, #tpu.memory_space<hbm>>
      tpu.wait_dma2 semaphore(%arg7 : memref<!tpu.dma_semaphore, #tpu.memory_space<semaphore_mem>>) src(%dma_wait3A_1902 : memref<16xf32, #tpu.memory_space<hbm>>) dst(%dma_wait3A_1899 : memref<16xf32, #tpu.memory_space<vmem>>)
      %dma_wait3A_1903 = arith.constant 16 : i32
      %dma_wait3A_1904 = tpu.memref_slice %arg6[%add3A_1242, %dma_wait3A_1903] : memref<416x128xf32, #tpu.memory_space<vmem>> -> memref<1x16xf32, #tpu.memory_space<vmem>>
      %dma_wait3A_1905 = tpu.memref_squeeze %dma_wait3A_1904 : memref<1x16xf32, #tpu.memory_space<vmem>> -> memref<16xf32, #tpu.memory_space<vmem>>
      %dma_wait3A_1906 = arith.constant 0 : i32
      %dma_wait3A_1907 = tpu.memref_slice %arg2[%squeeze3A_1238, %squeeze3A_1240, %dma_wait3A_1906] : memref<325000x8x16xf32, #tpu.memory_space<hbm>> -> memref<1x1x16xf32, #tpu.memory_space<hbm>>
      %dma_wait3A_1908 = tpu.memref_squeeze %dma_wait3A_1907 : memref<1x1x16xf32, #tpu.memory_space<hbm>> -> memref<16xf32, #tpu.memory_space<hbm>>
      %dma_wait3A_1909 = arith.constant 16 : i32
      %dma_wait3A_1910 = tpu.memref_slice %arg6[%add3A_1242, %dma_wait3A_1909] : memref<416x128xf32, #tpu.memory_space<vmem>> -> memref<1x16xf32, #tpu.memory_space<vmem>>
      %dma_wait3A_1911 = tpu.memref_squeeze %dma_wait3A_1910 : memref<1x16xf32, #tpu.memory_space<vmem>> -> memref<16xf32, #tpu.memory_space<vmem>>
      %dma_wait3A_1912 = arith.constant 0 : i32
      %dma_wait3A_1913 = tpu.memref_slice %arg2[%squeeze3A_1238, %squeeze3A_1240, %dma_wait3A_1912] : memref<325000x8x16xf32, #tpu.memory_space<hbm>> -> memref<1x1x16xf32, #tpu.memory_space<hbm>>
      %dma_wait3A_1914 = tpu.memref_squeeze %dma_wait3A_1913 : memref<1x1x16xf32, #tpu.memory_space<hbm>> -> memref<16xf32, #tpu.memory_space<hbm>>
      tpu.wait_dma2 semaphore(%arg7 : memref<!tpu.dma_semaphore, #tpu.memory_space<semaphore_mem>>) src(%dma_wait3A_1914 : memref<16xf32, #tpu.memory_space<hbm>>) dst(%dma_wait3A_1911 : memref<16xf32, #tpu.memory_space<vmem>>)
      %dma_wait3A_1915 = arith.constant 32 : i32
      %dma_wait3A_1916 = tpu.memref_slice %arg6[%add3A_1260, %dma_wait3A_1915] : memref<416x128xf32, #tpu.memory_space<vmem>> -> memref<1x16xf32, #tpu.memory_space<vmem>>
      %dma_wait3A_1917 = tpu.memref_squeeze %dma_wait3A_1916 : memref<1x16xf32, #tpu.memory_space<vmem>> -> memref<16xf32, #tpu.memory_space<vmem>>
      %dma_wait3A_1918 = arith.constant 0 : i32
      %dma_wait3A_1919 = tpu.memref_slice %arg2[%squeeze3A_1256, %squeeze3A_1258, %dma_wait3A_1918] : memref<325000x8x16xf32, #tpu.memory_space<hbm>> -> memref<1x1x16xf32, #tpu.memory_space<hbm>>
      %dma_wait3A_1920 = tpu.memref_squeeze %dma_wait3A_1919 : memref<1x1x16xf32, #tpu.memory_space<hbm>> -> memref<16xf32, #tpu.memory_space<hbm>>
      %dma_wait3A_1921 = arith.constant 32 : i32
      %dma_wait3A_1922 = tpu.memref_slice %arg6[%add3A_1260, %dma_wait3A_1921] : memref<416x128xf32, #tpu.memory_space<vmem>> -> memref<1x16xf32, #tpu.memory_space<vmem>>
      %dma_wait3A_1923 = tpu.memref_squeeze %dma_wait3A_1922 : memref<1x16xf32, #tpu.memory_space<vmem>> -> memref<16xf32, #tpu.memory_space<vmem>>
      %dma_wait3A_1924 = arith.constant 0 : i32
      %dma_wait3A_1925 = tpu.memref_slice %arg2[%squeeze3A_1256, %squeeze3A_1258, %dma_wait3A_1924] : memref<325000x8x16xf32, #tpu.memory_space<hbm>> -> memref<1x1x16xf32, #tpu.memory_space<hbm>>
      %dma_wait3A_1926 = tpu.memref_squeeze %dma_wait3A_1925 : memref<1x1x16xf32, #tpu.memory_space<hbm>> -> memref<16xf32, #tpu.memory_space<hbm>>
      tpu.wait_dma2 semaphore(%arg7 : memref<!tpu.dma_semaphore, #tpu.memory_space<semaphore_mem>>) src(%dma_wait3A_1926 : memref<16xf32, #tpu.memory_space<hbm>>) dst(%dma_wait3A_1923 : memref<16xf32, #tpu.memory_space<vmem>>)
      %dma_wait3A_1927 = arith.constant 48 : i32
      %dma_wait3A_1928 = tpu.memref_slice %arg6[%add3A_1278, %dma_wait3A_1927] : memref<416x128xf32, #tpu.memory_space<vmem>> -> memref<1x16xf32, #tpu.memory_space<vmem>>
      %dma_wait3A_1929 = tpu.memref_squeeze %dma_wait3A_1928 : memref<1x16xf32, #tpu.memory_space<vmem>> -> memref<16xf32, #tpu.memory_space<vmem>>
      %dma_wait3A_1930 = arith.constant 0 : i32
      %dma_wait3A_1931 = tpu.memref_slice %arg2[%squeeze3A_1274, %squeeze3A_1276, %dma_wait3A_1930] : memref<325000x8x16xf32, #tpu.memory_space<hbm>> -> memref<1x1x16xf32, #tpu.memory_space<hbm>>
      %dma_wait3A_1932 = tpu.memref_squeeze %dma_wait3A_1931 : memref<1x1x16xf32, #tpu.memory_space<hbm>> -> memref<16xf32, #tpu.memory_space<hbm>>
      %dma_wait3A_1933 = arith.constant 48 : i32
      %dma_wait3A_1934 = tpu.memref_slice %arg6[%add3A_1278, %dma_wait3A_1933] : memref<416x128xf32, #tpu.memory_space<vmem>> -> memref<1x16xf32, #tpu.memory_space<vmem>>
      %dma_wait3A_1935 = tpu.memref_squeeze %dma_wait3A_1934 : memref<1x16xf32, #tpu.memory_space<vmem>> -> memref<16xf32, #tpu.memory_space<vmem>>
      %dma_wait3A_1936 = arith.constant 0 : i32
      %dma_wait3A_1937 = tpu.memref_slice %arg2[%squeeze3A_1274, %squeeze3A_1276, %dma_wait3A_1936] : memref<325000x8x16xf32, #tpu.memory_space<hbm>> -> memref<1x1x16xf32, #tpu.memory_space<hbm>>
      %dma_wait3A_1938 = tpu.memref_squeeze %dma_wait3A_1937 : memref<1x1x16xf32, #tpu.memory_space<hbm>> -> memref<16xf32, #tpu.memory_space<hbm>>
      tpu.wait_dma2 semaphore(%arg7 : memref<!tpu.dma_semaphore, #tpu.memory_space<semaphore_mem>>) src(%dma_wait3A_1938 : memref<16xf32, #tpu.memory_space<hbm>>) dst(%dma_wait3A_1935 : memref<16xf32, #tpu.memory_space<vmem>>)
      %dma_wait3A_1939 = arith.constant 64 : i32
      %dma_wait3A_1940 = tpu.memref_slice %arg6[%add3A_1296, %dma_wait3A_1939] : memref<416x128xf32, #tpu.memory_space<vmem>> -> memref<1x16xf32, #tpu.memory_space<vmem>>
      %dma_wait3A_1941 = tpu.memref_squeeze %dma_wait3A_1940 : memref<1x16xf32, #tpu.memory_space<vmem>> -> memref<16xf32, #tpu.memory_space<vmem>>
      %dma_wait3A_1942 = arith.constant 0 : i32
      %dma_wait3A_1943 = tpu.memref_slice %arg2[%squeeze3A_1292, %squeeze3A_1294, %dma_wait3A_1942] : memref<325000x8x16xf32, #tpu.memory_space<hbm>> -> memref<1x1x16xf32, #tpu.memory_space<hbm>>
      %dma_wait3A_1944 = tpu.memref_squeeze %dma_wait3A_1943 : memref<1x1x16xf32, #tpu.memory_space<hbm>> -> memref<16xf32, #tpu.memory_space<hbm>>
      %dma_wait3A_1945 = arith.constant 64 : i32
      %dma_wait3A_1946 = tpu.memref_slice %arg6[%add3A_1296, %dma_wait3A_1945] : memref<416x128xf32, #tpu.memory_space<vmem>> -> memref<1x16xf32, #tpu.memory_space<vmem>>
      %dma_wait3A_1947 = tpu.memref_squeeze %dma_wait3A_1946 : memref<1x16xf32, #tpu.memory_space<vmem>> -> memref<16xf32, #tpu.memory_space<vmem>>
      %dma_wait3A_1948 = arith.constant 0 : i32
      %dma_wait3A_1949 = tpu.memref_slice %arg2[%squeeze3A_1292, %squeeze3A_1294, %dma_wait3A_1948] : memref<325000x8x16xf32, #tpu.memory_space<hbm>> -> memref<1x1x16xf32, #tpu.memory_space<hbm>>
      %dma_wait3A_1950 = tpu.memref_squeeze %dma_wait3A_1949 : memref<1x1x16xf32, #tpu.memory_space<hbm>> -> memref<16xf32, #tpu.memory_space<hbm>>
      tpu.wait_dma2 semaphore(%arg7 : memref<!tpu.dma_semaphore, #tpu.memory_space<semaphore_mem>>) src(%dma_wait3A_1950 : memref<16xf32, #tpu.memory_space<hbm>>) dst(%dma_wait3A_1947 : memref<16xf32, #tpu.memory_space<vmem>>)
      %dma_wait3A_1951 = arith.constant 80 : i32
      %dma_wait3A_1952 = tpu.memref_slice %arg6[%add3A_1314, %dma_wait3A_1951] : memref<416x128xf32, #tpu.memory_space<vmem>> -> memref<1x16xf32, #tpu.memory_space<vmem>>
      %dma_wait3A_1953 = tpu.memref_squeeze %dma_wait3A_1952 : memref<1x16xf32, #tpu.memory_space<vmem>> -> memref<16xf32, #tpu.memory_space<vmem>>
      %dma_wait3A_1954 = arith.constant 0 : i32
      %dma_wait3A_1955 = tpu.memref_slice %arg2[%squeeze3A_1310, %squeeze3A_1312, %dma_wait3A_1954] : memref<325000x8x16xf32, #tpu.memory_space<hbm>> -> memref<1x1x16xf32, #tpu.memory_space<hbm>>
      %dma_wait3A_1956 = tpu.memref_squeeze %dma_wait3A_1955 : memref<1x1x16xf32, #tpu.memory_space<hbm>> -> memref<16xf32, #tpu.memory_space<hbm>>
      %dma_wait3A_1957 = arith.constant 80 : i32
      %dma_wait3A_1958 = tpu.memref_slice %arg6[%add3A_1314, %dma_wait3A_1957] : memref<416x128xf32, #tpu.memory_space<vmem>> -> memref<1x16xf32, #tpu.memory_space<vmem>>
      %dma_wait3A_1959 = tpu.memref_squeeze %dma_wait3A_1958 : memref<1x16xf32, #tpu.memory_space<vmem>> -> memref<16xf32, #tpu.memory_space<vmem>>
      %dma_wait3A_1960 = arith.constant 0 : i32
      %dma_wait3A_1961 = tpu.memref_slice %arg2[%squeeze3A_1310, %squeeze3A_1312, %dma_wait3A_1960] : memref<325000x8x16xf32, #tpu.memory_space<hbm>> -> memref<1x1x16xf32, #tpu.memory_space<hbm>>
      %dma_wait3A_1962 = tpu.memref_squeeze %dma_wait3A_1961 : memref<1x1x16xf32, #tpu.memory_space<hbm>> -> memref<16xf32, #tpu.memory_space<hbm>>
      tpu.wait_dma2 semaphore(%arg7 : memref<!tpu.dma_semaphore, #tpu.memory_space<semaphore_mem>>) src(%dma_wait3A_1962 : memref<16xf32, #tpu.memory_space<hbm>>) dst(%dma_wait3A_1959 : memref<16xf32, #tpu.memory_space<vmem>>)
      %dma_wait3A_1963 = arith.constant 96 : i32
      %dma_wait3A_1964 = tpu.memref_slice %arg6[%add3A_1332, %dma_wait3A_1963] : memref<416x128xf32, #tpu.memory_space<vmem>> -> memref<1x16xf32, #tpu.memory_space<vmem>>
      %dma_wait3A_1965 = tpu.memref_squeeze %dma_wait3A_1964 : memref<1x16xf32, #tpu.memory_space<vmem>> -> memref<16xf32, #tpu.memory_space<vmem>>
      %dma_wait3A_1966 = arith.constant 0 : i32
      %dma_wait3A_1967 = tpu.memref_slice %arg2[%squeeze3A_1328, %squeeze3A_1330, %dma_wait3A_1966] : memref<325000x8x16xf32, #tpu.memory_space<hbm>> -> memref<1x1x16xf32, #tpu.memory_space<hbm>>
      %dma_wait3A_1968 = tpu.memref_squeeze %dma_wait3A_1967 : memref<1x1x16xf32, #tpu.memory_space<hbm>> -> memref<16xf32, #tpu.memory_space<hbm>>
      %dma_wait3A_1969 = arith.constant 96 : i32
      %dma_wait3A_1970 = tpu.memref_slice %arg6[%add3A_1332, %dma_wait3A_1969] : memref<416x128xf32, #tpu.memory_space<vmem>> -> memref<1x16xf32, #tpu.memory_space<vmem>>
      %dma_wait3A_1971 = tpu.memref_squeeze %dma_wait3A_1970 : memref<1x16xf32, #tpu.memory_space<vmem>> -> memref<16xf32, #tpu.memory_space<vmem>>
      %dma_wait3A_1972 = arith.constant 0 : i32
      %dma_wait3A_1973 = tpu.memref_slice %arg2[%squeeze3A_1328, %squeeze3A_1330, %dma_wait3A_1972] : memref<325000x8x16xf32, #tpu.memory_space<hbm>> -> memref<1x1x16xf32, #tpu.memory_space<hbm>>
      %dma_wait3A_1974 = tpu.memref_squeeze %dma_wait3A_1973 : memref<1x1x16xf32, #tpu.memory_space<hbm>> -> memref<16xf32, #tpu.memory_space<hbm>>
      tpu.wait_dma2 semaphore(%arg7 : memref<!tpu.dma_semaphore, #tpu.memory_space<semaphore_mem>>) src(%dma_wait3A_1974 : memref<16xf32, #tpu.memory_space<hbm>>) dst(%dma_wait3A_1971 : memref<16xf32, #tpu.memory_space<vmem>>)
      %dma_wait3A_1975 = arith.constant 112 : i32
      %dma_wait3A_1976 = tpu.memref_slice %arg6[%add3A_1350, %dma_wait3A_1975] : memref<416x128xf32, #tpu.memory_space<vmem>> -> memref<1x16xf32, #tpu.memory_space<vmem>>
      %dma_wait3A_1977 = tpu.memref_squeeze %dma_wait3A_1976 : memref<1x16xf32, #tpu.memory_space<vmem>> -> memref<16xf32, #tpu.memory_space<vmem>>
      %dma_wait3A_1978 = arith.constant 0 : i32
      %dma_wait3A_1979 = tpu.memref_slice %arg2[%squeeze3A_1346, %squeeze3A_1348, %dma_wait3A_1978] : memref<325000x8x16xf32, #tpu.memory_space<hbm>> -> memref<1x1x16xf32, #tpu.memory_space<hbm>>
      %dma_wait3A_1980 = tpu.memref_squeeze %dma_wait3A_1979 : memref<1x1x16xf32, #tpu.memory_space<hbm>> -> memref<16xf32, #tpu.memory_space<hbm>>
      %dma_wait3A_1981 = arith.constant 112 : i32
      %dma_wait3A_1982 = tpu.memref_slice %arg6[%add3A_1350, %dma_wait3A_1981] : memref<416x128xf32, #tpu.memory_space<vmem>> -> memref<1x16xf32, #tpu.memory_space<vmem>>
      %dma_wait3A_1983 = tpu.memref_squeeze %dma_wait3A_1982 : memref<1x16xf32, #tpu.memory_space<vmem>> -> memref<16xf32, #tpu.memory_space<vmem>>
      %dma_wait3A_1984 = arith.constant 0 : i32
      %dma_wait3A_1985 = tpu.memref_slice %arg2[%squeeze3A_1346, %squeeze3A_1348, %dma_wait3A_1984] : memref<325000x8x16xf32, #tpu.memory_space<hbm>> -> memref<1x1x16xf32, #tpu.memory_space<hbm>>
      %dma_wait3A_1986 = tpu.memref_squeeze %dma_wait3A_1985 : memref<1x1x16xf32, #tpu.memory_space<hbm>> -> memref<16xf32, #tpu.memory_space<hbm>>
      tpu.wait_dma2 semaphore(%arg7 : memref<!tpu.dma_semaphore, #tpu.memory_space<semaphore_mem>>) src(%dma_wait3A_1986 : memref<16xf32, #tpu.memory_space<hbm>>) dst(%dma_wait3A_1983 : memref<16xf32, #tpu.memory_space<vmem>>)
      %dma_wait3A_1987 = arith.constant 0 : i32
      %dma_wait3A_1988 = tpu.memref_slice %arg6[%add3A_1368, %dma_wait3A_1987] : memref<416x128xf32, #tpu.memory_space<vmem>> -> memref<1x16xf32, #tpu.memory_space<vmem>>
      %dma_wait3A_1989 = tpu.memref_squeeze %dma_wait3A_1988 : memref<1x16xf32, #tpu.memory_space<vmem>> -> memref<16xf32, #tpu.memory_space<vmem>>
      %dma_wait3A_1990 = arith.constant 0 : i32
      %dma_wait3A_1991 = tpu.memref_slice %arg2[%squeeze3A_1364, %squeeze3A_1366, %dma_wait3A_1990] : memref<325000x8x16xf32, #tpu.memory_space<hbm>> -> memref<1x1x16xf32, #tpu.memory_space<hbm>>
      %dma_wait3A_1992 = tpu.memref_squeeze %dma_wait3A_1991 : memref<1x1x16xf32, #tpu.memory_space<hbm>> -> memref<16xf32, #tpu.memory_space<hbm>>
      %dma_wait3A_1993 = arith.constant 0 : i32
      %dma_wait3A_1994 = tpu.memref_slice %arg6[%add3A_1368, %dma_wait3A_1993] : memref<416x128xf32, #tpu.memory_space<vmem>> -> memref<1x16xf32, #tpu.memory_space<vmem>>
      %dma_wait3A_1995 = tpu.memref_squeeze %dma_wait3A_1994 : memref<1x16xf32, #tpu.memory_space<vmem>> -> memref<16xf32, #tpu.memory_space<vmem>>
      %dma_wait3A_1996 = arith.constant 0 : i32
      %dma_wait3A_1997 = tpu.memref_slice %arg2[%squeeze3A_1364, %squeeze3A_1366, %dma_wait3A_1996] : memref<325000x8x16xf32, #tpu.memory_space<hbm>> -> memref<1x1x16xf32, #tpu.memory_space<hbm>>
      %dma_wait3A_1998 = tpu.memref_squeeze %dma_wait3A_1997 : memref<1x1x16xf32, #tpu.memory_space<hbm>> -> memref<16xf32, #tpu.memory_space<hbm>>
      tpu.wait_dma2 semaphore(%arg7 : memref<!tpu.dma_semaphore, #tpu.memory_space<semaphore_mem>>) src(%dma_wait3A_1998 : memref<16xf32, #tpu.memory_space<hbm>>) dst(%dma_wait3A_1995 : memref<16xf32, #tpu.memory_space<vmem>>)
      %dma_wait3A_1999 = arith.constant 16 : i32
      %dma_wait3A_2000 = tpu.memref_slice %arg6[%add3A_1386, %dma_wait3A_1999] : memref<416x128xf32, #tpu.memory_space<vmem>> -> memref<1x16xf32, #tpu.memory_space<vmem>>
      %dma_wait3A_2001 = tpu.memref_squeeze %dma_wait3A_2000 : memref<1x16xf32, #tpu.memory_space<vmem>> -> memref<16xf32, #tpu.memory_space<vmem>>
      %dma_wait3A_2002 = arith.constant 0 : i32
      %dma_wait3A_2003 = tpu.memref_slice %arg2[%squeeze3A_1382, %squeeze3A_1384, %dma_wait3A_2002] : memref<325000x8x16xf32, #tpu.memory_space<hbm>> -> memref<1x1x16xf32, #tpu.memory_space<hbm>>
      %dma_wait3A_2004 = tpu.memref_squeeze %dma_wait3A_2003 : memref<1x1x16xf32, #tpu.memory_space<hbm>> -> memref<16xf32, #tpu.memory_space<hbm>>
      %dma_wait3A_2005 = arith.constant 16 : i32
      %dma_wait3A_2006 = tpu.memref_slice %arg6[%add3A_1386, %dma_wait3A_2005] : memref<416x128xf32, #tpu.memory_space<vmem>> -> memref<1x16xf32, #tpu.memory_space<vmem>>
      %dma_wait3A_2007 = tpu.memref_squeeze %dma_wait3A_2006 : memref<1x16xf32, #tpu.memory_space<vmem>> -> memref<16xf32, #tpu.memory_space<vmem>>
      %dma_wait3A_2008 = arith.constant 0 : i32
      %dma_wait3A_2009 = tpu.memref_slice %arg2[%squeeze3A_1382, %squeeze3A_1384, %dma_wait3A_2008] : memref<325000x8x16xf32, #tpu.memory_space<hbm>> -> memref<1x1x16xf32, #tpu.memory_space<hbm>>
      %dma_wait3A_2010 = tpu.memref_squeeze %dma_wait3A_2009 : memref<1x1x16xf32, #tpu.memory_space<hbm>> -> memref<16xf32, #tpu.memory_space<hbm>>
      tpu.wait_dma2 semaphore(%arg7 : memref<!tpu.dma_semaphore, #tpu.memory_space<semaphore_mem>>) src(%dma_wait3A_2010 : memref<16xf32, #tpu.memory_space<hbm>>) dst(%dma_wait3A_2007 : memref<16xf32, #tpu.memory_space<vmem>>)
      %dma_wait3A_2011 = arith.constant 32 : i32
      %dma_wait3A_2012 = tpu.memref_slice %arg6[%add3A_1404, %dma_wait3A_2011] : memref<416x128xf32, #tpu.memory_space<vmem>> -> memref<1x16xf32, #tpu.memory_space<vmem>>
      %dma_wait3A_2013 = tpu.memref_squeeze %dma_wait3A_2012 : memref<1x16xf32, #tpu.memory_space<vmem>> -> memref<16xf32, #tpu.memory_space<vmem>>
      %dma_wait3A_2014 = arith.constant 0 : i32
      %dma_wait3A_2015 = tpu.memref_slice %arg2[%squeeze3A_1400, %squeeze3A_1402, %dma_wait3A_2014] : memref<325000x8x16xf32, #tpu.memory_space<hbm>> -> memref<1x1x16xf32, #tpu.memory_space<hbm>>
      %dma_wait3A_2016 = tpu.memref_squeeze %dma_wait3A_2015 : memref<1x1x16xf32, #tpu.memory_space<hbm>> -> memref<16xf32, #tpu.memory_space<hbm>>
      %dma_wait3A_2017 = arith.constant 32 : i32
      %dma_wait3A_2018 = tpu.memref_slice %arg6[%add3A_1404, %dma_wait3A_2017] : memref<416x128xf32, #tpu.memory_space<vmem>> -> memref<1x16xf32, #tpu.memory_space<vmem>>
      %dma_wait3A_2019 = tpu.memref_squeeze %dma_wait3A_2018 : memref<1x16xf32, #tpu.memory_space<vmem>> -> memref<16xf32, #tpu.memory_space<vmem>>
      %dma_wait3A_2020 = arith.constant 0 : i32
      %dma_wait3A_2021 = tpu.memref_slice %arg2[%squeeze3A_1400, %squeeze3A_1402, %dma_wait3A_2020] : memref<325000x8x16xf32, #tpu.memory_space<hbm>> -> memref<1x1x16xf32, #tpu.memory_space<hbm>>
      %dma_wait3A_2022 = tpu.memref_squeeze %dma_wait3A_2021 : memref<1x1x16xf32, #tpu.memory_space<hbm>> -> memref<16xf32, #tpu.memory_space<hbm>>
      tpu.wait_dma2 semaphore(%arg7 : memref<!tpu.dma_semaphore, #tpu.memory_space<semaphore_mem>>) src(%dma_wait3A_2022 : memref<16xf32, #tpu.memory_space<hbm>>) dst(%dma_wait3A_2019 : memref<16xf32, #tpu.memory_space<vmem>>)
      %dma_wait3A_2023 = arith.constant 48 : i32
      %dma_wait3A_2024 = tpu.memref_slice %arg6[%add3A_1422, %dma_wait3A_2023] : memref<416x128xf32, #tpu.memory_space<vmem>> -> memref<1x16xf32, #tpu.memory_space<vmem>>
      %dma_wait3A_2025 = tpu.memref_squeeze %dma_wait3A_2024 : memref<1x16xf32, #tpu.memory_space<vmem>> -> memref<16xf32, #tpu.memory_space<vmem>>
      %dma_wait3A_2026 = arith.constant 0 : i32
      %dma_wait3A_2027 = tpu.memref_slice %arg2[%squeeze3A_1418, %squeeze3A_1420, %dma_wait3A_2026] : memref<325000x8x16xf32, #tpu.memory_space<hbm>> -> memref<1x1x16xf32, #tpu.memory_space<hbm>>
      %dma_wait3A_2028 = tpu.memref_squeeze %dma_wait3A_2027 : memref<1x1x16xf32, #tpu.memory_space<hbm>> -> memref<16xf32, #tpu.memory_space<hbm>>
      %dma_wait3A_2029 = arith.constant 48 : i32
      %dma_wait3A_2030 = tpu.memref_slice %arg6[%add3A_1422, %dma_wait3A_2029] : memref<416x128xf32, #tpu.memory_space<vmem>> -> memref<1x16xf32, #tpu.memory_space<vmem>>
      %dma_wait3A_2031 = tpu.memref_squeeze %dma_wait3A_2030 : memref<1x16xf32, #tpu.memory_space<vmem>> -> memref<16xf32, #tpu.memory_space<vmem>>
      %dma_wait3A_2032 = arith.constant 0 : i32
      %dma_wait3A_2033 = tpu.memref_slice %arg2[%squeeze3A_1418, %squeeze3A_1420, %dma_wait3A_2032] : memref<325000x8x16xf32, #tpu.memory_space<hbm>> -> memref<1x1x16xf32, #tpu.memory_space<hbm>>
      %dma_wait3A_2034 = tpu.memref_squeeze %dma_wait3A_2033 : memref<1x1x16xf32, #tpu.memory_space<hbm>> -> memref<16xf32, #tpu.memory_space<hbm>>
      tpu.wait_dma2 semaphore(%arg7 : memref<!tpu.dma_semaphore, #tpu.memory_space<semaphore_mem>>) src(%dma_wait3A_2034 : memref<16xf32, #tpu.memory_space<hbm>>) dst(%dma_wait3A_2031 : memref<16xf32, #tpu.memory_space<vmem>>)
      %dma_wait3A_2035 = arith.constant 64 : i32
      %dma_wait3A_2036 = tpu.memref_slice %arg6[%add3A_1440, %dma_wait3A_2035] : memref<416x128xf32, #tpu.memory_space<vmem>> -> memref<1x16xf32, #tpu.memory_space<vmem>>
      %dma_wait3A_2037 = tpu.memref_squeeze %dma_wait3A_2036 : memref<1x16xf32, #tpu.memory_space<vmem>> -> memref<16xf32, #tpu.memory_space<vmem>>
      %dma_wait3A_2038 = arith.constant 0 : i32
      %dma_wait3A_2039 = tpu.memref_slice %arg2[%squeeze3A_1436, %squeeze3A_1438, %dma_wait3A_2038] : memref<325000x8x16xf32, #tpu.memory_space<hbm>> -> memref<1x1x16xf32, #tpu.memory_space<hbm>>
      %dma_wait3A_2040 = tpu.memref_squeeze %dma_wait3A_2039 : memref<1x1x16xf32, #tpu.memory_space<hbm>> -> memref<16xf32, #tpu.memory_space<hbm>>
      %dma_wait3A_2041 = arith.constant 64 : i32
      %dma_wait3A_2042 = tpu.memref_slice %arg6[%add3A_1440, %dma_wait3A_2041] : memref<416x128xf32, #tpu.memory_space<vmem>> -> memref<1x16xf32, #tpu.memory_space<vmem>>
      %dma_wait3A_2043 = tpu.memref_squeeze %dma_wait3A_2042 : memref<1x16xf32, #tpu.memory_space<vmem>> -> memref<16xf32, #tpu.memory_space<vmem>>
      %dma_wait3A_2044 = arith.constant 0 : i32
      %dma_wait3A_2045 = tpu.memref_slice %arg2[%squeeze3A_1436, %squeeze3A_1438, %dma_wait3A_2044] : memref<325000x8x16xf32, #tpu.memory_space<hbm>> -> memref<1x1x16xf32, #tpu.memory_space<hbm>>
      %dma_wait3A_2046 = tpu.memref_squeeze %dma_wait3A_2045 : memref<1x1x16xf32, #tpu.memory_space<hbm>> -> memref<16xf32, #tpu.memory_space<hbm>>
      tpu.wait_dma2 semaphore(%arg7 : memref<!tpu.dma_semaphore, #tpu.memory_space<semaphore_mem>>) src(%dma_wait3A_2046 : memref<16xf32, #tpu.memory_space<hbm>>) dst(%dma_wait3A_2043 : memref<16xf32, #tpu.memory_space<vmem>>)
      %dma_wait3A_2047 = arith.constant 80 : i32
      %dma_wait3A_2048 = tpu.memref_slice %arg6[%add3A_1458, %dma_wait3A_2047] : memref<416x128xf32, #tpu.memory_space<vmem>> -> memref<1x16xf32, #tpu.memory_space<vmem>>
      %dma_wait3A_2049 = tpu.memref_squeeze %dma_wait3A_2048 : memref<1x16xf32, #tpu.memory_space<vmem>> -> memref<16xf32, #tpu.memory_space<vmem>>
      %dma_wait3A_2050 = arith.constant 0 : i32
      %dma_wait3A_2051 = tpu.memref_slice %arg2[%squeeze3A_1454, %squeeze3A_1456, %dma_wait3A_2050] : memref<325000x8x16xf32, #tpu.memory_space<hbm>> -> memref<1x1x16xf32, #tpu.memory_space<hbm>>
      %dma_wait3A_2052 = tpu.memref_squeeze %dma_wait3A_2051 : memref<1x1x16xf32, #tpu.memory_space<hbm>> -> memref<16xf32, #tpu.memory_space<hbm>>
      %dma_wait3A_2053 = arith.constant 80 : i32
      %dma_wait3A_2054 = tpu.memref_slice %arg6[%add3A_1458, %dma_wait3A_2053] : memref<416x128xf32, #tpu.memory_space<vmem>> -> memref<1x16xf32, #tpu.memory_space<vmem>>
      %dma_wait3A_2055 = tpu.memref_squeeze %dma_wait3A_2054 : memref<1x16xf32, #tpu.memory_space<vmem>> -> memref<16xf32, #tpu.memory_space<vmem>>
      %dma_wait3A_2056 = arith.constant 0 : i32
      %dma_wait3A_2057 = tpu.memref_slice %arg2[%squeeze3A_1454, %squeeze3A_1456, %dma_wait3A_2056] : memref<325000x8x16xf32, #tpu.memory_space<hbm>> -> memref<1x1x16xf32, #tpu.memory_space<hbm>>
      %dma_wait3A_2058 = tpu.memref_squeeze %dma_wait3A_2057 : memref<1x1x16xf32, #tpu.memory_space<hbm>> -> memref<16xf32, #tpu.memory_space<hbm>>
      tpu.wait_dma2 semaphore(%arg7 : memref<!tpu.dma_semaphore, #tpu.memory_space<semaphore_mem>>) src(%dma_wait3A_2058 : memref<16xf32, #tpu.memory_space<hbm>>) dst(%dma_wait3A_2055 : memref<16xf32, #tpu.memory_space<vmem>>)
      %dma_wait3A_2059 = arith.constant 96 : i32
      %dma_wait3A_2060 = tpu.memref_slice %arg6[%add3A_1476, %dma_wait3A_2059] : memref<416x128xf32, #tpu.memory_space<vmem>> -> memref<1x16xf32, #tpu.memory_space<vmem>>
      %dma_wait3A_2061 = tpu.memref_squeeze %dma_wait3A_2060 : memref<1x16xf32, #tpu.memory_space<vmem>> -> memref<16xf32, #tpu.memory_space<vmem>>
      %dma_wait3A_2062 = arith.constant 0 : i32
      %dma_wait3A_2063 = tpu.memref_slice %arg2[%squeeze3A_1472, %squeeze3A_1474, %dma_wait3A_2062] : memref<325000x8x16xf32, #tpu.memory_space<hbm>> -> memref<1x1x16xf32, #tpu.memory_space<hbm>>
      %dma_wait3A_2064 = tpu.memref_squeeze %dma_wait3A_2063 : memref<1x1x16xf32, #tpu.memory_space<hbm>> -> memref<16xf32, #tpu.memory_space<hbm>>
      %dma_wait3A_2065 = arith.constant 96 : i32
      %dma_wait3A_2066 = tpu.memref_slice %arg6[%add3A_1476, %dma_wait3A_2065] : memref<416x128xf32, #tpu.memory_space<vmem>> -> memref<1x16xf32, #tpu.memory_space<vmem>>
      %dma_wait3A_2067 = tpu.memref_squeeze %dma_wait3A_2066 : memref<1x16xf32, #tpu.memory_space<vmem>> -> memref<16xf32, #tpu.memory_space<vmem>>
      %dma_wait3A_2068 = arith.constant 0 : i32
      %dma_wait3A_2069 = tpu.memref_slice %arg2[%squeeze3A_1472, %squeeze3A_1474, %dma_wait3A_2068] : memref<325000x8x16xf32, #tpu.memory_space<hbm>> -> memref<1x1x16xf32, #tpu.memory_space<hbm>>
      %dma_wait3A_2070 = tpu.memref_squeeze %dma_wait3A_2069 : memref<1x1x16xf32, #tpu.memory_space<hbm>> -> memref<16xf32, #tpu.memory_space<hbm>>
      tpu.wait_dma2 semaphore(%arg7 : memref<!tpu.dma_semaphore, #tpu.memory_space<semaphore_mem>>) src(%dma_wait3A_2070 : memref<16xf32, #tpu.memory_space<hbm>>) dst(%dma_wait3A_2067 : memref<16xf32, #tpu.memory_space<vmem>>)
      %dma_wait3A_2071 = arith.constant 112 : i32
      %dma_wait3A_2072 = tpu.memref_slice %arg6[%add3A_1494, %dma_wait3A_2071] : memref<416x128xf32, #tpu.memory_space<vmem>> -> memref<1x16xf32, #tpu.memory_space<vmem>>
      %dma_wait3A_2073 = tpu.memref_squeeze %dma_wait3A_2072 : memref<1x16xf32, #tpu.memory_space<vmem>> -> memref<16xf32, #tpu.memory_space<vmem>>
      %dma_wait3A_2074 = arith.constant 0 : i32
      %dma_wait3A_2075 = tpu.memref_slice %arg2[%squeeze3A_1490, %squeeze3A_1492, %dma_wait3A_2074] : memref<325000x8x16xf32, #tpu.memory_space<hbm>> -> memref<1x1x16xf32, #tpu.memory_space<hbm>>
      %dma_wait3A_2076 = tpu.memref_squeeze %dma_wait3A_2075 : memref<1x1x16xf32, #tpu.memory_space<hbm>> -> memref<16xf32, #tpu.memory_space<hbm>>
      %dma_wait3A_2077 = arith.constant 112 : i32
      %dma_wait3A_2078 = tpu.memref_slice %arg6[%add3A_1494, %dma_wait3A_2077] : memref<416x128xf32, #tpu.memory_space<vmem>> -> memref<1x16xf32, #tpu.memory_space<vmem>>
      %dma_wait3A_2079 = tpu.memref_squeeze %dma_wait3A_2078 : memref<1x16xf32, #tpu.memory_space<vmem>> -> memref<16xf32, #tpu.memory_space<vmem>>
      %dma_wait3A_2080 = arith.constant 0 : i32
      %dma_wait3A_2081 = tpu.memref_slice %arg2[%squeeze3A_1490, %squeeze3A_1492, %dma_wait3A_2080] : memref<325000x8x16xf32, #tpu.memory_space<hbm>> -> memref<1x1x16xf32, #tpu.memory_space<hbm>>
      %dma_wait3A_2082 = tpu.memref_squeeze %dma_wait3A_2081 : memref<1x1x16xf32, #tpu.memory_space<hbm>> -> memref<16xf32, #tpu.memory_space<hbm>>
      tpu.wait_dma2 semaphore(%arg7 : memref<!tpu.dma_semaphore, #tpu.memory_space<semaphore_mem>>) src(%dma_wait3A_2082 : memref<16xf32, #tpu.memory_space<hbm>>) dst(%dma_wait3A_2079 : memref<16xf32, #tpu.memory_space<vmem>>)
    }
    %scan3A_5 = arith.constant 52 : i32
    "tpu.region"() ({
      %run_scoped3A = tpu.sem_alloc : memref<!tpu.dma_semaphore, #tpu.memory_space<semaphore_mem>>
      %dma_start3A = arith.constant 0 : i32
      %dma_start3A_6 = arith.constant 0 : i32
      %dma_start3A_7 = tpu.memref_slice %arg4[%add3A, %dma_start3A, %dma_start3A_6] : memref<32x416x128xf32, #tpu.memory_space<hbm>> -> memref<1x416x128xf32, #tpu.memory_space<hbm>>
      %dma_start3A_8 = tpu.memref_squeeze %dma_start3A_7 : memref<1x416x128xf32, #tpu.memory_space<hbm>> -> memref<416x128xf32, #tpu.memory_space<hbm>>
      %dma_start3A_9 = arith.constant 0 : i32
      %dma_start3A_10 = arith.constant 0 : i32
      %dma_start3A_11 = tpu.memref_slice %arg4[%add3A, %dma_start3A_9, %dma_start3A_10] : memref<32x416x128xf32, #tpu.memory_space<hbm>> -> memref<1x416x128xf32, #tpu.memory_space<hbm>>
      %dma_start3A_12 = tpu.memref_squeeze %dma_start3A_11 : memref<1x416x128xf32, #tpu.memory_space<hbm>> -> memref<416x128xf32, #tpu.memory_space<hbm>>
      tpu.enqueue_dma source(%arg6 : memref<416x128xf32, #tpu.memory_space<vmem>>) target(%dma_start3A_12 : memref<416x128xf32, #tpu.memory_space<hbm>>) target_semaphore(%run_scoped3A : memref<!tpu.dma_semaphore, #tpu.memory_space<semaphore_mem>>)
      %dma_wait3A = arith.constant 0 : i32
      %dma_wait3A_13 = arith.constant 0 : i32
      %dma_wait3A_14 = tpu.memref_slice %arg4[%add3A, %dma_wait3A, %dma_wait3A_13] : memref<32x416x128xf32, #tpu.memory_space<hbm>> -> memref<1x416x128xf32, #tpu.memory_space<hbm>>
      %dma_wait3A_15 = tpu.memref_squeeze %dma_wait3A_14 : memref<1x416x128xf32, #tpu.memory_space<hbm>> -> memref<416x128xf32, #tpu.memory_space<hbm>>
      %dma_wait3A_16 = arith.constant 0 : i32
      %dma_wait3A_17 = arith.constant 0 : i32
      %dma_wait3A_18 = tpu.memref_slice %arg4[%add3A, %dma_wait3A_16, %dma_wait3A_17] : memref<32x416x128xf32, #tpu.memory_space<hbm>> -> memref<1x416x128xf32, #tpu.memory_space<hbm>>
      %dma_wait3A_19 = tpu.memref_squeeze %dma_wait3A_18 : memref<1x416x128xf32, #tpu.memory_space<hbm>> -> memref<416x128xf32, #tpu.memory_space<hbm>>
      tpu.wait_dma2 semaphore(%run_scoped3A : memref<!tpu.dma_semaphore, #tpu.memory_space<semaphore_mem>>) src(%arg6 : memref<416x128xf32, #tpu.memory_space<vmem>>) dst(%dma_wait3A_19 : memref<416x128xf32, #tpu.memory_space<hbm>>)
      tpu.yield
    }) : () -> ()
    return
  }
}

module attributes {stable_mosaic.version = 14 : i64} {
  func.func @_tc_body(%arg0: i32, %arg1: memref<256x416xf32, #tpu.memory_space<vmem>>, %arg2: memref<416x400xf32, #tpu.memory_space<vmem>>, %arg3: memref<800x400xf32, #tpu.memory_space<vmem>>, %arg4: memref<1x400xf32, #tpu.memory_space<vmem>>, %arg5: memref<1x400xf32, #tpu.memory_space<vmem>>, %arg6: memref<400x400xf32, #tpu.memory_space<vmem>>, %arg7: memref<1x400xf32, #tpu.memory_space<vmem>>, %arg8: memref<1x400xf32, #tpu.memory_space<vmem>>, %arg9: memref<400x400xf32, #tpu.memory_space<vmem>>, %arg10: memref<1x400xf32, #tpu.memory_space<vmem>>, %arg11: memref<1x400xf32, #tpu.memory_space<vmem>>, %arg12: memref<400x1xf32, #tpu.memory_space<vmem>>, %arg13: memref<1x1xf32, #tpu.memory_space<vmem>>, %arg14: memref<256x1xf32, #tpu.memory_space<vmem>>) attributes {dimension_semantics = [#tpu.dimension_semantics<arbitrary>], iteration_bounds = array<i64: 16>, scalar_prefetch = 0 : i64, scratch_operands = 0 : i64, tpu.core_type = #tpu.core_type<tc>, window_params = [{transform_indices = @transform_0, window_bounds = array<i64: 256, 416>}, {pipeline_mode = #tpu.pipeline_mode<synchronous>, transform_indices = @transform_1, window_bounds = array<i64: 416, 400>}, {pipeline_mode = #tpu.pipeline_mode<synchronous>, transform_indices = @transform_2, window_bounds = array<i64: 800, 400>}, {pipeline_mode = #tpu.pipeline_mode<synchronous>, transform_indices = @transform_3, window_bounds = array<i64: 1, 400>}, {pipeline_mode = #tpu.pipeline_mode<synchronous>, transform_indices = @transform_4, window_bounds = array<i64: 1, 400>}, {pipeline_mode = #tpu.pipeline_mode<synchronous>, transform_indices = @transform_5, window_bounds = array<i64: 400, 400>}, {pipeline_mode = #tpu.pipeline_mode<synchronous>, transform_indices = @transform_6, window_bounds = array<i64: 1, 400>}, {pipeline_mode = #tpu.pipeline_mode<synchronous>, transform_indices = @transform_7, window_bounds = array<i64: 1, 400>}, {pipeline_mode = #tpu.pipeline_mode<synchronous>, transform_indices = @transform_8, window_bounds = array<i64: 400, 400>}, {pipeline_mode = #tpu.pipeline_mode<synchronous>, transform_indices = @transform_9, window_bounds = array<i64: 1, 400>}, {pipeline_mode = #tpu.pipeline_mode<synchronous>, transform_indices = @transform_10, window_bounds = array<i64: 1, 400>}, {pipeline_mode = #tpu.pipeline_mode<synchronous>, transform_indices = @transform_11, window_bounds = array<i64: 400, 1>}, {pipeline_mode = #tpu.pipeline_mode<synchronous>, transform_indices = @transform_12, window_bounds = array<i64: 1, 1>}, {transform_indices = @transform_13, window_bounds = array<i64: 256, 1>}]} {
    %get3A = arith.constant 0 : index
    %get3A_0 = arith.constant 0 : index
    %get3A_1 = vector.load %arg1[%get3A, %get3A_0] : memref<256x416xf32, #tpu.memory_space<vmem>>, vector<256x416xf32>
    %transpose3A = tpu.transpose %get3A_1, [1, 0] : vector<256x416xf32> -> vector<416x256xf32>
    %iota3A = tpu.iota {dimensions = array<i32: 1>} : vector<32x416xi32>
    %iota3A_2 = tpu.iota {dimensions = array<i32: 0>} : vector<32x416xi32>
    %jit3A = arith.constant 16 : i32
    %div3A = vector.broadcast %jit3A : i32 to vector<32x416xi32>
    %div3A_3 = arith.divsi %iota3A, %div3A : vector<32x416xi32>
    %sign3A = arith.constant 0 : i32
    %sign3A_4 = vector.broadcast %sign3A : i32 to vector<32x416xi32>
    %sign3A_5 = arith.cmpi sgt, %iota3A, %sign3A_4 : vector<32x416xi32>
    %sign3A_6 = arith.extui %sign3A_5 : vector<32x416xi1> to vector<32x416xi32>
    %sign3A_7 = arith.constant 0 : i32
    %sign3A_8 = vector.broadcast %sign3A_7 : i32 to vector<32x416xi32>
    %sign3A_9 = arith.cmpi slt, %iota3A, %sign3A_8 : vector<32x416xi32>
    %sign3A_10 = arith.extui %sign3A_9 : vector<32x416xi1> to vector<32x416xi32>
    %sign3A_11 = arith.subi %sign3A_6, %sign3A_10 : vector<32x416xi32>
    %sign3A_12 = arith.constant 0 : i32
    %sign3A_13 = arith.cmpi sgt, %jit3A, %sign3A_12 : i32
    %sign3A_14 = arith.extui %sign3A_13 : i1 to i32
    %sign3A_15 = arith.constant 0 : i32
    %sign3A_16 = arith.cmpi slt, %jit3A, %sign3A_15 : i32
    %sign3A_17 = arith.extui %sign3A_16 : i1 to i32
    %sign3A_18 = arith.subi %sign3A_14, %sign3A_17 : i32
    %ne3A = vector.broadcast %sign3A_18 : i32 to vector<32x416xi32>
    %ne3A_19 = arith.cmpi ne, %sign3A_11, %ne3A : vector<32x416xi32>
    %rem3A = vector.broadcast %jit3A : i32 to vector<32x416xi32>
    %rem3A_20 = arith.remsi %iota3A, %rem3A : vector<32x416xi32>
    %ne3A_21 = arith.constant 0 : i32
    %ne3A_22 = vector.broadcast %ne3A_21 : i32 to vector<32x416xi32>
    %ne3A_23 = arith.cmpi ne, %rem3A_20, %ne3A_22 : vector<32x416xi32>
    %and3A = arith.andi %ne3A_19, %ne3A_23 : vector<32x416xi1>
    %sub3A = arith.constant 1 : i32
    %sub3A_24 = vector.broadcast %sub3A : i32 to vector<32x416xi32>
    %sub3A_25 = arith.subi %div3A_3, %sub3A_24 : vector<32x416xi32>
    %select_n3A = arith.select %and3A, %sub3A_25, %div3A_3 : vector<32x416xi1>, vector<32x416xi32>
    %eq3A = arith.cmpi eq, %select_n3A, %iota3A_2 : vector<32x416xi32>
    %convert_element_type3A = arith.extui %eq3A : vector<32x416xi1> to vector<32x416xi32>
    %convert_element_type3A_26 = arith.sitofp %convert_element_type3A : vector<32x416xi32> to vector<32x416xf32>
    %slice3A = vector.extract_strided_slice %transpose3A {offsets = [16, 0], sizes = [16, 256], strides = [1, 1]} : vector<416x256xf32> to vector<16x256xf32>
    %concatenate3A = tpu.concatenate %slice3A, %slice3A, %slice3A, %slice3A, %slice3A, %slice3A, %slice3A, %slice3A, %slice3A, %slice3A, %slice3A, %slice3A, %slice3A, %slice3A, %slice3A, %slice3A, %slice3A, %slice3A, %slice3A, %slice3A, %slice3A, %slice3A, %slice3A, %slice3A, %slice3A, %slice3A in 0 : vector<16x256xf32>, vector<16x256xf32>, vector<16x256xf32>, vector<16x256xf32>, vector<16x256xf32>, vector<16x256xf32>, vector<16x256xf32>, vector<16x256xf32>, vector<16x256xf32>, vector<16x256xf32>, vector<16x256xf32>, vector<16x256xf32>, vector<16x256xf32>, vector<16x256xf32>, vector<16x256xf32>, vector<16x256xf32>, vector<16x256xf32>, vector<16x256xf32>, vector<16x256xf32>, vector<16x256xf32>, vector<16x256xf32>, vector<16x256xf32>, vector<16x256xf32>, vector<16x256xf32>, vector<16x256xf32>, vector<16x256xf32> -> vector<416x256xf32>
    %mul3A = arith.mulf %transpose3A, %concatenate3A : vector<416x256xf32>
    %dot_general3A = arith.constant dense<0.000000e+00> : vector<32x256xf32>
    %dot_general3A_27 = tpu.matmul %convert_element_type3A_26, %mul3A, %dot_general3A {dimension_numbers = #tpu.dot_dimension_numbers<[1], [0], [0], [1], [0, 0, 1, 1], [], []>, transpose_lhs_hint = false} : vector<32x416xf32>, vector<416x256xf32>, vector<32x256xf32> -> vector<32x256xf32>
    %slice3A_28 = vector.extract_strided_slice %transpose3A {offsets = [32, 0], sizes = [16, 256], strides = [1, 1]} : vector<416x256xf32> to vector<16x256xf32>
    %concatenate3A_29 = tpu.concatenate %slice3A_28, %slice3A_28, %slice3A_28, %slice3A_28, %slice3A_28, %slice3A_28, %slice3A_28, %slice3A_28, %slice3A_28, %slice3A_28, %slice3A_28, %slice3A_28, %slice3A_28, %slice3A_28, %slice3A_28, %slice3A_28, %slice3A_28, %slice3A_28, %slice3A_28, %slice3A_28, %slice3A_28, %slice3A_28, %slice3A_28, %slice3A_28, %slice3A_28, %slice3A_28 in 0 : vector<16x256xf32>, vector<16x256xf32>, vector<16x256xf32>, vector<16x256xf32>, vector<16x256xf32>, vector<16x256xf32>, vector<16x256xf32>, vector<16x256xf32>, vector<16x256xf32>, vector<16x256xf32>, vector<16x256xf32>, vector<16x256xf32>, vector<16x256xf32>, vector<16x256xf32>, vector<16x256xf32>, vector<16x256xf32>, vector<16x256xf32>, vector<16x256xf32>, vector<16x256xf32>, vector<16x256xf32>, vector<16x256xf32>, vector<16x256xf32>, vector<16x256xf32>, vector<16x256xf32>, vector<16x256xf32>, vector<16x256xf32> -> vector<416x256xf32>
    %mul3A_30 = arith.mulf %transpose3A, %concatenate3A_29 : vector<416x256xf32>
    %dot_general3A_31 = arith.constant dense<0.000000e+00> : vector<32x256xf32>
    %dot_general3A_32 = tpu.matmul %convert_element_type3A_26, %mul3A_30, %dot_general3A_31 {dimension_numbers = #tpu.dot_dimension_numbers<[1], [0], [0], [1], [0, 0, 1, 1], [], []>, transpose_lhs_hint = false} : vector<32x416xf32>, vector<416x256xf32>, vector<32x256xf32> -> vector<32x256xf32>
    %slice3A_33 = vector.extract_strided_slice %transpose3A {offsets = [48, 0], sizes = [16, 256], strides = [1, 1]} : vector<416x256xf32> to vector<16x256xf32>
    %concatenate3A_34 = tpu.concatenate %slice3A_33, %slice3A_33, %slice3A_33, %slice3A_33, %slice3A_33, %slice3A_33, %slice3A_33, %slice3A_33, %slice3A_33, %slice3A_33, %slice3A_33, %slice3A_33, %slice3A_33, %slice3A_33, %slice3A_33, %slice3A_33, %slice3A_33, %slice3A_33, %slice3A_33, %slice3A_33, %slice3A_33, %slice3A_33, %slice3A_33, %slice3A_33, %slice3A_33, %slice3A_33 in 0 : vector<16x256xf32>, vector<16x256xf32>, vector<16x256xf32>, vector<16x256xf32>, vector<16x256xf32>, vector<16x256xf32>, vector<16x256xf32>, vector<16x256xf32>, vector<16x256xf32>, vector<16x256xf32>, vector<16x256xf32>, vector<16x256xf32>, vector<16x256xf32>, vector<16x256xf32>, vector<16x256xf32>, vector<16x256xf32>, vector<16x256xf32>, vector<16x256xf32>, vector<16x256xf32>, vector<16x256xf32>, vector<16x256xf32>, vector<16x256xf32>, vector<16x256xf32>, vector<16x256xf32>, vector<16x256xf32>, vector<16x256xf32> -> vector<416x256xf32>
    %mul3A_35 = arith.mulf %transpose3A, %concatenate3A_34 : vector<416x256xf32>
    %dot_general3A_36 = arith.constant dense<0.000000e+00> : vector<32x256xf32>
    %dot_general3A_37 = tpu.matmul %convert_element_type3A_26, %mul3A_35, %dot_general3A_36 {dimension_numbers = #tpu.dot_dimension_numbers<[1], [0], [0], [1], [0, 0, 1, 1], [], []>, transpose_lhs_hint = false} : vector<32x416xf32>, vector<416x256xf32>, vector<32x256xf32> -> vector<32x256xf32>
    %slice3A_38 = vector.extract_strided_slice %transpose3A {offsets = [64, 0], sizes = [16, 256], strides = [1, 1]} : vector<416x256xf32> to vector<16x256xf32>
    %concatenate3A_39 = tpu.concatenate %slice3A_38, %slice3A_38, %slice3A_38, %slice3A_38, %slice3A_38, %slice3A_38, %slice3A_38, %slice3A_38, %slice3A_38, %slice3A_38, %slice3A_38, %slice3A_38, %slice3A_38, %slice3A_38, %slice3A_38, %slice3A_38, %slice3A_38, %slice3A_38, %slice3A_38, %slice3A_38, %slice3A_38, %slice3A_38, %slice3A_38, %slice3A_38, %slice3A_38, %slice3A_38 in 0 : vector<16x256xf32>, vector<16x256xf32>, vector<16x256xf32>, vector<16x256xf32>, vector<16x256xf32>, vector<16x256xf32>, vector<16x256xf32>, vector<16x256xf32>, vector<16x256xf32>, vector<16x256xf32>, vector<16x256xf32>, vector<16x256xf32>, vector<16x256xf32>, vector<16x256xf32>, vector<16x256xf32>, vector<16x256xf32>, vector<16x256xf32>, vector<16x256xf32>, vector<16x256xf32>, vector<16x256xf32>, vector<16x256xf32>, vector<16x256xf32>, vector<16x256xf32>, vector<16x256xf32>, vector<16x256xf32>, vector<16x256xf32> -> vector<416x256xf32>
    %mul3A_40 = arith.mulf %transpose3A, %concatenate3A_39 : vector<416x256xf32>
    %dot_general3A_41 = arith.constant dense<0.000000e+00> : vector<32x256xf32>
    %dot_general3A_42 = tpu.matmul %convert_element_type3A_26, %mul3A_40, %dot_general3A_41 {dimension_numbers = #tpu.dot_dimension_numbers<[1], [0], [0], [1], [0, 0, 1, 1], [], []>, transpose_lhs_hint = false} : vector<32x416xf32>, vector<416x256xf32>, vector<32x256xf32> -> vector<32x256xf32>
    %slice3A_43 = vector.extract_strided_slice %transpose3A {offsets = [80, 0], sizes = [16, 256], strides = [1, 1]} : vector<416x256xf32> to vector<16x256xf32>
    %concatenate3A_44 = tpu.concatenate %slice3A_43, %slice3A_43, %slice3A_43, %slice3A_43, %slice3A_43, %slice3A_43, %slice3A_43, %slice3A_43, %slice3A_43, %slice3A_43, %slice3A_43, %slice3A_43, %slice3A_43, %slice3A_43, %slice3A_43, %slice3A_43, %slice3A_43, %slice3A_43, %slice3A_43, %slice3A_43, %slice3A_43, %slice3A_43, %slice3A_43, %slice3A_43, %slice3A_43, %slice3A_43 in 0 : vector<16x256xf32>, vector<16x256xf32>, vector<16x256xf32>, vector<16x256xf32>, vector<16x256xf32>, vector<16x256xf32>, vector<16x256xf32>, vector<16x256xf32>, vector<16x256xf32>, vector<16x256xf32>, vector<16x256xf32>, vector<16x256xf32>, vector<16x256xf32>, vector<16x256xf32>, vector<16x256xf32>, vector<16x256xf32>, vector<16x256xf32>, vector<16x256xf32>, vector<16x256xf32>, vector<16x256xf32>, vector<16x256xf32>, vector<16x256xf32>, vector<16x256xf32>, vector<16x256xf32>, vector<16x256xf32>, vector<16x256xf32> -> vector<416x256xf32>
    %mul3A_45 = arith.mulf %transpose3A, %concatenate3A_44 : vector<416x256xf32>
    %dot_general3A_46 = arith.constant dense<0.000000e+00> : vector<32x256xf32>
    %dot_general3A_47 = tpu.matmul %convert_element_type3A_26, %mul3A_45, %dot_general3A_46 {dimension_numbers = #tpu.dot_dimension_numbers<[1], [0], [0], [1], [0, 0, 1, 1], [], []>, transpose_lhs_hint = false} : vector<32x416xf32>, vector<416x256xf32>, vector<32x256xf32> -> vector<32x256xf32>
    %slice3A_48 = vector.extract_strided_slice %transpose3A {offsets = [96, 0], sizes = [16, 256], strides = [1, 1]} : vector<416x256xf32> to vector<16x256xf32>
    %concatenate3A_49 = tpu.concatenate %slice3A_48, %slice3A_48, %slice3A_48, %slice3A_48, %slice3A_48, %slice3A_48, %slice3A_48, %slice3A_48, %slice3A_48, %slice3A_48, %slice3A_48, %slice3A_48, %slice3A_48, %slice3A_48, %slice3A_48, %slice3A_48, %slice3A_48, %slice3A_48, %slice3A_48, %slice3A_48, %slice3A_48, %slice3A_48, %slice3A_48, %slice3A_48, %slice3A_48, %slice3A_48 in 0 : vector<16x256xf32>, vector<16x256xf32>, vector<16x256xf32>, vector<16x256xf32>, vector<16x256xf32>, vector<16x256xf32>, vector<16x256xf32>, vector<16x256xf32>, vector<16x256xf32>, vector<16x256xf32>, vector<16x256xf32>, vector<16x256xf32>, vector<16x256xf32>, vector<16x256xf32>, vector<16x256xf32>, vector<16x256xf32>, vector<16x256xf32>, vector<16x256xf32>, vector<16x256xf32>, vector<16x256xf32>, vector<16x256xf32>, vector<16x256xf32>, vector<16x256xf32>, vector<16x256xf32>, vector<16x256xf32>, vector<16x256xf32> -> vector<416x256xf32>
    %mul3A_50 = arith.mulf %transpose3A, %concatenate3A_49 : vector<416x256xf32>
    %dot_general3A_51 = arith.constant dense<0.000000e+00> : vector<32x256xf32>
    %dot_general3A_52 = tpu.matmul %convert_element_type3A_26, %mul3A_50, %dot_general3A_51 {dimension_numbers = #tpu.dot_dimension_numbers<[1], [0], [0], [1], [0, 0, 1, 1], [], []>, transpose_lhs_hint = false} : vector<32x416xf32>, vector<416x256xf32>, vector<32x256xf32> -> vector<32x256xf32>
    %slice3A_53 = vector.extract_strided_slice %transpose3A {offsets = [112, 0], sizes = [16, 256], strides = [1, 1]} : vector<416x256xf32> to vector<16x256xf32>
    %concatenate3A_54 = tpu.concatenate %slice3A_53, %slice3A_53, %slice3A_53, %slice3A_53, %slice3A_53, %slice3A_53, %slice3A_53, %slice3A_53, %slice3A_53, %slice3A_53, %slice3A_53, %slice3A_53, %slice3A_53, %slice3A_53, %slice3A_53, %slice3A_53, %slice3A_53, %slice3A_53, %slice3A_53, %slice3A_53, %slice3A_53, %slice3A_53, %slice3A_53, %slice3A_53, %slice3A_53, %slice3A_53 in 0 : vector<16x256xf32>, vector<16x256xf32>, vector<16x256xf32>, vector<16x256xf32>, vector<16x256xf32>, vector<16x256xf32>, vector<16x256xf32>, vector<16x256xf32>, vector<16x256xf32>, vector<16x256xf32>, vector<16x256xf32>, vector<16x256xf32>, vector<16x256xf32>, vector<16x256xf32>, vector<16x256xf32>, vector<16x256xf32>, vector<16x256xf32>, vector<16x256xf32>, vector<16x256xf32>, vector<16x256xf32>, vector<16x256xf32>, vector<16x256xf32>, vector<16x256xf32>, vector<16x256xf32>, vector<16x256xf32>, vector<16x256xf32> -> vector<416x256xf32>
    %mul3A_55 = arith.mulf %transpose3A, %concatenate3A_54 : vector<416x256xf32>
    %dot_general3A_56 = arith.constant dense<0.000000e+00> : vector<32x256xf32>
    %dot_general3A_57 = tpu.matmul %convert_element_type3A_26, %mul3A_55, %dot_general3A_56 {dimension_numbers = #tpu.dot_dimension_numbers<[1], [0], [0], [1], [0, 0, 1, 1], [], []>, transpose_lhs_hint = false} : vector<32x416xf32>, vector<416x256xf32>, vector<32x256xf32> -> vector<32x256xf32>
    %slice3A_58 = vector.extract_strided_slice %transpose3A {offsets = [128, 0], sizes = [16, 256], strides = [1, 1]} : vector<416x256xf32> to vector<16x256xf32>
    %concatenate3A_59 = tpu.concatenate %slice3A_58, %slice3A_58, %slice3A_58, %slice3A_58, %slice3A_58, %slice3A_58, %slice3A_58, %slice3A_58, %slice3A_58, %slice3A_58, %slice3A_58, %slice3A_58, %slice3A_58, %slice3A_58, %slice3A_58, %slice3A_58, %slice3A_58, %slice3A_58, %slice3A_58, %slice3A_58, %slice3A_58, %slice3A_58, %slice3A_58, %slice3A_58, %slice3A_58, %slice3A_58 in 0 : vector<16x256xf32>, vector<16x256xf32>, vector<16x256xf32>, vector<16x256xf32>, vector<16x256xf32>, vector<16x256xf32>, vector<16x256xf32>, vector<16x256xf32>, vector<16x256xf32>, vector<16x256xf32>, vector<16x256xf32>, vector<16x256xf32>, vector<16x256xf32>, vector<16x256xf32>, vector<16x256xf32>, vector<16x256xf32>, vector<16x256xf32>, vector<16x256xf32>, vector<16x256xf32>, vector<16x256xf32>, vector<16x256xf32>, vector<16x256xf32>, vector<16x256xf32>, vector<16x256xf32>, vector<16x256xf32>, vector<16x256xf32> -> vector<416x256xf32>
    %mul3A_60 = arith.mulf %transpose3A, %concatenate3A_59 : vector<416x256xf32>
    %dot_general3A_61 = arith.constant dense<0.000000e+00> : vector<32x256xf32>
    %dot_general3A_62 = tpu.matmul %convert_element_type3A_26, %mul3A_60, %dot_general3A_61 {dimension_numbers = #tpu.dot_dimension_numbers<[1], [0], [0], [1], [0, 0, 1, 1], [], []>, transpose_lhs_hint = false} : vector<32x416xf32>, vector<416x256xf32>, vector<32x256xf32> -> vector<32x256xf32>
    %slice3A_63 = vector.extract_strided_slice %transpose3A {offsets = [144, 0], sizes = [16, 256], strides = [1, 1]} : vector<416x256xf32> to vector<16x256xf32>
    %concatenate3A_64 = tpu.concatenate %slice3A_63, %slice3A_63, %slice3A_63, %slice3A_63, %slice3A_63, %slice3A_63, %slice3A_63, %slice3A_63, %slice3A_63, %slice3A_63, %slice3A_63, %slice3A_63, %slice3A_63, %slice3A_63, %slice3A_63, %slice3A_63, %slice3A_63, %slice3A_63, %slice3A_63, %slice3A_63, %slice3A_63, %slice3A_63, %slice3A_63, %slice3A_63, %slice3A_63, %slice3A_63 in 0 : vector<16x256xf32>, vector<16x256xf32>, vector<16x256xf32>, vector<16x256xf32>, vector<16x256xf32>, vector<16x256xf32>, vector<16x256xf32>, vector<16x256xf32>, vector<16x256xf32>, vector<16x256xf32>, vector<16x256xf32>, vector<16x256xf32>, vector<16x256xf32>, vector<16x256xf32>, vector<16x256xf32>, vector<16x256xf32>, vector<16x256xf32>, vector<16x256xf32>, vector<16x256xf32>, vector<16x256xf32>, vector<16x256xf32>, vector<16x256xf32>, vector<16x256xf32>, vector<16x256xf32>, vector<16x256xf32>, vector<16x256xf32> -> vector<416x256xf32>
    %mul3A_65 = arith.mulf %transpose3A, %concatenate3A_64 : vector<416x256xf32>
    %dot_general3A_66 = arith.constant dense<0.000000e+00> : vector<32x256xf32>
    %dot_general3A_67 = tpu.matmul %convert_element_type3A_26, %mul3A_65, %dot_general3A_66 {dimension_numbers = #tpu.dot_dimension_numbers<[1], [0], [0], [1], [0, 0, 1, 1], [], []>, transpose_lhs_hint = false} : vector<32x416xf32>, vector<416x256xf32>, vector<32x256xf32> -> vector<32x256xf32>
    %slice3A_68 = vector.extract_strided_slice %transpose3A {offsets = [160, 0], sizes = [16, 256], strides = [1, 1]} : vector<416x256xf32> to vector<16x256xf32>
    %concatenate3A_69 = tpu.concatenate %slice3A_68, %slice3A_68, %slice3A_68, %slice3A_68, %slice3A_68, %slice3A_68, %slice3A_68, %slice3A_68, %slice3A_68, %slice3A_68, %slice3A_68, %slice3A_68, %slice3A_68, %slice3A_68, %slice3A_68, %slice3A_68, %slice3A_68, %slice3A_68, %slice3A_68, %slice3A_68, %slice3A_68, %slice3A_68, %slice3A_68, %slice3A_68, %slice3A_68, %slice3A_68 in 0 : vector<16x256xf32>, vector<16x256xf32>, vector<16x256xf32>, vector<16x256xf32>, vector<16x256xf32>, vector<16x256xf32>, vector<16x256xf32>, vector<16x256xf32>, vector<16x256xf32>, vector<16x256xf32>, vector<16x256xf32>, vector<16x256xf32>, vector<16x256xf32>, vector<16x256xf32>, vector<16x256xf32>, vector<16x256xf32>, vector<16x256xf32>, vector<16x256xf32>, vector<16x256xf32>, vector<16x256xf32>, vector<16x256xf32>, vector<16x256xf32>, vector<16x256xf32>, vector<16x256xf32>, vector<16x256xf32>, vector<16x256xf32> -> vector<416x256xf32>
    %mul3A_70 = arith.mulf %transpose3A, %concatenate3A_69 : vector<416x256xf32>
    %dot_general3A_71 = arith.constant dense<0.000000e+00> : vector<32x256xf32>
    %dot_general3A_72 = tpu.matmul %convert_element_type3A_26, %mul3A_70, %dot_general3A_71 {dimension_numbers = #tpu.dot_dimension_numbers<[1], [0], [0], [1], [0, 0, 1, 1], [], []>, transpose_lhs_hint = false} : vector<32x416xf32>, vector<416x256xf32>, vector<32x256xf32> -> vector<32x256xf32>
    %slice3A_73 = vector.extract_strided_slice %transpose3A {offsets = [176, 0], sizes = [16, 256], strides = [1, 1]} : vector<416x256xf32> to vector<16x256xf32>
    %concatenate3A_74 = tpu.concatenate %slice3A_73, %slice3A_73, %slice3A_73, %slice3A_73, %slice3A_73, %slice3A_73, %slice3A_73, %slice3A_73, %slice3A_73, %slice3A_73, %slice3A_73, %slice3A_73, %slice3A_73, %slice3A_73, %slice3A_73, %slice3A_73, %slice3A_73, %slice3A_73, %slice3A_73, %slice3A_73, %slice3A_73, %slice3A_73, %slice3A_73, %slice3A_73, %slice3A_73, %slice3A_73 in 0 : vector<16x256xf32>, vector<16x256xf32>, vector<16x256xf32>, vector<16x256xf32>, vector<16x256xf32>, vector<16x256xf32>, vector<16x256xf32>, vector<16x256xf32>, vector<16x256xf32>, vector<16x256xf32>, vector<16x256xf32>, vector<16x256xf32>, vector<16x256xf32>, vector<16x256xf32>, vector<16x256xf32>, vector<16x256xf32>, vector<16x256xf32>, vector<16x256xf32>, vector<16x256xf32>, vector<16x256xf32>, vector<16x256xf32>, vector<16x256xf32>, vector<16x256xf32>, vector<16x256xf32>, vector<16x256xf32>, vector<16x256xf32> -> vector<416x256xf32>
    %mul3A_75 = arith.mulf %transpose3A, %concatenate3A_74 : vector<416x256xf32>
    %dot_general3A_76 = arith.constant dense<0.000000e+00> : vector<32x256xf32>
    %dot_general3A_77 = tpu.matmul %convert_element_type3A_26, %mul3A_75, %dot_general3A_76 {dimension_numbers = #tpu.dot_dimension_numbers<[1], [0], [0], [1], [0, 0, 1, 1], [], []>, transpose_lhs_hint = false} : vector<32x416xf32>, vector<416x256xf32>, vector<32x256xf32> -> vector<32x256xf32>
    %slice3A_78 = vector.extract_strided_slice %transpose3A {offsets = [192, 0], sizes = [16, 256], strides = [1, 1]} : vector<416x256xf32> to vector<16x256xf32>
    %concatenate3A_79 = tpu.concatenate %slice3A_78, %slice3A_78, %slice3A_78, %slice3A_78, %slice3A_78, %slice3A_78, %slice3A_78, %slice3A_78, %slice3A_78, %slice3A_78, %slice3A_78, %slice3A_78, %slice3A_78, %slice3A_78, %slice3A_78, %slice3A_78, %slice3A_78, %slice3A_78, %slice3A_78, %slice3A_78, %slice3A_78, %slice3A_78, %slice3A_78, %slice3A_78, %slice3A_78, %slice3A_78 in 0 : vector<16x256xf32>, vector<16x256xf32>, vector<16x256xf32>, vector<16x256xf32>, vector<16x256xf32>, vector<16x256xf32>, vector<16x256xf32>, vector<16x256xf32>, vector<16x256xf32>, vector<16x256xf32>, vector<16x256xf32>, vector<16x256xf32>, vector<16x256xf32>, vector<16x256xf32>, vector<16x256xf32>, vector<16x256xf32>, vector<16x256xf32>, vector<16x256xf32>, vector<16x256xf32>, vector<16x256xf32>, vector<16x256xf32>, vector<16x256xf32>, vector<16x256xf32>, vector<16x256xf32>, vector<16x256xf32>, vector<16x256xf32> -> vector<416x256xf32>
    %mul3A_80 = arith.mulf %transpose3A, %concatenate3A_79 : vector<416x256xf32>
    %dot_general3A_81 = arith.constant dense<0.000000e+00> : vector<32x256xf32>
    %dot_general3A_82 = tpu.matmul %convert_element_type3A_26, %mul3A_80, %dot_general3A_81 {dimension_numbers = #tpu.dot_dimension_numbers<[1], [0], [0], [1], [0, 0, 1, 1], [], []>, transpose_lhs_hint = false} : vector<32x416xf32>, vector<416x256xf32>, vector<32x256xf32> -> vector<32x256xf32>
    %slice3A_83 = vector.extract_strided_slice %transpose3A {offsets = [208, 0], sizes = [16, 256], strides = [1, 1]} : vector<416x256xf32> to vector<16x256xf32>
    %concatenate3A_84 = tpu.concatenate %slice3A_83, %slice3A_83, %slice3A_83, %slice3A_83, %slice3A_83, %slice3A_83, %slice3A_83, %slice3A_83, %slice3A_83, %slice3A_83, %slice3A_83, %slice3A_83, %slice3A_83, %slice3A_83, %slice3A_83, %slice3A_83, %slice3A_83, %slice3A_83, %slice3A_83, %slice3A_83, %slice3A_83, %slice3A_83, %slice3A_83, %slice3A_83, %slice3A_83, %slice3A_83 in 0 : vector<16x256xf32>, vector<16x256xf32>, vector<16x256xf32>, vector<16x256xf32>, vector<16x256xf32>, vector<16x256xf32>, vector<16x256xf32>, vector<16x256xf32>, vector<16x256xf32>, vector<16x256xf32>, vector<16x256xf32>, vector<16x256xf32>, vector<16x256xf32>, vector<16x256xf32>, vector<16x256xf32>, vector<16x256xf32>, vector<16x256xf32>, vector<16x256xf32>, vector<16x256xf32>, vector<16x256xf32>, vector<16x256xf32>, vector<16x256xf32>, vector<16x256xf32>, vector<16x256xf32>, vector<16x256xf32>, vector<16x256xf32> -> vector<416x256xf32>
    %mul3A_85 = arith.mulf %transpose3A, %concatenate3A_84 : vector<416x256xf32>
    %dot_general3A_86 = arith.constant dense<0.000000e+00> : vector<32x256xf32>
    %dot_general3A_87 = tpu.matmul %convert_element_type3A_26, %mul3A_85, %dot_general3A_86 {dimension_numbers = #tpu.dot_dimension_numbers<[1], [0], [0], [1], [0, 0, 1, 1], [], []>, transpose_lhs_hint = false} : vector<32x416xf32>, vector<416x256xf32>, vector<32x256xf32> -> vector<32x256xf32>
    %slice3A_88 = vector.extract_strided_slice %transpose3A {offsets = [224, 0], sizes = [16, 256], strides = [1, 1]} : vector<416x256xf32> to vector<16x256xf32>
    %concatenate3A_89 = tpu.concatenate %slice3A_88, %slice3A_88, %slice3A_88, %slice3A_88, %slice3A_88, %slice3A_88, %slice3A_88, %slice3A_88, %slice3A_88, %slice3A_88, %slice3A_88, %slice3A_88, %slice3A_88, %slice3A_88, %slice3A_88, %slice3A_88, %slice3A_88, %slice3A_88, %slice3A_88, %slice3A_88, %slice3A_88, %slice3A_88, %slice3A_88, %slice3A_88, %slice3A_88, %slice3A_88 in 0 : vector<16x256xf32>, vector<16x256xf32>, vector<16x256xf32>, vector<16x256xf32>, vector<16x256xf32>, vector<16x256xf32>, vector<16x256xf32>, vector<16x256xf32>, vector<16x256xf32>, vector<16x256xf32>, vector<16x256xf32>, vector<16x256xf32>, vector<16x256xf32>, vector<16x256xf32>, vector<16x256xf32>, vector<16x256xf32>, vector<16x256xf32>, vector<16x256xf32>, vector<16x256xf32>, vector<16x256xf32>, vector<16x256xf32>, vector<16x256xf32>, vector<16x256xf32>, vector<16x256xf32>, vector<16x256xf32>, vector<16x256xf32> -> vector<416x256xf32>
    %mul3A_90 = arith.mulf %transpose3A, %concatenate3A_89 : vector<416x256xf32>
    %dot_general3A_91 = arith.constant dense<0.000000e+00> : vector<32x256xf32>
    %dot_general3A_92 = tpu.matmul %convert_element_type3A_26, %mul3A_90, %dot_general3A_91 {dimension_numbers = #tpu.dot_dimension_numbers<[1], [0], [0], [1], [0, 0, 1, 1], [], []>, transpose_lhs_hint = false} : vector<32x416xf32>, vector<416x256xf32>, vector<32x256xf32> -> vector<32x256xf32>
    %slice3A_93 = vector.extract_strided_slice %transpose3A {offsets = [240, 0], sizes = [16, 256], strides = [1, 1]} : vector<416x256xf32> to vector<16x256xf32>
    %concatenate3A_94 = tpu.concatenate %slice3A_93, %slice3A_93, %slice3A_93, %slice3A_93, %slice3A_93, %slice3A_93, %slice3A_93, %slice3A_93, %slice3A_93, %slice3A_93, %slice3A_93, %slice3A_93, %slice3A_93, %slice3A_93, %slice3A_93, %slice3A_93, %slice3A_93, %slice3A_93, %slice3A_93, %slice3A_93, %slice3A_93, %slice3A_93, %slice3A_93, %slice3A_93, %slice3A_93, %slice3A_93 in 0 : vector<16x256xf32>, vector<16x256xf32>, vector<16x256xf32>, vector<16x256xf32>, vector<16x256xf32>, vector<16x256xf32>, vector<16x256xf32>, vector<16x256xf32>, vector<16x256xf32>, vector<16x256xf32>, vector<16x256xf32>, vector<16x256xf32>, vector<16x256xf32>, vector<16x256xf32>, vector<16x256xf32>, vector<16x256xf32>, vector<16x256xf32>, vector<16x256xf32>, vector<16x256xf32>, vector<16x256xf32>, vector<16x256xf32>, vector<16x256xf32>, vector<16x256xf32>, vector<16x256xf32>, vector<16x256xf32>, vector<16x256xf32> -> vector<416x256xf32>
    %mul3A_95 = arith.mulf %transpose3A, %concatenate3A_94 : vector<416x256xf32>
    %dot_general3A_96 = arith.constant dense<0.000000e+00> : vector<32x256xf32>
    %dot_general3A_97 = tpu.matmul %convert_element_type3A_26, %mul3A_95, %dot_general3A_96 {dimension_numbers = #tpu.dot_dimension_numbers<[1], [0], [0], [1], [0, 0, 1, 1], [], []>, transpose_lhs_hint = false} : vector<32x416xf32>, vector<416x256xf32>, vector<32x256xf32> -> vector<32x256xf32>
    %slice3A_98 = vector.extract_strided_slice %transpose3A {offsets = [256, 0], sizes = [16, 256], strides = [1, 1]} : vector<416x256xf32> to vector<16x256xf32>
    %concatenate3A_99 = tpu.concatenate %slice3A_98, %slice3A_98, %slice3A_98, %slice3A_98, %slice3A_98, %slice3A_98, %slice3A_98, %slice3A_98, %slice3A_98, %slice3A_98, %slice3A_98, %slice3A_98, %slice3A_98, %slice3A_98, %slice3A_98, %slice3A_98, %slice3A_98, %slice3A_98, %slice3A_98, %slice3A_98, %slice3A_98, %slice3A_98, %slice3A_98, %slice3A_98, %slice3A_98, %slice3A_98 in 0 : vector<16x256xf32>, vector<16x256xf32>, vector<16x256xf32>, vector<16x256xf32>, vector<16x256xf32>, vector<16x256xf32>, vector<16x256xf32>, vector<16x256xf32>, vector<16x256xf32>, vector<16x256xf32>, vector<16x256xf32>, vector<16x256xf32>, vector<16x256xf32>, vector<16x256xf32>, vector<16x256xf32>, vector<16x256xf32>, vector<16x256xf32>, vector<16x256xf32>, vector<16x256xf32>, vector<16x256xf32>, vector<16x256xf32>, vector<16x256xf32>, vector<16x256xf32>, vector<16x256xf32>, vector<16x256xf32>, vector<16x256xf32> -> vector<416x256xf32>
    %mul3A_100 = arith.mulf %transpose3A, %concatenate3A_99 : vector<416x256xf32>
    %dot_general3A_101 = arith.constant dense<0.000000e+00> : vector<32x256xf32>
    %dot_general3A_102 = tpu.matmul %convert_element_type3A_26, %mul3A_100, %dot_general3A_101 {dimension_numbers = #tpu.dot_dimension_numbers<[1], [0], [0], [1], [0, 0, 1, 1], [], []>, transpose_lhs_hint = false} : vector<32x416xf32>, vector<416x256xf32>, vector<32x256xf32> -> vector<32x256xf32>
    %slice3A_103 = vector.extract_strided_slice %transpose3A {offsets = [272, 0], sizes = [16, 256], strides = [1, 1]} : vector<416x256xf32> to vector<16x256xf32>
    %concatenate3A_104 = tpu.concatenate %slice3A_103, %slice3A_103, %slice3A_103, %slice3A_103, %slice3A_103, %slice3A_103, %slice3A_103, %slice3A_103, %slice3A_103, %slice3A_103, %slice3A_103, %slice3A_103, %slice3A_103, %slice3A_103, %slice3A_103, %slice3A_103, %slice3A_103, %slice3A_103, %slice3A_103, %slice3A_103, %slice3A_103, %slice3A_103, %slice3A_103, %slice3A_103, %slice3A_103, %slice3A_103 in 0 : vector<16x256xf32>, vector<16x256xf32>, vector<16x256xf32>, vector<16x256xf32>, vector<16x256xf32>, vector<16x256xf32>, vector<16x256xf32>, vector<16x256xf32>, vector<16x256xf32>, vector<16x256xf32>, vector<16x256xf32>, vector<16x256xf32>, vector<16x256xf32>, vector<16x256xf32>, vector<16x256xf32>, vector<16x256xf32>, vector<16x256xf32>, vector<16x256xf32>, vector<16x256xf32>, vector<16x256xf32>, vector<16x256xf32>, vector<16x256xf32>, vector<16x256xf32>, vector<16x256xf32>, vector<16x256xf32>, vector<16x256xf32> -> vector<416x256xf32>
    %mul3A_105 = arith.mulf %transpose3A, %concatenate3A_104 : vector<416x256xf32>
    %dot_general3A_106 = arith.constant dense<0.000000e+00> : vector<32x256xf32>
    %dot_general3A_107 = tpu.matmul %convert_element_type3A_26, %mul3A_105, %dot_general3A_106 {dimension_numbers = #tpu.dot_dimension_numbers<[1], [0], [0], [1], [0, 0, 1, 1], [], []>, transpose_lhs_hint = false} : vector<32x416xf32>, vector<416x256xf32>, vector<32x256xf32> -> vector<32x256xf32>
    %slice3A_108 = vector.extract_strided_slice %transpose3A {offsets = [288, 0], sizes = [16, 256], strides = [1, 1]} : vector<416x256xf32> to vector<16x256xf32>
    %concatenate3A_109 = tpu.concatenate %slice3A_108, %slice3A_108, %slice3A_108, %slice3A_108, %slice3A_108, %slice3A_108, %slice3A_108, %slice3A_108, %slice3A_108, %slice3A_108, %slice3A_108, %slice3A_108, %slice3A_108, %slice3A_108, %slice3A_108, %slice3A_108, %slice3A_108, %slice3A_108, %slice3A_108, %slice3A_108, %slice3A_108, %slice3A_108, %slice3A_108, %slice3A_108, %slice3A_108, %slice3A_108 in 0 : vector<16x256xf32>, vector<16x256xf32>, vector<16x256xf32>, vector<16x256xf32>, vector<16x256xf32>, vector<16x256xf32>, vector<16x256xf32>, vector<16x256xf32>, vector<16x256xf32>, vector<16x256xf32>, vector<16x256xf32>, vector<16x256xf32>, vector<16x256xf32>, vector<16x256xf32>, vector<16x256xf32>, vector<16x256xf32>, vector<16x256xf32>, vector<16x256xf32>, vector<16x256xf32>, vector<16x256xf32>, vector<16x256xf32>, vector<16x256xf32>, vector<16x256xf32>, vector<16x256xf32>, vector<16x256xf32>, vector<16x256xf32> -> vector<416x256xf32>
    %mul3A_110 = arith.mulf %transpose3A, %concatenate3A_109 : vector<416x256xf32>
    %dot_general3A_111 = arith.constant dense<0.000000e+00> : vector<32x256xf32>
    %dot_general3A_112 = tpu.matmul %convert_element_type3A_26, %mul3A_110, %dot_general3A_111 {dimension_numbers = #tpu.dot_dimension_numbers<[1], [0], [0], [1], [0, 0, 1, 1], [], []>, transpose_lhs_hint = false} : vector<32x416xf32>, vector<416x256xf32>, vector<32x256xf32> -> vector<32x256xf32>
    %slice3A_113 = vector.extract_strided_slice %transpose3A {offsets = [304, 0], sizes = [16, 256], strides = [1, 1]} : vector<416x256xf32> to vector<16x256xf32>
    %concatenate3A_114 = tpu.concatenate %slice3A_113, %slice3A_113, %slice3A_113, %slice3A_113, %slice3A_113, %slice3A_113, %slice3A_113, %slice3A_113, %slice3A_113, %slice3A_113, %slice3A_113, %slice3A_113, %slice3A_113, %slice3A_113, %slice3A_113, %slice3A_113, %slice3A_113, %slice3A_113, %slice3A_113, %slice3A_113, %slice3A_113, %slice3A_113, %slice3A_113, %slice3A_113, %slice3A_113, %slice3A_113 in 0 : vector<16x256xf32>, vector<16x256xf32>, vector<16x256xf32>, vector<16x256xf32>, vector<16x256xf32>, vector<16x256xf32>, vector<16x256xf32>, vector<16x256xf32>, vector<16x256xf32>, vector<16x256xf32>, vector<16x256xf32>, vector<16x256xf32>, vector<16x256xf32>, vector<16x256xf32>, vector<16x256xf32>, vector<16x256xf32>, vector<16x256xf32>, vector<16x256xf32>, vector<16x256xf32>, vector<16x256xf32>, vector<16x256xf32>, vector<16x256xf32>, vector<16x256xf32>, vector<16x256xf32>, vector<16x256xf32>, vector<16x256xf32> -> vector<416x256xf32>
    %mul3A_115 = arith.mulf %transpose3A, %concatenate3A_114 : vector<416x256xf32>
    %dot_general3A_116 = arith.constant dense<0.000000e+00> : vector<32x256xf32>
    %dot_general3A_117 = tpu.matmul %convert_element_type3A_26, %mul3A_115, %dot_general3A_116 {dimension_numbers = #tpu.dot_dimension_numbers<[1], [0], [0], [1], [0, 0, 1, 1], [], []>, transpose_lhs_hint = false} : vector<32x416xf32>, vector<416x256xf32>, vector<32x256xf32> -> vector<32x256xf32>
    %slice3A_118 = vector.extract_strided_slice %transpose3A {offsets = [320, 0], sizes = [16, 256], strides = [1, 1]} : vector<416x256xf32> to vector<16x256xf32>
    %concatenate3A_119 = tpu.concatenate %slice3A_118, %slice3A_118, %slice3A_118, %slice3A_118, %slice3A_118, %slice3A_118, %slice3A_118, %slice3A_118, %slice3A_118, %slice3A_118, %slice3A_118, %slice3A_118, %slice3A_118, %slice3A_118, %slice3A_118, %slice3A_118, %slice3A_118, %slice3A_118, %slice3A_118, %slice3A_118, %slice3A_118, %slice3A_118, %slice3A_118, %slice3A_118, %slice3A_118, %slice3A_118 in 0 : vector<16x256xf32>, vector<16x256xf32>, vector<16x256xf32>, vector<16x256xf32>, vector<16x256xf32>, vector<16x256xf32>, vector<16x256xf32>, vector<16x256xf32>, vector<16x256xf32>, vector<16x256xf32>, vector<16x256xf32>, vector<16x256xf32>, vector<16x256xf32>, vector<16x256xf32>, vector<16x256xf32>, vector<16x256xf32>, vector<16x256xf32>, vector<16x256xf32>, vector<16x256xf32>, vector<16x256xf32>, vector<16x256xf32>, vector<16x256xf32>, vector<16x256xf32>, vector<16x256xf32>, vector<16x256xf32>, vector<16x256xf32> -> vector<416x256xf32>
    %mul3A_120 = arith.mulf %transpose3A, %concatenate3A_119 : vector<416x256xf32>
    %dot_general3A_121 = arith.constant dense<0.000000e+00> : vector<32x256xf32>
    %dot_general3A_122 = tpu.matmul %convert_element_type3A_26, %mul3A_120, %dot_general3A_121 {dimension_numbers = #tpu.dot_dimension_numbers<[1], [0], [0], [1], [0, 0, 1, 1], [], []>, transpose_lhs_hint = false} : vector<32x416xf32>, vector<416x256xf32>, vector<32x256xf32> -> vector<32x256xf32>
    %slice3A_123 = vector.extract_strided_slice %transpose3A {offsets = [336, 0], sizes = [16, 256], strides = [1, 1]} : vector<416x256xf32> to vector<16x256xf32>
    %concatenate3A_124 = tpu.concatenate %slice3A_123, %slice3A_123, %slice3A_123, %slice3A_123, %slice3A_123, %slice3A_123, %slice3A_123, %slice3A_123, %slice3A_123, %slice3A_123, %slice3A_123, %slice3A_123, %slice3A_123, %slice3A_123, %slice3A_123, %slice3A_123, %slice3A_123, %slice3A_123, %slice3A_123, %slice3A_123, %slice3A_123, %slice3A_123, %slice3A_123, %slice3A_123, %slice3A_123, %slice3A_123 in 0 : vector<16x256xf32>, vector<16x256xf32>, vector<16x256xf32>, vector<16x256xf32>, vector<16x256xf32>, vector<16x256xf32>, vector<16x256xf32>, vector<16x256xf32>, vector<16x256xf32>, vector<16x256xf32>, vector<16x256xf32>, vector<16x256xf32>, vector<16x256xf32>, vector<16x256xf32>, vector<16x256xf32>, vector<16x256xf32>, vector<16x256xf32>, vector<16x256xf32>, vector<16x256xf32>, vector<16x256xf32>, vector<16x256xf32>, vector<16x256xf32>, vector<16x256xf32>, vector<16x256xf32>, vector<16x256xf32>, vector<16x256xf32> -> vector<416x256xf32>
    %mul3A_125 = arith.mulf %transpose3A, %concatenate3A_124 : vector<416x256xf32>
    %dot_general3A_126 = arith.constant dense<0.000000e+00> : vector<32x256xf32>
    %dot_general3A_127 = tpu.matmul %convert_element_type3A_26, %mul3A_125, %dot_general3A_126 {dimension_numbers = #tpu.dot_dimension_numbers<[1], [0], [0], [1], [0, 0, 1, 1], [], []>, transpose_lhs_hint = false} : vector<32x416xf32>, vector<416x256xf32>, vector<32x256xf32> -> vector<32x256xf32>
    %slice3A_128 = vector.extract_strided_slice %transpose3A {offsets = [352, 0], sizes = [16, 256], strides = [1, 1]} : vector<416x256xf32> to vector<16x256xf32>
    %concatenate3A_129 = tpu.concatenate %slice3A_128, %slice3A_128, %slice3A_128, %slice3A_128, %slice3A_128, %slice3A_128, %slice3A_128, %slice3A_128, %slice3A_128, %slice3A_128, %slice3A_128, %slice3A_128, %slice3A_128, %slice3A_128, %slice3A_128, %slice3A_128, %slice3A_128, %slice3A_128, %slice3A_128, %slice3A_128, %slice3A_128, %slice3A_128, %slice3A_128, %slice3A_128, %slice3A_128, %slice3A_128 in 0 : vector<16x256xf32>, vector<16x256xf32>, vector<16x256xf32>, vector<16x256xf32>, vector<16x256xf32>, vector<16x256xf32>, vector<16x256xf32>, vector<16x256xf32>, vector<16x256xf32>, vector<16x256xf32>, vector<16x256xf32>, vector<16x256xf32>, vector<16x256xf32>, vector<16x256xf32>, vector<16x256xf32>, vector<16x256xf32>, vector<16x256xf32>, vector<16x256xf32>, vector<16x256xf32>, vector<16x256xf32>, vector<16x256xf32>, vector<16x256xf32>, vector<16x256xf32>, vector<16x256xf32>, vector<16x256xf32>, vector<16x256xf32> -> vector<416x256xf32>
    %mul3A_130 = arith.mulf %transpose3A, %concatenate3A_129 : vector<416x256xf32>
    %dot_general3A_131 = arith.constant dense<0.000000e+00> : vector<32x256xf32>
    %dot_general3A_132 = tpu.matmul %convert_element_type3A_26, %mul3A_130, %dot_general3A_131 {dimension_numbers = #tpu.dot_dimension_numbers<[1], [0], [0], [1], [0, 0, 1, 1], [], []>, transpose_lhs_hint = false} : vector<32x416xf32>, vector<416x256xf32>, vector<32x256xf32> -> vector<32x256xf32>
    %slice3A_133 = vector.extract_strided_slice %transpose3A {offsets = [368, 0], sizes = [16, 256], strides = [1, 1]} : vector<416x256xf32> to vector<16x256xf32>
    %concatenate3A_134 = tpu.concatenate %slice3A_133, %slice3A_133, %slice3A_133, %slice3A_133, %slice3A_133, %slice3A_133, %slice3A_133, %slice3A_133, %slice3A_133, %slice3A_133, %slice3A_133, %slice3A_133, %slice3A_133, %slice3A_133, %slice3A_133, %slice3A_133, %slice3A_133, %slice3A_133, %slice3A_133, %slice3A_133, %slice3A_133, %slice3A_133, %slice3A_133, %slice3A_133, %slice3A_133, %slice3A_133 in 0 : vector<16x256xf32>, vector<16x256xf32>, vector<16x256xf32>, vector<16x256xf32>, vector<16x256xf32>, vector<16x256xf32>, vector<16x256xf32>, vector<16x256xf32>, vector<16x256xf32>, vector<16x256xf32>, vector<16x256xf32>, vector<16x256xf32>, vector<16x256xf32>, vector<16x256xf32>, vector<16x256xf32>, vector<16x256xf32>, vector<16x256xf32>, vector<16x256xf32>, vector<16x256xf32>, vector<16x256xf32>, vector<16x256xf32>, vector<16x256xf32>, vector<16x256xf32>, vector<16x256xf32>, vector<16x256xf32>, vector<16x256xf32> -> vector<416x256xf32>
    %mul3A_135 = arith.mulf %transpose3A, %concatenate3A_134 : vector<416x256xf32>
    %dot_general3A_136 = arith.constant dense<0.000000e+00> : vector<32x256xf32>
    %dot_general3A_137 = tpu.matmul %convert_element_type3A_26, %mul3A_135, %dot_general3A_136 {dimension_numbers = #tpu.dot_dimension_numbers<[1], [0], [0], [1], [0, 0, 1, 1], [], []>, transpose_lhs_hint = false} : vector<32x416xf32>, vector<416x256xf32>, vector<32x256xf32> -> vector<32x256xf32>
    %slice3A_138 = vector.extract_strided_slice %transpose3A {offsets = [384, 0], sizes = [16, 256], strides = [1, 1]} : vector<416x256xf32> to vector<16x256xf32>
    %concatenate3A_139 = tpu.concatenate %slice3A_138, %slice3A_138, %slice3A_138, %slice3A_138, %slice3A_138, %slice3A_138, %slice3A_138, %slice3A_138, %slice3A_138, %slice3A_138, %slice3A_138, %slice3A_138, %slice3A_138, %slice3A_138, %slice3A_138, %slice3A_138, %slice3A_138, %slice3A_138, %slice3A_138, %slice3A_138, %slice3A_138, %slice3A_138, %slice3A_138, %slice3A_138, %slice3A_138, %slice3A_138 in 0 : vector<16x256xf32>, vector<16x256xf32>, vector<16x256xf32>, vector<16x256xf32>, vector<16x256xf32>, vector<16x256xf32>, vector<16x256xf32>, vector<16x256xf32>, vector<16x256xf32>, vector<16x256xf32>, vector<16x256xf32>, vector<16x256xf32>, vector<16x256xf32>, vector<16x256xf32>, vector<16x256xf32>, vector<16x256xf32>, vector<16x256xf32>, vector<16x256xf32>, vector<16x256xf32>, vector<16x256xf32>, vector<16x256xf32>, vector<16x256xf32>, vector<16x256xf32>, vector<16x256xf32>, vector<16x256xf32>, vector<16x256xf32> -> vector<416x256xf32>
    %mul3A_140 = arith.mulf %transpose3A, %concatenate3A_139 : vector<416x256xf32>
    %dot_general3A_141 = arith.constant dense<0.000000e+00> : vector<32x256xf32>
    %dot_general3A_142 = tpu.matmul %convert_element_type3A_26, %mul3A_140, %dot_general3A_141 {dimension_numbers = #tpu.dot_dimension_numbers<[1], [0], [0], [1], [0, 0, 1, 1], [], []>, transpose_lhs_hint = false} : vector<32x416xf32>, vector<416x256xf32>, vector<32x256xf32> -> vector<32x256xf32>
    %slice3A_143 = vector.extract_strided_slice %transpose3A {offsets = [400, 0], sizes = [16, 256], strides = [1, 1]} : vector<416x256xf32> to vector<16x256xf32>
    %concatenate3A_144 = tpu.concatenate %slice3A_143, %slice3A_143, %slice3A_143, %slice3A_143, %slice3A_143, %slice3A_143, %slice3A_143, %slice3A_143, %slice3A_143, %slice3A_143, %slice3A_143, %slice3A_143, %slice3A_143, %slice3A_143, %slice3A_143, %slice3A_143, %slice3A_143, %slice3A_143, %slice3A_143, %slice3A_143, %slice3A_143, %slice3A_143, %slice3A_143, %slice3A_143, %slice3A_143, %slice3A_143 in 0 : vector<16x256xf32>, vector<16x256xf32>, vector<16x256xf32>, vector<16x256xf32>, vector<16x256xf32>, vector<16x256xf32>, vector<16x256xf32>, vector<16x256xf32>, vector<16x256xf32>, vector<16x256xf32>, vector<16x256xf32>, vector<16x256xf32>, vector<16x256xf32>, vector<16x256xf32>, vector<16x256xf32>, vector<16x256xf32>, vector<16x256xf32>, vector<16x256xf32>, vector<16x256xf32>, vector<16x256xf32>, vector<16x256xf32>, vector<16x256xf32>, vector<16x256xf32>, vector<16x256xf32>, vector<16x256xf32>, vector<16x256xf32> -> vector<416x256xf32>
    %mul3A_145 = arith.mulf %transpose3A, %concatenate3A_144 : vector<416x256xf32>
    %dot_general3A_146 = arith.constant dense<0.000000e+00> : vector<32x256xf32>
    %dot_general3A_147 = tpu.matmul %convert_element_type3A_26, %mul3A_145, %dot_general3A_146 {dimension_numbers = #tpu.dot_dimension_numbers<[1], [0], [0], [1], [0, 0, 1, 1], [], []>, transpose_lhs_hint = false} : vector<32x416xf32>, vector<416x256xf32>, vector<32x256xf32> -> vector<32x256xf32>
    %concatenate3A_148 = tpu.concatenate %dot_general3A_27, %dot_general3A_32, %dot_general3A_37, %dot_general3A_42, %dot_general3A_47, %dot_general3A_52, %dot_general3A_57, %dot_general3A_62, %dot_general3A_67, %dot_general3A_72, %dot_general3A_77, %dot_general3A_82, %dot_general3A_87, %dot_general3A_92, %dot_general3A_97, %dot_general3A_102, %dot_general3A_107, %dot_general3A_112, %dot_general3A_117, %dot_general3A_122, %dot_general3A_127, %dot_general3A_132, %dot_general3A_137, %dot_general3A_142, %dot_general3A_147 in 0 : vector<32x256xf32>, vector<32x256xf32>, vector<32x256xf32>, vector<32x256xf32>, vector<32x256xf32>, vector<32x256xf32>, vector<32x256xf32>, vector<32x256xf32>, vector<32x256xf32>, vector<32x256xf32>, vector<32x256xf32>, vector<32x256xf32>, vector<32x256xf32>, vector<32x256xf32>, vector<32x256xf32>, vector<32x256xf32>, vector<32x256xf32>, vector<32x256xf32>, vector<32x256xf32>, vector<32x256xf32>, vector<32x256xf32>, vector<32x256xf32>, vector<32x256xf32>, vector<32x256xf32>, vector<32x256xf32> -> vector<800x256xf32>
    %get3A_149 = arith.constant 0 : index
    %get3A_150 = arith.constant 0 : index
    %get3A_151 = vector.load %arg2[%get3A_149, %get3A_150] : memref<416x400xf32, #tpu.memory_space<vmem>>, vector<416x400xf32>
    %dot_general3A_152 = arith.constant dense<0.000000e+00> : vector<256x400xf32>
    %dot_general3A_153 = tpu.matmul %transpose3A, %get3A_151, %dot_general3A_152 {dimension_numbers = #tpu.dot_dimension_numbers<[0], [0], [1], [1], [0, 1, 1, 1], [], []>, transpose_lhs_hint = false} : vector<416x256xf32>, vector<416x400xf32>, vector<256x400xf32> -> vector<256x400xf32>
    %get3A_154 = arith.constant 0 : index
    %get3A_155 = arith.constant 0 : index
    %get3A_156 = vector.load %arg3[%get3A_154, %get3A_155] : memref<800x400xf32, #tpu.memory_space<vmem>>, vector<800x400xf32>
    %dot_general3A_157 = arith.constant dense<0.000000e+00> : vector<256x400xf32>
    %dot_general3A_158 = tpu.matmul %concatenate3A_148, %get3A_156, %dot_general3A_157 {dimension_numbers = #tpu.dot_dimension_numbers<[0], [0], [1], [1], [0, 1, 1, 1], [], []>, transpose_lhs_hint = false} : vector<800x256xf32>, vector<800x400xf32>, vector<256x400xf32> -> vector<256x400xf32>
    %add3A = arith.addf %dot_general3A_153, %dot_general3A_158 : vector<256x400xf32>
    %get3A_159 = arith.constant 0 : index
    %get3A_160 = arith.constant 0 : index
    %get3A_161 = vector.load %arg4[%get3A_159, %get3A_160] : memref<1x400xf32, #tpu.memory_space<vmem>>, vector<1x400xf32>
    %mul3A_162 = vector.broadcast %get3A_161 : vector<1x400xf32> to vector<256x400xf32>
    %mul3A_163 = arith.mulf %add3A, %mul3A_162 : vector<256x400xf32>
    %get3A_164 = arith.constant 0 : index
    %get3A_165 = arith.constant 0 : index
    %get3A_166 = vector.load %arg5[%get3A_164, %get3A_165] : memref<1x400xf32, #tpu.memory_space<vmem>>, vector<1x400xf32>
    %add3A_167 = vector.broadcast %get3A_166 : vector<1x400xf32> to vector<256x400xf32>
    %add3A_168 = arith.addf %mul3A_163, %add3A_167 : vector<256x400xf32>
    %max3A = arith.constant 0.000000e+00 : f32
    %max3A_169 = vector.broadcast %max3A : f32 to vector<256x400xf32>
    %max3A_170 = arith.maximumf %add3A_168, %max3A_169 : vector<256x400xf32>
    %get3A_171 = arith.constant 0 : index
    %get3A_172 = arith.constant 0 : index
    %get3A_173 = vector.load %arg6[%get3A_171, %get3A_172] : memref<400x400xf32, #tpu.memory_space<vmem>>, vector<400x400xf32>
    %dot_general3A_174 = arith.constant dense<0.000000e+00> : vector<256x400xf32>
    %dot_general3A_175 = tpu.matmul %max3A_170, %get3A_173, %dot_general3A_174 {dimension_numbers = #tpu.dot_dimension_numbers<[1], [0], [0], [1], [0, 0, 1, 1], [], []>, transpose_lhs_hint = false} : vector<256x400xf32>, vector<400x400xf32>, vector<256x400xf32> -> vector<256x400xf32>
    %get3A_176 = arith.constant 0 : index
    %get3A_177 = arith.constant 0 : index
    %get3A_178 = vector.load %arg7[%get3A_176, %get3A_177] : memref<1x400xf32, #tpu.memory_space<vmem>>, vector<1x400xf32>
    %mul3A_179 = vector.broadcast %get3A_178 : vector<1x400xf32> to vector<256x400xf32>
    %mul3A_180 = arith.mulf %dot_general3A_175, %mul3A_179 : vector<256x400xf32>
    %get3A_181 = arith.constant 0 : index
    %get3A_182 = arith.constant 0 : index
    %get3A_183 = vector.load %arg8[%get3A_181, %get3A_182] : memref<1x400xf32, #tpu.memory_space<vmem>>, vector<1x400xf32>
    %add3A_184 = vector.broadcast %get3A_183 : vector<1x400xf32> to vector<256x400xf32>
    %add3A_185 = arith.addf %mul3A_180, %add3A_184 : vector<256x400xf32>
    %max3A_186 = arith.constant 0.000000e+00 : f32
    %max3A_187 = vector.broadcast %max3A_186 : f32 to vector<256x400xf32>
    %max3A_188 = arith.maximumf %add3A_185, %max3A_187 : vector<256x400xf32>
    %get3A_189 = arith.constant 0 : index
    %get3A_190 = arith.constant 0 : index
    %get3A_191 = vector.load %arg9[%get3A_189, %get3A_190] : memref<400x400xf32, #tpu.memory_space<vmem>>, vector<400x400xf32>
    %dot_general3A_192 = arith.constant dense<0.000000e+00> : vector<256x400xf32>
    %dot_general3A_193 = tpu.matmul %max3A_188, %get3A_191, %dot_general3A_192 {dimension_numbers = #tpu.dot_dimension_numbers<[1], [0], [0], [1], [0, 0, 1, 1], [], []>, transpose_lhs_hint = false} : vector<256x400xf32>, vector<400x400xf32>, vector<256x400xf32> -> vector<256x400xf32>
    %get3A_194 = arith.constant 0 : index
    %get3A_195 = arith.constant 0 : index
    %get3A_196 = vector.load %arg10[%get3A_194, %get3A_195] : memref<1x400xf32, #tpu.memory_space<vmem>>, vector<1x400xf32>
    %mul3A_197 = vector.broadcast %get3A_196 : vector<1x400xf32> to vector<256x400xf32>
    %mul3A_198 = arith.mulf %dot_general3A_193, %mul3A_197 : vector<256x400xf32>
    %get3A_199 = arith.constant 0 : index
    %get3A_200 = arith.constant 0 : index
    %get3A_201 = vector.load %arg11[%get3A_199, %get3A_200] : memref<1x400xf32, #tpu.memory_space<vmem>>, vector<1x400xf32>
    %add3A_202 = vector.broadcast %get3A_201 : vector<1x400xf32> to vector<256x400xf32>
    %add3A_203 = arith.addf %mul3A_198, %add3A_202 : vector<256x400xf32>
    %max3A_204 = arith.constant 0.000000e+00 : f32
    %max3A_205 = vector.broadcast %max3A_204 : f32 to vector<256x400xf32>
    %max3A_206 = arith.maximumf %add3A_203, %max3A_205 : vector<256x400xf32>
    %get3A_207 = arith.constant 0 : index
    %get3A_208 = arith.constant 0 : index
    %get3A_209 = vector.load %arg12[%get3A_207, %get3A_208] : memref<400x1xf32, #tpu.memory_space<vmem>>, vector<400x1xf32>
    %dot_general3A_210 = arith.constant dense<0.000000e+00> : vector<256x1xf32>
    %dot_general3A_211 = tpu.matmul %max3A_206, %get3A_209, %dot_general3A_210 {dimension_numbers = #tpu.dot_dimension_numbers<[1], [0], [0], [1], [0, 0, 1, 1], [], []>, transpose_lhs_hint = false} : vector<256x400xf32>, vector<400x1xf32>, vector<256x1xf32> -> vector<256x1xf32>
    %get3A_212 = arith.constant 0 : index
    %get3A_213 = arith.constant 0 : index
    %get3A_214 = vector.load %arg13[%get3A_212, %get3A_213] : memref<1x1xf32, #tpu.memory_space<vmem>>, vector<1x1xf32>
    %add3A_215 = vector.broadcast %get3A_214 : vector<1x1xf32> to vector<256x1xf32>
    %add3A_216 = arith.addf %dot_general3A_211, %add3A_215 : vector<256x1xf32>
    %swap3A = arith.constant 0 : index
    %swap3A_217 = arith.constant 0 : index
    %swap3A_218 = vector.load %arg14[%swap3A, %swap3A_217] : memref<256x1xf32, #tpu.memory_space<vmem>>, vector<256x1xf32>
    tpu.vector_store %arg14[%swap3A, %swap3A_217], %add3A_216 {strides = array<i32>} : memref<256x1xf32, #tpu.memory_space<vmem>>, vector<256x1xf32>,
    return
  }
  func.func @transform_0(%arg0: i32) -> (i32, i32) {
    %c0_i32 = arith.constant 0 : i32
    %c0_i32_0 = arith.constant 0 : i32
    return %arg0, %c0_i32 : i32, i32
  }
  func.func @transform_1(%arg0: i32) -> (i32, i32) {
    %c0_i32 = arith.constant 0 : i32
    %c0_i32_0 = arith.constant 0 : i32
    %c0_i32_1 = arith.constant 0 : i32
    return %c0_i32, %c0_i32_0 : i32, i32
  }
  func.func @transform_2(%arg0: i32) -> (i32, i32) {
    %c0_i32 = arith.constant 0 : i32
    %c0_i32_0 = arith.constant 0 : i32
    %c0_i32_1 = arith.constant 0 : i32
    return %c0_i32, %c0_i32_0 : i32, i32
  }
  func.func @transform_3(%arg0: i32) -> (i32, i32) {
    %c0_i32 = arith.constant 0 : i32
    %c0_i32_0 = arith.constant 0 : i32
    %c0_i32_1 = arith.constant 0 : i32
    return %c0_i32, %c0_i32_0 : i32, i32
  }
  func.func @transform_4(%arg0: i32) -> (i32, i32) {
    %c0_i32 = arith.constant 0 : i32
    %c0_i32_0 = arith.constant 0 : i32
    %c0_i32_1 = arith.constant 0 : i32
    return %c0_i32, %c0_i32_0 : i32, i32
  }
  func.func @transform_5(%arg0: i32) -> (i32, i32) {
    %c0_i32 = arith.constant 0 : i32
    %c0_i32_0 = arith.constant 0 : i32
    %c0_i32_1 = arith.constant 0 : i32
    return %c0_i32, %c0_i32_0 : i32, i32
  }
  func.func @transform_6(%arg0: i32) -> (i32, i32) {
    %c0_i32 = arith.constant 0 : i32
    %c0_i32_0 = arith.constant 0 : i32
    %c0_i32_1 = arith.constant 0 : i32
    return %c0_i32, %c0_i32_0 : i32, i32
  }
  func.func @transform_7(%arg0: i32) -> (i32, i32) {
    %c0_i32 = arith.constant 0 : i32
    %c0_i32_0 = arith.constant 0 : i32
    %c0_i32_1 = arith.constant 0 : i32
    return %c0_i32, %c0_i32_0 : i32, i32
  }
  func.func @transform_8(%arg0: i32) -> (i32, i32) {
    %c0_i32 = arith.constant 0 : i32
    %c0_i32_0 = arith.constant 0 : i32
    %c0_i32_1 = arith.constant 0 : i32
    return %c0_i32, %c0_i32_0 : i32, i32
  }
  func.func @transform_9(%arg0: i32) -> (i32, i32) {
    %c0_i32 = arith.constant 0 : i32
    %c0_i32_0 = arith.constant 0 : i32
    %c0_i32_1 = arith.constant 0 : i32
    return %c0_i32, %c0_i32_0 : i32, i32
  }
  func.func @transform_10(%arg0: i32) -> (i32, i32) {
    %c0_i32 = arith.constant 0 : i32
    %c0_i32_0 = arith.constant 0 : i32
    %c0_i32_1 = arith.constant 0 : i32
    return %c0_i32, %c0_i32_0 : i32, i32
  }
  func.func @transform_11(%arg0: i32) -> (i32, i32) {
    %c0_i32 = arith.constant 0 : i32
    %c0_i32_0 = arith.constant 0 : i32
    %c0_i32_1 = arith.constant 0 : i32
    return %c0_i32, %c0_i32_0 : i32, i32
  }
  func.func @transform_12(%arg0: i32) -> (i32, i32) {
    %c0_i32 = arith.constant 0 : i32
    %c0_i32_0 = arith.constant 0 : i32
    %c0_i32_1 = arith.constant 0 : i32
    return %c0_i32, %c0_i32_0 : i32, i32
  }
  func.func @transform_13(%arg0: i32) -> (i32, i32) {
    %c0_i32 = arith.constant 0 : i32
    %c0_i32_0 = arith.constant 0 : i32
    return %arg0, %c0_i32 : i32, i32
  }
}

</mosaic_0001>

<sc_bundles>
// kernel: kernel.4.cloned.1.call-start
scs
__scs_entry_jumppad:
0x0: {  	(pc) =	sbr.rel $0x88, $3  }
0x1: {  	(tag) =	ssettag $0x0;
	lr =	simm.s32 $0x1  }
0x2: {  	[smem:$0x3F91] =	sst lr;
	_ =	strace $0xD0000000  }
0x3: {  	_ = 	snop  }
0x4: {  	_ = 	snop  }
0x5: {  	_ = 	snop  }
0x6: {  	_ = 	snop  }
0x7: {  	_ = 	snop  }
__scs_overlays_trampoline_lowered:
0x8: {  	[smem:$0x3FA0] =	sst s0  }
0x9: {  	[smem:$0x3FA1] =	sst s1  }
0xa: {  	[smem:$0x3FA2] =	sst s2  }
0xb: {  	[smem:$0x3FA3] =	sst s3  }
0xc: {  	[smem:$0x3FA4] =	sst s4  }
0xd: {  	[smem:$0x3FA5] =	sst s5  }
0xe: {  	[smem:$0x3FA6] =	sst s6  }
0xf: {  	[smem:$0x3FA7] =	sst s7  }
0x10: {  	[smem:$0x3FA8] =	sst s8  }
0x11: {  	[smem:$0x3FA9] =	sst s9;
	s0 =	simm.s32 @!p0 $0x0  }
0x12: {  	s1 =	sld [smem:$0x3F8F];
	s0 =	simm.s32 @p0 $0x1  }
0x13: {  	[smem:$0x3FAA] =	sst s0;
	s0 =	simm.s32 @!p1 $0x0  }
0x14: {  	s2 =	sld [smem:$0x3F8E];
	s0 =	simm.s32 @p1 $0x1  }
0x15: {  	[smem:$0x3FAB] =	sst s0;
	s0 =	simm.s32 @!p2 $0x0  }
0x16: {  	s3 =	sld [smem:$0x3FDB];
	s0 =	simm.s32 @p2 $0x1  }
0x17: {  	s4 =	simm.s32 $0x1BF5;
	[smem:$0x3FAD] =	sst s0  }
0x18: {  	s0 =	sld [smem:$0x3F90];
	_ =	swait.ge [sflag:s4], $0x0  }
0x19: {  	s7 =	sld [smem:$0x3F91]  }
0x1a: {  	s8 =	sadd.s32 $0xFFFFE003, lr  }
0x1b: {  	s9 =	sadd.s32 $0xFFFFFEF7, lr;
	s5 =	simm.s32 $0xFFFFFFFF;
	p2 =	slt.u32 s8, $0xFFFFF086  }
0x1c: {  	p1 =	slt.u32 s9, $0xF7A;
	s5 =	simm.s32 @!p2 $0x0  }
0x1d: {  	s5 =	simm.s32 @p1 $0x1;
	p0 =	seq.s32 s7, s2  }
0x1e: {  	s7 =	smul.u32 @!p0 $0xF7A, s2;
	p2 =	seq.s32 @!p0 s5, $0x0  }
0x1f: {  	s9 =	smul.u32 $0xF7A, s1;
	s8 =	simm.s32 @!p0 $0x1BF5;
	p2 =	por !p2, p0  }
0x20: {  	[sflag:s8] =	ssyncset.s32 @!p0 $0xFFFFF086;
	s6 =	sadd.s32 @!p0 s3, s7;
	s7 =	simm.s32 @!p0 $0x108  }
0x21: {  	s3 =	sadd.s32 s3, s9;
	s6 =	sadd.s32 @!p0 $0x88, s6;
	s7 =	simm.s32 @p2 $0x1082  }
0x22: {  	[simem:s7], [sflag:s8] =	dma.local @!p0 [hbm:s6], $0xF7A  }
0x23: {  	s9 =	sor.u32 $0xD0000000, s2;
	s6 =	simm.s32 $0x108;
	_ =	swait.ge @!p0 [sflag:s8], $0x0  }
0x24: {  	s3 =	sadd.s32 $0x88, s3;
	s6 =	simm.s32 @!p1 $0x1082;
	[sflag:s4] =	ssyncset.s32 $0xFFFFF086  }
0x25: {  	[simem:s6], [sflag:s4] =	dma.local [hbm:s3], $0xF7A  }
0x26: {  	[smem:$0x3F91] =	sst s1;
	(tag) =	ssettag s2;
	_ =	strace s9  }
0x27: {  	s1 =	sld [smem:$0x3FA1]  }
0x28: {  	s2 =	sld [smem:$0x3FA2]  }
0x29: {  	s4 =	sld [smem:$0x3FA4]  }
0x2a: {  	p0 =	seq.s32 s5, $0x0;
	s5 =	sld [smem:$0x3FA5]  }
0x2b: {  	s6 =	sld [smem:$0x3FA6]  }
0x2c: {  	s7 =	sld [smem:$0x3FA7]  }
0x2d: {  	s3 =	simm.s32 $0x108;
	s8 =	sld [smem:$0x3FA8]  }
0x2e: {  	s3 =	simm.s32 @!p0 $0x1082;
	s9 =	sld [smem:$0x3FA9]  }
0x2f: {  	lr =	sadd.s32 s0, s3;
	s0 =	sld [smem:$0x3FA0]  }
0x30: {  	s3 =	sld [smem:$0x3FA3]  }
0x31: {  	[smem:$0x3FAC] =	sst s10  }
0x32: {  	s10 =	sld [smem:$0x3FAA];
	_ =	sdelay $0x3  }
0x33: {  	p0 =	seq.s32 s10, $0x1;
	s10 =	sld [smem:$0x3FAC];
	_ =	sdelay $0x3  }
0x34: {  	[smem:$0x3FAC] =	sst s10  }
0x35: {  	s10 =	sld [smem:$0x3FAB];
	_ =	sdelay $0x3  }
0x36: {  	p1 =	seq.s32 s10, $0x1;
	s10 =	sld [smem:$0x3FAC];
	_ =	sdelay $0x3  }
0x37: {  	[smem:$0x3FAC] =	sst s10  }
0x38: {  	s10 =	sld [smem:$0x3FAD]  }
0x39: {  	_ = 	snop;
	(pc) =	sbr.ind lr, $3  }
0x3a: {  	_ = 	snop  }
0x3b: {  	_ = 	snop  }
0x3c: {  	p2 =	seq.s32 s10, $0x1;
	s10 =	sld [smem:$0x3FAC]  }
0x3d: {  	_ =	shalt  }
0x3e: {  	_ =	shalt  }
0x3f: {  	_ =	shalt  }
0x40: {  	_ =	shalt  }
0x41: {  	_ =	shalt  }
0x42: {  	_ =	shalt  }
0x43: {  	_ =	shalt  }
0x44: {  	_ =	shalt  }
0x45: {  	_ =	shalt  }
0x46: {  	_ =	shalt  }
0x47: {  	_ =	shalt  }
0x48: {  	_ =	shalt  }
0x49: {  	_ =	shalt  }
0x4a: {  	_ =	shalt  }
0x4b: {  	_ =	shalt  }
0x4c: {  	_ =	shalt  }
0x4d: {  	_ =	shalt  }
0x4e: {  	_ =	shalt  }
0x4f: {  	_ =	shalt  }
0x50: {  	_ =	shalt  }
0x51: {  	_ =	shalt  }
0x52: {  	_ =	shalt  }
0x53: {  	_ =	shalt  }
0x54: {  	_ =	shalt  }
0x55: {  	_ =	shalt  }
0x56: {  	_ =	shalt  }
0x57: {  	_ =	shalt  }
0x58: {  	_ =	shalt  }
0x59: {  	_ =	shalt  }
0x5a: {  	_ =	shalt  }
0x5b: {  	_ =	shalt  }
0x5c: {  	_ =	shalt  }
0x5d: {  	_ =	shalt  }
0x5e: {  	_ =	shalt  }
0x5f: {  	_ =	shalt  }
0x60: {  	_ =	shalt  }
0x61: {  	_ =	shalt  }
0x62: {  	_ =	shalt  }
0x63: {  	_ =	shalt  }
0x64: {  	_ =	shalt  }
0x65: {  	_ =	shalt  }
0x66: {  	_ =	shalt  }
0x67: {  	_ =	shalt  }
0x68: {  	_ =	shalt  }
0x69: {  	_ =	shalt  }
0x6a: {  	_ =	shalt  }
0x6b: {  	_ =	shalt  }
0x6c: {  	_ =	shalt  }
0x6d: {  	_ =	shalt  }
0x6e: {  	_ =	shalt  }
0x6f: {  	_ =	shalt  }
0x70: {  	_ =	shalt  }
0x71: {  	_ =	shalt  }
0x72: {  	_ =	shalt  }
0x73: {  	_ =	shalt  }
0x74: {  	_ =	shalt  }
0x75: {  	_ =	shalt  }
0x76: {  	_ =	shalt  }
0x77: {  	_ =	shalt  }
0x78: {  	_ =	shalt  }
0x79: {  	_ =	shalt  }
0x7a: {  	_ =	shalt  }
0x7b: {  	_ =	shalt  }
0x7c: {  	_ =	shalt  }
0x7d: {  	_ =	shalt  }
0x7e: {  	_ =	shalt  }
0x7f: {  	_ =	shalt  }
0x80: {  	_ =	shalt  }
0x81: {  	_ =	shalt  }
0x82: {  	_ =	shalt  }
0x83: {  	_ =	shalt  }
0x84: {  	_ =	shalt  }
0x85: {  	_ =	shalt  }
0x86: {  	_ =	shalt  }
0x87: {  	_ =	shalt  }
.Lfunc_end0:
.L_simem_size_0:
called_computation.1_lowered:
.L_overlay_start_0:
0x88: {  	s2 =	sld [smem:$0x3FD9]  }
0x89: {  	s3 =	sld [smem:$0x3FFE];
	_ =	sdelay $0x1  }
0x8a: {  	s1 =	srdreg.scid  }
0x8b: {  	s0 =	sand.u32 $0x1, s1  }
0x8c: {  	s16 =	sshll.u32 s0, $0xA;
	s2 =	sadd.s32 s3, s2  }
0x8d: {  	s2 =	sadd.s32 s2, s16  }
0x8e: {  	[smem:$0x3FB8] =	sst s2  }
0x8f: {  	_ = 	snop  }
0x90: {  	(tm) =	ssettm $0x1  }
0x91: {  	s17 =	sld [smem:$0x3FFB];
	_ =	sdelay $0x3  }
0x92: {  	_ =	strace s17  }
0x93: {  	s2 =	sld [smem:$0x3FFC];
	_ =	sdelay $0x3  }
0x94: {  	_ =	strace s2  }
0x95: {  	s2 =	sld [smem:$0x3FFD];
	_ =	sdelay $0x3  }
0x96: {  	_ =	strace s2  }
0x97: {  	_ =	strace $0x8FFFFFFF  }
0x98: {  	s18 =	sld [smem:$0x3FDB];
	_ =	sdelay $0x1  }
0x99: {  	s19 =	simm.s32 $_scs_section_size  }
0x9a: {  	s4 =	simm.s32 $_size__tile_overlayer_lowered;
	s5 =	simm.s32 $_tile_overlayer_lowered  }
0x9b: {  	s22 =	simm.s32 $0x1BFF;
	s21 =	sshll.u32 s5, $0x1;
	s2 =	sadd.s32 s19, s18  }
0x9c: {  	s6 =	simm.s32 $0x0;
	s20 =	sshll.u32 s4, $0x1;
	s4 =	sadd.s32 s21, s2  }
0x9d: {  	[timem:s6], [sflag:s22] =	dma.local [hbm:s4], s20  }
0x9e: {  	_ =	swait.ge [sflag:s22], s20  }
0x9f: {  	s3 =	ssub.s32 $0x0, s20;
	[sflag:s22] =	ssyncset.done $0x0  }
0xa0: {  	[sflag:s22] =	ssyncadd.s32 s3;
	_ =	sdelay $0x1  }
0xa1: {  	s23 =	simm.s32 $0x1B8B  }
0xa2: {  	_ =	swait.ge [sflag:s23], $0x1  }
0xa3: {  	[sflag:s23] =	ssyncset.done $0x0  }
0xa4: {  	s25 =	simm.s32 $0x1B8E;
	s24 =	sld [smem:$0x3FFE];
	[sflag:s23] =	ssyncadd.s32 $0xFFFFFFFF  }
0xa5: {  	s26 =	simm.s32 $execute0_lowered;
	[smem:$0x3FD2] =	sst s25  }
0xa6: {  	s4 =	sshll.u32 s26, $0x1;
	_ =	strace $0x80000049;
	[dreg:$0x1] =	wrdreg $0xFFFFFFFF  }
0xa7: {  	s28 =	simm.s32 $_size_execute0_lowered;
	s2 =	sadd.s32 s2, s4;
	[dreg:$0x0] =	wrdreg $0x0  }
0xa8: {  	s4 =	sshll.u32 s28, $0x1;
	[dreg:$0x2] =	wrdreg s2  }
0xa9: {  	[dreg:$0x3] =	wrdreg s4  }
0xaa: {  	[dreg:$0x4] =	wrdreg $0xC0  }
0xab: {  	_ =	task [dreg:s6], $0x5FFFF  }
0xac: {  	[dreg:$0x1] =	wrdreg $0xFFFFFFFF  }
0xad: {  	[dreg:$0x0] =	wrdreg $0x60  }
0xae: {  	[dreg:$0x2] =	wrdreg s24  }
0xaf: {  	[dreg:$0x3] =	wrdreg $0x9  }
0xb0: {  	_ =	task.clear_ibuf [dreg:s6], $0x4FFFF;
	_ =	strace $0x90000049  }
0xb1: {  	s29 =	simm.s32 $0x9;
	_ =	strace $0x8000004B  }
0xb2: {  	_ =	swait.ge [sflag:s29], $0x1  }
0xb3: {  	[sflag:s29] =	ssyncadd.s32 $0xFFFFFFFF  }
0xb4: {  	_ =	strace $0x9000004B  }
0xb5: {  	_ =	sfence  }
0xb6: {  	s30 =	sld [smem:$0x0];
	_ =	sdelay $0x2  }
0xb7: {  	s31 =	sshll.u32 s1, $0xD;
	s1 =	sshrl.u32 s1, $0x2  }
0xb8: {  	s3 =	sand.u32 $0x4000, s31;
	s1 =	sadd.s32 s1, s30  }
0xb9: {  	s0 =	sor.u32 s3, s0;
	s1 =	sshll.u32 s1, $0x11  }
0xba: {  	s0 =	sor.u32 s1, s0  }
0xbb: {  	s0 =	sadd.s32 $0x8F2B, s0  }
0xbc: {  	[sflag:s0] =	ssyncadd.remote.s32 $0x1  }
0xbd: {  	_ =	sfence.sel $0xFFFF  }
0xbe: {  	[dreg:$0x0] =	wrdreg $0xFFFFFFFF;
	(pc) =	sbr.abs _section_cstart, $3  }
0xbf: {  	[dreg:$0x1] =	wrdreg $0xFFFFFFFF  }
0xc0: {  	_ =	task.clear_ibuf [dreg:s6], $0x2FFFF;
	_ =	strace $0x9FFFFFFF  }
0xc1: {  	(tm) =	ssettm $0x7FFFFFFF  }
tec
execute0_lowered:
.L_overlay_start_1:
0x0: {  	(tag) =	ssettag $0x1  }
0x1: {  	s4 =	rddreg [dreg:$0x0]  }
0x2: {  	s0 =	rddreg [dreg:$0x1];
	s3 =	srdreg.scid  }
0x3: {  	s1 =	stileid.u32;
	s2 =	simm.s32 $0x0;
	s9 =	simm.s32 $0x400  }
0x4: {  	s10 =	simm.s32 $0x1;
	s11 =	simm.s32 $0x1000;
	s12 =	simm.s32 $0x0  }
0x5: {  	s3 =	sand.u32 $0x1, s3;
	s5 =	sshll.u32 s1, $0x1;
	[smem:$0x7FF] =	sst s2  }
0x6: {  	s5 =	sor.u32 s3, s5;
	_ =	strace $0x8000004A;
	s7 =	ssub.s32 $0x2, s3  }
0x7: {  	s6 =	smul.u32 $0x1A00, s5;
	s5 =	sshll.u32 s5, $0x9;
	s8 =	sshrl.u32 s7, $0x1  }
0x8: {  	s3 =	sadd.s32 $0x2E00, s4;
	s5 =	sadd.s32 s5, s4;
	s7 =	ssub.s32 s7, s8  }
0x9: {  	s8 =	simm.s32 $0x80;
	s6 =	sadd.s32 s6, s4;
	s4 =	sadd.s32 $0x27AF200, s5  }
0xa: {  	s5 =	sadd.s32 $0x27B3200, s6;
	s6 =	smax.u32 s7, $0x1;
	s7 =	simm.s32 $0x2  }
.LBB2_1:
0xb: {  	[tilespmem:s2], [sflag:$0x2] =	stream.linear.gather [hbm4b:s4+s2], $0xD00, $0x38;
	[tilespmem:$0xE000] =	vst v63  }
0xc: {  	_ =	swait.ge [sflag:s7], $0xD00  }
0xd: {  	[sflag:s7] =	ssyncset.done $0x0  }
0xe: {  	s13 =	simm.s32 $0x0;
	s14 =	simm.s32 $0x0;
	[sflag:s7] =	ssyncadd.s32 $0xFFFFF300  }
.LBB2_2:
0xf: {  	s16 =	sand.u32 $0xFC0, s13  }
0x10: {  	v0 =	vld [tilespmem:s16+$0x0];
	_ =	sdelay $0x4  }
0x11: {  	v1 =	vshrl.u32 v0, $0x3  }
0x12: {  	v2 =	vand.u32 $0x7, v0;
	v50 =	vshll.u32 v1, $0xA  }
0x13: {  	v51 =	vshll.u32 v2, $0x7;
	(v2sf) =	vpush v50, $0x0  }
0x14: {  	(v2sf) =	vpush v51, $0x0;
	_ =	sdelay $0x4  }
0x15: {  	(v2sf) =	vpush v50, $0x1;
	_ =	sdelay $0x1  }
0x16: {  	(v2sf) =	vpush v51, $0x1;
	_ =	sdelay $0x6  }
0x17: {  	s15 =	spop (v2sf)  }
0x18: {  	s17 =	spop (v2sf);
	(v2sf) =	vpush v50, $0x2  }
0x19: {  	(v2sf) =	vpush v51, $0x2;
	_ =	sdelay $0x1  }
0x1a: {  	s17 =	sor.u32 s17, s15  }
0x1b: {  	s15 =	sshra.s32 s14, $0x2;
	s17 =	sshrl.u32 s17, $0x3  }
0x1c: {  	s30 =	spop (v2sf);
	s18 =	sadd.s32 $0x1000, s15;
	s17 =	sadd.s32 s3, s17  }
0x1d: {  	[tilespmem:s18], [sflag:$0x1] =	stream.strided.gather [hbm4b:s17+s8], $0x0, s9, s8, $0x38;
	[tilespmem:$0xE000] =	vst v63  }
0x1e: {  	s31 =	spop (v2sf)  }
0x1f: {  	[tilespmem:s18], [sflag:$0x1] =	stream.linear.gather [hbm4b:s17+s2], $0x10, $0x38;
	[tilespmem:$0xE000] =	vst v63  }
0x20: {  	s17 =	sor.u32 s31, s30  }
0x21: {  	s17 =	sshrl.u32 s17, $0x3  }
0x22: {  	s19 =	sadd.s32 $0x1010, s15;
	s17 =	sadd.s32 s3, s17  }
0x23: {  	[tilespmem:s19], [sflag:$0x1] =	stream.strided.gather [hbm4b:s17+s8], $0x0, s9, s8, $0x38;
	[tilespmem:$0xE000] =	vst v63  }
0x24: {  	_ = 	snop  }
0x25: {  	[tilespmem:s19], [sflag:$0x1] =	stream.linear.gather [hbm4b:s17+s2], $0x10, $0x38;
	[tilespmem:$0xE000] =	vst v63  }
0x26: {  	s20 =	spop (v2sf)  }
0x27: {  	s18 =	spop (v2sf)  }
0x28: {  	(v2sf) =	vpush v50, $0x3  }
0x29: {  	(v2sf) =	vpush v51, $0x3;
	_ =	sdelay $0x4  }
0x2a: {  	(v2sf) =	vpush v50, $0x4;
	_ =	sdelay $0x1  }
0x2b: {  	(v2sf) =	vpush v51, $0x4;
	_ =	sdelay $0x6  }
0x2c: {  	s22 =	spop (v2sf)  }
0x2d: {  	s23 =	spop (v2sf);
	(v2sf) =	vpush v50, $0x5  }
0x2e: {  	(v2sf) =	vpush v51, $0x5;
	_ =	sdelay $0x3  }
0x2f: {  	s25 =	spop (v2sf);
	(v2sf) =	vpush v50, $0x6;
	_ =	sdelay $0x1  }
0x30: {  	s26 =	spop (v2sf);
	(v2sf) =	vpush v51, $0x6  }
0x31: {  	s17 =	sor.u32 s18, s20  }
0x32: {  	s17 =	sshrl.u32 s17, $0x3  }
0x33: {  	s21 =	sadd.s32 $0x1020, s15;
	s17 =	sadd.s32 s3, s17  }
0x34: {  	[tilespmem:s21], [sflag:$0x1] =	stream.strided.gather [hbm4b:s17+s8], $0x0, s9, s8, $0x38;
	[tilespmem:$0xE000] =	vst v63  }
0x35: {  	_ = 	snop  }
0x36: {  	[tilespmem:s21], [sflag:$0x1] =	stream.linear.gather [hbm4b:s17+s2], $0x10, $0x38;
	[tilespmem:$0xE000] =	vst v63  }
0x37: {  	s17 =	sor.u32 s23, s22  }
0x38: {  	s17 =	sshrl.u32 s17, $0x3;
	s29 =	spop (v2sf);
	(v2sf) =	vpush v50, $0x7  }
0x39: {  	s24 =	sadd.s32 $0x1030, s15;
	s17 =	sadd.s32 s3, s17;
	s30 =	spop (v2sf);
	(v2sf) =	vpush v51, $0x7  }
0x3a: {  	[tilespmem:s24], [sflag:$0x1] =	stream.strided.gather [hbm4b:s17+s8], $0x0, s9, s8, $0x38;
	[tilespmem:$0xE000] =	vst v63  }
0x3b: {  	_ = 	snop  }
0x3c: {  	[tilespmem:s24], [sflag:$0x1] =	stream.linear.gather [hbm4b:s17+s2], $0x10, $0x38;
	[tilespmem:$0xE000] =	vst v63  }
0x3d: {  	s17 =	sor.u32 s26, s25;
	s19 =	spop (v2sf);
	(v2sf) =	vpush v50, $0x8  }
0x3e: {  	s17 =	sshrl.u32 s17, $0x3  }
0x3f: {  	s28 =	sadd.s32 $0x1040, s15;
	s17 =	sadd.s32 s3, s17;
	s20 =	spop (v2sf);
	(v2sf) =	vpush v51, $0x8  }
0x40: {  	[tilespmem:s28], [sflag:$0x1] =	stream.strided.gather [hbm4b:s17+s8], $0x0, s9, s8, $0x38;
	[tilespmem:$0xE000] =	vst v63  }
0x41: {  	_ = 	snop  }
0x42: {  	[tilespmem:s28], [sflag:$0x1] =	stream.linear.gather [hbm4b:s17+s2], $0x10, $0x38;
	[tilespmem:$0xE000] =	vst v63  }
0x43: {  	s17 =	sor.u32 s30, s29  }
0x44: {  	s17 =	sshrl.u32 s17, $0x3  }
0x45: {  	s31 =	sadd.s32 $0x1050, s15;
	s17 =	sadd.s32 s3, s17  }
0x46: {  	[tilespmem:s31], [sflag:$0x1] =	stream.strided.gather [hbm4b:s17+s8], $0x0, s9, s8, $0x38;
	[tilespmem:$0xE000] =	vst v63  }
0x47: {  	s22 =	spop (v2sf);
	(v2sf) =	vpush v50, $0x9  }
0x48: {  	s23 =	spop (v2sf);
	(v2sf) =	vpush v51, $0x9  }
0x49: {  	[tilespmem:s31], [sflag:$0x1] =	stream.linear.gather [hbm4b:s17+s2], $0x10, $0x38;
	[tilespmem:$0xE000] =	vst v63  }
0x4a: {  	s17 =	sor.u32 s20, s19  }
0x4b: {  	s17 =	sshrl.u32 s17, $0x3  }
0x4c: {  	s21 =	sadd.s32 $0x1060, s15;
	s17 =	sadd.s32 s3, s17;
	s25 =	spop (v2sf);
	(v2sf) =	vpush v50, $0xA  }
0x4d: {  	[tilespmem:s21], [sflag:$0x1] =	stream.strided.gather [hbm4b:s17+s8], $0x0, s9, s8, $0x38;
	[tilespmem:$0xE000] =	vst v63  }
0x4e: {  	s26 =	spop (v2sf);
	(v2sf) =	vpush v51, $0xA  }
0x4f: {  	[tilespmem:s21], [sflag:$0x1] =	stream.linear.gather [hbm4b:s17+s2], $0x10, $0x38;
	[tilespmem:$0xE000] =	vst v63  }
0x50: {  	s17 =	sor.u32 s23, s22  }
0x51: {  	s17 =	sshrl.u32 s17, $0x3  }
0x52: {  	s24 =	sadd.s32 $0x1070, s15;
	s17 =	sadd.s32 s3, s17  }
0x53: {  	[tilespmem:s24], [sflag:$0x1] =	stream.strided.gather [hbm4b:s17+s8], $0x0, s9, s8, $0x38;
	[tilespmem:$0xE000] =	vst v63  }
0x54: {  	_ = 	snop  }
0x55: {  	[tilespmem:s24], [sflag:$0x1] =	stream.linear.gather [hbm4b:s17+s2], $0x10, $0x38;
	[tilespmem:$0xE000] =	vst v63  }
0x56: {  	s29 =	spop (v2sf);
	(v2sf) =	vpush v50, $0xB  }
0x57: {  	s17 =	sor.u32 s26, s25;
	s30 =	spop (v2sf);
	(v2sf) =	vpush v51, $0xB  }
0x58: {  	s17 =	sshrl.u32 s17, $0x3  }
0x59: {  	s28 =	sadd.s32 $0x1080, s15;
	s17 =	sadd.s32 s3, s17  }
0x5a: {  	[tilespmem:s28], [sflag:$0x1] =	stream.strided.gather [hbm4b:s17+s8], $0x0, s9, s8, $0x38;
	[tilespmem:$0xE000] =	vst v63  }
0x5b: {  	s19 =	spop (v2sf);
	(v2sf) =	vpush v50, $0xC  }
0x5c: {  	[tilespmem:s28], [sflag:$0x1] =	stream.linear.gather [hbm4b:s17+s2], $0x10, $0x38;
	[tilespmem:$0xE000] =	vst v63  }
0x5d: {  	s20 =	spop (v2sf);
	(v2sf) =	vpush v51, $0xC  }
0x5e: {  	s17 =	sor.u32 s30, s29  }
0x5f: {  	s17 =	sshrl.u32 s17, $0x3  }
0x60: {  	s31 =	sadd.s32 $0x1090, s15;
	s17 =	sadd.s32 s3, s17  }
0x61: {  	[tilespmem:s31], [sflag:$0x1] =	stream.strided.gather [hbm4b:s17+s8], $0x0, s9, s8, $0x38;
	[tilespmem:$0xE000] =	vst v63  }
0x62: {  	_ = 	snop  }
0x63: {  	[tilespmem:s31], [sflag:$0x1] =	stream.linear.gather [hbm4b:s17+s2], $0x10, $0x38;
	[tilespmem:$0xE000] =	vst v63  }
0x64: {  	s17 =	sor.u32 s20, s19  }
0x65: {  	s17 =	sshrl.u32 s17, $0x3;
	s22 =	spop (v2sf);
	(v2sf) =	vpush v50, $0xD  }
0x66: {  	s21 =	sadd.s32 $0x10A0, s15;
	s17 =	sadd.s32 s3, s17;
	s23 =	spop (v2sf);
	(v2sf) =	vpush v51, $0xD  }
0x67: {  	[tilespmem:s21], [sflag:$0x1] =	stream.strided.gather [hbm4b:s17+s8], $0x0, s9, s8, $0x38;
	[tilespmem:$0xE000] =	vst v63  }
0x68: {  	_ = 	snop  }
0x69: {  	[tilespmem:s21], [sflag:$0x1] =	stream.linear.gather [hbm4b:s17+s2], $0x10, $0x38;
	[tilespmem:$0xE000] =	vst v63  }
0x6a: {  	s17 =	sor.u32 s23, s22;
	s25 =	spop (v2sf);
	(v2sf) =	vpush v50, $0xE  }
0x6b: {  	s17 =	sshrl.u32 s17, $0x3  }
0x6c: {  	s24 =	sadd.s32 $0x10B0, s15;
	s26 =	spop (v2sf);
	(v2sf) =	vpush v51, $0xE;
	s17 =	sadd.s32 s3, s17  }
0x6d: {  	[tilespmem:s24], [sflag:$0x1] =	stream.strided.gather [hbm4b:s17+s8], $0x0, s9, s8, $0x38;
	[tilespmem:$0xE000] =	vst v63  }
0x6e: {  	_ = 	snop  }
0x6f: {  	[tilespmem:s24], [sflag:$0x1] =	stream.linear.gather [hbm4b:s17+s2], $0x10, $0x38;
	[tilespmem:$0xE000] =	vst v63  }
0x70: {  	s17 =	sor.u32 s26, s25  }
0x71: {  	s17 =	sshrl.u32 s17, $0x3  }
0x72: {  	s28 =	sadd.s32 $0x10C0, s15;
	s17 =	sadd.s32 s3, s17  }
0x73: {  	[tilespmem:s28], [sflag:$0x1] =	stream.strided.gather [hbm4b:s17+s8], $0x0, s9, s8, $0x38;
	[tilespmem:$0xE000] =	vst v63  }
0x74: {  	s29 =	spop (v2sf);
	(v2sf) =	vpush v50, $0xF  }
0x75: {  	s30 =	spop (v2sf);
	(v2sf) =	vpush v51, $0xF  }
0x76: {  	[tilespmem:s28], [sflag:$0x1] =	stream.linear.gather [hbm4b:s17+s2], $0x10, $0x38;
	[tilespmem:$0xE000] =	vst v63  }
0x77: {  	s17 =	sor.u32 s30, s29  }
0x78: {  	s17 =	sshrl.u32 s17, $0x3  }
0x79: {  	s31 =	sadd.s32 $0x10D0, s15;
	s19 =	spop (v2sf);
	s17 =	sadd.s32 s3, s17  }
0x7a: {  	[tilespmem:s31], [sflag:$0x1] =	stream.strided.gather [hbm4b:s17+s8], $0x0, s9, s8, $0x38;
	[tilespmem:$0xE000] =	vst v63  }
0x7b: {  	s20 =	spop (v2sf)  }
0x7c: {  	[tilespmem:s31], [sflag:$0x1] =	stream.linear.gather [hbm4b:s17+s2], $0x10, $0x38;
	[tilespmem:$0xE000] =	vst v63  }
0x7d: {  	s17 =	sor.u32 s20, s19  }
0x7e: {  	s17 =	sshrl.u32 s17, $0x3  }
0x7f: {  	s21 =	sadd.s32 $0x10E0, s15;
	s17 =	sadd.s32 s3, s17  }
0x80: {  	[tilespmem:s21], [sflag:$0x1] =	stream.strided.gather [hbm4b:s17+s8], $0x0, s9, s8, $0x38;
	[tilespmem:$0xE000] =	vst v63  }
0x81: {  	_ = 	snop  }
0x82: {  	[tilespmem:s21], [sflag:$0x1] =	stream.linear.gather [hbm4b:s17+s2], $0x10, $0x38;
	[tilespmem:$0xE000] =	vst v63  }
0x83: {  	s22 =	spop (v2sf)  }
0x84: {  	s23 =	spop (v2sf)  }
0x85: {  	s17 =	sor.u32 s23, s22  }
0x86: {  	s17 =	sshrl.u32 s17, $0x3  }
0x87: {  	s24 =	sadd.s32 $0x10F0, s15;
	s17 =	sadd.s32 s3, s17  }
0x88: {  	[tilespmem:s24], [sflag:$0x1] =	stream.strided.gather [hbm4b:s17+s8], $0x0, s9, s8, $0x38;
	[tilespmem:$0xE000] =	vst v63  }
0x89: {  	_ = 	snop  }
0x8a: {  	[tilespmem:s24], [sflag:$0x1] =	stream.linear.gather [hbm4b:s17+s2], $0x10, $0x38;
	[tilespmem:$0xE000] =	vst v63  }
0x8b: {  	v52 =	vld [tilespmem:s16+$0x10];
	_ =	sdelay $0x4  }
0x8c: {  	v53 =	vshrl.u32 v52, $0x3  }
0x8d: {  	v55 =	vshll.u32 v53, $0xA  }
0x8e: {  	v54 =	vand.u32 $0x7, v52;
	(v2sf) =	vpush v55, $0x0  }
0x8f: {  	v56 =	vshll.u32 v54, $0x7  }
0x90: {  	(v2sf) =	vpush v56, $0x0  }
0x91: {  	(v2sf) =	vpush v55, $0x1;
	_ =	sdelay $0x1  }
0x92: {  	(v2sf) =	vpush v56, $0x1;
	_ =	sdelay $0x5  }
0x93: {  	(v2sf) =	vpush v55, $0x2;
	_ =	sdelay $0x3  }
0x94: {  	s25 =	spop (v2sf);
	(v2sf) =	vpush v56, $0x2;
	_ =	sdelay $0x1  }
0x95: {  	s26 =	spop (v2sf)  }
0x96: {  	s29 =	spop (v2sf);
	(v2sf) =	vpush v55, $0x3;
	_ =	sdelay $0x1  }
0x97: {  	s30 =	spop (v2sf);
	(v2sf) =	vpush v56, $0x3;
	_ =	sdelay $0x3  }
0x98: {  	s17 =	sor.u32 s26, s25  }
0x99: {  	s17 =	sshrl.u32 s17, $0x3  }
0x9a: {  	s28 =	sadd.s32 $0x1100, s15;
	s17 =	sadd.s32 s3, s17;
	s19 =	spop (v2sf)  }
0x9b: {  	(v2sf) =	vpush v55, $0x4;
	[tilespmem:s28], [sflag:$0x1] =	stream.strided.gather [hbm4b:s17+s8], $0x0, s9, s8, $0x38;
	[tilespmem:$0xE000] =	vst v63  }
0x9c: {  	_ = 	snop  }
0x9d: {  	[tilespmem:s28], [sflag:$0x1] =	stream.linear.gather [hbm4b:s17+s2], $0x10, $0x38;
	[tilespmem:$0xE000] =	vst v63  }
0x9e: {  	s20 =	spop (v2sf);
	(v2sf) =	vpush v56, $0x4  }
0x9f: {  	s17 =	sor.u32 s30, s29  }
0xa0: {  	s17 =	sshrl.u32 s17, $0x3  }
0xa1: {  	s31 =	sadd.s32 $0x1110, s15;
	s17 =	sadd.s32 s3, s17;
	s22 =	spop (v2sf);
	(v2sf) =	vpush v55, $0x5  }
0xa2: {  	[tilespmem:s31], [sflag:$0x1] =	stream.strided.gather [hbm4b:s17+s8], $0x0, s9, s8, $0x38;
	[tilespmem:$0xE000] =	vst v63  }
0xa3: {  	s23 =	spop (v2sf);
	(v2sf) =	vpush v56, $0x5;
	_ =	sdelay $0x1  }
0xa4: {  	[tilespmem:s31], [sflag:$0x1] =	stream.linear.gather [hbm4b:s17+s2], $0x10, $0x38;
	[tilespmem:$0xE000] =	vst v63  }
0xa5: {  	s17 =	sor.u32 s20, s19  }
0xa6: {  	s17 =	sshrl.u32 s17, $0x3  }
0xa7: {  	s21 =	sadd.s32 $0x1120, s15;
	s17 =	sadd.s32 s3, s17  }
0xa8: {  	[tilespmem:s21], [sflag:$0x1] =	stream.strided.gather [hbm4b:s17+s8], $0x0, s9, s8, $0x38;
	[tilespmem:$0xE000] =	vst v63  }
0xa9: {  	s25 =	spop (v2sf);
	(v2sf) =	vpush v55, $0x6;
	_ =	sdelay $0x1  }
0xaa: {  	[tilespmem:s21], [sflag:$0x1] =	stream.linear.gather [hbm4b:s17+s2], $0x10, $0x38;
	[tilespmem:$0xE000] =	vst v63  }
0xab: {  	s26 =	spop (v2sf);
	(v2sf) =	vpush v56, $0x6  }
0xac: {  	s17 =	sor.u32 s23, s22  }
0xad: {  	s17 =	sshrl.u32 s17, $0x3  }
0xae: {  	s24 =	sadd.s32 $0x1130, s15;
	s17 =	sadd.s32 s3, s17;
	s29 =	spop (v2sf);
	(v2sf) =	vpush v55, $0x7  }
0xaf: {  	[tilespmem:s24], [sflag:$0x1] =	stream.strided.gather [hbm4b:s17+s8], $0x0, s9, s8, $0x38;
	[tilespmem:$0xE000] =	vst v63  }
0xb0: {  	s30 =	spop (v2sf);
	(v2sf) =	vpush v56, $0x7;
	_ =	sdelay $0x1  }
0xb1: {  	[tilespmem:s24], [sflag:$0x1] =	stream.linear.gather [hbm4b:s17+s2], $0x10, $0x38;
	[tilespmem:$0xE000] =	vst v63  }
0xb2: {  	s17 =	sor.u32 s26, s25  }
0xb3: {  	s17 =	sshrl.u32 s17, $0x3  }
0xb4: {  	s28 =	sadd.s32 $0x1140, s15;
	s17 =	sadd.s32 s3, s17  }
0xb5: {  	[tilespmem:s28], [sflag:$0x1] =	stream.strided.gather [hbm4b:s17+s8], $0x0, s9, s8, $0x38;
	[tilespmem:$0xE000] =	vst v63  }
0xb6: {  	s19 =	spop (v2sf);
	(v2sf) =	vpush v55, $0x8;
	_ =	sdelay $0x1  }
0xb7: {  	[tilespmem:s28], [sflag:$0x1] =	stream.linear.gather [hbm4b:s17+s2], $0x10, $0x38;
	[tilespmem:$0xE000] =	vst v63  }
0xb8: {  	s20 =	spop (v2sf);
	(v2sf) =	vpush v56, $0x8  }
0xb9: {  	s17 =	sor.u32 s30, s29  }
0xba: {  	s17 =	sshrl.u32 s17, $0x3  }
0xbb: {  	s31 =	sadd.s32 $0x1150, s15;
	s17 =	sadd.s32 s3, s17;
	s22 =	spop (v2sf);
	(v2sf) =	vpush v55, $0x9  }
0xbc: {  	[tilespmem:s31], [sflag:$0x1] =	stream.strided.gather [hbm4b:s17+s8], $0x0, s9, s8, $0x38;
	[tilespmem:$0xE000] =	vst v63  }
0xbd: {  	s23 =	spop (v2sf);
	(v2sf) =	vpush v56, $0x9;
	_ =	sdelay $0x1  }
0xbe: {  	[tilespmem:s31], [sflag:$0x1] =	stream.linear.gather [hbm4b:s17+s2], $0x10, $0x38;
	[tilespmem:$0xE000] =	vst v63  }
0xbf: {  	s17 =	sor.u32 s20, s19  }
0xc0: {  	s17 =	sshrl.u32 s17, $0x3  }
0xc1: {  	s21 =	sadd.s32 $0x1160, s15;
	s17 =	sadd.s32 s3, s17  }
0xc2: {  	[tilespmem:s21], [sflag:$0x1] =	stream.strided.gather [hbm4b:s17+s8], $0x0, s9, s8, $0x38;
	[tilespmem:$0xE000] =	vst v63  }
0xc3: {  	s25 =	spop (v2sf);
	(v2sf) =	vpush v55, $0xA;
	_ =	sdelay $0x1  }
0xc4: {  	[tilespmem:s21], [sflag:$0x1] =	stream.linear.gather [hbm4b:s17+s2], $0x10, $0x38;
	[tilespmem:$0xE000] =	vst v63  }
0xc5: {  	s26 =	spop (v2sf);
	(v2sf) =	vpush v56, $0xA  }
0xc6: {  	s17 =	sor.u32 s23, s22  }
0xc7: {  	s17 =	sshrl.u32 s17, $0x3  }
0xc8: {  	s24 =	sadd.s32 $0x1170, s15;
	s17 =	sadd.s32 s3, s17;
	s29 =	spop (v2sf);
	(v2sf) =	vpush v55, $0xB  }
0xc9: {  	[tilespmem:s24], [sflag:$0x1] =	stream.strided.gather [hbm4b:s17+s8], $0x0, s9, s8, $0x38;
	[tilespmem:$0xE000] =	vst v63  }
0xca: {  	s30 =	spop (v2sf);
	(v2sf) =	vpush v56, $0xB;
	_ =	sdelay $0x1  }
0xcb: {  	[tilespmem:s24], [sflag:$0x1] =	stream.linear.gather [hbm4b:s17+s2], $0x10, $0x38;
	[tilespmem:$0xE000] =	vst v63  }
0xcc: {  	s17 =	sor.u32 s26, s25  }
0xcd: {  	s17 =	sshrl.u32 s17, $0x3  }
0xce: {  	s28 =	sadd.s32 $0x1180, s15;
	s17 =	sadd.s32 s3, s17  }
0xcf: {  	[tilespmem:s28], [sflag:$0x1] =	stream.strided.gather [hbm4b:s17+s8], $0x0, s9, s8, $0x38;
	[tilespmem:$0xE000] =	vst v63  }
0xd0: {  	s19 =	spop (v2sf)  }
0xd1: {  	(v2sf) =	vpush v55, $0xC;
	[tilespmem:s28], [sflag:$0x1] =	stream.linear.gather [hbm4b:s17+s2], $0x10, $0x38;
	[tilespmem:$0xE000] =	vst v63  }
0xd2: {  	s17 =	sor.u32 s30, s29  }
0xd3: {  	s17 =	sshrl.u32 s17, $0x3;
	s20 =	spop (v2sf);
	(v2sf) =	vpush v56, $0xC  }
0xd4: {  	s31 =	sadd.s32 $0x1190, s15;
	s17 =	sadd.s32 s3, s17  }
0xd5: {  	[tilespmem:s31], [sflag:$0x1] =	stream.strided.gather [hbm4b:s17+s8], $0x0, s9, s8, $0x38;
	[tilespmem:$0xE000] =	vst v63  }
0xd6: {  	s22 =	spop (v2sf);
	(v2sf) =	vpush v55, $0xD  }
0xd7: {  	[tilespmem:s31], [sflag:$0x1] =	stream.linear.gather [hbm4b:s17+s2], $0x10, $0x38;
	[tilespmem:$0xE000] =	vst v63  }
0xd8: {  	s17 =	sor.u32 s20, s19;
	s23 =	spop (v2sf);
	(v2sf) =	vpush v56, $0xD  }
0xd9: {  	s17 =	sshrl.u32 s17, $0x3  }
0xda: {  	s21 =	sadd.s32 $0x11A0, s15;
	s17 =	sadd.s32 s3, s17  }
0xdb: {  	[tilespmem:s21], [sflag:$0x1] =	stream.strided.gather [hbm4b:s17+s8], $0x0, s9, s8, $0x38;
	[tilespmem:$0xE000] =	vst v63  }
0xdc: {  	_ = 	snop  }
0xdd: {  	[tilespmem:s21], [sflag:$0x1] =	stream.linear.gather [hbm4b:s17+s2], $0x10, $0x38;
	[tilespmem:$0xE000] =	vst v63  }
0xde: {  	s17 =	sor.u32 s23, s22  }
0xdf: {  	s17 =	sshrl.u32 s17, $0x3  }
0xe0: {  	s24 =	sadd.s32 $0x11B0, s15;
	s25 =	spop (v2sf);
	(v2sf) =	vpush v55, $0xE;
	s17 =	sadd.s32 s3, s17  }
0xe1: {  	[tilespmem:s24], [sflag:$0x1] =	stream.strided.gather [hbm4b:s17+s8], $0x0, s9, s8, $0x38;
	[tilespmem:$0xE000] =	vst v63  }
0xe2: {  	s26 =	spop (v2sf);
	(v2sf) =	vpush v56, $0xE;
	_ =	sdelay $0x1  }
0xe3: {  	[tilespmem:s24], [sflag:$0x1] =	stream.linear.gather [hbm4b:s17+s2], $0x10, $0x38;
	[tilespmem:$0xE000] =	vst v63  }
0xe4: {  	s17 =	sor.u32 s26, s25;
	s29 =	spop (v2sf);
	(v2sf) =	vpush v55, $0xF  }
0xe5: {  	s17 =	sshrl.u32 s17, $0x3  }
0xe6: {  	s28 =	sadd.s32 $0x11C0, s15;
	s17 =	sadd.s32 s3, s17;
	s30 =	spop (v2sf);
	(v2sf) =	vpush v56, $0xF  }
0xe7: {  	[tilespmem:s28], [sflag:$0x1] =	stream.strided.gather [hbm4b:s17+s8], $0x0, s9, s8, $0x38;
	[tilespmem:$0xE000] =	vst v63  }
0xe8: {  	_ = 	snop  }
0xe9: {  	[tilespmem:s28], [sflag:$0x1] =	stream.linear.gather [hbm4b:s17+s2], $0x10, $0x38;
	[tilespmem:$0xE000] =	vst v63  }
0xea: {  	s17 =	sor.u32 s30, s29  }
0xeb: {  	s17 =	sshrl.u32 s17, $0x3  }
0xec: {  	s31 =	sadd.s32 $0x11D0, s15;
	s17 =	sadd.s32 s3, s17  }
0xed: {  	[tilespmem:s31], [sflag:$0x1] =	stream.strided.gather [hbm4b:s17+s8], $0x0, s9, s8, $0x38;
	[tilespmem:$0xE000] =	vst v63  }
0xee: {  	s19 =	spop (v2sf)  }
0xef: {  	[tilespmem:s31], [sflag:$0x1] =	stream.linear.gather [hbm4b:s17+s2], $0x10, $0x38;
	[tilespmem:$0xE000] =	vst v63  }
0xf0: {  	s20 =	spop (v2sf)  }
0xf1: {  	s17 =	sor.u32 s20, s19  }
0xf2: {  	s17 =	sshrl.u32 s17, $0x3  }
0xf3: {  	s21 =	sadd.s32 $0x11E0, s15;
	s22 =	spop (v2sf);
	s17 =	sadd.s32 s3, s17  }
0xf4: {  	[tilespmem:s21], [sflag:$0x1] =	stream.strided.gather [hbm4b:s17+s8], $0x0, s9, s8, $0x38;
	[tilespmem:$0xE000] =	vst v63  }
0xf5: {  	s23 =	spop (v2sf)  }
0xf6: {  	[tilespmem:s21], [sflag:$0x1] =	stream.linear.gather [hbm4b:s17+s2], $0x10, $0x38;
	[tilespmem:$0xE000] =	vst v63  }
0xf7: {  	s17 =	sor.u32 s23, s22  }
0xf8: {  	s17 =	sshrl.u32 s17, $0x3  }
0xf9: {  	s24 =	sadd.s32 $0x11F0, s15;
	s17 =	sadd.s32 s3, s17  }
0xfa: {  	[tilespmem:s24], [sflag:$0x1] =	stream.strided.gather [hbm4b:s17+s8], $0x0, s9, s8, $0x38;
	[tilespmem:$0xE000] =	vst v63  }
0xfb: {  	_ = 	snop  }
0xfc: {  	[tilespmem:s24], [sflag:$0x1] =	stream.linear.gather [hbm4b:s17+s2], $0x10, $0x38;
	[tilespmem:$0xE000] =	vst v63  }
0xfd: {  	v57 =	vld [tilespmem:s16+$0x20];
	_ =	sdelay $0x4  }
0xfe: {  	v58 =	vshrl.u32 v57, $0x3  }
0xff: {  	v60 =	vshll.u32 v58, $0xA  }
0x100: {  	v59 =	vand.u32 $0x7, v57;
	(v2sf) =	vpush v60, $0x0  }
0x101: {  	v61 =	vshll.u32 v59, $0x7  }
0x102: {  	(v2sf) =	vpush v61, $0x0  }
0x103: {  	(v2sf) =	vpush v60, $0x1;
	_ =	sdelay $0x1  }
0x104: {  	(v2sf) =	vpush v61, $0x1;
	_ =	sdelay $0x5  }
0x105: {  	(v2sf) =	vpush v60, $0x2;
	_ =	sdelay $0x3  }
0x106: {  	s25 =	spop (v2sf);
	(v2sf) =	vpush v61, $0x2;
	_ =	sdelay $0x1  }
0x107: {  	s26 =	spop (v2sf)  }
0x108: {  	s29 =	spop (v2sf);
	(v2sf) =	vpush v60, $0x3;
	_ =	sdelay $0x1  }
0x109: {  	s30 =	spop (v2sf);
	(v2sf) =	vpush v61, $0x3;
	_ =	sdelay $0x3  }
0x10a: {  	s17 =	sor.u32 s26, s25  }
0x10b: {  	s17 =	sshrl.u32 s17, $0x3  }
0x10c: {  	s28 =	sadd.s32 $0x1200, s15;
	s17 =	sadd.s32 s3, s17;
	s19 =	spop (v2sf)  }
0x10d: {  	(v2sf) =	vpush v60, $0x4;
	[tilespmem:s28], [sflag:$0x1] =	stream.strided.gather [hbm4b:s17+s8], $0x0, s9, s8, $0x38;
	[tilespmem:$0xE000] =	vst v63  }
0x10e: {  	_ = 	snop  }
0x10f: {  	[tilespmem:s28], [sflag:$0x1] =	stream.linear.gather [hbm4b:s17+s2], $0x10, $0x38;
	[tilespmem:$0xE000] =	vst v63  }
0x110: {  	s20 =	spop (v2sf);
	(v2sf) =	vpush v61, $0x4  }
0x111: {  	s17 =	sor.u32 s30, s29  }
0x112: {  	s17 =	sshrl.u32 s17, $0x3  }
0x113: {  	s31 =	sadd.s32 $0x1210, s15;
	s17 =	sadd.s32 s3, s17;
	s22 =	spop (v2sf);
	(v2sf) =	vpush v60, $0x5  }
0x114: {  	[tilespmem:s31], [sflag:$0x1] =	stream.strided.gather [hbm4b:s17+s8], $0x0, s9, s8, $0x38;
	[tilespmem:$0xE000] =	vst v63  }
0x115: {  	s23 =	spop (v2sf);
	(v2sf) =	vpush v61, $0x5;
	_ =	sdelay $0x1  }
0x116: {  	[tilespmem:s31], [sflag:$0x1] =	stream.linear.gather [hbm4b:s17+s2], $0x10, $0x38;
	[tilespmem:$0xE000] =	vst v63  }
0x117: {  	s17 =	sor.u32 s20, s19  }
0x118: {  	s17 =	sshrl.u32 s17, $0x3  }
0x119: {  	s21 =	sadd.s32 $0x1220, s15;
	s17 =	sadd.s32 s3, s17  }
0x11a: {  	[tilespmem:s21], [sflag:$0x1] =	stream.strided.gather [hbm4b:s17+s8], $0x0, s9, s8, $0x38;
	[tilespmem:$0xE000] =	vst v63  }
0x11b: {  	s25 =	spop (v2sf);
	(v2sf) =	vpush v60, $0x6;
	_ =	sdelay $0x1  }
0x11c: {  	[tilespmem:s21], [sflag:$0x1] =	stream.linear.gather [hbm4b:s17+s2], $0x10, $0x38;
	[tilespmem:$0xE000] =	vst v63  }
0x11d: {  	s26 =	spop (v2sf);
	(v2sf) =	vpush v61, $0x6  }
0x11e: {  	s17 =	sor.u32 s23, s22  }
0x11f: {  	s17 =	sshrl.u32 s17, $0x3  }
0x120: {  	s24 =	sadd.s32 $0x1230, s15;
	s17 =	sadd.s32 s3, s17;
	s29 =	spop (v2sf);
	(v2sf) =	vpush v60, $0x7  }
0x121: {  	[tilespmem:s24], [sflag:$0x1] =	stream.strided.gather [hbm4b:s17+s8], $0x0, s9, s8, $0x38;
	[tilespmem:$0xE000] =	vst v63  }
0x122: {  	s30 =	spop (v2sf);
	(v2sf) =	vpush v61, $0x7;
	_ =	sdelay $0x1  }
0x123: {  	[tilespmem:s24], [sflag:$0x1] =	stream.linear.gather [hbm4b:s17+s2], $0x10, $0x38;
	[tilespmem:$0xE000] =	vst v63  }
0x124: {  	s17 =	sor.u32 s26, s25  }
0x125: {  	s17 =	sshrl.u32 s17, $0x3  }
0x126: {  	s28 =	sadd.s32 $0x1240, s15;
	s17 =	sadd.s32 s3, s17  }
0x127: {  	[tilespmem:s28], [sflag:$0x1] =	stream.strided.gather [hbm4b:s17+s8], $0x0, s9, s8, $0x38;
	[tilespmem:$0xE000] =	vst v63  }
0x128: {  	s19 =	spop (v2sf);
	(v2sf) =	vpush v60, $0x8;
	_ =	sdelay $0x1  }
0x129: {  	[tilespmem:s28], [sflag:$0x1] =	stream.linear.gather [hbm4b:s17+s2], $0x10, $0x38;
	[tilespmem:$0xE000] =	vst v63  }
0x12a: {  	s20 =	spop (v2sf);
	(v2sf) =	vpush v61, $0x8  }
0x12b: {  	s17 =	sor.u32 s30, s29  }
0x12c: {  	s17 =	sshrl.u32 s17, $0x3  }
0x12d: {  	s31 =	sadd.s32 $0x1250, s15;
	s17 =	sadd.s32 s3, s17;
	s22 =	spop (v2sf);
	(v2sf) =	vpush v60, $0x9  }
0x12e: {  	[tilespmem:s31], [sflag:$0x1] =	stream.strided.gather [hbm4b:s17+s8], $0x0, s9, s8, $0x38;
	[tilespmem:$0xE000] =	vst v63  }
0x12f: {  	s23 =	spop (v2sf);
	(v2sf) =	vpush v61, $0x9;
	_ =	sdelay $0x1  }
0x130: {  	[tilespmem:s31], [sflag:$0x1] =	stream.linear.gather [hbm4b:s17+s2], $0x10, $0x38;
	[tilespmem:$0xE000] =	vst v63  }
0x131: {  	s17 =	sor.u32 s20, s19  }
0x132: {  	s17 =	sshrl.u32 s17, $0x3  }
0x133: {  	s21 =	sadd.s32 $0x1260, s15;
	s17 =	sadd.s32 s3, s17  }
0x134: {  	[tilespmem:s21], [sflag:$0x1] =	stream.strided.gather [hbm4b:s17+s8], $0x0, s9, s8, $0x38;
	[tilespmem:$0xE000] =	vst v63  }
0x135: {  	s25 =	spop (v2sf);
	(v2sf) =	vpush v60, $0xA;
	_ =	sdelay $0x1  }
0x136: {  	[tilespmem:s21], [sflag:$0x1] =	stream.linear.gather [hbm4b:s17+s2], $0x10, $0x38;
	[tilespmem:$0xE000] =	vst v63  }
0x137: {  	s26 =	spop (v2sf);
	(v2sf) =	vpush v61, $0xA  }
0x138: {  	s17 =	sor.u32 s23, s22  }
0x139: {  	s17 =	sshrl.u32 s17, $0x3  }
0x13a: {  	s24 =	sadd.s32 $0x1270, s15;
	s17 =	sadd.s32 s3, s17;
	s29 =	spop (v2sf);
	(v2sf) =	vpush v60, $0xB  }
0x13b: {  	[tilespmem:s24], [sflag:$0x1] =	stream.strided.gather [hbm4b:s17+s8], $0x0, s9, s8, $0x38;
	[tilespmem:$0xE000] =	vst v63  }
0x13c: {  	s30 =	spop (v2sf);
	(v2sf) =	vpush v61, $0xB;
	_ =	sdelay $0x1  }
0x13d: {  	[tilespmem:s24], [sflag:$0x1] =	stream.linear.gather [hbm4b:s17+s2], $0x10, $0x38;
	[tilespmem:$0xE000] =	vst v63  }
0x13e: {  	s17 =	sor.u32 s26, s25  }
0x13f: {  	s17 =	sshrl.u32 s17, $0x3  }
0x140: {  	s28 =	sadd.s32 $0x1280, s15;
	s17 =	sadd.s32 s3, s17  }
0x141: {  	[tilespmem:s28], [sflag:$0x1] =	stream.strided.gather [hbm4b:s17+s8], $0x0, s9, s8, $0x38;
	[tilespmem:$0xE000] =	vst v63  }
0x142: {  	s19 =	spop (v2sf)  }
0x143: {  	(v2sf) =	vpush v60, $0xC;
	[tilespmem:s28], [sflag:$0x1] =	stream.linear.gather [hbm4b:s17+s2], $0x10, $0x38;
	[tilespmem:$0xE000] =	vst v63  }
0x144: {  	s17 =	sor.u32 s30, s29  }
0x145: {  	s17 =	sshrl.u32 s17, $0x3;
	s20 =	spop (v2sf);
	(v2sf) =	vpush v61, $0xC  }
0x146: {  	s31 =	sadd.s32 $0x1290, s15;
	s17 =	sadd.s32 s3, s17  }
0x147: {  	[tilespmem:s31], [sflag:$0x1] =	stream.strided.gather [hbm4b:s17+s8], $0x0, s9, s8, $0x38;
	[tilespmem:$0xE000] =	vst v63  }
0x148: {  	s22 =	spop (v2sf);
	(v2sf) =	vpush v60, $0xD  }
0x149: {  	[tilespmem:s31], [sflag:$0x1] =	stream.linear.gather [hbm4b:s17+s2], $0x10, $0x38;
	[tilespmem:$0xE000] =	vst v63  }
0x14a: {  	s17 =	sor.u32 s20, s19;
	s23 =	spop (v2sf);
	(v2sf) =	vpush v61, $0xD  }
0x14b: {  	s17 =	sshrl.u32 s17, $0x3  }
0x14c: {  	s21 =	sadd.s32 $0x12A0, s15;
	s17 =	sadd.s32 s3, s17  }
0x14d: {  	[tilespmem:s21], [sflag:$0x1] =	stream.strided.gather [hbm4b:s17+s8], $0x0, s9, s8, $0x38;
	[tilespmem:$0xE000] =	vst v63  }
0x14e: {  	_ = 	snop  }
0x14f: {  	[tilespmem:s21], [sflag:$0x1] =	stream.linear.gather [hbm4b:s17+s2], $0x10, $0x38;
	[tilespmem:$0xE000] =	vst v63  }
0x150: {  	s17 =	sor.u32 s23, s22  }
0x151: {  	s17 =	sshrl.u32 s17, $0x3  }
0x152: {  	s24 =	sadd.s32 $0x12B0, s15;
	s25 =	spop (v2sf);
	(v2sf) =	vpush v60, $0xE;
	s17 =	sadd.s32 s3, s17  }
0x153: {  	[tilespmem:s24], [sflag:$0x1] =	stream.strided.gather [hbm4b:s17+s8], $0x0, s9, s8, $0x38;
	[tilespmem:$0xE000] =	vst v63  }
0x154: {  	s26 =	spop (v2sf);
	(v2sf) =	vpush v61, $0xE;
	_ =	sdelay $0x1  }
0x155: {  	[tilespmem:s24], [sflag:$0x1] =	stream.linear.gather [hbm4b:s17+s2], $0x10, $0x38;
	[tilespmem:$0xE000] =	vst v63  }
0x156: {  	s17 =	sor.u32 s26, s25;
	s29 =	spop (v2sf);
	(v2sf) =	vpush v60, $0xF  }
0x157: {  	s17 =	sshrl.u32 s17, $0x3  }
0x158: {  	s28 =	sadd.s32 $0x12C0, s15;
	s17 =	sadd.s32 s3, s17;
	s30 =	spop (v2sf);
	(v2sf) =	vpush v61, $0xF  }
0x159: {  	[tilespmem:s28], [sflag:$0x1] =	stream.strided.gather [hbm4b:s17+s8], $0x0, s9, s8, $0x38;
	[tilespmem:$0xE000] =	vst v63  }
0x15a: {  	_ = 	snop  }
0x15b: {  	[tilespmem:s28], [sflag:$0x1] =	stream.linear.gather [hbm4b:s17+s2], $0x10, $0x38;
	[tilespmem:$0xE000] =	vst v63  }
0x15c: {  	s17 =	sor.u32 s30, s29  }
0x15d: {  	s17 =	sshrl.u32 s17, $0x3  }
0x15e: {  	s31 =	sadd.s32 $0x12D0, s15;
	s17 =	sadd.s32 s3, s17  }
0x15f: {  	[tilespmem:s31], [sflag:$0x1] =	stream.strided.gather [hbm4b:s17+s8], $0x0, s9, s8, $0x38;
	[tilespmem:$0xE000] =	vst v63  }
0x160: {  	s19 =	spop (v2sf)  }
0x161: {  	[tilespmem:s31], [sflag:$0x1] =	stream.linear.gather [hbm4b:s17+s2], $0x10, $0x38;
	[tilespmem:$0xE000] =	vst v63  }
0x162: {  	s20 =	spop (v2sf)  }
0x163: {  	s17 =	sor.u32 s20, s19  }
0x164: {  	s17 =	sshrl.u32 s17, $0x3  }
0x165: {  	s21 =	sadd.s32 $0x12E0, s15;
	s22 =	spop (v2sf);
	s17 =	sadd.s32 s3, s17  }
0x166: {  	[tilespmem:s21], [sflag:$0x1] =	stream.strided.gather [hbm4b:s17+s8], $0x0, s9, s8, $0x38;
	[tilespmem:$0xE000] =	vst v63  }
0x167: {  	s23 =	spop (v2sf)  }
0x168: {  	[tilespmem:s21], [sflag:$0x1] =	stream.linear.gather [hbm4b:s17+s2], $0x10, $0x38;
	[tilespmem:$0xE000] =	vst v63  }
0x169: {  	s17 =	sor.u32 s23, s22  }
0x16a: {  	s17 =	sshrl.u32 s17, $0x3  }
0x16b: {  	s24 =	sadd.s32 $0x12F0, s15;
	s17 =	sadd.s32 s3, s17  }
0x16c: {  	[tilespmem:s24], [sflag:$0x1] =	stream.strided.gather [hbm4b:s17+s8], $0x0, s9, s8, $0x38;
	[tilespmem:$0xE000] =	vst v63  }
0x16d: {  	_ = 	snop  }
0x16e: {  	[tilespmem:s24], [sflag:$0x1] =	stream.linear.gather [hbm4b:s17+s2], $0x10, $0x38;
	[tilespmem:$0xE000] =	vst v63  }
0x16f: {  	_ =	swait.ge [sflag:s10], $0x10  }
0x170: {  	[sflag:s10] =	ssyncset.done $0x0  }
0x171: {  	[sflag:s10] =	ssyncadd.s32 $0xFFFFFFF0  }
0x172: {  	_ =	swait.ge [sflag:s10], $0x10  }
0x173: {  	[sflag:s10] =	ssyncset.done $0x0  }
0x174: {  	[sflag:s10] =	ssyncadd.s32 $0xFFFFFFF0  }
0x175: {  	_ =	swait.ge [sflag:s10], $0x10  }
0x176: {  	[sflag:s10] =	ssyncset.done $0x0  }
0x177: {  	[sflag:s10] =	ssyncadd.s32 $0xFFFFFFF0  }
0x178: {  	_ =	swait.ge [sflag:s10], $0x10  }
0x179: {  	[sflag:s10] =	ssyncset.done $0x0  }
0x17a: {  	[sflag:s10] =	ssyncadd.s32 $0xFFFFFFF0  }
0x17b: {  	_ =	swait.ge [sflag:s10], $0x10  }
0x17c: {  	[sflag:s10] =	ssyncset.done $0x0  }
0x17d: {  	[sflag:s10] =	ssyncadd.s32 $0xFFFFFFF0  }
0x17e: {  	_ =	swait.ge [sflag:s10], $0x10  }
0x17f: {  	[sflag:s10] =	ssyncset.done $0x0  }
0x180: {  	[sflag:s10] =	ssyncadd.s32 $0xFFFFFFF0  }
0x181: {  	_ =	swait.ge [sflag:s10], $0x10  }
0x182: {  	[sflag:s10] =	ssyncset.done $0x0  }
0x183: {  	[sflag:s10] =	ssyncadd.s32 $0xFFFFFFF0  }
0x184: {  	_ =	swait.ge [sflag:s10], $0x10  }
0x185: {  	[sflag:s10] =	ssyncset.done $0x0  }
0x186: {  	[sflag:s10] =	ssyncadd.s32 $0xFFFFFFF0  }
0x187: {  	_ =	swait.ge [sflag:s10], $0x10  }
0x188: {  	[sflag:s10] =	ssyncset.done $0x0  }
0x189: {  	[sflag:s10] =	ssyncadd.s32 $0xFFFFFFF0  }
0x18a: {  	_ =	swait.ge [sflag:s10], $0x10  }
0x18b: {  	[sflag:s10] =	ssyncset.done $0x0  }
0x18c: {  	[sflag:s10] =	ssyncadd.s32 $0xFFFFFFF0  }
0x18d: {  	_ =	swait.ge [sflag:s10], $0x10  }
0x18e: {  	[sflag:s10] =	ssyncset.done $0x0  }
0x18f: {  	[sflag:s10] =	ssyncadd.s32 $0xFFFFFFF0  }
0x190: {  	_ =	swait.ge [sflag:s10], $0x10  }
0x191: {  	[sflag:s10] =	ssyncset.done $0x0  }
0x192: {  	[sflag:s10] =	ssyncadd.s32 $0xFFFFFFF0  }
0x193: {  	_ =	swait.ge [sflag:s10], $0x10  }
0x194: {  	[sflag:s10] =	ssyncset.done $0x0  }
0x195: {  	[sflag:s10] =	ssyncadd.s32 $0xFFFFFFF0  }
0x196: {  	_ =	swait.ge [sflag:s10], $0x10  }
0x197: {  	[sflag:s10] =	ssyncset.done $0x0  }
0x198: {  	[sflag:s10] =	ssyncadd.s32 $0xFFFFFFF0  }
0x199: {  	_ =	swait.ge [sflag:s10], $0x10  }
0x19a: {  	[sflag:s10] =	ssyncset.done $0x0  }
0x19b: {  	[sflag:s10] =	ssyncadd.s32 $0xFFFFFFF0  }
0x19c: {  	_ =	swait.ge [sflag:s10], $0x10  }
0x19d: {  	[sflag:s10] =	ssyncset.done $0x0  }
0x19e: {  	[sflag:s10] =	ssyncadd.s32 $0xFFFFFFF0  }
0x19f: {  	v62 =	vld [tilespmem:s16+$0x30];
	_ =	sdelay $0x4  }
0x1a0: {  	v63 =	vshrl.u32 v62, $0x3  }
0x1a1: {  	v1 =	vshll.u32 v63, $0xA  }
0x1a2: {  	(v2sf) =	vpush v1, $0x0;
	_ =	sdelay $0x1  }
0x1a3: {  	v0 =	vand.u32 $0x7, v62  }
0x1a4: {  	v0 =	vshll.u32 v0, $0x7  }
0x1a5: {  	(v2sf) =	vpush v0, $0x0  }
0x1a6: {  	(v2sf) =	vpush v1, $0x1;
	_ =	sdelay $0x1  }
0x1a7: {  	(v2sf) =	vpush v0, $0x1;
	_ =	sdelay $0x3  }
0x1a8: {  	(v2sf) =	vpush v1, $0x2;
	_ =	sdelay $0x3  }
0x1a9: {  	s25 =	spop (v2sf);
	(v2sf) =	vpush v0, $0x2;
	_ =	sdelay $0x3  }
0x1aa: {  	s26 =	spop (v2sf)  }
0x1ab: {  	s29 =	spop (v2sf);
	(v2sf) =	vpush v1, $0x3;
	_ =	sdelay $0x1  }
0x1ac: {  	s30 =	spop (v2sf);
	(v2sf) =	vpush v0, $0x3;
	_ =	sdelay $0x3  }
0x1ad: {  	s17 =	spop (v2sf);
	(v2sf) =	vpush v1, $0x4;
	_ =	sdelay $0x2  }
0x1ae: {  	s16 =	sor.u32 s26, s25  }
0x1af: {  	s16 =	sshrl.u32 s16, $0x3;
	s18 =	spop (v2sf);
	(v2sf) =	vpush v0, $0x4  }
0x1b0: {  	s28 =	sadd.s32 $0x1300, s15;
	s16 =	sadd.s32 s3, s16  }
0x1b1: {  	[tilespmem:s28], [sflag:$0x1] =	stream.strided.gather [hbm4b:s16+s8], $0x0, s9, s8, $0x38;
	[tilespmem:$0xE000] =	vst v63  }
0x1b2: {  	_ = 	snop  }
0x1b3: {  	[tilespmem:s28], [sflag:$0x1] =	stream.linear.gather [hbm4b:s16+s2], $0x10, $0x38;
	[tilespmem:$0xE000] =	vst v63  }
0x1b4: {  	s16 =	sor.u32 s30, s29;
	s20 =	spop (v2sf);
	(v2sf) =	vpush v1, $0x5  }
0x1b5: {  	s16 =	sshrl.u32 s16, $0x3  }
0x1b6: {  	s31 =	sadd.s32 $0x1310, s15;
	s16 =	sadd.s32 s3, s16;
	s21 =	spop (v2sf);
	(v2sf) =	vpush v0, $0x5  }
0x1b7: {  	[tilespmem:s31], [sflag:$0x1] =	stream.strided.gather [hbm4b:s16+s8], $0x0, s9, s8, $0x38;
	[tilespmem:$0xE000] =	vst v63  }
0x1b8: {  	_ = 	snop  }
0x1b9: {  	[tilespmem:s31], [sflag:$0x1] =	stream.linear.gather [hbm4b:s16+s2], $0x10, $0x38;
	[tilespmem:$0xE000] =	vst v63  }
0x1ba: {  	s16 =	sor.u32 s18, s17;
	s23 =	spop (v2sf);
	(v2sf) =	vpush v1, $0x6  }
0x1bb: {  	s16 =	sshrl.u32 s16, $0x3  }
0x1bc: {  	s19 =	sadd.s32 $0x1320, s15;
	s16 =	sadd.s32 s3, s16  }
0x1bd: {  	[tilespmem:s19], [sflag:$0x1] =	stream.strided.gather [hbm4b:s16+s8], $0x0, s9, s8, $0x38;
	[tilespmem:$0xE000] =	vst v63  }
0x1be: {  	s24 =	spop (v2sf);
	(v2sf) =	vpush v0, $0x6;
	_ =	sdelay $0x1  }
0x1bf: {  	[tilespmem:s19], [sflag:$0x1] =	stream.linear.gather [hbm4b:s16+s2], $0x10, $0x38;
	[tilespmem:$0xE000] =	vst v63  }
0x1c0: {  	s16 =	sor.u32 s21, s20  }
0x1c1: {  	s16 =	sshrl.u32 s16, $0x3  }
0x1c2: {  	s22 =	sadd.s32 $0x1330, s15;
	s16 =	sadd.s32 s3, s16;
	s26 =	spop (v2sf);
	(v2sf) =	vpush v1, $0x7  }
0x1c3: {  	[tilespmem:s22], [sflag:$0x1] =	stream.strided.gather [hbm4b:s16+s8], $0x0, s9, s8, $0x38;
	[tilespmem:$0xE000] =	vst v63  }
0x1c4: {  	s28 =	spop (v2sf);
	(v2sf) =	vpush v0, $0x7  }
0x1c5: {  	[tilespmem:s22], [sflag:$0x1] =	stream.linear.gather [hbm4b:s16+s2], $0x10, $0x38;
	[tilespmem:$0xE000] =	vst v63  }
0x1c6: {  	s16 =	sor.u32 s24, s23  }
0x1c7: {  	s16 =	sshrl.u32 s16, $0x3  }
0x1c8: {  	s25 =	sadd.s32 $0x1340, s15;
	s16 =	sadd.s32 s3, s16;
	s30 =	spop (v2sf);
	(v2sf) =	vpush v1, $0x8  }
0x1c9: {  	[tilespmem:s25], [sflag:$0x1] =	stream.strided.gather [hbm4b:s16+s8], $0x0, s9, s8, $0x38;
	[tilespmem:$0xE000] =	vst v63  }
0x1ca: {  	_ = 	snop  }
0x1cb: {  	[tilespmem:s25], [sflag:$0x1] =	stream.linear.gather [hbm4b:s16+s2], $0x10, $0x38;
	[tilespmem:$0xE000] =	vst v63  }
0x1cc: {  	s31 =	spop (v2sf);
	(v2sf) =	vpush v0, $0x8  }
0x1cd: {  	s16 =	sor.u32 s28, s26  }
0x1ce: {  	s16 =	sshrl.u32 s16, $0x3  }
0x1cf: {  	s29 =	sadd.s32 $0x1350, s15;
	s16 =	sadd.s32 s3, s16  }
0x1d0: {  	[tilespmem:s29], [sflag:$0x1] =	stream.strided.gather [hbm4b:s16+s8], $0x0, s9, s8, $0x38;
	[tilespmem:$0xE000] =	vst v63  }
0x1d1: {  	s19 =	spop (v2sf);
	(v2sf) =	vpush v1, $0x9  }
0x1d2: {  	[tilespmem:s29], [sflag:$0x1] =	stream.linear.gather [hbm4b:s16+s2], $0x10, $0x38;
	[tilespmem:$0xE000] =	vst v63  }
0x1d3: {  	s16 =	sor.u32 s31, s30;
	s20 =	spop (v2sf);
	(v2sf) =	vpush v0, $0x9  }
0x1d4: {  	s16 =	sshrl.u32 s16, $0x3  }
0x1d5: {  	s18 =	sadd.s32 $0x1360, s15;
	s16 =	sadd.s32 s3, s16  }
0x1d6: {  	[tilespmem:s18], [sflag:$0x1] =	stream.strided.gather [hbm4b:s16+s8], $0x0, s9, s8, $0x38;
	[tilespmem:$0xE000] =	vst v63  }
0x1d7: {  	s22 =	spop (v2sf);
	(v2sf) =	vpush v1, $0xA;
	_ =	sdelay $0x1  }
0x1d8: {  	[tilespmem:s18], [sflag:$0x1] =	stream.linear.gather [hbm4b:s16+s2], $0x10, $0x38;
	[tilespmem:$0xE000] =	vst v63  }
0x1d9: {  	s16 =	sor.u32 s20, s19  }
0x1da: {  	s16 =	sshrl.u32 s16, $0x3;
	s23 =	spop (v2sf);
	(v2sf) =	vpush v0, $0xA  }
0x1db: {  	s21 =	sadd.s32 $0x1370, s15;
	s16 =	sadd.s32 s3, s16  }
0x1dc: {  	[tilespmem:s21], [sflag:$0x1] =	stream.strided.gather [hbm4b:s16+s8], $0x0, s9, s8, $0x38;
	[tilespmem:$0xE000] =	vst v63  }
0x1dd: {  	_ = 	snop  }
0x1de: {  	[tilespmem:s21], [sflag:$0x1] =	stream.linear.gather [hbm4b:s16+s2], $0x10, $0x38;
	[tilespmem:$0xE000] =	vst v63  }
0x1df: {  	s16 =	sor.u32 s23, s22;
	s25 =	spop (v2sf);
	(v2sf) =	vpush v1, $0xB  }
0x1e0: {  	s16 =	sshrl.u32 s16, $0x3  }
0x1e1: {  	s24 =	sadd.s32 $0x1380, s15;
	s16 =	sadd.s32 s3, s16;
	s26 =	spop (v2sf);
	(v2sf) =	vpush v0, $0xB  }
0x1e2: {  	[tilespmem:s24], [sflag:$0x1] =	stream.strided.gather [hbm4b:s16+s8], $0x0, s9, s8, $0x38;
	[tilespmem:$0xE000] =	vst v63  }
0x1e3: {  	_ = 	snop  }
0x1e4: {  	[tilespmem:s24], [sflag:$0x1] =	stream.linear.gather [hbm4b:s16+s2], $0x10, $0x38;
	[tilespmem:$0xE000] =	vst v63  }
0x1e5: {  	s29 =	spop (v2sf);
	(v2sf) =	vpush v1, $0xC;
	s16 =	sor.u32 s26, s25  }
0x1e6: {  	s16 =	sshrl.u32 s16, $0x3  }
0x1e7: {  	s28 =	sadd.s32 $0x1390, s15;
	s16 =	sadd.s32 s3, s16  }
0x1e8: {  	[tilespmem:s28], [sflag:$0x1] =	stream.strided.gather [hbm4b:s16+s8], $0x0, s9, s8, $0x38;
	[tilespmem:$0xE000] =	vst v63  }
0x1e9: {  	s30 =	spop (v2sf);
	(v2sf) =	vpush v0, $0xC;
	_ =	sdelay $0x1  }
0x1ea: {  	[tilespmem:s28], [sflag:$0x1] =	stream.linear.gather [hbm4b:s16+s2], $0x10, $0x38;
	[tilespmem:$0xE000] =	vst v63  }
0x1eb: {  	s16 =	sor.u32 s30, s29;
	(v2sf) =	vpush v1, $0xD  }
0x1ec: {  	s16 =	sshrl.u32 s16, $0x3  }
0x1ed: {  	s31 =	sadd.s32 $0x13A0, s15;
	s17 =	spop (v2sf);
	(v2sf) =	vpush v0, $0xD;
	s16 =	sadd.s32 s3, s16  }
0x1ee: {  	[tilespmem:s31], [sflag:$0x1] =	stream.strided.gather [hbm4b:s16+s8], $0x0, s9, s8, $0x38;
	[tilespmem:$0xE000] =	vst v63  }
0x1ef: {  	s18 =	spop (v2sf)  }
0x1f0: {  	[tilespmem:s31], [sflag:$0x1] =	stream.linear.gather [hbm4b:s16+s2], $0x10, $0x38;
	[tilespmem:$0xE000] =	vst v63  }
0x1f1: {  	(v2sf) =	vpush v1, $0xE;
	s16 =	sor.u32 s18, s17  }
0x1f2: {  	s16 =	sshrl.u32 s16, $0x3  }
0x1f3: {  	s19 =	sadd.s32 $0x13B0, s15;
	s20 =	spop (v2sf);
	(v2sf) =	vpush v0, $0xE;
	s16 =	sadd.s32 s3, s16  }
0x1f4: {  	[tilespmem:s19], [sflag:$0x1] =	stream.strided.gather [hbm4b:s16+s8], $0x0, s9, s8, $0x38;
	[tilespmem:$0xE000] =	vst v63  }
0x1f5: {  	_ = 	snop  }
0x1f6: {  	[tilespmem:s19], [sflag:$0x1] =	stream.linear.gather [hbm4b:s16+s2], $0x10, $0x38;
	[tilespmem:$0xE000] =	vst v63  }
0x1f7: {  	s21 =	spop (v2sf)  }
0x1f8: {  	s16 =	sor.u32 s21, s20  }
0x1f9: {  	(v2sf) =	vpush v1, $0xF;
	s16 =	sshrl.u32 s16, $0x3  }
0x1fa: {  	s22 =	sadd.s32 $0x13C0, s15;
	s23 =	spop (v2sf);
	s16 =	sadd.s32 s3, s16  }
0x1fb: {  	(v2sf) =	vpush v0, $0xF;
	[tilespmem:s22], [sflag:$0x1] =	stream.strided.gather [hbm4b:s16+s8], $0x0, s9, s8, $0x38;
	[tilespmem:$0xE000] =	vst v63  }
0x1fc: {  	s24 =	spop (v2sf)  }
0x1fd: {  	[tilespmem:s22], [sflag:$0x1] =	stream.linear.gather [hbm4b:s16+s2], $0x10, $0x38;
	[tilespmem:$0xE000] =	vst v63  }
0x1fe: {  	s16 =	sor.u32 s24, s23  }
0x1ff: {  	s16 =	sshrl.u32 s16, $0x3  }
0x200: {  	s25 =	sadd.s32 $0x13D0, s15;
	s26 =	spop (v2sf);
	s16 =	sadd.s32 s3, s16  }
0x201: {  	[tilespmem:s25], [sflag:$0x1] =	stream.strided.gather [hbm4b:s16+s8], $0x0, s9, s8, $0x38;
	[tilespmem:$0xE000] =	vst v63  }
0x202: {  	s28 =	spop (v2sf)  }
0x203: {  	[tilespmem:s25], [sflag:$0x1] =	stream.linear.gather [hbm4b:s16+s2], $0x10, $0x38;
	[tilespmem:$0xE000] =	vst v63  }
0x204: {  	s16 =	sor.u32 s28, s26  }
0x205: {  	s16 =	sshrl.u32 s16, $0x3  }
0x206: {  	s29 =	sadd.s32 $0x13E0, s15;
	s16 =	sadd.s32 s3, s16  }
0x207: {  	[tilespmem:s29], [sflag:$0x1] =	stream.strided.gather [hbm4b:s16+s8], $0x0, s9, s8, $0x38;
	[tilespmem:$0xE000] =	vst v63  }
0x208: {  	s30 =	spop (v2sf)  }
0x209: {  	[tilespmem:s29], [sflag:$0x1] =	stream.linear.gather [hbm4b:s16+s2], $0x10, $0x38;
	[tilespmem:$0xE000] =	vst v63  }
0x20a: {  	s31 =	spop (v2sf)  }
0x20b: {  	s16 =	sor.u32 s31, s30  }
0x20c: {  	s16 =	sshrl.u32 s16, $0x3  }
0x20d: {  	s15 =	sadd.s32 $0x13F0, s15;
	s16 =	sadd.s32 s3, s16  }
0x20e: {  	[tilespmem:s15], [sflag:$0x1] =	stream.strided.gather [hbm4b:s16+s8], $0x0, s9, s8, $0x38;
	[tilespmem:$0xE000] =	vst v63  }
0x20f: {  	_ = 	snop  }
0x210: {  	[tilespmem:s15], [sflag:$0x1] =	stream.linear.gather [hbm4b:s16+s2], $0x10, $0x38;
	[tilespmem:$0xE000] =	vst v63  }
0x211: {  	_ =	swait.ge [sflag:s10], $0x10  }
0x212: {  	[sflag:s10] =	ssyncset.done $0x0  }
0x213: {  	[sflag:s10] =	ssyncadd.s32 $0xFFFFFFF0  }
0x214: {  	_ =	swait.ge [sflag:s10], $0x10  }
0x215: {  	[sflag:s10] =	ssyncset.done $0x0  }
0x216: {  	[sflag:s10] =	ssyncadd.s32 $0xFFFFFFF0  }
0x217: {  	_ =	swait.ge [sflag:s10], $0x10  }
0x218: {  	[sflag:s10] =	ssyncset.done $0x0  }
0x219: {  	[sflag:s10] =	ssyncadd.s32 $0xFFFFFFF0  }
0x21a: {  	_ =	swait.ge [sflag:s10], $0x10  }
0x21b: {  	[sflag:s10] =	ssyncset.done $0x0  }
0x21c: {  	[sflag:s10] =	ssyncadd.s32 $0xFFFFFFF0  }
0x21d: {  	_ =	swait.ge [sflag:s10], $0x10  }
0x21e: {  	[sflag:s10] =	ssyncset.done $0x0  }
0x21f: {  	[sflag:s10] =	ssyncadd.s32 $0xFFFFFFF0  }
0x220: {  	_ =	swait.ge [sflag:s10], $0x10  }
0x221: {  	[sflag:s10] =	ssyncset.done $0x0  }
0x222: {  	[sflag:s10] =	ssyncadd.s32 $0xFFFFFFF0  }
0x223: {  	_ =	swait.ge [sflag:s10], $0x10  }
0x224: {  	[sflag:s10] =	ssyncset.done $0x0  }
0x225: {  	[sflag:s10] =	ssyncadd.s32 $0xFFFFFFF0  }
0x226: {  	_ =	swait.ge [sflag:s10], $0x10  }
0x227: {  	[sflag:s10] =	ssyncset.done $0x0  }
0x228: {  	[sflag:s10] =	ssyncadd.s32 $0xFFFFFFF0  }
0x229: {  	_ =	swait.ge [sflag:s10], $0x10  }
0x22a: {  	[sflag:s10] =	ssyncset.done $0x0  }
0x22b: {  	[sflag:s10] =	ssyncadd.s32 $0xFFFFFFF0  }
0x22c: {  	_ =	swait.ge [sflag:s10], $0x10  }
0x22d: {  	[sflag:s10] =	ssyncset.done $0x0  }
0x22e: {  	[sflag:s10] =	ssyncadd.s32 $0xFFFFFFF0  }
0x22f: {  	_ =	swait.ge [sflag:s10], $0x10  }
0x230: {  	[sflag:s10] =	ssyncset.done $0x0  }
0x231: {  	[sflag:s10] =	ssyncadd.s32 $0xFFFFFFF0  }
0x232: {  	_ =	swait.ge [sflag:s10], $0x10  }
0x233: {  	[sflag:s10] =	ssyncset.done $0x0  }
0x234: {  	[sflag:s10] =	ssyncadd.s32 $0xFFFFFFF0  }
0x235: {  	_ =	swait.ge [sflag:s10], $0x10  }
0x236: {  	[sflag:s10] =	ssyncset.done $0x0  }
0x237: {  	[sflag:s10] =	ssyncadd.s32 $0xFFFFFFF0  }
0x238: {  	_ =	swait.ge [sflag:s10], $0x10  }
0x239: {  	[sflag:s10] =	ssyncset.done $0x0  }
0x23a: {  	[sflag:s10] =	ssyncadd.s32 $0xFFFFFFF0  }
0x23b: {  	_ =	swait.ge [sflag:s10], $0x10  }
0x23c: {  	[sflag:s10] =	ssyncset.done $0x0  }
0x23d: {  	[sflag:s10] =	ssyncadd.s32 $0xFFFFFFF0  }
0x23e: {  	_ =	swait.ge [sflag:s10], $0x10  }
0x23f: {  	[sflag:s10] =	ssyncset.done $0x0  }
0x240: {  	[sflag:s10] =	ssyncadd.s32 $0xFFFFFFF0  }
0x241: {  	_ =	swait.ge [sflag:s10], $0x10  }
0x242: {  	[sflag:s10] =	ssyncset.done $0x0  }
0x243: {  	[sflag:s10] =	ssyncadd.s32 $0xFFFFFFF0  }
0x244: {  	_ =	swait.ge [sflag:s10], $0x10  }
0x245: {  	[sflag:s10] =	ssyncset.done $0x0  }
0x246: {  	[sflag:s10] =	ssyncadd.s32 $0xFFFFFFF0  }
0x247: {  	_ =	swait.ge [sflag:s10], $0x10  }
0x248: {  	[sflag:s10] =	ssyncset.done $0x0  }
0x249: {  	[sflag:s10] =	ssyncadd.s32 $0xFFFFFFF0  }
0x24a: {  	_ =	swait.ge [sflag:s10], $0x10  }
0x24b: {  	[sflag:s10] =	ssyncset.done $0x0  }
0x24c: {  	[sflag:s10] =	ssyncadd.s32 $0xFFFFFFF0  }
0x24d: {  	_ =	swait.ge [sflag:s10], $0x10  }
0x24e: {  	[sflag:s10] =	ssyncset.done $0x0  }
0x24f: {  	[sflag:s10] =	ssyncadd.s32 $0xFFFFFFF0  }
0x250: {  	_ =	swait.ge [sflag:s10], $0x10  }
0x251: {  	[sflag:s10] =	ssyncset.done $0x0  }
0x252: {  	[sflag:s10] =	ssyncadd.s32 $0xFFFFFFF0  }
0x253: {  	_ =	swait.ge [sflag:s10], $0x10  }
0x254: {  	[sflag:s10] =	ssyncset.done $0x0  }
0x255: {  	[sflag:s10] =	ssyncadd.s32 $0xFFFFFFF0  }
0x256: {  	_ =	swait.ge [sflag:s10], $0x10  }
0x257: {  	[sflag:s10] =	ssyncset.done $0x0  }
0x258: {  	[sflag:s10] =	ssyncadd.s32 $0xFFFFFFF0  }
0x259: {  	_ =	swait.ge [sflag:s10], $0x10  }
0x25a: {  	[sflag:s10] =	ssyncset.done $0x0  }
0x25b: {  	[sflag:s10] =	ssyncadd.s32 $0xFFFFFFF0  }
0x25c: {  	_ =	swait.ge [sflag:s10], $0x10  }
0x25d: {  	[sflag:s10] =	ssyncset.done $0x0  }
0x25e: {  	[sflag:s10] =	ssyncadd.s32 $0xFFFFFFF0  }
0x25f: {  	_ =	swait.ge [sflag:s10], $0x10  }
0x260: {  	[sflag:s10] =	ssyncset.done $0x0  }
0x261: {  	[sflag:s10] =	ssyncadd.s32 $0xFFFFFFF0  }
0x262: {  	_ =	swait.ge [sflag:s10], $0x10  }
0x263: {  	[sflag:s10] =	ssyncset.done $0x0  }
0x264: {  	[sflag:s10] =	ssyncadd.s32 $0xFFFFFFF0  }
0x265: {  	_ =	swait.ge [sflag:s10], $0x10  }
0x266: {  	[sflag:s10] =	ssyncset.done $0x0  }
0x267: {  	[sflag:s10] =	ssyncadd.s32 $0xFFFFFFF0  }
0x268: {  	_ =	swait.ge [sflag:s10], $0x10  }
0x269: {  	[sflag:s10] =	ssyncset.done $0x0  }
0x26a: {  	[sflag:s10] =	ssyncadd.s32 $0xFFFFFFF0  }
0x26b: {  	_ =	swait.ge [sflag:s10], $0x10  }
0x26c: {  	[sflag:s10] =	ssyncset.done $0x0  }
0x26d: {  	[sflag:s10] =	ssyncadd.s32 $0xFFFFFFF0  }
0x26e: {  	_ =	swait.ge [sflag:s10], $0x10  }
0x26f: {  	[sflag:s10] =	ssyncset.done $0x0  }
0x270: {  	[sflag:s10] =	ssyncadd.s32 $0xFFFFFFF0  }
0x271: {  	_ =	swait.ge [sflag:s10], $0x10  }
0x272: {  	[sflag:s10] =	ssyncset.done $0x0  }
0x273: {  	[sflag:s10] =	ssyncadd.s32 $0xFFFFFFF0  }
0x274: {  	_ =	swait.ge [sflag:s10], $0x10  }
0x275: {  	[sflag:s10] =	ssyncset.done $0x0  }
0x276: {  	[sflag:s10] =	ssyncadd.s32 $0xFFFFFFF0  }
0x277: {  	_ =	swait.ge [sflag:s10], $0x10  }
0x278: {  	[sflag:s10] =	ssyncset.done $0x0  }
0x279: {  	[sflag:s10] =	ssyncadd.s32 $0xFFFFFFF0  }
0x27a: {  	_ =	swait.ge [sflag:s10], $0x10  }
0x27b: {  	[sflag:s10] =	ssyncset.done $0x0  }
0x27c: {  	[sflag:s10] =	ssyncadd.s32 $0xFFFFFFF0  }
0x27d: {  	_ =	swait.ge [sflag:s10], $0x10  }
0x27e: {  	[sflag:s10] =	ssyncset.done $0x0  }
0x27f: {  	[sflag:s10] =	ssyncadd.s32 $0xFFFFFFF0  }
0x280: {  	_ =	swait.ge [sflag:s10], $0x10  }
0x281: {  	[sflag:s10] =	ssyncset.done $0x0  }
0x282: {  	[sflag:s10] =	ssyncadd.s32 $0xFFFFFFF0  }
0x283: {  	_ =	swait.ge [sflag:s10], $0x10  }
0x284: {  	[sflag:s10] =	ssyncset.done $0x0  }
0x285: {  	[sflag:s10] =	ssyncadd.s32 $0xFFFFFFF0  }
0x286: {  	_ =	swait.ge [sflag:s10], $0x10  }
0x287: {  	[sflag:s10] =	ssyncset.done $0x0  }
0x288: {  	[sflag:s10] =	ssyncadd.s32 $0xFFFFFFF0  }
0x289: {  	_ =	swait.ge [sflag:s10], $0x10  }
0x28a: {  	[sflag:s10] =	ssyncset.done $0x0  }
0x28b: {  	[sflag:s10] =	ssyncadd.s32 $0xFFFFFFF0  }
0x28c: {  	_ =	swait.ge [sflag:s10], $0x10  }
0x28d: {  	[sflag:s10] =	ssyncset.done $0x0  }
0x28e: {  	[sflag:s10] =	ssyncadd.s32 $0xFFFFFFF0  }
0x28f: {  	_ =	swait.ge [sflag:s10], $0x10  }
0x290: {  	[sflag:s10] =	ssyncset.done $0x0  }
0x291: {  	[sflag:s10] =	ssyncadd.s32 $0xFFFFFFF0  }
0x292: {  	_ =	swait.ge [sflag:s10], $0x10  }
0x293: {  	[sflag:s10] =	ssyncset.done $0x0  }
0x294: {  	[sflag:s10] =	ssyncadd.s32 $0xFFFFFFF0  }
0x295: {  	_ =	swait.ge [sflag:s10], $0x10  }
0x296: {  	[sflag:s10] =	ssyncset.done $0x0  }
0x297: {  	[sflag:s10] =	ssyncadd.s32 $0xFFFFFFF0  }
0x298: {  	_ =	swait.ge [sflag:s10], $0x10  }
0x299: {  	[sflag:s10] =	ssyncset.done $0x0  }
0x29a: {  	[sflag:s10] =	ssyncadd.s32 $0xFFFFFFF0  }
0x29b: {  	p0 =	sne.s32 s14, $0x33000;
	_ =	swait.ge [sflag:s10], $0x10  }
.Ltmp0:
0x29c: {  	[sflag:s10] =	ssyncset.done $0x0;
	(pc) =	sbr.rel @p0 .LBB2_2-.Ltmp0, $4  }
0x29d: {  	[sflag:s10] =	ssyncadd.s32 $0xFFFFFFF0  }
0x29e: {  	_ =	swait.ge [sflag:s10], $0x10  }
0x29f: {  	[sflag:s10] =	ssyncset.done $0x0  }
0x2a0: {  	s13 =	sadd.s32 $0x40, s13;
	s14 =	sadd.s32 $0x1000, s14;
	[sflag:s10] =	ssyncadd.s32 $0xFFFFFFF0  }
0x2a1: {  	s12 =	sadd.s32 $0x1, s12  }
0x2a2: {  	p0 =	sne.s32 s12, s6  }
.Ltmp1:
0x2a3: {  	_ = 	snop;
	(pc) =	sbr.rel @p0 .LBB2_1-.Ltmp1, $4  }
0x2a4: {  	[hbm4b:s5+s2] =	stream.linear.scatter [tilespmem:s11], [sflag:$0x2], $0xD000, $0x38;
	[tilespmem:$0xE000] =	vst v63  }
0x2a5: {  	_ =	swait.ge [sflag:s7], $0xD000  }
0x2a6: {  	[sflag:s7] =	ssyncset.done $0x0  }
0x2a7: {  	[sflag:s7] =	ssyncadd.s32 $0xFFFF3000  }
0x2a8: {  	_ =	sfence.sel $0x180000  }
0x2a9: {  	[bflag:$0x0] =	sbarrier.arrive $0xFFFF  }
0x2aa: {  	p0 =	sne.s32 s1, $0x0;
	_ =	strace $0x9000004A  }
0x2ab: {  	s0 =	sadd.s32 @!p0 $0x100000, s0;
	[bflag:$0x2] =	sbarrier.arrive $0xFFFF  }
0x2ac: {  	[sflag:s0] =	ssyncadd.tile.s32 @!p0 $0x1;
	_ =	shalt  }
.Lfunc_end2:
_tile_overlayer_lowered:
.L_overlay_start_2:
0x2ad: {  	(tag) =	ssettag $0x2  }
0x2ae: {  	s0 =	rddreg [dreg:$0x0];
	s2 =	stileid.u32  }
0x2af: {  	s1 =	rddreg [dreg:$0x1];
	p0 =	sne.s32 s2, $0x0  }
0x2b0: {  	s3 =	rddreg [dreg:$0x2];
	[bflag:$0x3] =	sbarrier.arrive $0xFFFF;
	s2 =	simm.s32 @!p0 $0x1C02  }
0x2b1: {  	[timem:s3], [sflag:s2] =	dma.local @!p0 [hbm:s0], s1  }
0x2b2: {  	s0 =	simm.s32 @!p0 $0x2  }
0x2b3: {  	_ =	swait.ge @!p0 [sflag:s0], s1  }
0x2b4: {  	s1 =	ssub.s32 @!p0 $0x0, s1;
	[sflag:s0] =	ssyncset.done @!p0 $0x0  }
0x2b5: {  	[sflag:s0] =	ssyncadd.s32 @!p0 s1  }
0x2b6: {  	[bflag:$0x3] =	sbarrier.arrive $0xFFFF  }
0x2b7: {  	_ =	shalt  }

// kernel: sparse-core-data-format-call.cloned.1.call-start
scs
called_computation_lowered:
.L_overlay_start_0:
0x0: {  	s2 =	sld [smem:$0x3FD9]  }
0x1: {  	s3 =	sld [smem:$0x3FFE];
	_ =	sdelay $0x1  }
0x2: {  	s1 =	srdreg.scid  }
0x3: {  	s0 =	sand.u32 $0x1, s1  }
0x4: {  	s18 =	sshll.u32 s0, $0xA;
	s2 =	sadd.s32 s3, s2  }
0x5: {  	s2 =	sadd.s32 s2, s18  }
0x6: {  	[smem:$0x3FB8] =	sst s2  }
0x7: {  	_ = 	snop  }
0x8: {  	s2 =	sld [smem:$0x3FBA];
	(tm) =	ssettm $0x1  }
0x9: {  	s19 =	sld [smem:$0x3FFB];
	_ =	sdelay $0x3  }
0xa: {  	_ =	strace s19  }
0xb: {  	s3 =	sld [smem:$0x3FFC];
	_ =	sdelay $0x3  }
0xc: {  	_ =	strace s3  }
0xd: {  	s3 =	sld [smem:$0x3FFD];
	_ =	sdelay $0x3  }
0xe: {  	_ =	strace s3  }
0xf: {  	_ =	strace $0x8FFFFFFF  }
0x10: {  	s20 =	sld [smem:$0x3FDB];
	_ =	sdelay $0x1  }
0x11: {  	s4 =	simm.s32 $_scs_section_size  }
0x12: {  	s5 =	simm.s32 $_size__tile_overlayer_lowered;
	s6 =	simm.s32 $_tile_overlayer_lowered  }
0x13: {  	s23 =	simm.s32 $0x1BFF;
	s22 =	sshll.u32 s6, $0x1;
	s3 =	sadd.s32 s4, s20  }
0x14: {  	s7 =	simm.s32 $0x0;
	s21 =	sshll.u32 s5, $0x1;
	s5 =	sadd.s32 s22, s3  }
0x15: {  	[timem:s7], [sflag:s23] =	dma.local [hbm:s5], s21  }
0x16: {  	_ =	swait.ge [sflag:s23], s21  }
0x17: {  	s4 =	ssub.s32 $0x0, s21;
	[sflag:s23] =	ssyncset.done $0x0  }
0x18: {  	[sflag:s23] =	ssyncadd.s32 s4;
	_ =	sdelay $0x1  }
0x19: {  	s24 =	simm.s32 $0x1B8B  }
0x1a: {  	_ =	swait.ge [sflag:s24], $0x1  }
0x1b: {  	[sflag:s24] =	ssyncset.done $0x0  }
0x1c: {  	s26 =	simm.s32 $0x1B8E;
	s25 =	sld [smem:$0x3FFE];
	[sflag:s24] =	ssyncadd.s32 $0xFFFFFFFF  }
0x1d: {  	s27 =	simm.s32 $execute0_lowered;
	[smem:$0x3FD2] =	sst s26  }
0x1e: {  	s5 =	sshll.u32 s27, $0x1;
	_ =	strace $0x80000046;
	[dreg:$0x1] =	wrdreg $0xFFFFFFFF  }
0x1f: {  	s28 =	simm.s32 $_size_execute0_lowered;
	s3 =	sadd.s32 s3, s5;
	[dreg:$0x0] =	wrdreg $0x0  }
0x20: {  	s5 =	sshll.u32 s28, $0x1;
	[dreg:$0x2] =	wrdreg s3  }
0x21: {  	[dreg:$0x3] =	wrdreg s5  }
0x22: {  	[dreg:$0x4] =	wrdreg $0xC0  }
0x23: {  	_ =	task [dreg:s7], $0x5FFFF  }
0x24: {  	[dreg:$0x1] =	wrdreg $0xFFFFFFFF  }
0x25: {  	[dreg:$0x0] =	wrdreg $0x60  }
0x26: {  	[dreg:$0x2] =	wrdreg s2  }
0x27: {  	[dreg:$0x3] =	wrdreg s25  }
0x28: {  	[dreg:$0x4] =	wrdreg $0x9  }
0x29: {  	_ =	task.clear_ibuf [dreg:s7], $0x5FFFF;
	_ =	strace $0x90000046  }
0x2a: {  	s29 =	simm.s32 $0x9;
	_ =	strace $0x80000048  }
0x2b: {  	_ =	swait.ge [sflag:s29], $0x1  }
0x2c: {  	[sflag:s29] =	ssyncadd.s32 $0xFFFFFFFF  }
0x2d: {  	_ =	strace $0x90000048  }
0x2e: {  	_ =	sfence  }
0x2f: {  	s30 =	sld [smem:$0x0];
	_ =	sdelay $0x2  }
0x30: {  	s31 =	sshll.u32 s1, $0xD;
	s1 =	sshrl.u32 s1, $0x2  }
0x31: {  	s3 =	sand.u32 $0x4000, s31;
	s1 =	sadd.s32 s1, s30  }
0x32: {  	s0 =	sor.u32 s3, s0;
	s1 =	sshll.u32 s1, $0x11  }
0x33: {  	s0 =	sor.u32 s1, s0  }
0x34: {  	s0 =	sadd.s32 $0x8F2B, s0  }
0x35: {  	[sflag:s0] =	ssyncadd.remote.s32 $0x1  }
0x36: {  	_ =	sfence.sel $0xFFFF  }
0x37: {  	[dreg:$0x0] =	wrdreg $0xFFFFFFFF;
	(pc) =	sbr.abs _section_cstart, $3  }
0x38: {  	[dreg:$0x1] =	wrdreg $0xFFFFFFFF  }
0x39: {  	_ =	task.clear_ibuf [dreg:s7], $0x2FFFF;
	_ =	strace $0x9FFFFFFF  }
0x3a: {  	(tm) =	ssettm $0x7FFFFFFF  }
0x3b: {  	_ =	shalt  }
tec
execute0_lowered:
.L_overlay_start_1:
0x0: {  	(tag) =	ssettag $0x1  }
0x1: {  	s0 =	srdreg.scid;
	s2 =	rddreg [dreg:$0x0]  }
0x2: {  	s5 =	rddreg [dreg:$0x1];
	s1 =	stileid.u32  }
0x3: {  	s4 =	simm.s32 $0x1;
	s6 =	simm.s32 $0x2;
	s15 =	simm.s32 $0x0  }
0x4: {  	p0 =	por $0x0, $0x0;
	s8 =	simm.s32 $0x80;
	s0 =	sshll.u32 s0, $0x4  }
0x5: {  	s14 =	simm.s32 $0x0;
	s9 =	simm.s32 $0x0;
	s3 =	sand.u32 $0x10, s0  }
.Ltmp0:
0x6: {  	s10 =	simm.s32 $0x0;
	s3 =	sor.u32 s1, s3;
	(pc) =	sbr.rel .LBB1_1-.Ltmp0, $4  }
0x7: {  	s0 =	rddreg [dreg:$0x2];
	_ =	strace $0x80000047;
	s3 =	sshll.u32 s3, $0x7  }
0x8: {  	s12 =	simm.s32 $0x0;
	[sflag:s4] =	ssyncpa.u1 $0x0;
	s7 =	ssub.s32 $0x27AC00, s3  }
0x9: {  	s13 =	simm.s32 $0x0;
	[sflag:s6] =	ssyncpa.u1 $0x0;
	s6 =	sshrl.u32 s7, $0xC  }
0xa: {  	s5 =	sadd.s32 $0x2E00, s5;
	s11 =	smov.u32 s3;
	s7 =	sadd.s32 $0x2, s6  }
.LBB1_5:
0xb: {  	p1 =	slt.u32 s13, $0x2  }
0xc: {  	s17 =	smov.u32 s15;
	p2 =	sgt.s32 @!p1 s15, $0x27ABC0;
	s16 =	sshra.s32 @!p1 s15, $0x1F  }
0xd: {  	p3 =	sgt.s32 @!p1 s14, $0x70;
	s18 =	sshra.s32 @!p1 s14, $0x1F;
	p2 =	por !p2, p1  }
0xe: {  	s15 =	sand.u32 @!p1 s16, s15;
	p3 =	por !p3, p1;
	s16 =	smov.u32 s14  }
0xf: {  	s14 =	sand.u32 @!p1 s18, s14;
	s17 =	simm.s32 @p2 $0x27ABC0;
	s16 =	simm.s32 @p3 $0x70  }
0x10: {  	s15 =	ssub.s32 @!p1 s17, s15;
	s14 =	ssub.s32 @!p1 s16, s14  }
0x11: {  	s18 =	smov.u32 s12;
	s16 =	sadd.s32 @!p1 $0xFFD85440, s15;
	s17 =	sadd.s32 @!p1 $0xFFFFFF90, s14  }
0x12: {  	s15 =	ssub.s32 @!p1 $0x27AC40, s15;
	p2 =	sgt.s32 @!p1 s16, $0x7F;
	p3 =	sgt.s32 @!p1 s17, $0xF  }
0x13: {  	s14 =	ssub.s32 @!p1 $0x80, s14;
	p2 =	por !p2, p1;
	p3 =	por !p3, p1  }
0x14: {  	s16 =	sadd.s32 $0x1000, s11;
	s15 =	simm.s32 @!p2 $0x0;
	s14 =	simm.s32 @!p3 $0x0  }
0x15: {  	p2 =	sgt.s32 s16, $0x27AC3F;
	s14 =	smul.u32 @!p1 s14, s15;
	s15 =	sadd.s32 $0x10, s12  }
0x16: {  	s18 =	smov.u32 @p2 s15  }
0x17: {  	s16 =	smov.u32 @p2 s3;
	p2 =	sgt.s32 s18, $0xF  }
0x18: {  	s18 =	simm.s32 @p2 $0x0;
	p2 =	sne.s32 s13, s7  }
.Ltmp1:
0x19: {  	p0 =	por !p0, !p0;
	s17 =	simm.s32 @!p1 $0x2;
	(pc) =	sbr.rel @!p2 .LBB1_6-.Ltmp1, $4  }
0x1a: {  	s15 =	smov.u32 s9;
	s9 =	smov.u32 s11;
	s14 =	sand.u32 @!p1 $0x3FFFFFFF, s14  }
0x1b: {  	s11 =	smov.u32 s16;
	_ =	swait.ge @!p1 [sflag:s17], s14;
	s19 =	ssub.s32 @!p1 $0x0, s14  }
0x1c: {  	s14 =	smov.u32 s10;
	s13 =	sadd.s32 $0x1, s13;
	[sflag:s17] =	ssyncset.done @!p1 $0x0  }
0x1d: {  	s10 =	smov.u32 s12;
	s12 =	smov.u32 s18;
	[sflag:s17] =	ssyncadd.s32 @!p1 s19  }
.LBB1_1:
0x1e: {  	p1 =	sgt.u32 s13, s6  }
0x1f: {  	s16 =	sshrl.u32 @!p1 s12, $0x3  }
0x20: {  	s17 =	sshll.u32 @!p1 s11, $0x3;
	s16 =	smul.u32 @!p1 $0x13D6400, s16  }
0x21: {  	s18 =	sshll.u32 @!p1 s12, $0x7;
	s17 =	sand.u32 @!p1 $0xFFFFFC00, s17  }
0x22: {  	s16 =	sadd.s32 @!p1 s16, s17;
	s17 =	sand.u32 @!p1 $0x380, s18  }
0x23: {  	s18 =	sand.u32 @!p1 $0x7F, s11;
	s16 =	sor.u32 @!p1 s17, s16  }
0x24: {  	s17 =	sor.u32 @!p1 s18, s16  }
0x25: {  	s18 =	smulhi.u32 @!p1 $0xCE7BD5B5, s17;
	_ =	sdelay $0x1  }
0x26: {  	s16 =	smulhi.u32 @!p1 $0xCE7BD5B5, s16;
	s18 =	sshrl.u32 @!p1 s18, $0x15  }
0x27: {  	s18 =	smul.u32 @!p1 $0x27AC80, s18  }
0x28: {  	s19 =	sxor.u32 @!p1 $0xFFFFFFFF, s13;
	s16 =	sshrl.u32 @!p1 s16, $0x15  }
0x29: {  	s19 =	sshll.u32 @!p1 s19, $0xB;
	s16 =	sand.u32 @!p1 $0xF, s16;
	s17 =	ssub.s32 @!p1 s17, s18  }
0x2a: {  	s16 =	smul.u32 @!p1 $0x4F590, s16;
	s18 =	sshrl.u32 @!p1 s17, $0x3;
	s17 =	sand.u32 @!p1 $0x7, s17  }
0x2b: {  	s19 =	sand.u32 @!p1 $0x800, s19;
	s18 =	sadd.s32 @!p1 s2, s18;
	s17 =	sshll.u32 @!p1 s17, $0x12  }
0x2c: {  	s16 =	sadd.s32 @!p1 s16, s18;
	s17 =	sor.u32 @!p1 $0x400, s17;
	s18 =	simm.s32 @!p1 $0x13D6400  }
0x2d: {  	[tilespmem:s19], [sflag:$0x1] =	stream.strided.gather @!p1 [hbm4b:s16+s17], $0x800, s18, s17, $0x38;
	[tilespmem:$0x2100] =	vst v63  }
0x2e: {  	p1 =	seq.s32 s13, $0x0  }
0x2f: {  	p2 =	sge.u32 @!p1 s13, s7  }
0x30: {  	p1 =	por p1, p2  }
.Ltmp2:
0x31: {  	_ = 	snop;
	(pc) =	sbr.rel @p1 .LBB1_5-.Ltmp2, $1  }
0x32: {  	_ =	sdelay $0x3  }
0x33: {  	s16 =	simm.s32 $0x1  }
0x34: {  	_ =	swait.ge [sflag:s4], $0x800;
	s16 =	simm.s32 @!p0 $0x0  }
0x35: {  	[sflag:s4] =	ssyncset.done $0x0;
	s17 =	sshll.u32 s16, $0xB  }
0x36: {  	[sflag:s4] =	ssyncadd.s32 $0xFFFFF800;
	s18 =	sor.u32 $0x40, s17  }
0x37: {  	s16 =	smul.u32 $0x2200, s16;
	v0 =	vld [tilespmem:s18+$0x30]  }
0x38: {  	v1 =	vld [tilespmem:s18+$0xFFFFFFD0]  }
0x39: {  	s16 =	sshrl.u32 s16, $0x2;
	v5 =	vld [tilespmem:s18+$0xFFFFFFE0]  }
0x3a: {  	v6 =	vld [tilespmem:s18+$0xFFFFFFF0];
	s19 =	sor.u32 $0x1000, s16  }
0x3b: {  	s31 =	sand.u32 $0x1, s13;
	v4 =	vld [tilespmem:s18+$0x0];
	s17 =	sadd.s32 $0x0, s19  }
0x3c: {  	v3 =	vld [tilespmem:s18+$0x10];
	s16 =	smul.u32 $0x2200, s31;
	[tilespmem:s17+$0x770 ss:$0x11] =	vst.msk $0xffff, v0  }
0x3d: {  	v2 =	vld [tilespmem:s18+$0x20];
	[tilespmem:s17+$0x110 ss:$0x11] =	vst.msk $0xffff, v1  }
0x3e: {  	s16 =	sshrl.u32 s16, $0x2;
	v1 =	vld [tilespmem:s18+$0xFFFFFFC0];
	[tilespmem:s17+$0x220 ss:$0x11] =	vst.msk $0xffff, v5;
	s18 =	sadd.s32 $0x80, s18  }
0x3f: {  	s20 =	simm.s32 $0x4;
	s21 =	simm.s32 $0x8;
	s16 =	sor.u32 $0x1000, s16;
	[tilespmem:s17+$0x330 ss:$0x11] =	vst.msk $0xffff, v6;
	v0 =	vld [tilespmem:s18+$0x30]  }
.LBB1_3:
0x40: {  	p1 =	sne.s32 s21, $0x3C;
	v5 =	vld [tilespmem:s18+$0xFFFFFFD0];
	[tilespmem:s17+$0x440 ss:$0x11] =	vst.msk $0xffff, v4  }
0x41: {  	v6 =	vld [tilespmem:s18+$0xFFFFFFE0];
	[tilespmem:s17+$0x550 ss:$0x11] =	vst.msk $0xffff, v3  }
0x42: {  	s22 =	sshra.s32 s20, $0x2;
	s20 =	smov.u32 s21;
	v7 =	vld [tilespmem:s18+$0xFFFFFFF0];
	[tilespmem:s17+$0x660 ss:$0x11] =	vst.msk $0xffff, v2  }
.Ltmp3:
0x43: {  	v4 =	vld [tilespmem:s18+$0x0];
	[tilespmem:s17+$0x0 ss:$0x11] =	vst.msk $0xffff, v1;
	s17 =	sadd.s32 s22, s19;
	(pc) =	sbr.rel @p1 .LBB1_3-.Ltmp3, $4  }
0x44: {  	v3 =	vld [tilespmem:s18+$0x10];
	[tilespmem:s17+$0x770 ss:$0x11] =	vst.msk $0xffff, v0  }
0x45: {  	[tilespmem:s17+$0x110 ss:$0x11] =	vst.msk $0xffff, v5;
	v2 =	vld [tilespmem:s18+$0x20]  }
0x46: {  	v1 =	vld [tilespmem:s18+$0xFFFFFFC0];
	[tilespmem:s17+$0x220 ss:$0x11] =	vst.msk $0xffff, v6;
	s18 =	sadd.s32 $0x80, s18  }
0x47: {  	s21 =	sadd.s32 $0x4, s21;
	v0 =	vld [tilespmem:s18+$0x30];
	[tilespmem:s17+$0x330 ss:$0x11] =	vst.msk $0xffff, v7  }
0x48: {  	s21 =	sshll.u32 s9, $0x7;
	s22 =	sshll.u32 s10, $0x3;
	s20 =	sshra.s32 s20, $0x2  }
0x49: {  	p1 =	sgt.s32 s9, $0x27ABC0;
	s23 =	sand.u32 $0xFFFFFC00, s21;
	s22 =	sand.u32 $0xFFFFFC00, s22  }
0x4a: {  	v5 =	vld [tilespmem:s18+$0xFFFFFFD0];
	s30 =	sshra.s32 s9, $0x1F;
	s21 =	sand.u32 $0x380, s21;
	s22 =	sadd.s32 s22, s23  }
0x4b: {  	v6 =	vld [tilespmem:s18+$0xFFFFFFE0];
	[tilespmem:s17+$0x440 ss:$0x11] =	vst.msk $0xffff, v4;
	s25 =	sshra.s32 s10, $0x1F;
	s19 =	sadd.s32 s20, s19;
	s29 =	sor.u32 s21, s22  }
0x4c: {  	v60 =	vld [tilespmem:s18+$0xFFFFFFF0];
	[tilespmem:s17+$0x550 ss:$0x11] =	vst.msk $0xffff, v3;
	s21 =	smov.u32 s9;
	s22 =	sand.u32 s30, s9;
	s30 =	sand.u32 $0x7, s10  }
0x4d: {  	v61 =	vld [tilespmem:s18+$0x0];
	[tilespmem:s17+$0x660 ss:$0x11] =	vst.msk $0xffff, v2;
	s20 =	sshrl.u32 s29, $0x7;
	s21 =	simm.s32 @!p1 $0x27ABC0;
	p1 =	sgt.s32 s10, $0x70  }
0x4e: {  	v62 =	vld [tilespmem:s18+$0x10];
	[tilespmem:s17+$0x0 ss:$0x11] =	vst.msk $0xffff, v1;
	s29 =	sshrl.u32 s10, $0x3;
	s24 =	ssub.s32 s21, s22;
	s21 =	smov.u32 s10  }
0x4f: {  	v63 =	vld [tilespmem:s18+$0x20];
	[tilespmem:s19+$0x770 ss:$0x11] =	vst.msk $0xffff, v0;
	s31 =	smulhi.u32 $0xCE7D23, s20;
	s22 =	sand.u32 s25, s10;
	s21 =	simm.s32 @!p1 $0x70  }
0x50: {  	[tilespmem:s19+$0x110 ss:$0x11] =	vst.msk $0xffff, v5;
	s27 =	sadd.s32 $0xFFD85440, s24;
	s17 =	ssub.s32 $0x27AC40, s24;
	s21 =	ssub.s32 s21, s22  }
0x51: {  	v7 =	vld [tilespmem:s18+$0xFFFFFFC0];
	[tilespmem:s19+$0x220 ss:$0x11] =	vst.msk $0xffff, v6;
	s26 =	sshrl.u32 s31, $0xD;
	p1 =	sgt.s32 s27, $0x7F;
	s28 =	sadd.s32 $0xFFFFFF90, s21  }
0x52: {  	[tilespmem:s19+$0x330 ss:$0x11] =	vst.msk $0xffff, v60;
	s18 =	smul.u32 $0x27AC40, s26;
	s21 =	ssub.s32 $0x80, s21;
	p2 =	sgt.s32 s28, $0xF  }
.Ltmp4:
0x53: {  	[tilespmem:s19+$0x440 ss:$0x11] =	vst.msk $0xffff, v61;
	s17 =	simm.s32 @p1 $0x0;
	s21 =	simm.s32 @p2 $0x0;
	(pc) =	sbr.rel .LBB1_5-.Ltmp4, $4  }
0x54: {  	[tilespmem:s19+$0x550 ss:$0x11] =	vst.msk $0xffff, v62;
	s18 =	ssub.s32 s20, s18;
	s20 =	sand.u32 $0xF, s29;
	s17 =	smul.u32 s21, s17  }
0x55: {  	[tilespmem:s19+$0x660 ss:$0x11] =	vst.msk $0xffff, v63;
	s18 =	sshll.u32 s18, $0x4;
	s20 =	sadd.s32 s5, s20;
	s21 =	sshll.u32 s30, $0x12  }
0x56: {  	[tilespmem:s19+$0x0 ss:$0x11] =	vst.msk $0xffff, v7;
	s18 =	sadd.s32 s18, s20;
	s31 =	sor.u32 $0x10, s21;
	s17 =	sand.u32 $0x3FFFFFFF, s17  }
0x57: {  	[hbm4b:s18+s31] =	stream.strided.scatter [tilespmem:s16], [sflag:$0x2], s17, s8, s31, $0x8;
	[tilespmem:$0x2100] =	vst v63  }
.LBB1_6:
0x58: {  	_ =	sfence.sel $0x180000  }
0x59: {  	s2 =	simm.s32 $0x1;
	[bflag:$0x0] =	sbarrier.arrive $0xFFFF  }
0x5a: {  	s31 =	simm.s32 $0x2;
	[sflag:s2] =	ssyncpa.u1 $0x1  }
0x5b: {  	[sflag:s31] =	ssyncpa.u1 $0x1  }
0x5c: {  	p0 =	sne.s32 s1, $0x0;
	_ =	strace $0x90000047  }
0x5d: {  	s0 =	sadd.s32 @!p0 $0x100000, s0;
	[bflag:$0x2] =	sbarrier.arrive $0xFFFF  }
0x5e: {  	[sflag:s0] =	ssyncadd.tile.s32 @!p0 $0x1;
	_ =	shalt  }
.Lfunc_end1:
_tile_overlayer_lowered:
.L_overlay_start_2:
0x5f: {  	(tag) =	ssettag $0x2  }
0x60: {  	s0 =	rddreg [dreg:$0x0];
	s2 =	stileid.u32  }
0x61: {  	s1 =	rddreg [dreg:$0x1];
	p0 =	sne.s32 s2, $0x0  }
0x62: {  	s3 =	rddreg [dreg:$0x2];
	[bflag:$0x3] =	sbarrier.arrive $0xFFFF;
	s2 =	simm.s32 @!p0 $0x1C01  }
0x63: {  	[timem:s3], [sflag:s2] =	dma.local @!p0 [hbm:s0], s1  }
0x64: {  	s0 =	simm.s32 @!p0 $0x1  }
0x65: {  	_ =	swait.ge @!p0 [sflag:s0], s1  }
0x66: {  	s1 =	ssub.s32 @!p0 $0x0, s1;
	[sflag:s0] =	ssyncset.done @!p0 $0x0  }
0x67: {  	[sflag:s0] =	ssyncadd.s32 @!p0 s1  }
0x68: {  	[bflag:$0x3] =	sbarrier.arrive $0xFFFF  }
0x69: {  	_ =	shalt  }

</sc_bundles>
